<compile_context>
chip_gen: v7x
topology: tpu7x:2x2x1
jax: 0.10.2.dev20260603
libtpu: 0.0.44.dev20260713+nightly
codegen_flags: <defaults>
</compile_context>

<pallas_src>
import functools
import jax
import jax.numpy as jnp
from jax import lax
from jax.experimental import pallas as pl
from jax.experimental.pallas import tpu as pltpu
from jax.experimental.pallas import tpu_sc as plsc

_NUM_CORES = 2
_NUM_SUBCORES = 16
_NW = _NUM_CORES * _NUM_SUBCORES
_LANES = 16
_SPAD = 128


@functools.lru_cache(maxsize=None)
def _make_gather(n, dim):
    assert dim == 16 and n % 16 == 0
    n_pad = (n + 127) // 128 * 128
    t0_total = n_pad // 128
    cnt_base, cnt_rem = divmod(t0_total, _NW)
    max_cnt = cnt_base + (1 if cnt_rem else 0)
    max_rows = max_cnt * 128
    assert n >= max_rows

    mesh = plsc.VectorSubcoreMesh(
        core_axis_name="c",
        subcore_axis_name="s",
        num_cores=_NUM_CORES,
        num_subcores=_NUM_SUBCORES,
    )

    @functools.partial(
        pl.kernel,
        out_type=jax.ShapeDtypeStruct((2, t0_total, 8, 128), jnp.float32),
        mesh=mesh,
        scratch_types=[
            pltpu.VMEM((_SPAD * dim * _LANES,), jnp.float32),
            pltpu.VMEM((max_rows,), jnp.int32),
            pltpu.VMEM((2, max_cnt, 8, 128), jnp.float32),
            pltpu.SemaphoreType.DMA,
        ],
        compiler_params=pltpu.CompilerParams(
            use_tc_tiling_on_sc=False,
            needs_layout_passes=False,
        ),
    )
    def gather_kernel(idx_hbm, rep_hbm, out_hbm, rep_v, sidx_v, buf, sem):
        wid = lax.axis_index("s") * _NUM_CORES + lax.axis_index("c")
        start = wid * cnt_base + jnp.minimum(wid, cnt_rem)
        cnt = cnt_base + jnp.where(wid < cnt_rem, 1, 0)

        stage_base = jnp.minimum(start * 128, n - max_rows)
        off = start * 128 - stage_base
        rep_dma = pltpu.async_copy(rep_hbm, rep_v, sem)
        idx_dma = pltpu.async_copy(
            idx_hbm.at[pl.ds(stage_base, max_rows)], sidx_v, sem
        )
        rep_dma.wait()
        idx_dma.wait()

        lane = lax.iota(jnp.int32, _LANES)
        col_off = [lane + c * _SPAD * _LANES for c in range(dim)]

        @plsc.parallel_loop(0, cnt)
        def per_tile_col(g):
            row0 = off + g * 128
            for j in range(8):
                s16 = sidx_v[pl.ds(jnp.minimum(row0 + j * 16, max_rows - 16), 16)]
                base16 = s16 * _LANES
                for c in range(dim):
                    vals = plsc.load_gather(rep_v, [base16 + col_off[c]])
                    buf[c // 8, g, c % 8, pl.ds(j * 16, 16)] = vals
            pltpu.async_copy(
                buf.at[:, pl.ds(g, 1)], out_hbm.at[:, pl.ds(start + g, 1)], sem
            )

        def drain(g, carry):
            pltpu.make_async_copy(
                buf.at[:, pl.ds(0, 1)], out_hbm.at[:, pl.ds(start, 1)], sem
            ).wait()
            return carry

        lax.fori_loop(0, cnt, drain, 0)

    return gather_kernel


def kernel(species, elementnum_to_vector):
    n = species.shape[0]
    table_rows, dim = elementnum_to_vector.shape
    n_pad = (n + 127) // 128 * 128
    tbl_t = jnp.pad(elementnum_to_vector.T, ((0, 0), (0, _SPAD - table_rows)))
    rep = jnp.repeat(tbl_t.reshape(-1), _LANES)
    x4 = _make_gather(n, dim)(species, rep)
    return x4.transpose(1, 3, 0, 2).reshape(n_pad, dim)[:n]

# --- scband reference (transcript-rebuilt; emitter-appended) ---
"""Pipeline reference for scband-atom-embedding-82884278878520 (READ-ONLY COPY).

The authoritative reference and input builder live on the scoring server;
editing this copy changes nothing except your own understanding.
"""

import jax, jax.numpy as jnp
import numpy as np

N_SCALAR_INIT = 118
N_SPECIES_MAX = N_SCALAR_INIT + 1  # 119
N_SCALAR = 16
EMBEDDING_DICT = {
    1: [0.1, 0.2, 0.3, 0.4, 0.5, 0.6, 0.7, 0.8, 0.9, 1.0, 1.1, 1.2, 1.3, 1.4, 1.5, 1.6],
    6: [1.6, 1.5, 1.4, 1.3, 1.2, 1.1, 1.0, 0.9, 0.8, 0.7, 0.6, 0.5, 0.4, 0.3, 0.2, 0.1],
    8: [0.05, 0.15, 0.25, 0.35, 0.45, 0.55, 0.65, 0.75, 0.85, 0.95, 1.05, 1.15, 1.25, 1.35, 1.45, 1.55],
}

def _build_table():
    # elementnum_to_vector buffer: (n_species_max + 1, n_scalar), zeros except given rows
    table = np.zeros((N_SPECIES_MAX + 1, N_SCALAR), dtype=np.float32)
    for k, v in EMBEDDING_DICT.items():
        if int(k) >= table.shape[0]:
            continue
        table[int(k)] = np.asarray(v, dtype=np.float32)
    return jnp.asarray(table)

def setup_inputs(seed: int = 0) -> dict:
    key = jax.random.key(seed)
    species = jax.random.randint(key, (100000,), 0, 119, dtype=jnp.int32)
    elementnum_to_vector = _build_table()
    return {"species": species, "elementnum_to_vector": elementnum_to_vector}

def reference(species, elementnum_to_vector):
    # res = convert_tensor[species]  (row gather from the registered buffer)
    res = jnp.take(elementnum_to_vector, species, axis=0)
    return res

if __name__ == "__main__":
    import jax
    _d = setup_inputs()
    print(jax.jit(kernel)(*tuple(_d.values())))

</pallas_src>

<mosaic_0001>
#map = affine_map<(d0, d1) -> (0)>
#map1 = affine_map<(d0, d1) -> (0, 0, 0, 0)>
module attributes {stable_mosaic.version = 14 : i64} {
  func.func @gather_kernel(%arg0: i32, %arg1: i32, %arg2: memref<100000xi32, #tpu.memory_space<hbm>>, %arg3: memref<32768xf32, #tpu.memory_space<hbm>>, %arg4: memref<2x782x8x128xf32, #tpu.memory_space<hbm>>, %arg5: memref<32768xf32, #tpu.memory_space<vmem>>, %arg6: memref<3200xi32, #tpu.memory_space<vmem>>, %arg7: memref<2x25x8x128xf32, #tpu.memory_space<vmem>>, %arg8: memref<!tpu.dma_semaphore, #tpu.memory_space<semaphore_mem>>) attributes {dimension_semantics = [#tpu.dimension_semantics<core_parallel>, #tpu.dimension_semantics<subcore_parallel>], iteration_bounds = array<i64: 2, 16>, scalar_prefetch = 0 : i64, scratch_operands = 4 : i64, tpu.core_type = #tpu.core_type<sc_vector_subcore>, window_params = [{transform_indices = #map}, {transform_indices = #map}, {transform_indices = #map1}]} {
    %mul3A = arith.constant 2 : i32
    %mul3A_0 = arith.muli %arg1, %mul3A : i32
    %add3A = arith.addi %mul3A_0, %arg0 : i32
    %mul3A_1 = arith.constant 24 : i32
    %mul3A_2 = arith.muli %add3A, %mul3A_1 : i32
    %min3A = arith.constant 14 : i32
    %min3A_3 = arith.minsi %add3A, %min3A : i32
    %add3A_4 = arith.addi %mul3A_2, %min3A_3 : i32
    %lt3A = arith.constant 14 : i32
    %lt3A_5 = arith.cmpi slt, %add3A, %lt3A : i32
    %jit3A = arith.constant 1 : i32
    %jit3A_6 = arith.constant 0 : i32
    %select_n3A = arith.select %lt3A_5, %jit3A, %jit3A_6 : i32
    %add3A_7 = arith.constant 24 : i32
    %add3A_8 = arith.addi %add3A_7, %select_n3A : i32
    %mul3A_9 = arith.constant 128 : i32
    %mul3A_10 = arith.muli %add3A_4, %mul3A_9 : i32
    %min3A_11 = arith.constant 96800 : i32
    %min3A_12 = arith.minsi %mul3A_10, %min3A_11 : i32
    %mul3A_13 = arith.constant 128 : i32
    %mul3A_14 = arith.muli %add3A_4, %mul3A_13 : i32
    %sub3A = arith.subi %mul3A_14, %min3A_12 : i32
    tpu.enqueue_dma source(%arg3 : memref<32768xf32, #tpu.memory_space<hbm>>) target(%arg5 : memref<32768xf32, #tpu.memory_space<vmem>>) target_semaphore(%arg8 : memref<!tpu.dma_semaphore, #tpu.memory_space<semaphore_mem>>)
    %dma_start3A = tpu.memref_slice %arg2[%min3A_12] : memref<100000xi32, #tpu.memory_space<hbm>> -> memref<3200xi32, #tpu.memory_space<hbm>>
    %dma_start3A_15 = tpu.memref_slice %arg2[%min3A_12] : memref<100000xi32, #tpu.memory_space<hbm>> -> memref<3200xi32, #tpu.memory_space<hbm>>
    tpu.enqueue_dma source(%dma_start3A_15 : memref<3200xi32, #tpu.memory_space<hbm>>) target(%arg6 : memref<3200xi32, #tpu.memory_space<vmem>>) target_semaphore(%arg8 : memref<!tpu.dma_semaphore, #tpu.memory_space<semaphore_mem>>)
    tpu.wait_dma2 semaphore(%arg8 : memref<!tpu.dma_semaphore, #tpu.memory_space<semaphore_mem>>) src(%arg3 : memref<32768xf32, #tpu.memory_space<hbm>>) dst(%arg5 : memref<32768xf32, #tpu.memory_space<vmem>>)
    %dma_wait3A = tpu.memref_slice %arg2[%min3A_12] : memref<100000xi32, #tpu.memory_space<hbm>> -> memref<3200xi32, #tpu.memory_space<hbm>>
    %dma_wait3A_16 = tpu.memref_slice %arg2[%min3A_12] : memref<100000xi32, #tpu.memory_space<hbm>> -> memref<3200xi32, #tpu.memory_space<hbm>>
    tpu.wait_dma2 semaphore(%arg8 : memref<!tpu.dma_semaphore, #tpu.memory_space<semaphore_mem>>) src(%dma_wait3A_16 : memref<3200xi32, #tpu.memory_space<hbm>>) dst(%arg6 : memref<3200xi32, #tpu.memory_space<vmem>>)
    %iota3A = tpu.iota {dimensions = array<i32: 0>} : vector<16xi32>
    %add3A_17 = arith.constant 0 : i32
    %add3A_18 = vector.broadcast %add3A_17 : i32 to vector<16xi32>
    %add3A_19 = arith.addi %iota3A, %add3A_18 : vector<16xi32>
    %add3A_20 = arith.constant 2048 : i32
    %add3A_21 = vector.broadcast %add3A_20 : i32 to vector<16xi32>
    %add3A_22 = arith.addi %iota3A, %add3A_21 : vector<16xi32>
    %add3A_23 = arith.constant 4096 : i32
    %add3A_24 = vector.broadcast %add3A_23 : i32 to vector<16xi32>
    %add3A_25 = arith.addi %iota3A, %add3A_24 : vector<16xi32>
    %add3A_26 = arith.constant 6144 : i32
    %add3A_27 = vector.broadcast %add3A_26 : i32 to vector<16xi32>
    %add3A_28 = arith.addi %iota3A, %add3A_27 : vector<16xi32>
    %add3A_29 = arith.constant 8192 : i32
    %add3A_30 = vector.broadcast %add3A_29 : i32 to vector<16xi32>
    %add3A_31 = arith.addi %iota3A, %add3A_30 : vector<16xi32>
    %add3A_32 = arith.constant 10240 : i32
    %add3A_33 = vector.broadcast %add3A_32 : i32 to vector<16xi32>
    %add3A_34 = arith.addi %iota3A, %add3A_33 : vector<16xi32>
    %add3A_35 = arith.constant 12288 : i32
    %add3A_36 = vector.broadcast %add3A_35 : i32 to vector<16xi32>
    %add3A_37 = arith.addi %iota3A, %add3A_36 : vector<16xi32>
    %add3A_38 = arith.constant 14336 : i32
    %add3A_39 = vector.broadcast %add3A_38 : i32 to vector<16xi32>
    %add3A_40 = arith.addi %iota3A, %add3A_39 : vector<16xi32>
    %add3A_41 = arith.constant 16384 : i32
    %add3A_42 = vector.broadcast %add3A_41 : i32 to vector<16xi32>
    %add3A_43 = arith.addi %iota3A, %add3A_42 : vector<16xi32>
    %add3A_44 = arith.constant 18432 : i32
    %add3A_45 = vector.broadcast %add3A_44 : i32 to vector<16xi32>
    %add3A_46 = arith.addi %iota3A, %add3A_45 : vector<16xi32>
    %add3A_47 = arith.constant 20480 : i32
    %add3A_48 = vector.broadcast %add3A_47 : i32 to vector<16xi32>
    %add3A_49 = arith.addi %iota3A, %add3A_48 : vector<16xi32>
    %add3A_50 = arith.constant 22528 : i32
    %add3A_51 = vector.broadcast %add3A_50 : i32 to vector<16xi32>
    %add3A_52 = arith.addi %iota3A, %add3A_51 : vector<16xi32>
    %add3A_53 = arith.constant 24576 : i32
    %add3A_54 = vector.broadcast %add3A_53 : i32 to vector<16xi32>
    %add3A_55 = arith.addi %iota3A, %add3A_54 : vector<16xi32>
    %add3A_56 = arith.constant 26624 : i32
    %add3A_57 = vector.broadcast %add3A_56 : i32 to vector<16xi32>
    %add3A_58 = arith.addi %iota3A, %add3A_57 : vector<16xi32>
    %add3A_59 = arith.constant 28672 : i32
    %add3A_60 = vector.broadcast %add3A_59 : i32 to vector<16xi32>
    %add3A_61 = arith.addi %iota3A, %add3A_60 : vector<16xi32>
    %add3A_62 = arith.constant 30720 : i32
    %add3A_63 = vector.broadcast %add3A_62 : i32 to vector<16xi32>
    %add3A_64 = arith.addi %iota3A, %add3A_63 : vector<16xi32>
    %parallel_loop3A = arith.constant 0 : i32
    %parallel_loop3A_65 = arith.constant 1 : i32
    scf.for %parallel_loop3A_75 = %parallel_loop3A to %add3A_8 step %parallel_loop3A_65  : i32 {
      %parallel_loop3A_76 = arith.constant 128 : i32
      %parallel_loop3A_77 = arith.muli %parallel_loop3A_75, %parallel_loop3A_76 : i32
      %parallel_loop3A_78 = arith.addi %sub3A, %parallel_loop3A_77 : i32
      %parallel_loop3A_79 = arith.constant 0 : i32
      %parallel_loop3A_80 = arith.addi %parallel_loop3A_78, %parallel_loop3A_79 : i32
      %parallel_loop3A_81 = arith.constant 3184 : i32
      %parallel_loop3A_82 = arith.minsi %parallel_loop3A_80, %parallel_loop3A_81 : i32
      %parallel_loop3A_83 = arith.index_cast %parallel_loop3A_82 : i32 to index
      %parallel_loop3A_84 = tpu.vector_load %arg6[%parallel_loop3A_83] {strides = array<i32>} : memref<3200xi32, #tpu.memory_space<vmem>>, vector<16xi32>,
      %parallel_loop3A_85 = arith.constant 16 : i32
      %parallel_loop3A_86 = vector.broadcast %parallel_loop3A_85 : i32 to vector<16xi32>
      %parallel_loop3A_87 = arith.muli %parallel_loop3A_84, %parallel_loop3A_86 : vector<16xi32>
      %parallel_loop3A_88 = arith.addi %parallel_loop3A_87, %add3A_19 : vector<16xi32>
      %parallel_loop3A_89 = tpu.vector_load_idx %arg5[%parallel_loop3A_88] : memref<32768xf32, #tpu.memory_space<vmem>>[vector<16xi32>], vector<16xf32>,
      %parallel_loop3A_90 = arith.constant 0 : i32
      %parallel_loop3A_91 = arith.constant 0 : i32
      %parallel_loop3A_92 = arith.index_cast %parallel_loop3A_90 : i32 to index
      %parallel_loop3A_93 = arith.index_cast %parallel_loop3A_75 : i32 to index
      %parallel_loop3A_94 = arith.index_cast %parallel_loop3A_91 : i32 to index
      %parallel_loop3A_95 = arith.constant 0 : index
      %parallel_loop3A_96 = tpu.vector_load %arg7[%parallel_loop3A_92, %parallel_loop3A_93, %parallel_loop3A_94, %parallel_loop3A_95] {strides = array<i32>} : memref<2x25x8x128xf32, #tpu.memory_space<vmem>>, vector<16xf32>,
      tpu.vector_store %arg7[%parallel_loop3A_92, %parallel_loop3A_93, %parallel_loop3A_94, %parallel_loop3A_95], %parallel_loop3A_89 {strides = array<i32>} : memref<2x25x8x128xf32, #tpu.memory_space<vmem>>, vector<16xf32>,
      %parallel_loop3A_97 = arith.addi %parallel_loop3A_87, %add3A_22 : vector<16xi32>
      %parallel_loop3A_98 = tpu.vector_load_idx %arg5[%parallel_loop3A_97] : memref<32768xf32, #tpu.memory_space<vmem>>[vector<16xi32>], vector<16xf32>,
      %parallel_loop3A_99 = arith.constant 0 : i32
      %parallel_loop3A_100 = arith.constant 1 : i32
      %parallel_loop3A_101 = arith.index_cast %parallel_loop3A_99 : i32 to index
      %parallel_loop3A_102 = arith.index_cast %parallel_loop3A_75 : i32 to index
      %parallel_loop3A_103 = arith.index_cast %parallel_loop3A_100 : i32 to index
      %parallel_loop3A_104 = arith.constant 0 : index
      %parallel_loop3A_105 = tpu.vector_load %arg7[%parallel_loop3A_101, %parallel_loop3A_102, %parallel_loop3A_103, %parallel_loop3A_104] {strides = array<i32>} : memref<2x25x8x128xf32, #tpu.memory_space<vmem>>, vector<16xf32>,
      tpu.vector_store %arg7[%parallel_loop3A_101, %parallel_loop3A_102, %parallel_loop3A_103, %parallel_loop3A_104], %parallel_loop3A_98 {strides = array<i32>} : memref<2x25x8x128xf32, #tpu.memory_space<vmem>>, vector<16xf32>,
      %parallel_loop3A_106 = arith.addi %parallel_loop3A_87, %add3A_25 : vector<16xi32>
      %parallel_loop3A_107 = tpu.vector_load_idx %arg5[%parallel_loop3A_106] : memref<32768xf32, #tpu.memory_space<vmem>>[vector<16xi32>], vector<16xf32>,
      %parallel_loop3A_108 = arith.constant 0 : i32
      %parallel_loop3A_109 = arith.constant 2 : i32
      %parallel_loop3A_110 = arith.index_cast %parallel_loop3A_108 : i32 to index
      %parallel_loop3A_111 = arith.index_cast %parallel_loop3A_75 : i32 to index
      %parallel_loop3A_112 = arith.index_cast %parallel_loop3A_109 : i32 to index
      %parallel_loop3A_113 = arith.constant 0 : index
      %parallel_loop3A_114 = tpu.vector_load %arg7[%parallel_loop3A_110, %parallel_loop3A_111, %parallel_loop3A_112, %parallel_loop3A_113] {strides = array<i32>} : memref<2x25x8x128xf32, #tpu.memory_space<vmem>>, vector<16xf32>,
      tpu.vector_store %arg7[%parallel_loop3A_110, %parallel_loop3A_111, %parallel_loop3A_112, %parallel_loop3A_113], %parallel_loop3A_107 {strides = array<i32>} : memref<2x25x8x128xf32, #tpu.memory_space<vmem>>, vector<16xf32>,
      %parallel_loop3A_115 = arith.addi %parallel_loop3A_87, %add3A_28 : vector<16xi32>
      %parallel_loop3A_116 = tpu.vector_load_idx %arg5[%parallel_loop3A_115] : memref<32768xf32, #tpu.memory_space<vmem>>[vector<16xi32>], vector<16xf32>,
      %parallel_loop3A_117 = arith.constant 0 : i32
      %parallel_loop3A_118 = arith.constant 3 : i32
      %parallel_loop3A_119 = arith.index_cast %parallel_loop3A_117 : i32 to index
      %parallel_loop3A_120 = arith.index_cast %parallel_loop3A_75 : i32 to index
      %parallel_loop3A_121 = arith.index_cast %parallel_loop3A_118 : i32 to index
      %parallel_loop3A_122 = arith.constant 0 : index
      %parallel_loop3A_123 = tpu.vector_load %arg7[%parallel_loop3A_119, %parallel_loop3A_120, %parallel_loop3A_121, %parallel_loop3A_122] {strides = array<i32>} : memref<2x25x8x128xf32, #tpu.memory_space<vmem>>, vector<16xf32>,
      tpu.vector_store %arg7[%parallel_loop3A_119, %parallel_loop3A_120, %parallel_loop3A_121, %parallel_loop3A_122], %parallel_loop3A_116 {strides = array<i32>} : memref<2x25x8x128xf32, #tpu.memory_space<vmem>>, vector<16xf32>,
      %parallel_loop3A_124 = arith.addi %parallel_loop3A_87, %add3A_31 : vector<16xi32>
      %parallel_loop3A_125 = tpu.vector_load_idx %arg5[%parallel_loop3A_124] : memref<32768xf32, #tpu.memory_space<vmem>>[vector<16xi32>], vector<16xf32>,
      %parallel_loop3A_126 = arith.constant 0 : i32
      %parallel_loop3A_127 = arith.constant 4 : i32
      %parallel_loop3A_128 = arith.index_cast %parallel_loop3A_126 : i32 to index
      %parallel_loop3A_129 = arith.index_cast %parallel_loop3A_75 : i32 to index
      %parallel_loop3A_130 = arith.index_cast %parallel_loop3A_127 : i32 to index
      %parallel_loop3A_131 = arith.constant 0 : index
      %parallel_loop3A_132 = tpu.vector_load %arg7[%parallel_loop3A_128, %parallel_loop3A_129, %parallel_loop3A_130, %parallel_loop3A_131] {strides = array<i32>} : memref<2x25x8x128xf32, #tpu.memory_space<vmem>>, vector<16xf32>,
      tpu.vector_store %arg7[%parallel_loop3A_128, %parallel_loop3A_129, %parallel_loop3A_130, %parallel_loop3A_131], %parallel_loop3A_125 {strides = array<i32>} : memref<2x25x8x128xf32, #tpu.memory_space<vmem>>, vector<16xf32>,
      %parallel_loop3A_133 = arith.addi %parallel_loop3A_87, %add3A_34 : vector<16xi32>
      %parallel_loop3A_134 = tpu.vector_load_idx %arg5[%parallel_loop3A_133] : memref<32768xf32, #tpu.memory_space<vmem>>[vector<16xi32>], vector<16xf32>,
      %parallel_loop3A_135 = arith.constant 0 : i32
      %parallel_loop3A_136 = arith.constant 5 : i32
      %parallel_loop3A_137 = arith.index_cast %parallel_loop3A_135 : i32 to index
      %parallel_loop3A_138 = arith.index_cast %parallel_loop3A_75 : i32 to index
      %parallel_loop3A_139 = arith.index_cast %parallel_loop3A_136 : i32 to index
      %parallel_loop3A_140 = arith.constant 0 : index
      %parallel_loop3A_141 = tpu.vector_load %arg7[%parallel_loop3A_137, %parallel_loop3A_138, %parallel_loop3A_139, %parallel_loop3A_140] {strides = array<i32>} : memref<2x25x8x128xf32, #tpu.memory_space<vmem>>, vector<16xf32>,
      tpu.vector_store %arg7[%parallel_loop3A_137, %parallel_loop3A_138, %parallel_loop3A_139, %parallel_loop3A_140], %parallel_loop3A_134 {strides = array<i32>} : memref<2x25x8x128xf32, #tpu.memory_space<vmem>>, vector<16xf32>,
      %parallel_loop3A_142 = arith.addi %parallel_loop3A_87, %add3A_37 : vector<16xi32>
      %parallel_loop3A_143 = tpu.vector_load_idx %arg5[%parallel_loop3A_142] : memref<32768xf32, #tpu.memory_space<vmem>>[vector<16xi32>], vector<16xf32>,
      %parallel_loop3A_144 = arith.constant 0 : i32
      %parallel_loop3A_145 = arith.constant 6 : i32
      %parallel_loop3A_146 = arith.index_cast %parallel_loop3A_144 : i32 to index
      %parallel_loop3A_147 = arith.index_cast %parallel_loop3A_75 : i32 to index
      %parallel_loop3A_148 = arith.index_cast %parallel_loop3A_145 : i32 to index
      %parallel_loop3A_149 = arith.constant 0 : index
      %parallel_loop3A_150 = tpu.vector_load %arg7[%parallel_loop3A_146, %parallel_loop3A_147, %parallel_loop3A_148, %parallel_loop3A_149] {strides = array<i32>} : memref<2x25x8x128xf32, #tpu.memory_space<vmem>>, vector<16xf32>,
      tpu.vector_store %arg7[%parallel_loop3A_146, %parallel_loop3A_147, %parallel_loop3A_148, %parallel_loop3A_149], %parallel_loop3A_143 {strides = array<i32>} : memref<2x25x8x128xf32, #tpu.memory_space<vmem>>, vector<16xf32>,
      %parallel_loop3A_151 = arith.addi %parallel_loop3A_87, %add3A_40 : vector<16xi32>
      %parallel_loop3A_152 = tpu.vector_load_idx %arg5[%parallel_loop3A_151] : memref<32768xf32, #tpu.memory_space<vmem>>[vector<16xi32>], vector<16xf32>,
      %parallel_loop3A_153 = arith.constant 0 : i32
      %parallel_loop3A_154 = arith.constant 7 : i32
      %parallel_loop3A_155 = arith.index_cast %parallel_loop3A_153 : i32 to index
      %parallel_loop3A_156 = arith.index_cast %parallel_loop3A_75 : i32 to index
      %parallel_loop3A_157 = arith.index_cast %parallel_loop3A_154 : i32 to index
      %parallel_loop3A_158 = arith.constant 0 : index
      %parallel_loop3A_159 = tpu.vector_load %arg7[%parallel_loop3A_155, %parallel_loop3A_156, %parallel_loop3A_157, %parallel_loop3A_158] {strides = array<i32>} : memref<2x25x8x128xf32, #tpu.memory_space<vmem>>, vector<16xf32>,
      tpu.vector_store %arg7[%parallel_loop3A_155, %parallel_loop3A_156, %parallel_loop3A_157, %parallel_loop3A_158], %parallel_loop3A_152 {strides = array<i32>} : memref<2x25x8x128xf32, #tpu.memory_space<vmem>>, vector<16xf32>,
      %parallel_loop3A_160 = arith.addi %parallel_loop3A_87, %add3A_43 : vector<16xi32>
      %parallel_loop3A_161 = tpu.vector_load_idx %arg5[%parallel_loop3A_160] : memref<32768xf32, #tpu.memory_space<vmem>>[vector<16xi32>], vector<16xf32>,
      %parallel_loop3A_162 = arith.constant 1 : i32
      %parallel_loop3A_163 = arith.constant 0 : i32
      %parallel_loop3A_164 = arith.index_cast %parallel_loop3A_162 : i32 to index
      %parallel_loop3A_165 = arith.index_cast %parallel_loop3A_75 : i32 to index
      %parallel_loop3A_166 = arith.index_cast %parallel_loop3A_163 : i32 to index
      %parallel_loop3A_167 = arith.constant 0 : index
      %parallel_loop3A_168 = tpu.vector_load %arg7[%parallel_loop3A_164, %parallel_loop3A_165, %parallel_loop3A_166, %parallel_loop3A_167] {strides = array<i32>} : memref<2x25x8x128xf32, #tpu.memory_space<vmem>>, vector<16xf32>,
      tpu.vector_store %arg7[%parallel_loop3A_164, %parallel_loop3A_165, %parallel_loop3A_166, %parallel_loop3A_167], %parallel_loop3A_161 {strides = array<i32>} : memref<2x25x8x128xf32, #tpu.memory_space<vmem>>, vector<16xf32>,
      %parallel_loop3A_169 = arith.addi %parallel_loop3A_87, %add3A_46 : vector<16xi32>
      %parallel_loop3A_170 = tpu.vector_load_idx %arg5[%parallel_loop3A_169] : memref<32768xf32, #tpu.memory_space<vmem>>[vector<16xi32>], vector<16xf32>,
      %parallel_loop3A_171 = arith.constant 1 : i32
      %parallel_loop3A_172 = arith.constant 1 : i32
      %parallel_loop3A_173 = arith.index_cast %parallel_loop3A_171 : i32 to index
      %parallel_loop3A_174 = arith.index_cast %parallel_loop3A_75 : i32 to index
      %parallel_loop3A_175 = arith.index_cast %parallel_loop3A_172 : i32 to index
      %parallel_loop3A_176 = arith.constant 0 : index
      %parallel_loop3A_177 = tpu.vector_load %arg7[%parallel_loop3A_173, %parallel_loop3A_174, %parallel_loop3A_175, %parallel_loop3A_176] {strides = array<i32>} : memref<2x25x8x128xf32, #tpu.memory_space<vmem>>, vector<16xf32>,
      tpu.vector_store %arg7[%parallel_loop3A_173, %parallel_loop3A_174, %parallel_loop3A_175, %parallel_loop3A_176], %parallel_loop3A_170 {strides = array<i32>} : memref<2x25x8x128xf32, #tpu.memory_space<vmem>>, vector<16xf32>,
      %parallel_loop3A_178 = arith.addi %parallel_loop3A_87, %add3A_49 : vector<16xi32>
      %parallel_loop3A_179 = tpu.vector_load_idx %arg5[%parallel_loop3A_178] : memref<32768xf32, #tpu.memory_space<vmem>>[vector<16xi32>], vector<16xf32>,
      %parallel_loop3A_180 = arith.constant 1 : i32
      %parallel_loop3A_181 = arith.constant 2 : i32
      %parallel_loop3A_182 = arith.index_cast %parallel_loop3A_180 : i32 to index
      %parallel_loop3A_183 = arith.index_cast %parallel_loop3A_75 : i32 to index
      %parallel_loop3A_184 = arith.index_cast %parallel_loop3A_181 : i32 to index
      %parallel_loop3A_185 = arith.constant 0 : index
      %parallel_loop3A_186 = tpu.vector_load %arg7[%parallel_loop3A_182, %parallel_loop3A_183, %parallel_loop3A_184, %parallel_loop3A_185] {strides = array<i32>} : memref<2x25x8x128xf32, #tpu.memory_space<vmem>>, vector<16xf32>,
      tpu.vector_store %arg7[%parallel_loop3A_182, %parallel_loop3A_183, %parallel_loop3A_184, %parallel_loop3A_185], %parallel_loop3A_179 {strides = array<i32>} : memref<2x25x8x128xf32, #tpu.memory_space<vmem>>, vector<16xf32>,
      %parallel_loop3A_187 = arith.addi %parallel_loop3A_87, %add3A_52 : vector<16xi32>
      %parallel_loop3A_188 = tpu.vector_load_idx %arg5[%parallel_loop3A_187] : memref<32768xf32, #tpu.memory_space<vmem>>[vector<16xi32>], vector<16xf32>,
      %parallel_loop3A_189 = arith.constant 1 : i32
      %parallel_loop3A_190 = arith.constant 3 : i32
      %parallel_loop3A_191 = arith.index_cast %parallel_loop3A_189 : i32 to index
      %parallel_loop3A_192 = arith.index_cast %parallel_loop3A_75 : i32 to index
      %parallel_loop3A_193 = arith.index_cast %parallel_loop3A_190 : i32 to index
      %parallel_loop3A_194 = arith.constant 0 : index
      %parallel_loop3A_195 = tpu.vector_load %arg7[%parallel_loop3A_191, %parallel_loop3A_192, %parallel_loop3A_193, %parallel_loop3A_194] {strides = array<i32>} : memref<2x25x8x128xf32, #tpu.memory_space<vmem>>, vector<16xf32>,
      tpu.vector_store %arg7[%parallel_loop3A_191, %parallel_loop3A_192, %parallel_loop3A_193, %parallel_loop3A_194], %parallel_loop3A_188 {strides = array<i32>} : memref<2x25x8x128xf32, #tpu.memory_space<vmem>>, vector<16xf32>,
      %parallel_loop3A_196 = arith.addi %parallel_loop3A_87, %add3A_55 : vector<16xi32>
      %parallel_loop3A_197 = tpu.vector_load_idx %arg5[%parallel_loop3A_196] : memref<32768xf32, #tpu.memory_space<vmem>>[vector<16xi32>], vector<16xf32>,
      %parallel_loop3A_198 = arith.constant 1 : i32
      %parallel_loop3A_199 = arith.constant 4 : i32
      %parallel_loop3A_200 = arith.index_cast %parallel_loop3A_198 : i32 to index
      %parallel_loop3A_201 = arith.index_cast %parallel_loop3A_75 : i32 to index
      %parallel_loop3A_202 = arith.index_cast %parallel_loop3A_199 : i32 to index
      %parallel_loop3A_203 = arith.constant 0 : index
      %parallel_loop3A_204 = tpu.vector_load %arg7[%parallel_loop3A_200, %parallel_loop3A_201, %parallel_loop3A_202, %parallel_loop3A_203] {strides = array<i32>} : memref<2x25x8x128xf32, #tpu.memory_space<vmem>>, vector<16xf32>,
      tpu.vector_store %arg7[%parallel_loop3A_200, %parallel_loop3A_201, %parallel_loop3A_202, %parallel_loop3A_203], %parallel_loop3A_197 {strides = array<i32>} : memref<2x25x8x128xf32, #tpu.memory_space<vmem>>, vector<16xf32>,
      %parallel_loop3A_205 = arith.addi %parallel_loop3A_87, %add3A_58 : vector<16xi32>
      %parallel_loop3A_206 = tpu.vector_load_idx %arg5[%parallel_loop3A_205] : memref<32768xf32, #tpu.memory_space<vmem>>[vector<16xi32>], vector<16xf32>,
      %parallel_loop3A_207 = arith.constant 1 : i32
      %parallel_loop3A_208 = arith.constant 5 : i32
      %parallel_loop3A_209 = arith.index_cast %parallel_loop3A_207 : i32 to index
      %parallel_loop3A_210 = arith.index_cast %parallel_loop3A_75 : i32 to index
      %parallel_loop3A_211 = arith.index_cast %parallel_loop3A_208 : i32 to index
      %parallel_loop3A_212 = arith.constant 0 : index
      %parallel_loop3A_213 = tpu.vector_load %arg7[%parallel_loop3A_209, %parallel_loop3A_210, %parallel_loop3A_211, %parallel_loop3A_212] {strides = array<i32>} : memref<2x25x8x128xf32, #tpu.memory_space<vmem>>, vector<16xf32>,
      tpu.vector_store %arg7[%parallel_loop3A_209, %parallel_loop3A_210, %parallel_loop3A_211, %parallel_loop3A_212], %parallel_loop3A_206 {strides = array<i32>} : memref<2x25x8x128xf32, #tpu.memory_space<vmem>>, vector<16xf32>,
      %parallel_loop3A_214 = arith.addi %parallel_loop3A_87, %add3A_61 : vector<16xi32>
      %parallel_loop3A_215 = tpu.vector_load_idx %arg5[%parallel_loop3A_214] : memref<32768xf32, #tpu.memory_space<vmem>>[vector<16xi32>], vector<16xf32>,
      %parallel_loop3A_216 = arith.constant 1 : i32
      %parallel_loop3A_217 = arith.constant 6 : i32
      %parallel_loop3A_218 = arith.index_cast %parallel_loop3A_216 : i32 to index
      %parallel_loop3A_219 = arith.index_cast %parallel_loop3A_75 : i32 to index
      %parallel_loop3A_220 = arith.index_cast %parallel_loop3A_217 : i32 to index
      %parallel_loop3A_221 = arith.constant 0 : index
      %parallel_loop3A_222 = tpu.vector_load %arg7[%parallel_loop3A_218, %parallel_loop3A_219, %parallel_loop3A_220, %parallel_loop3A_221] {strides = array<i32>} : memref<2x25x8x128xf32, #tpu.memory_space<vmem>>, vector<16xf32>,
      tpu.vector_store %arg7[%parallel_loop3A_218, %parallel_loop3A_219, %parallel_loop3A_220, %parallel_loop3A_221], %parallel_loop3A_215 {strides = array<i32>} : memref<2x25x8x128xf32, #tpu.memory_space<vmem>>, vector<16xf32>,
      %parallel_loop3A_223 = arith.addi %parallel_loop3A_87, %add3A_64 : vector<16xi32>
      %parallel_loop3A_224 = tpu.vector_load_idx %arg5[%parallel_loop3A_223] : memref<32768xf32, #tpu.memory_space<vmem>>[vector<16xi32>], vector<16xf32>,
      %parallel_loop3A_225 = arith.constant 1 : i32
      %parallel_loop3A_226 = arith.constant 7 : i32
      %parallel_loop3A_227 = arith.index_cast %parallel_loop3A_225 : i32 to index
      %parallel_loop3A_228 = arith.index_cast %parallel_loop3A_75 : i32 to index
      %parallel_loop3A_229 = arith.index_cast %parallel_loop3A_226 : i32 to index
      %parallel_loop3A_230 = arith.constant 0 : index
      %parallel_loop3A_231 = tpu.vector_load %arg7[%parallel_loop3A_227, %parallel_loop3A_228, %parallel_loop3A_229, %parallel_loop3A_230] {strides = array<i32>} : memref<2x25x8x128xf32, #tpu.memory_space<vmem>>, vector<16xf32>,
      tpu.vector_store %arg7[%parallel_loop3A_227, %parallel_loop3A_228, %parallel_loop3A_229, %parallel_loop3A_230], %parallel_loop3A_224 {strides = array<i32>} : memref<2x25x8x128xf32, #tpu.memory_space<vmem>>, vector<16xf32>,
      %parallel_loop3A_232 = arith.constant 16 : i32
      %parallel_loop3A_233 = arith.addi %parallel_loop3A_78, %parallel_loop3A_232 : i32
      %parallel_loop3A_234 = arith.constant 3184 : i32
      %parallel_loop3A_235 = arith.minsi %parallel_loop3A_233, %parallel_loop3A_234 : i32
      %parallel_loop3A_236 = arith.index_cast %parallel_loop3A_235 : i32 to index
      %parallel_loop3A_237 = tpu.vector_load %arg6[%parallel_loop3A_236] {strides = array<i32>} : memref<3200xi32, #tpu.memory_space<vmem>>, vector<16xi32>,
      %parallel_loop3A_238 = arith.constant 16 : i32
      %parallel_loop3A_239 = vector.broadcast %parallel_loop3A_238 : i32 to vector<16xi32>
      %parallel_loop3A_240 = arith.muli %parallel_loop3A_237, %parallel_loop3A_239 : vector<16xi32>
      %parallel_loop3A_241 = arith.addi %parallel_loop3A_240, %add3A_19 : vector<16xi32>
      %parallel_loop3A_242 = tpu.vector_load_idx %arg5[%parallel_loop3A_241] : memref<32768xf32, #tpu.memory_space<vmem>>[vector<16xi32>], vector<16xf32>,
      %parallel_loop3A_243 = arith.constant 0 : i32
      %parallel_loop3A_244 = arith.constant 0 : i32
      %parallel_loop3A_245 = arith.index_cast %parallel_loop3A_243 : i32 to index
      %parallel_loop3A_246 = arith.index_cast %parallel_loop3A_75 : i32 to index
      %parallel_loop3A_247 = arith.index_cast %parallel_loop3A_244 : i32 to index
      %parallel_loop3A_248 = arith.constant 16 : index
      %parallel_loop3A_249 = tpu.vector_load %arg7[%parallel_loop3A_245, %parallel_loop3A_246, %parallel_loop3A_247, %parallel_loop3A_248] {strides = array<i32>} : memref<2x25x8x128xf32, #tpu.memory_space<vmem>>, vector<16xf32>,
      tpu.vector_store %arg7[%parallel_loop3A_245, %parallel_loop3A_246, %parallel_loop3A_247, %parallel_loop3A_248], %parallel_loop3A_242 {strides = array<i32>} : memref<2x25x8x128xf32, #tpu.memory_space<vmem>>, vector<16xf32>,
      %parallel_loop3A_250 = arith.addi %parallel_loop3A_240, %add3A_22 : vector<16xi32>
      %parallel_loop3A_251 = tpu.vector_load_idx %arg5[%parallel_loop3A_250] : memref<32768xf32, #tpu.memory_space<vmem>>[vector<16xi32>], vector<16xf32>,
      %parallel_loop3A_252 = arith.constant 0 : i32
      %parallel_loop3A_253 = arith.constant 1 : i32
      %parallel_loop3A_254 = arith.index_cast %parallel_loop3A_252 : i32 to index
      %parallel_loop3A_255 = arith.index_cast %parallel_loop3A_75 : i32 to index
      %parallel_loop3A_256 = arith.index_cast %parallel_loop3A_253 : i32 to index
      %parallel_loop3A_257 = arith.constant 16 : index
      %parallel_loop3A_258 = tpu.vector_load %arg7[%parallel_loop3A_254, %parallel_loop3A_255, %parallel_loop3A_256, %parallel_loop3A_257] {strides = array<i32>} : memref<2x25x8x128xf32, #tpu.memory_space<vmem>>, vector<16xf32>,
      tpu.vector_store %arg7[%parallel_loop3A_254, %parallel_loop3A_255, %parallel_loop3A_256, %parallel_loop3A_257], %parallel_loop3A_251 {strides = array<i32>} : memref<2x25x8x128xf32, #tpu.memory_space<vmem>>, vector<16xf32>,
      %parallel_loop3A_259 = arith.addi %parallel_loop3A_240, %add3A_25 : vector<16xi32>
      %parallel_loop3A_260 = tpu.vector_load_idx %arg5[%parallel_loop3A_259] : memref<32768xf32, #tpu.memory_space<vmem>>[vector<16xi32>], vector<16xf32>,
      %parallel_loop3A_261 = arith.constant 0 : i32
      %parallel_loop3A_262 = arith.constant 2 : i32
      %parallel_loop3A_263 = arith.index_cast %parallel_loop3A_261 : i32 to index
      %parallel_loop3A_264 = arith.index_cast %parallel_loop3A_75 : i32 to index
      %parallel_loop3A_265 = arith.index_cast %parallel_loop3A_262 : i32 to index
      %parallel_loop3A_266 = arith.constant 16 : index
      %parallel_loop3A_267 = tpu.vector_load %arg7[%parallel_loop3A_263, %parallel_loop3A_264, %parallel_loop3A_265, %parallel_loop3A_266] {strides = array<i32>} : memref<2x25x8x128xf32, #tpu.memory_space<vmem>>, vector<16xf32>,
      tpu.vector_store %arg7[%parallel_loop3A_263, %parallel_loop3A_264, %parallel_loop3A_265, %parallel_loop3A_266], %parallel_loop3A_260 {strides = array<i32>} : memref<2x25x8x128xf32, #tpu.memory_space<vmem>>, vector<16xf32>,
      %parallel_loop3A_268 = arith.addi %parallel_loop3A_240, %add3A_28 : vector<16xi32>
      %parallel_loop3A_269 = tpu.vector_load_idx %arg5[%parallel_loop3A_268] : memref<32768xf32, #tpu.memory_space<vmem>>[vector<16xi32>], vector<16xf32>,
      %parallel_loop3A_270 = arith.constant 0 : i32
      %parallel_loop3A_271 = arith.constant 3 : i32
      %parallel_loop3A_272 = arith.index_cast %parallel_loop3A_270 : i32 to index
      %parallel_loop3A_273 = arith.index_cast %parallel_loop3A_75 : i32 to index
      %parallel_loop3A_274 = arith.index_cast %parallel_loop3A_271 : i32 to index
      %parallel_loop3A_275 = arith.constant 16 : index
      %parallel_loop3A_276 = tpu.vector_load %arg7[%parallel_loop3A_272, %parallel_loop3A_273, %parallel_loop3A_274, %parallel_loop3A_275] {strides = array<i32>} : memref<2x25x8x128xf32, #tpu.memory_space<vmem>>, vector<16xf32>,
      tpu.vector_store %arg7[%parallel_loop3A_272, %parallel_loop3A_273, %parallel_loop3A_274, %parallel_loop3A_275], %parallel_loop3A_269 {strides = array<i32>} : memref<2x25x8x128xf32, #tpu.memory_space<vmem>>, vector<16xf32>,
      %parallel_loop3A_277 = arith.addi %parallel_loop3A_240, %add3A_31 : vector<16xi32>
      %parallel_loop3A_278 = tpu.vector_load_idx %arg5[%parallel_loop3A_277] : memref<32768xf32, #tpu.memory_space<vmem>>[vector<16xi32>], vector<16xf32>,
      %parallel_loop3A_279 = arith.constant 0 : i32
      %parallel_loop3A_280 = arith.constant 4 : i32
      %parallel_loop3A_281 = arith.index_cast %parallel_loop3A_279 : i32 to index
      %parallel_loop3A_282 = arith.index_cast %parallel_loop3A_75 : i32 to index
      %parallel_loop3A_283 = arith.index_cast %parallel_loop3A_280 : i32 to index
      %parallel_loop3A_284 = arith.constant 16 : index
      %parallel_loop3A_285 = tpu.vector_load %arg7[%parallel_loop3A_281, %parallel_loop3A_282, %parallel_loop3A_283, %parallel_loop3A_284] {strides = array<i32>} : memref<2x25x8x128xf32, #tpu.memory_space<vmem>>, vector<16xf32>,
      tpu.vector_store %arg7[%parallel_loop3A_281, %parallel_loop3A_282, %parallel_loop3A_283, %parallel_loop3A_284], %parallel_loop3A_278 {strides = array<i32>} : memref<2x25x8x128xf32, #tpu.memory_space<vmem>>, vector<16xf32>,
      %parallel_loop3A_286 = arith.addi %parallel_loop3A_240, %add3A_34 : vector<16xi32>
      %parallel_loop3A_287 = tpu.vector_load_idx %arg5[%parallel_loop3A_286] : memref<32768xf32, #tpu.memory_space<vmem>>[vector<16xi32>], vector<16xf32>,
      %parallel_loop3A_288 = arith.constant 0 : i32
      %parallel_loop3A_289 = arith.constant 5 : i32
      %parallel_loop3A_290 = arith.index_cast %parallel_loop3A_288 : i32 to index
      %parallel_loop3A_291 = arith.index_cast %parallel_loop3A_75 : i32 to index
      %parallel_loop3A_292 = arith.index_cast %parallel_loop3A_289 : i32 to index
      %parallel_loop3A_293 = arith.constant 16 : index
      %parallel_loop3A_294 = tpu.vector_load %arg7[%parallel_loop3A_290, %parallel_loop3A_291, %parallel_loop3A_292, %parallel_loop3A_293] {strides = array<i32>} : memref<2x25x8x128xf32, #tpu.memory_space<vmem>>, vector<16xf32>,
      tpu.vector_store %arg7[%parallel_loop3A_290, %parallel_loop3A_291, %parallel_loop3A_292, %parallel_loop3A_293], %parallel_loop3A_287 {strides = array<i32>} : memref<2x25x8x128xf32, #tpu.memory_space<vmem>>, vector<16xf32>,
      %parallel_loop3A_295 = arith.addi %parallel_loop3A_240, %add3A_37 : vector<16xi32>
      %parallel_loop3A_296 = tpu.vector_load_idx %arg5[%parallel_loop3A_295] : memref<32768xf32, #tpu.memory_space<vmem>>[vector<16xi32>], vector<16xf32>,
      %parallel_loop3A_297 = arith.constant 0 : i32
      %parallel_loop3A_298 = arith.constant 6 : i32
      %parallel_loop3A_299 = arith.index_cast %parallel_loop3A_297 : i32 to index
      %parallel_loop3A_300 = arith.index_cast %parallel_loop3A_75 : i32 to index
      %parallel_loop3A_301 = arith.index_cast %parallel_loop3A_298 : i32 to index
      %parallel_loop3A_302 = arith.constant 16 : index
      %parallel_loop3A_303 = tpu.vector_load %arg7[%parallel_loop3A_299, %parallel_loop3A_300, %parallel_loop3A_301, %parallel_loop3A_302] {strides = array<i32>} : memref<2x25x8x128xf32, #tpu.memory_space<vmem>>, vector<16xf32>,
      tpu.vector_store %arg7[%parallel_loop3A_299, %parallel_loop3A_300, %parallel_loop3A_301, %parallel_loop3A_302], %parallel_loop3A_296 {strides = array<i32>} : memref<2x25x8x128xf32, #tpu.memory_space<vmem>>, vector<16xf32>,
      %parallel_loop3A_304 = arith.addi %parallel_loop3A_240, %add3A_40 : vector<16xi32>
      %parallel_loop3A_305 = tpu.vector_load_idx %arg5[%parallel_loop3A_304] : memref<32768xf32, #tpu.memory_space<vmem>>[vector<16xi32>], vector<16xf32>,
      %parallel_loop3A_306 = arith.constant 0 : i32
      %parallel_loop3A_307 = arith.constant 7 : i32
      %parallel_loop3A_308 = arith.index_cast %parallel_loop3A_306 : i32 to index
      %parallel_loop3A_309 = arith.index_cast %parallel_loop3A_75 : i32 to index
      %parallel_loop3A_310 = arith.index_cast %parallel_loop3A_307 : i32 to index
      %parallel_loop3A_311 = arith.constant 16 : index
      %parallel_loop3A_312 = tpu.vector_load %arg7[%parallel_loop3A_308, %parallel_loop3A_309, %parallel_loop3A_310, %parallel_loop3A_311] {strides = array<i32>} : memref<2x25x8x128xf32, #tpu.memory_space<vmem>>, vector<16xf32>,
      tpu.vector_store %arg7[%parallel_loop3A_308, %parallel_loop3A_309, %parallel_loop3A_310, %parallel_loop3A_311], %parallel_loop3A_305 {strides = array<i32>} : memref<2x25x8x128xf32, #tpu.memory_space<vmem>>, vector<16xf32>,
      %parallel_loop3A_313 = arith.addi %parallel_loop3A_240, %add3A_43 : vector<16xi32>
      %parallel_loop3A_314 = tpu.vector_load_idx %arg5[%parallel_loop3A_313] : memref<32768xf32, #tpu.memory_space<vmem>>[vector<16xi32>], vector<16xf32>,
      %parallel_loop3A_315 = arith.constant 1 : i32
      %parallel_loop3A_316 = arith.constant 0 : i32
      %parallel_loop3A_317 = arith.index_cast %parallel_loop3A_315 : i32 to index
      %parallel_loop3A_318 = arith.index_cast %parallel_loop3A_75 : i32 to index
      %parallel_loop3A_319 = arith.index_cast %parallel_loop3A_316 : i32 to index
      %parallel_loop3A_320 = arith.constant 16 : index
      %parallel_loop3A_321 = tpu.vector_load %arg7[%parallel_loop3A_317, %parallel_loop3A_318, %parallel_loop3A_319, %parallel_loop3A_320] {strides = array<i32>} : memref<2x25x8x128xf32, #tpu.memory_space<vmem>>, vector<16xf32>,
      tpu.vector_store %arg7[%parallel_loop3A_317, %parallel_loop3A_318, %parallel_loop3A_319, %parallel_loop3A_320], %parallel_loop3A_314 {strides = array<i32>} : memref<2x25x8x128xf32, #tpu.memory_space<vmem>>, vector<16xf32>,
      %parallel_loop3A_322 = arith.addi %parallel_loop3A_240, %add3A_46 : vector<16xi32>
      %parallel_loop3A_323 = tpu.vector_load_idx %arg5[%parallel_loop3A_322] : memref<32768xf32, #tpu.memory_space<vmem>>[vector<16xi32>], vector<16xf32>,
      %parallel_loop3A_324 = arith.constant 1 : i32
      %parallel_loop3A_325 = arith.constant 1 : i32
      %parallel_loop3A_326 = arith.index_cast %parallel_loop3A_324 : i32 to index
      %parallel_loop3A_327 = arith.index_cast %parallel_loop3A_75 : i32 to index
      %parallel_loop3A_328 = arith.index_cast %parallel_loop3A_325 : i32 to index
      %parallel_loop3A_329 = arith.constant 16 : index
      %parallel_loop3A_330 = tpu.vector_load %arg7[%parallel_loop3A_326, %parallel_loop3A_327, %parallel_loop3A_328, %parallel_loop3A_329] {strides = array<i32>} : memref<2x25x8x128xf32, #tpu.memory_space<vmem>>, vector<16xf32>,
      tpu.vector_store %arg7[%parallel_loop3A_326, %parallel_loop3A_327, %parallel_loop3A_328, %parallel_loop3A_329], %parallel_loop3A_323 {strides = array<i32>} : memref<2x25x8x128xf32, #tpu.memory_space<vmem>>, vector<16xf32>,
      %parallel_loop3A_331 = arith.addi %parallel_loop3A_240, %add3A_49 : vector<16xi32>
      %parallel_loop3A_332 = tpu.vector_load_idx %arg5[%parallel_loop3A_331] : memref<32768xf32, #tpu.memory_space<vmem>>[vector<16xi32>], vector<16xf32>,
      %parallel_loop3A_333 = arith.constant 1 : i32
      %parallel_loop3A_334 = arith.constant 2 : i32
      %parallel_loop3A_335 = arith.index_cast %parallel_loop3A_333 : i32 to index
      %parallel_loop3A_336 = arith.index_cast %parallel_loop3A_75 : i32 to index
      %parallel_loop3A_337 = arith.index_cast %parallel_loop3A_334 : i32 to index
      %parallel_loop3A_338 = arith.constant 16 : index
      %parallel_loop3A_339 = tpu.vector_load %arg7[%parallel_loop3A_335, %parallel_loop3A_336, %parallel_loop3A_337, %parallel_loop3A_338] {strides = array<i32>} : memref<2x25x8x128xf32, #tpu.memory_space<vmem>>, vector<16xf32>,
      tpu.vector_store %arg7[%parallel_loop3A_335, %parallel_loop3A_336, %parallel_loop3A_337, %parallel_loop3A_338], %parallel_loop3A_332 {strides = array<i32>} : memref<2x25x8x128xf32, #tpu.memory_space<vmem>>, vector<16xf32>,
      %parallel_loop3A_340 = arith.addi %parallel_loop3A_240, %add3A_52 : vector<16xi32>
      %parallel_loop3A_341 = tpu.vector_load_idx %arg5[%parallel_loop3A_340] : memref<32768xf32, #tpu.memory_space<vmem>>[vector<16xi32>], vector<16xf32>,
      %parallel_loop3A_342 = arith.constant 1 : i32
      %parallel_loop3A_343 = arith.constant 3 : i32
      %parallel_loop3A_344 = arith.index_cast %parallel_loop3A_342 : i32 to index
      %parallel_loop3A_345 = arith.index_cast %parallel_loop3A_75 : i32 to index
      %parallel_loop3A_346 = arith.index_cast %parallel_loop3A_343 : i32 to index
      %parallel_loop3A_347 = arith.constant 16 : index
      %parallel_loop3A_348 = tpu.vector_load %arg7[%parallel_loop3A_344, %parallel_loop3A_345, %parallel_loop3A_346, %parallel_loop3A_347] {strides = array<i32>} : memref<2x25x8x128xf32, #tpu.memory_space<vmem>>, vector<16xf32>,
      tpu.vector_store %arg7[%parallel_loop3A_344, %parallel_loop3A_345, %parallel_loop3A_346, %parallel_loop3A_347], %parallel_loop3A_341 {strides = array<i32>} : memref<2x25x8x128xf32, #tpu.memory_space<vmem>>, vector<16xf32>,
      %parallel_loop3A_349 = arith.addi %parallel_loop3A_240, %add3A_55 : vector<16xi32>
      %parallel_loop3A_350 = tpu.vector_load_idx %arg5[%parallel_loop3A_349] : memref<32768xf32, #tpu.memory_space<vmem>>[vector<16xi32>], vector<16xf32>,
      %parallel_loop3A_351 = arith.constant 1 : i32
      %parallel_loop3A_352 = arith.constant 4 : i32
      %parallel_loop3A_353 = arith.index_cast %parallel_loop3A_351 : i32 to index
      %parallel_loop3A_354 = arith.index_cast %parallel_loop3A_75 : i32 to index
      %parallel_loop3A_355 = arith.index_cast %parallel_loop3A_352 : i32 to index
      %parallel_loop3A_356 = arith.constant 16 : index
      %parallel_loop3A_357 = tpu.vector_load %arg7[%parallel_loop3A_353, %parallel_loop3A_354, %parallel_loop3A_355, %parallel_loop3A_356] {strides = array<i32>} : memref<2x25x8x128xf32, #tpu.memory_space<vmem>>, vector<16xf32>,
      tpu.vector_store %arg7[%parallel_loop3A_353, %parallel_loop3A_354, %parallel_loop3A_355, %parallel_loop3A_356], %parallel_loop3A_350 {strides = array<i32>} : memref<2x25x8x128xf32, #tpu.memory_space<vmem>>, vector<16xf32>,
      %parallel_loop3A_358 = arith.addi %parallel_loop3A_240, %add3A_58 : vector<16xi32>
      %parallel_loop3A_359 = tpu.vector_load_idx %arg5[%parallel_loop3A_358] : memref<32768xf32, #tpu.memory_space<vmem>>[vector<16xi32>], vector<16xf32>,
      %parallel_loop3A_360 = arith.constant 1 : i32
      %parallel_loop3A_361 = arith.constant 5 : i32
      %parallel_loop3A_362 = arith.index_cast %parallel_loop3A_360 : i32 to index
      %parallel_loop3A_363 = arith.index_cast %parallel_loop3A_75 : i32 to index
      %parallel_loop3A_364 = arith.index_cast %parallel_loop3A_361 : i32 to index
      %parallel_loop3A_365 = arith.constant 16 : index
      %parallel_loop3A_366 = tpu.vector_load %arg7[%parallel_loop3A_362, %parallel_loop3A_363, %parallel_loop3A_364, %parallel_loop3A_365] {strides = array<i32>} : memref<2x25x8x128xf32, #tpu.memory_space<vmem>>, vector<16xf32>,
      tpu.vector_store %arg7[%parallel_loop3A_362, %parallel_loop3A_363, %parallel_loop3A_364, %parallel_loop3A_365], %parallel_loop3A_359 {strides = array<i32>} : memref<2x25x8x128xf32, #tpu.memory_space<vmem>>, vector<16xf32>,
      %parallel_loop3A_367 = arith.addi %parallel_loop3A_240, %add3A_61 : vector<16xi32>
      %parallel_loop3A_368 = tpu.vector_load_idx %arg5[%parallel_loop3A_367] : memref<32768xf32, #tpu.memory_space<vmem>>[vector<16xi32>], vector<16xf32>,
      %parallel_loop3A_369 = arith.constant 1 : i32
      %parallel_loop3A_370 = arith.constant 6 : i32
      %parallel_loop3A_371 = arith.index_cast %parallel_loop3A_369 : i32 to index
      %parallel_loop3A_372 = arith.index_cast %parallel_loop3A_75 : i32 to index
      %parallel_loop3A_373 = arith.index_cast %parallel_loop3A_370 : i32 to index
      %parallel_loop3A_374 = arith.constant 16 : index
      %parallel_loop3A_375 = tpu.vector_load %arg7[%parallel_loop3A_371, %parallel_loop3A_372, %parallel_loop3A_373, %parallel_loop3A_374] {strides = array<i32>} : memref<2x25x8x128xf32, #tpu.memory_space<vmem>>, vector<16xf32>,
      tpu.vector_store %arg7[%parallel_loop3A_371, %parallel_loop3A_372, %parallel_loop3A_373, %parallel_loop3A_374], %parallel_loop3A_368 {strides = array<i32>} : memref<2x25x8x128xf32, #tpu.memory_space<vmem>>, vector<16xf32>,
      %parallel_loop3A_376 = arith.addi %parallel_loop3A_240, %add3A_64 : vector<16xi32>
      %parallel_loop3A_377 = tpu.vector_load_idx %arg5[%parallel_loop3A_376] : memref<32768xf32, #tpu.memory_space<vmem>>[vector<16xi32>], vector<16xf32>,
      %parallel_loop3A_378 = arith.constant 1 : i32
      %parallel_loop3A_379 = arith.constant 7 : i32
      %parallel_loop3A_380 = arith.index_cast %parallel_loop3A_378 : i32 to index
      %parallel_loop3A_381 = arith.index_cast %parallel_loop3A_75 : i32 to index
      %parallel_loop3A_382 = arith.index_cast %parallel_loop3A_379 : i32 to index
      %parallel_loop3A_383 = arith.constant 16 : index
      %parallel_loop3A_384 = tpu.vector_load %arg7[%parallel_loop3A_380, %parallel_loop3A_381, %parallel_loop3A_382, %parallel_loop3A_383] {strides = array<i32>} : memref<2x25x8x128xf32, #tpu.memory_space<vmem>>, vector<16xf32>,
      tpu.vector_store %arg7[%parallel_loop3A_380, %parallel_loop3A_381, %parallel_loop3A_382, %parallel_loop3A_383], %parallel_loop3A_377 {strides = array<i32>} : memref<2x25x8x128xf32, #tpu.memory_space<vmem>>, vector<16xf32>,
      %parallel_loop3A_385 = arith.constant 32 : i32
      %parallel_loop3A_386 = arith.addi %parallel_loop3A_78, %parallel_loop3A_385 : i32
      %parallel_loop3A_387 = arith.constant 3184 : i32
      %parallel_loop3A_388 = arith.minsi %parallel_loop3A_386, %parallel_loop3A_387 : i32
      %parallel_loop3A_389 = arith.index_cast %parallel_loop3A_388 : i32 to index
      %parallel_loop3A_390 = tpu.vector_load %arg6[%parallel_loop3A_389] {strides = array<i32>} : memref<3200xi32, #tpu.memory_space<vmem>>, vector<16xi32>,
      %parallel_loop3A_391 = arith.constant 16 : i32
      %parallel_loop3A_392 = vector.broadcast %parallel_loop3A_391 : i32 to vector<16xi32>
      %parallel_loop3A_393 = arith.muli %parallel_loop3A_390, %parallel_loop3A_392 : vector<16xi32>
      %parallel_loop3A_394 = arith.addi %parallel_loop3A_393, %add3A_19 : vector<16xi32>
      %parallel_loop3A_395 = tpu.vector_load_idx %arg5[%parallel_loop3A_394] : memref<32768xf32, #tpu.memory_space<vmem>>[vector<16xi32>], vector<16xf32>,
      %parallel_loop3A_396 = arith.constant 0 : i32
      %parallel_loop3A_397 = arith.constant 0 : i32
      %parallel_loop3A_398 = arith.index_cast %parallel_loop3A_396 : i32 to index
      %parallel_loop3A_399 = arith.index_cast %parallel_loop3A_75 : i32 to index
      %parallel_loop3A_400 = arith.index_cast %parallel_loop3A_397 : i32 to index
      %parallel_loop3A_401 = arith.constant 32 : index
      %parallel_loop3A_402 = tpu.vector_load %arg7[%parallel_loop3A_398, %parallel_loop3A_399, %parallel_loop3A_400, %parallel_loop3A_401] {strides = array<i32>} : memref<2x25x8x128xf32, #tpu.memory_space<vmem>>, vector<16xf32>,
      tpu.vector_store %arg7[%parallel_loop3A_398, %parallel_loop3A_399, %parallel_loop3A_400, %parallel_loop3A_401], %parallel_loop3A_395 {strides = array<i32>} : memref<2x25x8x128xf32, #tpu.memory_space<vmem>>, vector<16xf32>,
      %parallel_loop3A_403 = arith.addi %parallel_loop3A_393, %add3A_22 : vector<16xi32>
      %parallel_loop3A_404 = tpu.vector_load_idx %arg5[%parallel_loop3A_403] : memref<32768xf32, #tpu.memory_space<vmem>>[vector<16xi32>], vector<16xf32>,
      %parallel_loop3A_405 = arith.constant 0 : i32
      %parallel_loop3A_406 = arith.constant 1 : i32
      %parallel_loop3A_407 = arith.index_cast %parallel_loop3A_405 : i32 to index
      %parallel_loop3A_408 = arith.index_cast %parallel_loop3A_75 : i32 to index
      %parallel_loop3A_409 = arith.index_cast %parallel_loop3A_406 : i32 to index
      %parallel_loop3A_410 = arith.constant 32 : index
      %parallel_loop3A_411 = tpu.vector_load %arg7[%parallel_loop3A_407, %parallel_loop3A_408, %parallel_loop3A_409, %parallel_loop3A_410] {strides = array<i32>} : memref<2x25x8x128xf32, #tpu.memory_space<vmem>>, vector<16xf32>,
      tpu.vector_store %arg7[%parallel_loop3A_407, %parallel_loop3A_408, %parallel_loop3A_409, %parallel_loop3A_410], %parallel_loop3A_404 {strides = array<i32>} : memref<2x25x8x128xf32, #tpu.memory_space<vmem>>, vector<16xf32>,
      %parallel_loop3A_412 = arith.addi %parallel_loop3A_393, %add3A_25 : vector<16xi32>
      %parallel_loop3A_413 = tpu.vector_load_idx %arg5[%parallel_loop3A_412] : memref<32768xf32, #tpu.memory_space<vmem>>[vector<16xi32>], vector<16xf32>,
      %parallel_loop3A_414 = arith.constant 0 : i32
      %parallel_loop3A_415 = arith.constant 2 : i32
      %parallel_loop3A_416 = arith.index_cast %parallel_loop3A_414 : i32 to index
      %parallel_loop3A_417 = arith.index_cast %parallel_loop3A_75 : i32 to index
      %parallel_loop3A_418 = arith.index_cast %parallel_loop3A_415 : i32 to index
      %parallel_loop3A_419 = arith.constant 32 : index
      %parallel_loop3A_420 = tpu.vector_load %arg7[%parallel_loop3A_416, %parallel_loop3A_417, %parallel_loop3A_418, %parallel_loop3A_419] {strides = array<i32>} : memref<2x25x8x128xf32, #tpu.memory_space<vmem>>, vector<16xf32>,
      tpu.vector_store %arg7[%parallel_loop3A_416, %parallel_loop3A_417, %parallel_loop3A_418, %parallel_loop3A_419], %parallel_loop3A_413 {strides = array<i32>} : memref<2x25x8x128xf32, #tpu.memory_space<vmem>>, vector<16xf32>,
      %parallel_loop3A_421 = arith.addi %parallel_loop3A_393, %add3A_28 : vector<16xi32>
      %parallel_loop3A_422 = tpu.vector_load_idx %arg5[%parallel_loop3A_421] : memref<32768xf32, #tpu.memory_space<vmem>>[vector<16xi32>], vector<16xf32>,
      %parallel_loop3A_423 = arith.constant 0 : i32
      %parallel_loop3A_424 = arith.constant 3 : i32
      %parallel_loop3A_425 = arith.index_cast %parallel_loop3A_423 : i32 to index
      %parallel_loop3A_426 = arith.index_cast %parallel_loop3A_75 : i32 to index
      %parallel_loop3A_427 = arith.index_cast %parallel_loop3A_424 : i32 to index
      %parallel_loop3A_428 = arith.constant 32 : index
      %parallel_loop3A_429 = tpu.vector_load %arg7[%parallel_loop3A_425, %parallel_loop3A_426, %parallel_loop3A_427, %parallel_loop3A_428] {strides = array<i32>} : memref<2x25x8x128xf32, #tpu.memory_space<vmem>>, vector<16xf32>,
      tpu.vector_store %arg7[%parallel_loop3A_425, %parallel_loop3A_426, %parallel_loop3A_427, %parallel_loop3A_428], %parallel_loop3A_422 {strides = array<i32>} : memref<2x25x8x128xf32, #tpu.memory_space<vmem>>, vector<16xf32>,
      %parallel_loop3A_430 = arith.addi %parallel_loop3A_393, %add3A_31 : vector<16xi32>
      %parallel_loop3A_431 = tpu.vector_load_idx %arg5[%parallel_loop3A_430] : memref<32768xf32, #tpu.memory_space<vmem>>[vector<16xi32>], vector<16xf32>,
      %parallel_loop3A_432 = arith.constant 0 : i32
      %parallel_loop3A_433 = arith.constant 4 : i32
      %parallel_loop3A_434 = arith.index_cast %parallel_loop3A_432 : i32 to index
      %parallel_loop3A_435 = arith.index_cast %parallel_loop3A_75 : i32 to index
      %parallel_loop3A_436 = arith.index_cast %parallel_loop3A_433 : i32 to index
      %parallel_loop3A_437 = arith.constant 32 : index
      %parallel_loop3A_438 = tpu.vector_load %arg7[%parallel_loop3A_434, %parallel_loop3A_435, %parallel_loop3A_436, %parallel_loop3A_437] {strides = array<i32>} : memref<2x25x8x128xf32, #tpu.memory_space<vmem>>, vector<16xf32>,
      tpu.vector_store %arg7[%parallel_loop3A_434, %parallel_loop3A_435, %parallel_loop3A_436, %parallel_loop3A_437], %parallel_loop3A_431 {strides = array<i32>} : memref<2x25x8x128xf32, #tpu.memory_space<vmem>>, vector<16xf32>,
      %parallel_loop3A_439 = arith.addi %parallel_loop3A_393, %add3A_34 : vector<16xi32>
      %parallel_loop3A_440 = tpu.vector_load_idx %arg5[%parallel_loop3A_439] : memref<32768xf32, #tpu.memory_space<vmem>>[vector<16xi32>], vector<16xf32>,
      %parallel_loop3A_441 = arith.constant 0 : i32
      %parallel_loop3A_442 = arith.constant 5 : i32
      %parallel_loop3A_443 = arith.index_cast %parallel_loop3A_441 : i32 to index
      %parallel_loop3A_444 = arith.index_cast %parallel_loop3A_75 : i32 to index
      %parallel_loop3A_445 = arith.index_cast %parallel_loop3A_442 : i32 to index
      %parallel_loop3A_446 = arith.constant 32 : index
      %parallel_loop3A_447 = tpu.vector_load %arg7[%parallel_loop3A_443, %parallel_loop3A_444, %parallel_loop3A_445, %parallel_loop3A_446] {strides = array<i32>} : memref<2x25x8x128xf32, #tpu.memory_space<vmem>>, vector<16xf32>,
      tpu.vector_store %arg7[%parallel_loop3A_443, %parallel_loop3A_444, %parallel_loop3A_445, %parallel_loop3A_446], %parallel_loop3A_440 {strides = array<i32>} : memref<2x25x8x128xf32, #tpu.memory_space<vmem>>, vector<16xf32>,
      %parallel_loop3A_448 = arith.addi %parallel_loop3A_393, %add3A_37 : vector<16xi32>
      %parallel_loop3A_449 = tpu.vector_load_idx %arg5[%parallel_loop3A_448] : memref<32768xf32, #tpu.memory_space<vmem>>[vector<16xi32>], vector<16xf32>,
      %parallel_loop3A_450 = arith.constant 0 : i32
      %parallel_loop3A_451 = arith.constant 6 : i32
      %parallel_loop3A_452 = arith.index_cast %parallel_loop3A_450 : i32 to index
      %parallel_loop3A_453 = arith.index_cast %parallel_loop3A_75 : i32 to index
      %parallel_loop3A_454 = arith.index_cast %parallel_loop3A_451 : i32 to index
      %parallel_loop3A_455 = arith.constant 32 : index
      %parallel_loop3A_456 = tpu.vector_load %arg7[%parallel_loop3A_452, %parallel_loop3A_453, %parallel_loop3A_454, %parallel_loop3A_455] {strides = array<i32>} : memref<2x25x8x128xf32, #tpu.memory_space<vmem>>, vector<16xf32>,
      tpu.vector_store %arg7[%parallel_loop3A_452, %parallel_loop3A_453, %parallel_loop3A_454, %parallel_loop3A_455], %parallel_loop3A_449 {strides = array<i32>} : memref<2x25x8x128xf32, #tpu.memory_space<vmem>>, vector<16xf32>,
      %parallel_loop3A_457 = arith.addi %parallel_loop3A_393, %add3A_40 : vector<16xi32>
      %parallel_loop3A_458 = tpu.vector_load_idx %arg5[%parallel_loop3A_457] : memref<32768xf32, #tpu.memory_space<vmem>>[vector<16xi32>], vector<16xf32>,
      %parallel_loop3A_459 = arith.constant 0 : i32
      %parallel_loop3A_460 = arith.constant 7 : i32
      %parallel_loop3A_461 = arith.index_cast %parallel_loop3A_459 : i32 to index
      %parallel_loop3A_462 = arith.index_cast %parallel_loop3A_75 : i32 to index
      %parallel_loop3A_463 = arith.index_cast %parallel_loop3A_460 : i32 to index
      %parallel_loop3A_464 = arith.constant 32 : index
      %parallel_loop3A_465 = tpu.vector_load %arg7[%parallel_loop3A_461, %parallel_loop3A_462, %parallel_loop3A_463, %parallel_loop3A_464] {strides = array<i32>} : memref<2x25x8x128xf32, #tpu.memory_space<vmem>>, vector<16xf32>,
      tpu.vector_store %arg7[%parallel_loop3A_461, %parallel_loop3A_462, %parallel_loop3A_463, %parallel_loop3A_464], %parallel_loop3A_458 {strides = array<i32>} : memref<2x25x8x128xf32, #tpu.memory_space<vmem>>, vector<16xf32>,
      %parallel_loop3A_466 = arith.addi %parallel_loop3A_393, %add3A_43 : vector<16xi32>
      %parallel_loop3A_467 = tpu.vector_load_idx %arg5[%parallel_loop3A_466] : memref<32768xf32, #tpu.memory_space<vmem>>[vector<16xi32>], vector<16xf32>,
      %parallel_loop3A_468 = arith.constant 1 : i32
      %parallel_loop3A_469 = arith.constant 0 : i32
      %parallel_loop3A_470 = arith.index_cast %parallel_loop3A_468 : i32 to index
      %parallel_loop3A_471 = arith.index_cast %parallel_loop3A_75 : i32 to index
      %parallel_loop3A_472 = arith.index_cast %parallel_loop3A_469 : i32 to index
      %parallel_loop3A_473 = arith.constant 32 : index
      %parallel_loop3A_474 = tpu.vector_load %arg7[%parallel_loop3A_470, %parallel_loop3A_471, %parallel_loop3A_472, %parallel_loop3A_473] {strides = array<i32>} : memref<2x25x8x128xf32, #tpu.memory_space<vmem>>, vector<16xf32>,
      tpu.vector_store %arg7[%parallel_loop3A_470, %parallel_loop3A_471, %parallel_loop3A_472, %parallel_loop3A_473], %parallel_loop3A_467 {strides = array<i32>} : memref<2x25x8x128xf32, #tpu.memory_space<vmem>>, vector<16xf32>,
      %parallel_loop3A_475 = arith.addi %parallel_loop3A_393, %add3A_46 : vector<16xi32>
      %parallel_loop3A_476 = tpu.vector_load_idx %arg5[%parallel_loop3A_475] : memref<32768xf32, #tpu.memory_space<vmem>>[vector<16xi32>], vector<16xf32>,
      %parallel_loop3A_477 = arith.constant 1 : i32
      %parallel_loop3A_478 = arith.constant 1 : i32
      %parallel_loop3A_479 = arith.index_cast %parallel_loop3A_477 : i32 to index
      %parallel_loop3A_480 = arith.index_cast %parallel_loop3A_75 : i32 to index
      %parallel_loop3A_481 = arith.index_cast %parallel_loop3A_478 : i32 to index
      %parallel_loop3A_482 = arith.constant 32 : index
      %parallel_loop3A_483 = tpu.vector_load %arg7[%parallel_loop3A_479, %parallel_loop3A_480, %parallel_loop3A_481, %parallel_loop3A_482] {strides = array<i32>} : memref<2x25x8x128xf32, #tpu.memory_space<vmem>>, vector<16xf32>,
      tpu.vector_store %arg7[%parallel_loop3A_479, %parallel_loop3A_480, %parallel_loop3A_481, %parallel_loop3A_482], %parallel_loop3A_476 {strides = array<i32>} : memref<2x25x8x128xf32, #tpu.memory_space<vmem>>, vector<16xf32>,
      %parallel_loop3A_484 = arith.addi %parallel_loop3A_393, %add3A_49 : vector<16xi32>
      %parallel_loop3A_485 = tpu.vector_load_idx %arg5[%parallel_loop3A_484] : memref<32768xf32, #tpu.memory_space<vmem>>[vector<16xi32>], vector<16xf32>,
      %parallel_loop3A_486 = arith.constant 1 : i32
      %parallel_loop3A_487 = arith.constant 2 : i32
      %parallel_loop3A_488 = arith.index_cast %parallel_loop3A_486 : i32 to index
      %parallel_loop3A_489 = arith.index_cast %parallel_loop3A_75 : i32 to index
      %parallel_loop3A_490 = arith.index_cast %parallel_loop3A_487 : i32 to index
      %parallel_loop3A_491 = arith.constant 32 : index
      %parallel_loop3A_492 = tpu.vector_load %arg7[%parallel_loop3A_488, %parallel_loop3A_489, %parallel_loop3A_490, %parallel_loop3A_491] {strides = array<i32>} : memref<2x25x8x128xf32, #tpu.memory_space<vmem>>, vector<16xf32>,
      tpu.vector_store %arg7[%parallel_loop3A_488, %parallel_loop3A_489, %parallel_loop3A_490, %parallel_loop3A_491], %parallel_loop3A_485 {strides = array<i32>} : memref<2x25x8x128xf32, #tpu.memory_space<vmem>>, vector<16xf32>,
      %parallel_loop3A_493 = arith.addi %parallel_loop3A_393, %add3A_52 : vector<16xi32>
      %parallel_loop3A_494 = tpu.vector_load_idx %arg5[%parallel_loop3A_493] : memref<32768xf32, #tpu.memory_space<vmem>>[vector<16xi32>], vector<16xf32>,
      %parallel_loop3A_495 = arith.constant 1 : i32
      %parallel_loop3A_496 = arith.constant 3 : i32
      %parallel_loop3A_497 = arith.index_cast %parallel_loop3A_495 : i32 to index
      %parallel_loop3A_498 = arith.index_cast %parallel_loop3A_75 : i32 to index
      %parallel_loop3A_499 = arith.index_cast %parallel_loop3A_496 : i32 to index
      %parallel_loop3A_500 = arith.constant 32 : index
      %parallel_loop3A_501 = tpu.vector_load %arg7[%parallel_loop3A_497, %parallel_loop3A_498, %parallel_loop3A_499, %parallel_loop3A_500] {strides = array<i32>} : memref<2x25x8x128xf32, #tpu.memory_space<vmem>>, vector<16xf32>,
      tpu.vector_store %arg7[%parallel_loop3A_497, %parallel_loop3A_498, %parallel_loop3A_499, %parallel_loop3A_500], %parallel_loop3A_494 {strides = array<i32>} : memref<2x25x8x128xf32, #tpu.memory_space<vmem>>, vector<16xf32>,
      %parallel_loop3A_502 = arith.addi %parallel_loop3A_393, %add3A_55 : vector<16xi32>
      %parallel_loop3A_503 = tpu.vector_load_idx %arg5[%parallel_loop3A_502] : memref<32768xf32, #tpu.memory_space<vmem>>[vector<16xi32>], vector<16xf32>,
      %parallel_loop3A_504 = arith.constant 1 : i32
      %parallel_loop3A_505 = arith.constant 4 : i32
      %parallel_loop3A_506 = arith.index_cast %parallel_loop3A_504 : i32 to index
      %parallel_loop3A_507 = arith.index_cast %parallel_loop3A_75 : i32 to index
      %parallel_loop3A_508 = arith.index_cast %parallel_loop3A_505 : i32 to index
      %parallel_loop3A_509 = arith.constant 32 : index
      %parallel_loop3A_510 = tpu.vector_load %arg7[%parallel_loop3A_506, %parallel_loop3A_507, %parallel_loop3A_508, %parallel_loop3A_509] {strides = array<i32>} : memref<2x25x8x128xf32, #tpu.memory_space<vmem>>, vector<16xf32>,
      tpu.vector_store %arg7[%parallel_loop3A_506, %parallel_loop3A_507, %parallel_loop3A_508, %parallel_loop3A_509], %parallel_loop3A_503 {strides = array<i32>} : memref<2x25x8x128xf32, #tpu.memory_space<vmem>>, vector<16xf32>,
      %parallel_loop3A_511 = arith.addi %parallel_loop3A_393, %add3A_58 : vector<16xi32>
      %parallel_loop3A_512 = tpu.vector_load_idx %arg5[%parallel_loop3A_511] : memref<32768xf32, #tpu.memory_space<vmem>>[vector<16xi32>], vector<16xf32>,
      %parallel_loop3A_513 = arith.constant 1 : i32
      %parallel_loop3A_514 = arith.constant 5 : i32
      %parallel_loop3A_515 = arith.index_cast %parallel_loop3A_513 : i32 to index
      %parallel_loop3A_516 = arith.index_cast %parallel_loop3A_75 : i32 to index
      %parallel_loop3A_517 = arith.index_cast %parallel_loop3A_514 : i32 to index
      %parallel_loop3A_518 = arith.constant 32 : index
      %parallel_loop3A_519 = tpu.vector_load %arg7[%parallel_loop3A_515, %parallel_loop3A_516, %parallel_loop3A_517, %parallel_loop3A_518] {strides = array<i32>} : memref<2x25x8x128xf32, #tpu.memory_space<vmem>>, vector<16xf32>,
      tpu.vector_store %arg7[%parallel_loop3A_515, %parallel_loop3A_516, %parallel_loop3A_517, %parallel_loop3A_518], %parallel_loop3A_512 {strides = array<i32>} : memref<2x25x8x128xf32, #tpu.memory_space<vmem>>, vector<16xf32>,
      %parallel_loop3A_520 = arith.addi %parallel_loop3A_393, %add3A_61 : vector<16xi32>
      %parallel_loop3A_521 = tpu.vector_load_idx %arg5[%parallel_loop3A_520] : memref<32768xf32, #tpu.memory_space<vmem>>[vector<16xi32>], vector<16xf32>,
      %parallel_loop3A_522 = arith.constant 1 : i32
      %parallel_loop3A_523 = arith.constant 6 : i32
      %parallel_loop3A_524 = arith.index_cast %parallel_loop3A_522 : i32 to index
      %parallel_loop3A_525 = arith.index_cast %parallel_loop3A_75 : i32 to index
      %parallel_loop3A_526 = arith.index_cast %parallel_loop3A_523 : i32 to index
      %parallel_loop3A_527 = arith.constant 32 : index
      %parallel_loop3A_528 = tpu.vector_load %arg7[%parallel_loop3A_524, %parallel_loop3A_525, %parallel_loop3A_526, %parallel_loop3A_527] {strides = array<i32>} : memref<2x25x8x128xf32, #tpu.memory_space<vmem>>, vector<16xf32>,
      tpu.vector_store %arg7[%parallel_loop3A_524, %parallel_loop3A_525, %parallel_loop3A_526, %parallel_loop3A_527], %parallel_loop3A_521 {strides = array<i32>} : memref<2x25x8x128xf32, #tpu.memory_space<vmem>>, vector<16xf32>,
      %parallel_loop3A_529 = arith.addi %parallel_loop3A_393, %add3A_64 : vector<16xi32>
      %parallel_loop3A_530 = tpu.vector_load_idx %arg5[%parallel_loop3A_529] : memref<32768xf32, #tpu.memory_space<vmem>>[vector<16xi32>], vector<16xf32>,
      %parallel_loop3A_531 = arith.constant 1 : i32
      %parallel_loop3A_532 = arith.constant 7 : i32
      %parallel_loop3A_533 = arith.index_cast %parallel_loop3A_531 : i32 to index
      %parallel_loop3A_534 = arith.index_cast %parallel_loop3A_75 : i32 to index
      %parallel_loop3A_535 = arith.index_cast %parallel_loop3A_532 : i32 to index
      %parallel_loop3A_536 = arith.constant 32 : index
      %parallel_loop3A_537 = tpu.vector_load %arg7[%parallel_loop3A_533, %parallel_loop3A_534, %parallel_loop3A_535, %parallel_loop3A_536] {strides = array<i32>} : memref<2x25x8x128xf32, #tpu.memory_space<vmem>>, vector<16xf32>,
      tpu.vector_store %arg7[%parallel_loop3A_533, %parallel_loop3A_534, %parallel_loop3A_535, %parallel_loop3A_536], %parallel_loop3A_530 {strides = array<i32>} : memref<2x25x8x128xf32, #tpu.memory_space<vmem>>, vector<16xf32>,
      %parallel_loop3A_538 = arith.constant 48 : i32
      %parallel_loop3A_539 = arith.addi %parallel_loop3A_78, %parallel_loop3A_538 : i32
      %parallel_loop3A_540 = arith.constant 3184 : i32
      %parallel_loop3A_541 = arith.minsi %parallel_loop3A_539, %parallel_loop3A_540 : i32
      %parallel_loop3A_542 = arith.index_cast %parallel_loop3A_541 : i32 to index
      %parallel_loop3A_543 = tpu.vector_load %arg6[%parallel_loop3A_542] {strides = array<i32>} : memref<3200xi32, #tpu.memory_space<vmem>>, vector<16xi32>,
      %parallel_loop3A_544 = arith.constant 16 : i32
      %parallel_loop3A_545 = vector.broadcast %parallel_loop3A_544 : i32 to vector<16xi32>
      %parallel_loop3A_546 = arith.muli %parallel_loop3A_543, %parallel_loop3A_545 : vector<16xi32>
      %parallel_loop3A_547 = arith.addi %parallel_loop3A_546, %add3A_19 : vector<16xi32>
      %parallel_loop3A_548 = tpu.vector_load_idx %arg5[%parallel_loop3A_547] : memref<32768xf32, #tpu.memory_space<vmem>>[vector<16xi32>], vector<16xf32>,
      %parallel_loop3A_549 = arith.constant 0 : i32
      %parallel_loop3A_550 = arith.constant 0 : i32
      %parallel_loop3A_551 = arith.index_cast %parallel_loop3A_549 : i32 to index
      %parallel_loop3A_552 = arith.index_cast %parallel_loop3A_75 : i32 to index
      %parallel_loop3A_553 = arith.index_cast %parallel_loop3A_550 : i32 to index
      %parallel_loop3A_554 = arith.constant 48 : index
      %parallel_loop3A_555 = tpu.vector_load %arg7[%parallel_loop3A_551, %parallel_loop3A_552, %parallel_loop3A_553, %parallel_loop3A_554] {strides = array<i32>} : memref<2x25x8x128xf32, #tpu.memory_space<vmem>>, vector<16xf32>,
      tpu.vector_store %arg7[%parallel_loop3A_551, %parallel_loop3A_552, %parallel_loop3A_553, %parallel_loop3A_554], %parallel_loop3A_548 {strides = array<i32>} : memref<2x25x8x128xf32, #tpu.memory_space<vmem>>, vector<16xf32>,
      %parallel_loop3A_556 = arith.addi %parallel_loop3A_546, %add3A_22 : vector<16xi32>
      %parallel_loop3A_557 = tpu.vector_load_idx %arg5[%parallel_loop3A_556] : memref<32768xf32, #tpu.memory_space<vmem>>[vector<16xi32>], vector<16xf32>,
      %parallel_loop3A_558 = arith.constant 0 : i32
      %parallel_loop3A_559 = arith.constant 1 : i32
      %parallel_loop3A_560 = arith.index_cast %parallel_loop3A_558 : i32 to index
      %parallel_loop3A_561 = arith.index_cast %parallel_loop3A_75 : i32 to index
      %parallel_loop3A_562 = arith.index_cast %parallel_loop3A_559 : i32 to index
      %parallel_loop3A_563 = arith.constant 48 : index
      %parallel_loop3A_564 = tpu.vector_load %arg7[%parallel_loop3A_560, %parallel_loop3A_561, %parallel_loop3A_562, %parallel_loop3A_563] {strides = array<i32>} : memref<2x25x8x128xf32, #tpu.memory_space<vmem>>, vector<16xf32>,
      tpu.vector_store %arg7[%parallel_loop3A_560, %parallel_loop3A_561, %parallel_loop3A_562, %parallel_loop3A_563], %parallel_loop3A_557 {strides = array<i32>} : memref<2x25x8x128xf32, #tpu.memory_space<vmem>>, vector<16xf32>,
      %parallel_loop3A_565 = arith.addi %parallel_loop3A_546, %add3A_25 : vector<16xi32>
      %parallel_loop3A_566 = tpu.vector_load_idx %arg5[%parallel_loop3A_565] : memref<32768xf32, #tpu.memory_space<vmem>>[vector<16xi32>], vector<16xf32>,
      %parallel_loop3A_567 = arith.constant 0 : i32
      %parallel_loop3A_568 = arith.constant 2 : i32
      %parallel_loop3A_569 = arith.index_cast %parallel_loop3A_567 : i32 to index
      %parallel_loop3A_570 = arith.index_cast %parallel_loop3A_75 : i32 to index
      %parallel_loop3A_571 = arith.index_cast %parallel_loop3A_568 : i32 to index
      %parallel_loop3A_572 = arith.constant 48 : index
      %parallel_loop3A_573 = tpu.vector_load %arg7[%parallel_loop3A_569, %parallel_loop3A_570, %parallel_loop3A_571, %parallel_loop3A_572] {strides = array<i32>} : memref<2x25x8x128xf32, #tpu.memory_space<vmem>>, vector<16xf32>,
      tpu.vector_store %arg7[%parallel_loop3A_569, %parallel_loop3A_570, %parallel_loop3A_571, %parallel_loop3A_572], %parallel_loop3A_566 {strides = array<i32>} : memref<2x25x8x128xf32, #tpu.memory_space<vmem>>, vector<16xf32>,
      %parallel_loop3A_574 = arith.addi %parallel_loop3A_546, %add3A_28 : vector<16xi32>
      %parallel_loop3A_575 = tpu.vector_load_idx %arg5[%parallel_loop3A_574] : memref<32768xf32, #tpu.memory_space<vmem>>[vector<16xi32>], vector<16xf32>,
      %parallel_loop3A_576 = arith.constant 0 : i32
      %parallel_loop3A_577 = arith.constant 3 : i32
      %parallel_loop3A_578 = arith.index_cast %parallel_loop3A_576 : i32 to index
      %parallel_loop3A_579 = arith.index_cast %parallel_loop3A_75 : i32 to index
      %parallel_loop3A_580 = arith.index_cast %parallel_loop3A_577 : i32 to index
      %parallel_loop3A_581 = arith.constant 48 : index
      %parallel_loop3A_582 = tpu.vector_load %arg7[%parallel_loop3A_578, %parallel_loop3A_579, %parallel_loop3A_580, %parallel_loop3A_581] {strides = array<i32>} : memref<2x25x8x128xf32, #tpu.memory_space<vmem>>, vector<16xf32>,
      tpu.vector_store %arg7[%parallel_loop3A_578, %parallel_loop3A_579, %parallel_loop3A_580, %parallel_loop3A_581], %parallel_loop3A_575 {strides = array<i32>} : memref<2x25x8x128xf32, #tpu.memory_space<vmem>>, vector<16xf32>,
      %parallel_loop3A_583 = arith.addi %parallel_loop3A_546, %add3A_31 : vector<16xi32>
      %parallel_loop3A_584 = tpu.vector_load_idx %arg5[%parallel_loop3A_583] : memref<32768xf32, #tpu.memory_space<vmem>>[vector<16xi32>], vector<16xf32>,
      %parallel_loop3A_585 = arith.constant 0 : i32
      %parallel_loop3A_586 = arith.constant 4 : i32
      %parallel_loop3A_587 = arith.index_cast %parallel_loop3A_585 : i32 to index
      %parallel_loop3A_588 = arith.index_cast %parallel_loop3A_75 : i32 to index
      %parallel_loop3A_589 = arith.index_cast %parallel_loop3A_586 : i32 to index
      %parallel_loop3A_590 = arith.constant 48 : index
      %parallel_loop3A_591 = tpu.vector_load %arg7[%parallel_loop3A_587, %parallel_loop3A_588, %parallel_loop3A_589, %parallel_loop3A_590] {strides = array<i32>} : memref<2x25x8x128xf32, #tpu.memory_space<vmem>>, vector<16xf32>,
      tpu.vector_store %arg7[%parallel_loop3A_587, %parallel_loop3A_588, %parallel_loop3A_589, %parallel_loop3A_590], %parallel_loop3A_584 {strides = array<i32>} : memref<2x25x8x128xf32, #tpu.memory_space<vmem>>, vector<16xf32>,
      %parallel_loop3A_592 = arith.addi %parallel_loop3A_546, %add3A_34 : vector<16xi32>
      %parallel_loop3A_593 = tpu.vector_load_idx %arg5[%parallel_loop3A_592] : memref<32768xf32, #tpu.memory_space<vmem>>[vector<16xi32>], vector<16xf32>,
      %parallel_loop3A_594 = arith.constant 0 : i32
      %parallel_loop3A_595 = arith.constant 5 : i32
      %parallel_loop3A_596 = arith.index_cast %parallel_loop3A_594 : i32 to index
      %parallel_loop3A_597 = arith.index_cast %parallel_loop3A_75 : i32 to index
      %parallel_loop3A_598 = arith.index_cast %parallel_loop3A_595 : i32 to index
      %parallel_loop3A_599 = arith.constant 48 : index
      %parallel_loop3A_600 = tpu.vector_load %arg7[%parallel_loop3A_596, %parallel_loop3A_597, %parallel_loop3A_598, %parallel_loop3A_599] {strides = array<i32>} : memref<2x25x8x128xf32, #tpu.memory_space<vmem>>, vector<16xf32>,
      tpu.vector_store %arg7[%parallel_loop3A_596, %parallel_loop3A_597, %parallel_loop3A_598, %parallel_loop3A_599], %parallel_loop3A_593 {strides = array<i32>} : memref<2x25x8x128xf32, #tpu.memory_space<vmem>>, vector<16xf32>,
      %parallel_loop3A_601 = arith.addi %parallel_loop3A_546, %add3A_37 : vector<16xi32>
      %parallel_loop3A_602 = tpu.vector_load_idx %arg5[%parallel_loop3A_601] : memref<32768xf32, #tpu.memory_space<vmem>>[vector<16xi32>], vector<16xf32>,
      %parallel_loop3A_603 = arith.constant 0 : i32
      %parallel_loop3A_604 = arith.constant 6 : i32
      %parallel_loop3A_605 = arith.index_cast %parallel_loop3A_603 : i32 to index
      %parallel_loop3A_606 = arith.index_cast %parallel_loop3A_75 : i32 to index
      %parallel_loop3A_607 = arith.index_cast %parallel_loop3A_604 : i32 to index
      %parallel_loop3A_608 = arith.constant 48 : index
      %parallel_loop3A_609 = tpu.vector_load %arg7[%parallel_loop3A_605, %parallel_loop3A_606, %parallel_loop3A_607, %parallel_loop3A_608] {strides = array<i32>} : memref<2x25x8x128xf32, #tpu.memory_space<vmem>>, vector<16xf32>,
      tpu.vector_store %arg7[%parallel_loop3A_605, %parallel_loop3A_606, %parallel_loop3A_607, %parallel_loop3A_608], %parallel_loop3A_602 {strides = array<i32>} : memref<2x25x8x128xf32, #tpu.memory_space<vmem>>, vector<16xf32>,
      %parallel_loop3A_610 = arith.addi %parallel_loop3A_546, %add3A_40 : vector<16xi32>
      %parallel_loop3A_611 = tpu.vector_load_idx %arg5[%parallel_loop3A_610] : memref<32768xf32, #tpu.memory_space<vmem>>[vector<16xi32>], vector<16xf32>,
      %parallel_loop3A_612 = arith.constant 0 : i32
      %parallel_loop3A_613 = arith.constant 7 : i32
      %parallel_loop3A_614 = arith.index_cast %parallel_loop3A_612 : i32 to index
      %parallel_loop3A_615 = arith.index_cast %parallel_loop3A_75 : i32 to index
      %parallel_loop3A_616 = arith.index_cast %parallel_loop3A_613 : i32 to index
      %parallel_loop3A_617 = arith.constant 48 : index
      %parallel_loop3A_618 = tpu.vector_load %arg7[%parallel_loop3A_614, %parallel_loop3A_615, %parallel_loop3A_616, %parallel_loop3A_617] {strides = array<i32>} : memref<2x25x8x128xf32, #tpu.memory_space<vmem>>, vector<16xf32>,
      tpu.vector_store %arg7[%parallel_loop3A_614, %parallel_loop3A_615, %parallel_loop3A_616, %parallel_loop3A_617], %parallel_loop3A_611 {strides = array<i32>} : memref<2x25x8x128xf32, #tpu.memory_space<vmem>>, vector<16xf32>,
      %parallel_loop3A_619 = arith.addi %parallel_loop3A_546, %add3A_43 : vector<16xi32>
      %parallel_loop3A_620 = tpu.vector_load_idx %arg5[%parallel_loop3A_619] : memref<32768xf32, #tpu.memory_space<vmem>>[vector<16xi32>], vector<16xf32>,
      %parallel_loop3A_621 = arith.constant 1 : i32
      %parallel_loop3A_622 = arith.constant 0 : i32
      %parallel_loop3A_623 = arith.index_cast %parallel_loop3A_621 : i32 to index
      %parallel_loop3A_624 = arith.index_cast %parallel_loop3A_75 : i32 to index
      %parallel_loop3A_625 = arith.index_cast %parallel_loop3A_622 : i32 to index
      %parallel_loop3A_626 = arith.constant 48 : index
      %parallel_loop3A_627 = tpu.vector_load %arg7[%parallel_loop3A_623, %parallel_loop3A_624, %parallel_loop3A_625, %parallel_loop3A_626] {strides = array<i32>} : memref<2x25x8x128xf32, #tpu.memory_space<vmem>>, vector<16xf32>,
      tpu.vector_store %arg7[%parallel_loop3A_623, %parallel_loop3A_624, %parallel_loop3A_625, %parallel_loop3A_626], %parallel_loop3A_620 {strides = array<i32>} : memref<2x25x8x128xf32, #tpu.memory_space<vmem>>, vector<16xf32>,
      %parallel_loop3A_628 = arith.addi %parallel_loop3A_546, %add3A_46 : vector<16xi32>
      %parallel_loop3A_629 = tpu.vector_load_idx %arg5[%parallel_loop3A_628] : memref<32768xf32, #tpu.memory_space<vmem>>[vector<16xi32>], vector<16xf32>,
      %parallel_loop3A_630 = arith.constant 1 : i32
      %parallel_loop3A_631 = arith.constant 1 : i32
      %parallel_loop3A_632 = arith.index_cast %parallel_loop3A_630 : i32 to index
      %parallel_loop3A_633 = arith.index_cast %parallel_loop3A_75 : i32 to index
      %parallel_loop3A_634 = arith.index_cast %parallel_loop3A_631 : i32 to index
      %parallel_loop3A_635 = arith.constant 48 : index
      %parallel_loop3A_636 = tpu.vector_load %arg7[%parallel_loop3A_632, %parallel_loop3A_633, %parallel_loop3A_634, %parallel_loop3A_635] {strides = array<i32>} : memref<2x25x8x128xf32, #tpu.memory_space<vmem>>, vector<16xf32>,
      tpu.vector_store %arg7[%parallel_loop3A_632, %parallel_loop3A_633, %parallel_loop3A_634, %parallel_loop3A_635], %parallel_loop3A_629 {strides = array<i32>} : memref<2x25x8x128xf32, #tpu.memory_space<vmem>>, vector<16xf32>,
      %parallel_loop3A_637 = arith.addi %parallel_loop3A_546, %add3A_49 : vector<16xi32>
      %parallel_loop3A_638 = tpu.vector_load_idx %arg5[%parallel_loop3A_637] : memref<32768xf32, #tpu.memory_space<vmem>>[vector<16xi32>], vector<16xf32>,
      %parallel_loop3A_639 = arith.constant 1 : i32
      %parallel_loop3A_640 = arith.constant 2 : i32
      %parallel_loop3A_641 = arith.index_cast %parallel_loop3A_639 : i32 to index
      %parallel_loop3A_642 = arith.index_cast %parallel_loop3A_75 : i32 to index
      %parallel_loop3A_643 = arith.index_cast %parallel_loop3A_640 : i32 to index
      %parallel_loop3A_644 = arith.constant 48 : index
      %parallel_loop3A_645 = tpu.vector_load %arg7[%parallel_loop3A_641, %parallel_loop3A_642, %parallel_loop3A_643, %parallel_loop3A_644] {strides = array<i32>} : memref<2x25x8x128xf32, #tpu.memory_space<vmem>>, vector<16xf32>,
      tpu.vector_store %arg7[%parallel_loop3A_641, %parallel_loop3A_642, %parallel_loop3A_643, %parallel_loop3A_644], %parallel_loop3A_638 {strides = array<i32>} : memref<2x25x8x128xf32, #tpu.memory_space<vmem>>, vector<16xf32>,
      %parallel_loop3A_646 = arith.addi %parallel_loop3A_546, %add3A_52 : vector<16xi32>
      %parallel_loop3A_647 = tpu.vector_load_idx %arg5[%parallel_loop3A_646] : memref<32768xf32, #tpu.memory_space<vmem>>[vector<16xi32>], vector<16xf32>,
      %parallel_loop3A_648 = arith.constant 1 : i32
      %parallel_loop3A_649 = arith.constant 3 : i32
      %parallel_loop3A_650 = arith.index_cast %parallel_loop3A_648 : i32 to index
      %parallel_loop3A_651 = arith.index_cast %parallel_loop3A_75 : i32 to index
      %parallel_loop3A_652 = arith.index_cast %parallel_loop3A_649 : i32 to index
      %parallel_loop3A_653 = arith.constant 48 : index
      %parallel_loop3A_654 = tpu.vector_load %arg7[%parallel_loop3A_650, %parallel_loop3A_651, %parallel_loop3A_652, %parallel_loop3A_653] {strides = array<i32>} : memref<2x25x8x128xf32, #tpu.memory_space<vmem>>, vector<16xf32>,
      tpu.vector_store %arg7[%parallel_loop3A_650, %parallel_loop3A_651, %parallel_loop3A_652, %parallel_loop3A_653], %parallel_loop3A_647 {strides = array<i32>} : memref<2x25x8x128xf32, #tpu.memory_space<vmem>>, vector<16xf32>,
      %parallel_loop3A_655 = arith.addi %parallel_loop3A_546, %add3A_55 : vector<16xi32>
      %parallel_loop3A_656 = tpu.vector_load_idx %arg5[%parallel_loop3A_655] : memref<32768xf32, #tpu.memory_space<vmem>>[vector<16xi32>], vector<16xf32>,
      %parallel_loop3A_657 = arith.constant 1 : i32
      %parallel_loop3A_658 = arith.constant 4 : i32
      %parallel_loop3A_659 = arith.index_cast %parallel_loop3A_657 : i32 to index
      %parallel_loop3A_660 = arith.index_cast %parallel_loop3A_75 : i32 to index
      %parallel_loop3A_661 = arith.index_cast %parallel_loop3A_658 : i32 to index
      %parallel_loop3A_662 = arith.constant 48 : index
      %parallel_loop3A_663 = tpu.vector_load %arg7[%parallel_loop3A_659, %parallel_loop3A_660, %parallel_loop3A_661, %parallel_loop3A_662] {strides = array<i32>} : memref<2x25x8x128xf32, #tpu.memory_space<vmem>>, vector<16xf32>,
      tpu.vector_store %arg7[%parallel_loop3A_659, %parallel_loop3A_660, %parallel_loop3A_661, %parallel_loop3A_662], %parallel_loop3A_656 {strides = array<i32>} : memref<2x25x8x128xf32, #tpu.memory_space<vmem>>, vector<16xf32>,
      %parallel_loop3A_664 = arith.addi %parallel_loop3A_546, %add3A_58 : vector<16xi32>
      %parallel_loop3A_665 = tpu.vector_load_idx %arg5[%parallel_loop3A_664] : memref<32768xf32, #tpu.memory_space<vmem>>[vector<16xi32>], vector<16xf32>,
      %parallel_loop3A_666 = arith.constant 1 : i32
      %parallel_loop3A_667 = arith.constant 5 : i32
      %parallel_loop3A_668 = arith.index_cast %parallel_loop3A_666 : i32 to index
      %parallel_loop3A_669 = arith.index_cast %parallel_loop3A_75 : i32 to index
      %parallel_loop3A_670 = arith.index_cast %parallel_loop3A_667 : i32 to index
      %parallel_loop3A_671 = arith.constant 48 : index
      %parallel_loop3A_672 = tpu.vector_load %arg7[%parallel_loop3A_668, %parallel_loop3A_669, %parallel_loop3A_670, %parallel_loop3A_671] {strides = array<i32>} : memref<2x25x8x128xf32, #tpu.memory_space<vmem>>, vector<16xf32>,
      tpu.vector_store %arg7[%parallel_loop3A_668, %parallel_loop3A_669, %parallel_loop3A_670, %parallel_loop3A_671], %parallel_loop3A_665 {strides = array<i32>} : memref<2x25x8x128xf32, #tpu.memory_space<vmem>>, vector<16xf32>,
      %parallel_loop3A_673 = arith.addi %parallel_loop3A_546, %add3A_61 : vector<16xi32>
      %parallel_loop3A_674 = tpu.vector_load_idx %arg5[%parallel_loop3A_673] : memref<32768xf32, #tpu.memory_space<vmem>>[vector<16xi32>], vector<16xf32>,
      %parallel_loop3A_675 = arith.constant 1 : i32
      %parallel_loop3A_676 = arith.constant 6 : i32
      %parallel_loop3A_677 = arith.index_cast %parallel_loop3A_675 : i32 to index
      %parallel_loop3A_678 = arith.index_cast %parallel_loop3A_75 : i32 to index
      %parallel_loop3A_679 = arith.index_cast %parallel_loop3A_676 : i32 to index
      %parallel_loop3A_680 = arith.constant 48 : index
      %parallel_loop3A_681 = tpu.vector_load %arg7[%parallel_loop3A_677, %parallel_loop3A_678, %parallel_loop3A_679, %parallel_loop3A_680] {strides = array<i32>} : memref<2x25x8x128xf32, #tpu.memory_space<vmem>>, vector<16xf32>,
      tpu.vector_store %arg7[%parallel_loop3A_677, %parallel_loop3A_678, %parallel_loop3A_679, %parallel_loop3A_680], %parallel_loop3A_674 {strides = array<i32>} : memref<2x25x8x128xf32, #tpu.memory_space<vmem>>, vector<16xf32>,
      %parallel_loop3A_682 = arith.addi %parallel_loop3A_546, %add3A_64 : vector<16xi32>
      %parallel_loop3A_683 = tpu.vector_load_idx %arg5[%parallel_loop3A_682] : memref<32768xf32, #tpu.memory_space<vmem>>[vector<16xi32>], vector<16xf32>,
      %parallel_loop3A_684 = arith.constant 1 : i32
      %parallel_loop3A_685 = arith.constant 7 : i32
      %parallel_loop3A_686 = arith.index_cast %parallel_loop3A_684 : i32 to index
      %parallel_loop3A_687 = arith.index_cast %parallel_loop3A_75 : i32 to index
      %parallel_loop3A_688 = arith.index_cast %parallel_loop3A_685 : i32 to index
      %parallel_loop3A_689 = arith.constant 48 : index
      %parallel_loop3A_690 = tpu.vector_load %arg7[%parallel_loop3A_686, %parallel_loop3A_687, %parallel_loop3A_688, %parallel_loop3A_689] {strides = array<i32>} : memref<2x25x8x128xf32, #tpu.memory_space<vmem>>, vector<16xf32>,
      tpu.vector_store %arg7[%parallel_loop3A_686, %parallel_loop3A_687, %parallel_loop3A_688, %parallel_loop3A_689], %parallel_loop3A_683 {strides = array<i32>} : memref<2x25x8x128xf32, #tpu.memory_space<vmem>>, vector<16xf32>,
      %parallel_loop3A_691 = arith.constant 64 : i32
      %parallel_loop3A_692 = arith.addi %parallel_loop3A_78, %parallel_loop3A_691 : i32
      %parallel_loop3A_693 = arith.constant 3184 : i32
      %parallel_loop3A_694 = arith.minsi %parallel_loop3A_692, %parallel_loop3A_693 : i32
      %parallel_loop3A_695 = arith.index_cast %parallel_loop3A_694 : i32 to index
      %parallel_loop3A_696 = tpu.vector_load %arg6[%parallel_loop3A_695] {strides = array<i32>} : memref<3200xi32, #tpu.memory_space<vmem>>, vector<16xi32>,
      %parallel_loop3A_697 = arith.constant 16 : i32
      %parallel_loop3A_698 = vector.broadcast %parallel_loop3A_697 : i32 to vector<16xi32>
      %parallel_loop3A_699 = arith.muli %parallel_loop3A_696, %parallel_loop3A_698 : vector<16xi32>
      %parallel_loop3A_700 = arith.addi %parallel_loop3A_699, %add3A_19 : vector<16xi32>
      %parallel_loop3A_701 = tpu.vector_load_idx %arg5[%parallel_loop3A_700] : memref<32768xf32, #tpu.memory_space<vmem>>[vector<16xi32>], vector<16xf32>,
      %parallel_loop3A_702 = arith.constant 0 : i32
      %parallel_loop3A_703 = arith.constant 0 : i32
      %parallel_loop3A_704 = arith.index_cast %parallel_loop3A_702 : i32 to index
      %parallel_loop3A_705 = arith.index_cast %parallel_loop3A_75 : i32 to index
      %parallel_loop3A_706 = arith.index_cast %parallel_loop3A_703 : i32 to index
      %parallel_loop3A_707 = arith.constant 64 : index
      %parallel_loop3A_708 = tpu.vector_load %arg7[%parallel_loop3A_704, %parallel_loop3A_705, %parallel_loop3A_706, %parallel_loop3A_707] {strides = array<i32>} : memref<2x25x8x128xf32, #tpu.memory_space<vmem>>, vector<16xf32>,
      tpu.vector_store %arg7[%parallel_loop3A_704, %parallel_loop3A_705, %parallel_loop3A_706, %parallel_loop3A_707], %parallel_loop3A_701 {strides = array<i32>} : memref<2x25x8x128xf32, #tpu.memory_space<vmem>>, vector<16xf32>,
      %parallel_loop3A_709 = arith.addi %parallel_loop3A_699, %add3A_22 : vector<16xi32>
      %parallel_loop3A_710 = tpu.vector_load_idx %arg5[%parallel_loop3A_709] : memref<32768xf32, #tpu.memory_space<vmem>>[vector<16xi32>], vector<16xf32>,
      %parallel_loop3A_711 = arith.constant 0 : i32
      %parallel_loop3A_712 = arith.constant 1 : i32
      %parallel_loop3A_713 = arith.index_cast %parallel_loop3A_711 : i32 to index
      %parallel_loop3A_714 = arith.index_cast %parallel_loop3A_75 : i32 to index
      %parallel_loop3A_715 = arith.index_cast %parallel_loop3A_712 : i32 to index
      %parallel_loop3A_716 = arith.constant 64 : index
      %parallel_loop3A_717 = tpu.vector_load %arg7[%parallel_loop3A_713, %parallel_loop3A_714, %parallel_loop3A_715, %parallel_loop3A_716] {strides = array<i32>} : memref<2x25x8x128xf32, #tpu.memory_space<vmem>>, vector<16xf32>,
      tpu.vector_store %arg7[%parallel_loop3A_713, %parallel_loop3A_714, %parallel_loop3A_715, %parallel_loop3A_716], %parallel_loop3A_710 {strides = array<i32>} : memref<2x25x8x128xf32, #tpu.memory_space<vmem>>, vector<16xf32>,
      %parallel_loop3A_718 = arith.addi %parallel_loop3A_699, %add3A_25 : vector<16xi32>
      %parallel_loop3A_719 = tpu.vector_load_idx %arg5[%parallel_loop3A_718] : memref<32768xf32, #tpu.memory_space<vmem>>[vector<16xi32>], vector<16xf32>,
      %parallel_loop3A_720 = arith.constant 0 : i32
      %parallel_loop3A_721 = arith.constant 2 : i32
      %parallel_loop3A_722 = arith.index_cast %parallel_loop3A_720 : i32 to index
      %parallel_loop3A_723 = arith.index_cast %parallel_loop3A_75 : i32 to index
      %parallel_loop3A_724 = arith.index_cast %parallel_loop3A_721 : i32 to index
      %parallel_loop3A_725 = arith.constant 64 : index
      %parallel_loop3A_726 = tpu.vector_load %arg7[%parallel_loop3A_722, %parallel_loop3A_723, %parallel_loop3A_724, %parallel_loop3A_725] {strides = array<i32>} : memref<2x25x8x128xf32, #tpu.memory_space<vmem>>, vector<16xf32>,
      tpu.vector_store %arg7[%parallel_loop3A_722, %parallel_loop3A_723, %parallel_loop3A_724, %parallel_loop3A_725], %parallel_loop3A_719 {strides = array<i32>} : memref<2x25x8x128xf32, #tpu.memory_space<vmem>>, vector<16xf32>,
      %parallel_loop3A_727 = arith.addi %parallel_loop3A_699, %add3A_28 : vector<16xi32>
      %parallel_loop3A_728 = tpu.vector_load_idx %arg5[%parallel_loop3A_727] : memref<32768xf32, #tpu.memory_space<vmem>>[vector<16xi32>], vector<16xf32>,
      %parallel_loop3A_729 = arith.constant 0 : i32
      %parallel_loop3A_730 = arith.constant 3 : i32
      %parallel_loop3A_731 = arith.index_cast %parallel_loop3A_729 : i32 to index
      %parallel_loop3A_732 = arith.index_cast %parallel_loop3A_75 : i32 to index
      %parallel_loop3A_733 = arith.index_cast %parallel_loop3A_730 : i32 to index
      %parallel_loop3A_734 = arith.constant 64 : index
      %parallel_loop3A_735 = tpu.vector_load %arg7[%parallel_loop3A_731, %parallel_loop3A_732, %parallel_loop3A_733, %parallel_loop3A_734] {strides = array<i32>} : memref<2x25x8x128xf32, #tpu.memory_space<vmem>>, vector<16xf32>,
      tpu.vector_store %arg7[%parallel_loop3A_731, %parallel_loop3A_732, %parallel_loop3A_733, %parallel_loop3A_734], %parallel_loop3A_728 {strides = array<i32>} : memref<2x25x8x128xf32, #tpu.memory_space<vmem>>, vector<16xf32>,
      %parallel_loop3A_736 = arith.addi %parallel_loop3A_699, %add3A_31 : vector<16xi32>
      %parallel_loop3A_737 = tpu.vector_load_idx %arg5[%parallel_loop3A_736] : memref<32768xf32, #tpu.memory_space<vmem>>[vector<16xi32>], vector<16xf32>,
      %parallel_loop3A_738 = arith.constant 0 : i32
      %parallel_loop3A_739 = arith.constant 4 : i32
      %parallel_loop3A_740 = arith.index_cast %parallel_loop3A_738 : i32 to index
      %parallel_loop3A_741 = arith.index_cast %parallel_loop3A_75 : i32 to index
      %parallel_loop3A_742 = arith.index_cast %parallel_loop3A_739 : i32 to index
      %parallel_loop3A_743 = arith.constant 64 : index
      %parallel_loop3A_744 = tpu.vector_load %arg7[%parallel_loop3A_740, %parallel_loop3A_741, %parallel_loop3A_742, %parallel_loop3A_743] {strides = array<i32>} : memref<2x25x8x128xf32, #tpu.memory_space<vmem>>, vector<16xf32>,
      tpu.vector_store %arg7[%parallel_loop3A_740, %parallel_loop3A_741, %parallel_loop3A_742, %parallel_loop3A_743], %parallel_loop3A_737 {strides = array<i32>} : memref<2x25x8x128xf32, #tpu.memory_space<vmem>>, vector<16xf32>,
      %parallel_loop3A_745 = arith.addi %parallel_loop3A_699, %add3A_34 : vector<16xi32>
      %parallel_loop3A_746 = tpu.vector_load_idx %arg5[%parallel_loop3A_745] : memref<32768xf32, #tpu.memory_space<vmem>>[vector<16xi32>], vector<16xf32>,
      %parallel_loop3A_747 = arith.constant 0 : i32
      %parallel_loop3A_748 = arith.constant 5 : i32
      %parallel_loop3A_749 = arith.index_cast %parallel_loop3A_747 : i32 to index
      %parallel_loop3A_750 = arith.index_cast %parallel_loop3A_75 : i32 to index
      %parallel_loop3A_751 = arith.index_cast %parallel_loop3A_748 : i32 to index
      %parallel_loop3A_752 = arith.constant 64 : index
      %parallel_loop3A_753 = tpu.vector_load %arg7[%parallel_loop3A_749, %parallel_loop3A_750, %parallel_loop3A_751, %parallel_loop3A_752] {strides = array<i32>} : memref<2x25x8x128xf32, #tpu.memory_space<vmem>>, vector<16xf32>,
      tpu.vector_store %arg7[%parallel_loop3A_749, %parallel_loop3A_750, %parallel_loop3A_751, %parallel_loop3A_752], %parallel_loop3A_746 {strides = array<i32>} : memref<2x25x8x128xf32, #tpu.memory_space<vmem>>, vector<16xf32>,
      %parallel_loop3A_754 = arith.addi %parallel_loop3A_699, %add3A_37 : vector<16xi32>
      %parallel_loop3A_755 = tpu.vector_load_idx %arg5[%parallel_loop3A_754] : memref<32768xf32, #tpu.memory_space<vmem>>[vector<16xi32>], vector<16xf32>,
      %parallel_loop3A_756 = arith.constant 0 : i32
      %parallel_loop3A_757 = arith.constant 6 : i32
      %parallel_loop3A_758 = arith.index_cast %parallel_loop3A_756 : i32 to index
      %parallel_loop3A_759 = arith.index_cast %parallel_loop3A_75 : i32 to index
      %parallel_loop3A_760 = arith.index_cast %parallel_loop3A_757 : i32 to index
      %parallel_loop3A_761 = arith.constant 64 : index
      %parallel_loop3A_762 = tpu.vector_load %arg7[%parallel_loop3A_758, %parallel_loop3A_759, %parallel_loop3A_760, %parallel_loop3A_761] {strides = array<i32>} : memref<2x25x8x128xf32, #tpu.memory_space<vmem>>, vector<16xf32>,
      tpu.vector_store %arg7[%parallel_loop3A_758, %parallel_loop3A_759, %parallel_loop3A_760, %parallel_loop3A_761], %parallel_loop3A_755 {strides = array<i32>} : memref<2x25x8x128xf32, #tpu.memory_space<vmem>>, vector<16xf32>,
      %parallel_loop3A_763 = arith.addi %parallel_loop3A_699, %add3A_40 : vector<16xi32>
      %parallel_loop3A_764 = tpu.vector_load_idx %arg5[%parallel_loop3A_763] : memref<32768xf32, #tpu.memory_space<vmem>>[vector<16xi32>], vector<16xf32>,
      %parallel_loop3A_765 = arith.constant 0 : i32
      %parallel_loop3A_766 = arith.constant 7 : i32
      %parallel_loop3A_767 = arith.index_cast %parallel_loop3A_765 : i32 to index
      %parallel_loop3A_768 = arith.index_cast %parallel_loop3A_75 : i32 to index
      %parallel_loop3A_769 = arith.index_cast %parallel_loop3A_766 : i32 to index
      %parallel_loop3A_770 = arith.constant 64 : index
      %parallel_loop3A_771 = tpu.vector_load %arg7[%parallel_loop3A_767, %parallel_loop3A_768, %parallel_loop3A_769, %parallel_loop3A_770] {strides = array<i32>} : memref<2x25x8x128xf32, #tpu.memory_space<vmem>>, vector<16xf32>,
      tpu.vector_store %arg7[%parallel_loop3A_767, %parallel_loop3A_768, %parallel_loop3A_769, %parallel_loop3A_770], %parallel_loop3A_764 {strides = array<i32>} : memref<2x25x8x128xf32, #tpu.memory_space<vmem>>, vector<16xf32>,
      %parallel_loop3A_772 = arith.addi %parallel_loop3A_699, %add3A_43 : vector<16xi32>
      %parallel_loop3A_773 = tpu.vector_load_idx %arg5[%parallel_loop3A_772] : memref<32768xf32, #tpu.memory_space<vmem>>[vector<16xi32>], vector<16xf32>,
      %parallel_loop3A_774 = arith.constant 1 : i32
      %parallel_loop3A_775 = arith.constant 0 : i32
      %parallel_loop3A_776 = arith.index_cast %parallel_loop3A_774 : i32 to index
      %parallel_loop3A_777 = arith.index_cast %parallel_loop3A_75 : i32 to index
      %parallel_loop3A_778 = arith.index_cast %parallel_loop3A_775 : i32 to index
      %parallel_loop3A_779 = arith.constant 64 : index
      %parallel_loop3A_780 = tpu.vector_load %arg7[%parallel_loop3A_776, %parallel_loop3A_777, %parallel_loop3A_778, %parallel_loop3A_779] {strides = array<i32>} : memref<2x25x8x128xf32, #tpu.memory_space<vmem>>, vector<16xf32>,
      tpu.vector_store %arg7[%parallel_loop3A_776, %parallel_loop3A_777, %parallel_loop3A_778, %parallel_loop3A_779], %parallel_loop3A_773 {strides = array<i32>} : memref<2x25x8x128xf32, #tpu.memory_space<vmem>>, vector<16xf32>,
      %parallel_loop3A_781 = arith.addi %parallel_loop3A_699, %add3A_46 : vector<16xi32>
      %parallel_loop3A_782 = tpu.vector_load_idx %arg5[%parallel_loop3A_781] : memref<32768xf32, #tpu.memory_space<vmem>>[vector<16xi32>], vector<16xf32>,
      %parallel_loop3A_783 = arith.constant 1 : i32
      %parallel_loop3A_784 = arith.constant 1 : i32
      %parallel_loop3A_785 = arith.index_cast %parallel_loop3A_783 : i32 to index
      %parallel_loop3A_786 = arith.index_cast %parallel_loop3A_75 : i32 to index
      %parallel_loop3A_787 = arith.index_cast %parallel_loop3A_784 : i32 to index
      %parallel_loop3A_788 = arith.constant 64 : index
      %parallel_loop3A_789 = tpu.vector_load %arg7[%parallel_loop3A_785, %parallel_loop3A_786, %parallel_loop3A_787, %parallel_loop3A_788] {strides = array<i32>} : memref<2x25x8x128xf32, #tpu.memory_space<vmem>>, vector<16xf32>,
      tpu.vector_store %arg7[%parallel_loop3A_785, %parallel_loop3A_786, %parallel_loop3A_787, %parallel_loop3A_788], %parallel_loop3A_782 {strides = array<i32>} : memref<2x25x8x128xf32, #tpu.memory_space<vmem>>, vector<16xf32>,
      %parallel_loop3A_790 = arith.addi %parallel_loop3A_699, %add3A_49 : vector<16xi32>
      %parallel_loop3A_791 = tpu.vector_load_idx %arg5[%parallel_loop3A_790] : memref<32768xf32, #tpu.memory_space<vmem>>[vector<16xi32>], vector<16xf32>,
      %parallel_loop3A_792 = arith.constant 1 : i32
      %parallel_loop3A_793 = arith.constant 2 : i32
      %parallel_loop3A_794 = arith.index_cast %parallel_loop3A_792 : i32 to index
      %parallel_loop3A_795 = arith.index_cast %parallel_loop3A_75 : i32 to index
      %parallel_loop3A_796 = arith.index_cast %parallel_loop3A_793 : i32 to index
      %parallel_loop3A_797 = arith.constant 64 : index
      %parallel_loop3A_798 = tpu.vector_load %arg7[%parallel_loop3A_794, %parallel_loop3A_795, %parallel_loop3A_796, %parallel_loop3A_797] {strides = array<i32>} : memref<2x25x8x128xf32, #tpu.memory_space<vmem>>, vector<16xf32>,
      tpu.vector_store %arg7[%parallel_loop3A_794, %parallel_loop3A_795, %parallel_loop3A_796, %parallel_loop3A_797], %parallel_loop3A_791 {strides = array<i32>} : memref<2x25x8x128xf32, #tpu.memory_space<vmem>>, vector<16xf32>,
      %parallel_loop3A_799 = arith.addi %parallel_loop3A_699, %add3A_52 : vector<16xi32>
      %parallel_loop3A_800 = tpu.vector_load_idx %arg5[%parallel_loop3A_799] : memref<32768xf32, #tpu.memory_space<vmem>>[vector<16xi32>], vector<16xf32>,
      %parallel_loop3A_801 = arith.constant 1 : i32
      %parallel_loop3A_802 = arith.constant 3 : i32
      %parallel_loop3A_803 = arith.index_cast %parallel_loop3A_801 : i32 to index
      %parallel_loop3A_804 = arith.index_cast %parallel_loop3A_75 : i32 to index
      %parallel_loop3A_805 = arith.index_cast %parallel_loop3A_802 : i32 to index
      %parallel_loop3A_806 = arith.constant 64 : index
      %parallel_loop3A_807 = tpu.vector_load %arg7[%parallel_loop3A_803, %parallel_loop3A_804, %parallel_loop3A_805, %parallel_loop3A_806] {strides = array<i32>} : memref<2x25x8x128xf32, #tpu.memory_space<vmem>>, vector<16xf32>,
      tpu.vector_store %arg7[%parallel_loop3A_803, %parallel_loop3A_804, %parallel_loop3A_805, %parallel_loop3A_806], %parallel_loop3A_800 {strides = array<i32>} : memref<2x25x8x128xf32, #tpu.memory_space<vmem>>, vector<16xf32>,
      %parallel_loop3A_808 = arith.addi %parallel_loop3A_699, %add3A_55 : vector<16xi32>
      %parallel_loop3A_809 = tpu.vector_load_idx %arg5[%parallel_loop3A_808] : memref<32768xf32, #tpu.memory_space<vmem>>[vector<16xi32>], vector<16xf32>,
      %parallel_loop3A_810 = arith.constant 1 : i32
      %parallel_loop3A_811 = arith.constant 4 : i32
      %parallel_loop3A_812 = arith.index_cast %parallel_loop3A_810 : i32 to index
      %parallel_loop3A_813 = arith.index_cast %parallel_loop3A_75 : i32 to index
      %parallel_loop3A_814 = arith.index_cast %parallel_loop3A_811 : i32 to index
      %parallel_loop3A_815 = arith.constant 64 : index
      %parallel_loop3A_816 = tpu.vector_load %arg7[%parallel_loop3A_812, %parallel_loop3A_813, %parallel_loop3A_814, %parallel_loop3A_815] {strides = array<i32>} : memref<2x25x8x128xf32, #tpu.memory_space<vmem>>, vector<16xf32>,
      tpu.vector_store %arg7[%parallel_loop3A_812, %parallel_loop3A_813, %parallel_loop3A_814, %parallel_loop3A_815], %parallel_loop3A_809 {strides = array<i32>} : memref<2x25x8x128xf32, #tpu.memory_space<vmem>>, vector<16xf32>,
      %parallel_loop3A_817 = arith.addi %parallel_loop3A_699, %add3A_58 : vector<16xi32>
      %parallel_loop3A_818 = tpu.vector_load_idx %arg5[%parallel_loop3A_817] : memref<32768xf32, #tpu.memory_space<vmem>>[vector<16xi32>], vector<16xf32>,
      %parallel_loop3A_819 = arith.constant 1 : i32
      %parallel_loop3A_820 = arith.constant 5 : i32
      %parallel_loop3A_821 = arith.index_cast %parallel_loop3A_819 : i32 to index
      %parallel_loop3A_822 = arith.index_cast %parallel_loop3A_75 : i32 to index
      %parallel_loop3A_823 = arith.index_cast %parallel_loop3A_820 : i32 to index
      %parallel_loop3A_824 = arith.constant 64 : index
      %parallel_loop3A_825 = tpu.vector_load %arg7[%parallel_loop3A_821, %parallel_loop3A_822, %parallel_loop3A_823, %parallel_loop3A_824] {strides = array<i32>} : memref<2x25x8x128xf32, #tpu.memory_space<vmem>>, vector<16xf32>,
      tpu.vector_store %arg7[%parallel_loop3A_821, %parallel_loop3A_822, %parallel_loop3A_823, %parallel_loop3A_824], %parallel_loop3A_818 {strides = array<i32>} : memref<2x25x8x128xf32, #tpu.memory_space<vmem>>, vector<16xf32>,
      %parallel_loop3A_826 = arith.addi %parallel_loop3A_699, %add3A_61 : vector<16xi32>
      %parallel_loop3A_827 = tpu.vector_load_idx %arg5[%parallel_loop3A_826] : memref<32768xf32, #tpu.memory_space<vmem>>[vector<16xi32>], vector<16xf32>,
      %parallel_loop3A_828 = arith.constant 1 : i32
      %parallel_loop3A_829 = arith.constant 6 : i32
      %parallel_loop3A_830 = arith.index_cast %parallel_loop3A_828 : i32 to index
      %parallel_loop3A_831 = arith.index_cast %parallel_loop3A_75 : i32 to index
      %parallel_loop3A_832 = arith.index_cast %parallel_loop3A_829 : i32 to index
      %parallel_loop3A_833 = arith.constant 64 : index
      %parallel_loop3A_834 = tpu.vector_load %arg7[%parallel_loop3A_830, %parallel_loop3A_831, %parallel_loop3A_832, %parallel_loop3A_833] {strides = array<i32>} : memref<2x25x8x128xf32, #tpu.memory_space<vmem>>, vector<16xf32>,
      tpu.vector_store %arg7[%parallel_loop3A_830, %parallel_loop3A_831, %parallel_loop3A_832, %parallel_loop3A_833], %parallel_loop3A_827 {strides = array<i32>} : memref<2x25x8x128xf32, #tpu.memory_space<vmem>>, vector<16xf32>,
      %parallel_loop3A_835 = arith.addi %parallel_loop3A_699, %add3A_64 : vector<16xi32>
      %parallel_loop3A_836 = tpu.vector_load_idx %arg5[%parallel_loop3A_835] : memref<32768xf32, #tpu.memory_space<vmem>>[vector<16xi32>], vector<16xf32>,
      %parallel_loop3A_837 = arith.constant 1 : i32
      %parallel_loop3A_838 = arith.constant 7 : i32
      %parallel_loop3A_839 = arith.index_cast %parallel_loop3A_837 : i32 to index
      %parallel_loop3A_840 = arith.index_cast %parallel_loop3A_75 : i32 to index
      %parallel_loop3A_841 = arith.index_cast %parallel_loop3A_838 : i32 to index
      %parallel_loop3A_842 = arith.constant 64 : index
      %parallel_loop3A_843 = tpu.vector_load %arg7[%parallel_loop3A_839, %parallel_loop3A_840, %parallel_loop3A_841, %parallel_loop3A_842] {strides = array<i32>} : memref<2x25x8x128xf32, #tpu.memory_space<vmem>>, vector<16xf32>,
      tpu.vector_store %arg7[%parallel_loop3A_839, %parallel_loop3A_840, %parallel_loop3A_841, %parallel_loop3A_842], %parallel_loop3A_836 {strides = array<i32>} : memref<2x25x8x128xf32, #tpu.memory_space<vmem>>, vector<16xf32>,
      %parallel_loop3A_844 = arith.constant 80 : i32
      %parallel_loop3A_845 = arith.addi %parallel_loop3A_78, %parallel_loop3A_844 : i32
      %parallel_loop3A_846 = arith.constant 3184 : i32
      %parallel_loop3A_847 = arith.minsi %parallel_loop3A_845, %parallel_loop3A_846 : i32
      %parallel_loop3A_848 = arith.index_cast %parallel_loop3A_847 : i32 to index
      %parallel_loop3A_849 = tpu.vector_load %arg6[%parallel_loop3A_848] {strides = array<i32>} : memref<3200xi32, #tpu.memory_space<vmem>>, vector<16xi32>,
      %parallel_loop3A_850 = arith.constant 16 : i32
      %parallel_loop3A_851 = vector.broadcast %parallel_loop3A_850 : i32 to vector<16xi32>
      %parallel_loop3A_852 = arith.muli %parallel_loop3A_849, %parallel_loop3A_851 : vector<16xi32>
      %parallel_loop3A_853 = arith.addi %parallel_loop3A_852, %add3A_19 : vector<16xi32>
      %parallel_loop3A_854 = tpu.vector_load_idx %arg5[%parallel_loop3A_853] : memref<32768xf32, #tpu.memory_space<vmem>>[vector<16xi32>], vector<16xf32>,
      %parallel_loop3A_855 = arith.constant 0 : i32
      %parallel_loop3A_856 = arith.constant 0 : i32
      %parallel_loop3A_857 = arith.index_cast %parallel_loop3A_855 : i32 to index
      %parallel_loop3A_858 = arith.index_cast %parallel_loop3A_75 : i32 to index
      %parallel_loop3A_859 = arith.index_cast %parallel_loop3A_856 : i32 to index
      %parallel_loop3A_860 = arith.constant 80 : index
      %parallel_loop3A_861 = tpu.vector_load %arg7[%parallel_loop3A_857, %parallel_loop3A_858, %parallel_loop3A_859, %parallel_loop3A_860] {strides = array<i32>} : memref<2x25x8x128xf32, #tpu.memory_space<vmem>>, vector<16xf32>,
      tpu.vector_store %arg7[%parallel_loop3A_857, %parallel_loop3A_858, %parallel_loop3A_859, %parallel_loop3A_860], %parallel_loop3A_854 {strides = array<i32>} : memref<2x25x8x128xf32, #tpu.memory_space<vmem>>, vector<16xf32>,
      %parallel_loop3A_862 = arith.addi %parallel_loop3A_852, %add3A_22 : vector<16xi32>
      %parallel_loop3A_863 = tpu.vector_load_idx %arg5[%parallel_loop3A_862] : memref<32768xf32, #tpu.memory_space<vmem>>[vector<16xi32>], vector<16xf32>,
      %parallel_loop3A_864 = arith.constant 0 : i32
      %parallel_loop3A_865 = arith.constant 1 : i32
      %parallel_loop3A_866 = arith.index_cast %parallel_loop3A_864 : i32 to index
      %parallel_loop3A_867 = arith.index_cast %parallel_loop3A_75 : i32 to index
      %parallel_loop3A_868 = arith.index_cast %parallel_loop3A_865 : i32 to index
      %parallel_loop3A_869 = arith.constant 80 : index
      %parallel_loop3A_870 = tpu.vector_load %arg7[%parallel_loop3A_866, %parallel_loop3A_867, %parallel_loop3A_868, %parallel_loop3A_869] {strides = array<i32>} : memref<2x25x8x128xf32, #tpu.memory_space<vmem>>, vector<16xf32>,
      tpu.vector_store %arg7[%parallel_loop3A_866, %parallel_loop3A_867, %parallel_loop3A_868, %parallel_loop3A_869], %parallel_loop3A_863 {strides = array<i32>} : memref<2x25x8x128xf32, #tpu.memory_space<vmem>>, vector<16xf32>,
      %parallel_loop3A_871 = arith.addi %parallel_loop3A_852, %add3A_25 : vector<16xi32>
      %parallel_loop3A_872 = tpu.vector_load_idx %arg5[%parallel_loop3A_871] : memref<32768xf32, #tpu.memory_space<vmem>>[vector<16xi32>], vector<16xf32>,
      %parallel_loop3A_873 = arith.constant 0 : i32
      %parallel_loop3A_874 = arith.constant 2 : i32
      %parallel_loop3A_875 = arith.index_cast %parallel_loop3A_873 : i32 to index
      %parallel_loop3A_876 = arith.index_cast %parallel_loop3A_75 : i32 to index
      %parallel_loop3A_877 = arith.index_cast %parallel_loop3A_874 : i32 to index
      %parallel_loop3A_878 = arith.constant 80 : index
      %parallel_loop3A_879 = tpu.vector_load %arg7[%parallel_loop3A_875, %parallel_loop3A_876, %parallel_loop3A_877, %parallel_loop3A_878] {strides = array<i32>} : memref<2x25x8x128xf32, #tpu.memory_space<vmem>>, vector<16xf32>,
      tpu.vector_store %arg7[%parallel_loop3A_875, %parallel_loop3A_876, %parallel_loop3A_877, %parallel_loop3A_878], %parallel_loop3A_872 {strides = array<i32>} : memref<2x25x8x128xf32, #tpu.memory_space<vmem>>, vector<16xf32>,
      %parallel_loop3A_880 = arith.addi %parallel_loop3A_852, %add3A_28 : vector<16xi32>
      %parallel_loop3A_881 = tpu.vector_load_idx %arg5[%parallel_loop3A_880] : memref<32768xf32, #tpu.memory_space<vmem>>[vector<16xi32>], vector<16xf32>,
      %parallel_loop3A_882 = arith.constant 0 : i32
      %parallel_loop3A_883 = arith.constant 3 : i32
      %parallel_loop3A_884 = arith.index_cast %parallel_loop3A_882 : i32 to index
      %parallel_loop3A_885 = arith.index_cast %parallel_loop3A_75 : i32 to index
      %parallel_loop3A_886 = arith.index_cast %parallel_loop3A_883 : i32 to index
      %parallel_loop3A_887 = arith.constant 80 : index
      %parallel_loop3A_888 = tpu.vector_load %arg7[%parallel_loop3A_884, %parallel_loop3A_885, %parallel_loop3A_886, %parallel_loop3A_887] {strides = array<i32>} : memref<2x25x8x128xf32, #tpu.memory_space<vmem>>, vector<16xf32>,
      tpu.vector_store %arg7[%parallel_loop3A_884, %parallel_loop3A_885, %parallel_loop3A_886, %parallel_loop3A_887], %parallel_loop3A_881 {strides = array<i32>} : memref<2x25x8x128xf32, #tpu.memory_space<vmem>>, vector<16xf32>,
      %parallel_loop3A_889 = arith.addi %parallel_loop3A_852, %add3A_31 : vector<16xi32>
      %parallel_loop3A_890 = tpu.vector_load_idx %arg5[%parallel_loop3A_889] : memref<32768xf32, #tpu.memory_space<vmem>>[vector<16xi32>], vector<16xf32>,
      %parallel_loop3A_891 = arith.constant 0 : i32
      %parallel_loop3A_892 = arith.constant 4 : i32
      %parallel_loop3A_893 = arith.index_cast %parallel_loop3A_891 : i32 to index
      %parallel_loop3A_894 = arith.index_cast %parallel_loop3A_75 : i32 to index
      %parallel_loop3A_895 = arith.index_cast %parallel_loop3A_892 : i32 to index
      %parallel_loop3A_896 = arith.constant 80 : index
      %parallel_loop3A_897 = tpu.vector_load %arg7[%parallel_loop3A_893, %parallel_loop3A_894, %parallel_loop3A_895, %parallel_loop3A_896] {strides = array<i32>} : memref<2x25x8x128xf32, #tpu.memory_space<vmem>>, vector<16xf32>,
      tpu.vector_store %arg7[%parallel_loop3A_893, %parallel_loop3A_894, %parallel_loop3A_895, %parallel_loop3A_896], %parallel_loop3A_890 {strides = array<i32>} : memref<2x25x8x128xf32, #tpu.memory_space<vmem>>, vector<16xf32>,
      %parallel_loop3A_898 = arith.addi %parallel_loop3A_852, %add3A_34 : vector<16xi32>
      %parallel_loop3A_899 = tpu.vector_load_idx %arg5[%parallel_loop3A_898] : memref<32768xf32, #tpu.memory_space<vmem>>[vector<16xi32>], vector<16xf32>,
      %parallel_loop3A_900 = arith.constant 0 : i32
      %parallel_loop3A_901 = arith.constant 5 : i32
      %parallel_loop3A_902 = arith.index_cast %parallel_loop3A_900 : i32 to index
      %parallel_loop3A_903 = arith.index_cast %parallel_loop3A_75 : i32 to index
      %parallel_loop3A_904 = arith.index_cast %parallel_loop3A_901 : i32 to index
      %parallel_loop3A_905 = arith.constant 80 : index
      %parallel_loop3A_906 = tpu.vector_load %arg7[%parallel_loop3A_902, %parallel_loop3A_903, %parallel_loop3A_904, %parallel_loop3A_905] {strides = array<i32>} : memref<2x25x8x128xf32, #tpu.memory_space<vmem>>, vector<16xf32>,
      tpu.vector_store %arg7[%parallel_loop3A_902, %parallel_loop3A_903, %parallel_loop3A_904, %parallel_loop3A_905], %parallel_loop3A_899 {strides = array<i32>} : memref<2x25x8x128xf32, #tpu.memory_space<vmem>>, vector<16xf32>,
      %parallel_loop3A_907 = arith.addi %parallel_loop3A_852, %add3A_37 : vector<16xi32>
      %parallel_loop3A_908 = tpu.vector_load_idx %arg5[%parallel_loop3A_907] : memref<32768xf32, #tpu.memory_space<vmem>>[vector<16xi32>], vector<16xf32>,
      %parallel_loop3A_909 = arith.constant 0 : i32
      %parallel_loop3A_910 = arith.constant 6 : i32
      %parallel_loop3A_911 = arith.index_cast %parallel_loop3A_909 : i32 to index
      %parallel_loop3A_912 = arith.index_cast %parallel_loop3A_75 : i32 to index
      %parallel_loop3A_913 = arith.index_cast %parallel_loop3A_910 : i32 to index
      %parallel_loop3A_914 = arith.constant 80 : index
      %parallel_loop3A_915 = tpu.vector_load %arg7[%parallel_loop3A_911, %parallel_loop3A_912, %parallel_loop3A_913, %parallel_loop3A_914] {strides = array<i32>} : memref<2x25x8x128xf32, #tpu.memory_space<vmem>>, vector<16xf32>,
      tpu.vector_store %arg7[%parallel_loop3A_911, %parallel_loop3A_912, %parallel_loop3A_913, %parallel_loop3A_914], %parallel_loop3A_908 {strides = array<i32>} : memref<2x25x8x128xf32, #tpu.memory_space<vmem>>, vector<16xf32>,
      %parallel_loop3A_916 = arith.addi %parallel_loop3A_852, %add3A_40 : vector<16xi32>
      %parallel_loop3A_917 = tpu.vector_load_idx %arg5[%parallel_loop3A_916] : memref<32768xf32, #tpu.memory_space<vmem>>[vector<16xi32>], vector<16xf32>,
      %parallel_loop3A_918 = arith.constant 0 : i32
      %parallel_loop3A_919 = arith.constant 7 : i32
      %parallel_loop3A_920 = arith.index_cast %parallel_loop3A_918 : i32 to index
      %parallel_loop3A_921 = arith.index_cast %parallel_loop3A_75 : i32 to index
      %parallel_loop3A_922 = arith.index_cast %parallel_loop3A_919 : i32 to index
      %parallel_loop3A_923 = arith.constant 80 : index
      %parallel_loop3A_924 = tpu.vector_load %arg7[%parallel_loop3A_920, %parallel_loop3A_921, %parallel_loop3A_922, %parallel_loop3A_923] {strides = array<i32>} : memref<2x25x8x128xf32, #tpu.memory_space<vmem>>, vector<16xf32>,
      tpu.vector_store %arg7[%parallel_loop3A_920, %parallel_loop3A_921, %parallel_loop3A_922, %parallel_loop3A_923], %parallel_loop3A_917 {strides = array<i32>} : memref<2x25x8x128xf32, #tpu.memory_space<vmem>>, vector<16xf32>,
      %parallel_loop3A_925 = arith.addi %parallel_loop3A_852, %add3A_43 : vector<16xi32>
      %parallel_loop3A_926 = tpu.vector_load_idx %arg5[%parallel_loop3A_925] : memref<32768xf32, #tpu.memory_space<vmem>>[vector<16xi32>], vector<16xf32>,
      %parallel_loop3A_927 = arith.constant 1 : i32
      %parallel_loop3A_928 = arith.constant 0 : i32
      %parallel_loop3A_929 = arith.index_cast %parallel_loop3A_927 : i32 to index
      %parallel_loop3A_930 = arith.index_cast %parallel_loop3A_75 : i32 to index
      %parallel_loop3A_931 = arith.index_cast %parallel_loop3A_928 : i32 to index
      %parallel_loop3A_932 = arith.constant 80 : index
      %parallel_loop3A_933 = tpu.vector_load %arg7[%parallel_loop3A_929, %parallel_loop3A_930, %parallel_loop3A_931, %parallel_loop3A_932] {strides = array<i32>} : memref<2x25x8x128xf32, #tpu.memory_space<vmem>>, vector<16xf32>,
      tpu.vector_store %arg7[%parallel_loop3A_929, %parallel_loop3A_930, %parallel_loop3A_931, %parallel_loop3A_932], %parallel_loop3A_926 {strides = array<i32>} : memref<2x25x8x128xf32, #tpu.memory_space<vmem>>, vector<16xf32>,
      %parallel_loop3A_934 = arith.addi %parallel_loop3A_852, %add3A_46 : vector<16xi32>
      %parallel_loop3A_935 = tpu.vector_load_idx %arg5[%parallel_loop3A_934] : memref<32768xf32, #tpu.memory_space<vmem>>[vector<16xi32>], vector<16xf32>,
      %parallel_loop3A_936 = arith.constant 1 : i32
      %parallel_loop3A_937 = arith.constant 1 : i32
      %parallel_loop3A_938 = arith.index_cast %parallel_loop3A_936 : i32 to index
      %parallel_loop3A_939 = arith.index_cast %parallel_loop3A_75 : i32 to index
      %parallel_loop3A_940 = arith.index_cast %parallel_loop3A_937 : i32 to index
      %parallel_loop3A_941 = arith.constant 80 : index
      %parallel_loop3A_942 = tpu.vector_load %arg7[%parallel_loop3A_938, %parallel_loop3A_939, %parallel_loop3A_940, %parallel_loop3A_941] {strides = array<i32>} : memref<2x25x8x128xf32, #tpu.memory_space<vmem>>, vector<16xf32>,
      tpu.vector_store %arg7[%parallel_loop3A_938, %parallel_loop3A_939, %parallel_loop3A_940, %parallel_loop3A_941], %parallel_loop3A_935 {strides = array<i32>} : memref<2x25x8x128xf32, #tpu.memory_space<vmem>>, vector<16xf32>,
      %parallel_loop3A_943 = arith.addi %parallel_loop3A_852, %add3A_49 : vector<16xi32>
      %parallel_loop3A_944 = tpu.vector_load_idx %arg5[%parallel_loop3A_943] : memref<32768xf32, #tpu.memory_space<vmem>>[vector<16xi32>], vector<16xf32>,
      %parallel_loop3A_945 = arith.constant 1 : i32
      %parallel_loop3A_946 = arith.constant 2 : i32
      %parallel_loop3A_947 = arith.index_cast %parallel_loop3A_945 : i32 to index
      %parallel_loop3A_948 = arith.index_cast %parallel_loop3A_75 : i32 to index
      %parallel_loop3A_949 = arith.index_cast %parallel_loop3A_946 : i32 to index
      %parallel_loop3A_950 = arith.constant 80 : index
      %parallel_loop3A_951 = tpu.vector_load %arg7[%parallel_loop3A_947, %parallel_loop3A_948, %parallel_loop3A_949, %parallel_loop3A_950] {strides = array<i32>} : memref<2x25x8x128xf32, #tpu.memory_space<vmem>>, vector<16xf32>,
      tpu.vector_store %arg7[%parallel_loop3A_947, %parallel_loop3A_948, %parallel_loop3A_949, %parallel_loop3A_950], %parallel_loop3A_944 {strides = array<i32>} : memref<2x25x8x128xf32, #tpu.memory_space<vmem>>, vector<16xf32>,
      %parallel_loop3A_952 = arith.addi %parallel_loop3A_852, %add3A_52 : vector<16xi32>
      %parallel_loop3A_953 = tpu.vector_load_idx %arg5[%parallel_loop3A_952] : memref<32768xf32, #tpu.memory_space<vmem>>[vector<16xi32>], vector<16xf32>,
      %parallel_loop3A_954 = arith.constant 1 : i32
      %parallel_loop3A_955 = arith.constant 3 : i32
      %parallel_loop3A_956 = arith.index_cast %parallel_loop3A_954 : i32 to index
      %parallel_loop3A_957 = arith.index_cast %parallel_loop3A_75 : i32 to index
      %parallel_loop3A_958 = arith.index_cast %parallel_loop3A_955 : i32 to index
      %parallel_loop3A_959 = arith.constant 80 : index
      %parallel_loop3A_960 = tpu.vector_load %arg7[%parallel_loop3A_956, %parallel_loop3A_957, %parallel_loop3A_958, %parallel_loop3A_959] {strides = array<i32>} : memref<2x25x8x128xf32, #tpu.memory_space<vmem>>, vector<16xf32>,
      tpu.vector_store %arg7[%parallel_loop3A_956, %parallel_loop3A_957, %parallel_loop3A_958, %parallel_loop3A_959], %parallel_loop3A_953 {strides = array<i32>} : memref<2x25x8x128xf32, #tpu.memory_space<vmem>>, vector<16xf32>,
      %parallel_loop3A_961 = arith.addi %parallel_loop3A_852, %add3A_55 : vector<16xi32>
      %parallel_loop3A_962 = tpu.vector_load_idx %arg5[%parallel_loop3A_961] : memref<32768xf32, #tpu.memory_space<vmem>>[vector<16xi32>], vector<16xf32>,
      %parallel_loop3A_963 = arith.constant 1 : i32
      %parallel_loop3A_964 = arith.constant 4 : i32
      %parallel_loop3A_965 = arith.index_cast %parallel_loop3A_963 : i32 to index
      %parallel_loop3A_966 = arith.index_cast %parallel_loop3A_75 : i32 to index
      %parallel_loop3A_967 = arith.index_cast %parallel_loop3A_964 : i32 to index
      %parallel_loop3A_968 = arith.constant 80 : index
      %parallel_loop3A_969 = tpu.vector_load %arg7[%parallel_loop3A_965, %parallel_loop3A_966, %parallel_loop3A_967, %parallel_loop3A_968] {strides = array<i32>} : memref<2x25x8x128xf32, #tpu.memory_space<vmem>>, vector<16xf32>,
      tpu.vector_store %arg7[%parallel_loop3A_965, %parallel_loop3A_966, %parallel_loop3A_967, %parallel_loop3A_968], %parallel_loop3A_962 {strides = array<i32>} : memref<2x25x8x128xf32, #tpu.memory_space<vmem>>, vector<16xf32>,
      %parallel_loop3A_970 = arith.addi %parallel_loop3A_852, %add3A_58 : vector<16xi32>
      %parallel_loop3A_971 = tpu.vector_load_idx %arg5[%parallel_loop3A_970] : memref<32768xf32, #tpu.memory_space<vmem>>[vector<16xi32>], vector<16xf32>,
      %parallel_loop3A_972 = arith.constant 1 : i32
      %parallel_loop3A_973 = arith.constant 5 : i32
      %parallel_loop3A_974 = arith.index_cast %parallel_loop3A_972 : i32 to index
      %parallel_loop3A_975 = arith.index_cast %parallel_loop3A_75 : i32 to index
      %parallel_loop3A_976 = arith.index_cast %parallel_loop3A_973 : i32 to index
      %parallel_loop3A_977 = arith.constant 80 : index
      %parallel_loop3A_978 = tpu.vector_load %arg7[%parallel_loop3A_974, %parallel_loop3A_975, %parallel_loop3A_976, %parallel_loop3A_977] {strides = array<i32>} : memref<2x25x8x128xf32, #tpu.memory_space<vmem>>, vector<16xf32>,
      tpu.vector_store %arg7[%parallel_loop3A_974, %parallel_loop3A_975, %parallel_loop3A_976, %parallel_loop3A_977], %parallel_loop3A_971 {strides = array<i32>} : memref<2x25x8x128xf32, #tpu.memory_space<vmem>>, vector<16xf32>,
      %parallel_loop3A_979 = arith.addi %parallel_loop3A_852, %add3A_61 : vector<16xi32>
      %parallel_loop3A_980 = tpu.vector_load_idx %arg5[%parallel_loop3A_979] : memref<32768xf32, #tpu.memory_space<vmem>>[vector<16xi32>], vector<16xf32>,
      %parallel_loop3A_981 = arith.constant 1 : i32
      %parallel_loop3A_982 = arith.constant 6 : i32
      %parallel_loop3A_983 = arith.index_cast %parallel_loop3A_981 : i32 to index
      %parallel_loop3A_984 = arith.index_cast %parallel_loop3A_75 : i32 to index
      %parallel_loop3A_985 = arith.index_cast %parallel_loop3A_982 : i32 to index
      %parallel_loop3A_986 = arith.constant 80 : index
      %parallel_loop3A_987 = tpu.vector_load %arg7[%parallel_loop3A_983, %parallel_loop3A_984, %parallel_loop3A_985, %parallel_loop3A_986] {strides = array<i32>} : memref<2x25x8x128xf32, #tpu.memory_space<vmem>>, vector<16xf32>,
      tpu.vector_store %arg7[%parallel_loop3A_983, %parallel_loop3A_984, %parallel_loop3A_985, %parallel_loop3A_986], %parallel_loop3A_980 {strides = array<i32>} : memref<2x25x8x128xf32, #tpu.memory_space<vmem>>, vector<16xf32>,
      %parallel_loop3A_988 = arith.addi %parallel_loop3A_852, %add3A_64 : vector<16xi32>
      %parallel_loop3A_989 = tpu.vector_load_idx %arg5[%parallel_loop3A_988] : memref<32768xf32, #tpu.memory_space<vmem>>[vector<16xi32>], vector<16xf32>,
      %parallel_loop3A_990 = arith.constant 1 : i32
      %parallel_loop3A_991 = arith.constant 7 : i32
      %parallel_loop3A_992 = arith.index_cast %parallel_loop3A_990 : i32 to index
      %parallel_loop3A_993 = arith.index_cast %parallel_loop3A_75 : i32 to index
      %parallel_loop3A_994 = arith.index_cast %parallel_loop3A_991 : i32 to index
      %parallel_loop3A_995 = arith.constant 80 : index
      %parallel_loop3A_996 = tpu.vector_load %arg7[%parallel_loop3A_992, %parallel_loop3A_993, %parallel_loop3A_994, %parallel_loop3A_995] {strides = array<i32>} : memref<2x25x8x128xf32, #tpu.memory_space<vmem>>, vector<16xf32>,
      tpu.vector_store %arg7[%parallel_loop3A_992, %parallel_loop3A_993, %parallel_loop3A_994, %parallel_loop3A_995], %parallel_loop3A_989 {strides = array<i32>} : memref<2x25x8x128xf32, #tpu.memory_space<vmem>>, vector<16xf32>,
      %parallel_loop3A_997 = arith.constant 96 : i32
      %parallel_loop3A_998 = arith.addi %parallel_loop3A_78, %parallel_loop3A_997 : i32
      %parallel_loop3A_999 = arith.constant 3184 : i32
      %parallel_loop3A_1000 = arith.minsi %parallel_loop3A_998, %parallel_loop3A_999 : i32
      %parallel_loop3A_1001 = arith.index_cast %parallel_loop3A_1000 : i32 to index
      %parallel_loop3A_1002 = tpu.vector_load %arg6[%parallel_loop3A_1001] {strides = array<i32>} : memref<3200xi32, #tpu.memory_space<vmem>>, vector<16xi32>,
      %parallel_loop3A_1003 = arith.constant 16 : i32
      %parallel_loop3A_1004 = vector.broadcast %parallel_loop3A_1003 : i32 to vector<16xi32>
      %parallel_loop3A_1005 = arith.muli %parallel_loop3A_1002, %parallel_loop3A_1004 : vector<16xi32>
      %parallel_loop3A_1006 = arith.addi %parallel_loop3A_1005, %add3A_19 : vector<16xi32>
      %parallel_loop3A_1007 = tpu.vector_load_idx %arg5[%parallel_loop3A_1006] : memref<32768xf32, #tpu.memory_space<vmem>>[vector<16xi32>], vector<16xf32>,
      %parallel_loop3A_1008 = arith.constant 0 : i32
      %parallel_loop3A_1009 = arith.constant 0 : i32
      %parallel_loop3A_1010 = arith.index_cast %parallel_loop3A_1008 : i32 to index
      %parallel_loop3A_1011 = arith.index_cast %parallel_loop3A_75 : i32 to index
      %parallel_loop3A_1012 = arith.index_cast %parallel_loop3A_1009 : i32 to index
      %parallel_loop3A_1013 = arith.constant 96 : index
      %parallel_loop3A_1014 = tpu.vector_load %arg7[%parallel_loop3A_1010, %parallel_loop3A_1011, %parallel_loop3A_1012, %parallel_loop3A_1013] {strides = array<i32>} : memref<2x25x8x128xf32, #tpu.memory_space<vmem>>, vector<16xf32>,
      tpu.vector_store %arg7[%parallel_loop3A_1010, %parallel_loop3A_1011, %parallel_loop3A_1012, %parallel_loop3A_1013], %parallel_loop3A_1007 {strides = array<i32>} : memref<2x25x8x128xf32, #tpu.memory_space<vmem>>, vector<16xf32>,
      %parallel_loop3A_1015 = arith.addi %parallel_loop3A_1005, %add3A_22 : vector<16xi32>
      %parallel_loop3A_1016 = tpu.vector_load_idx %arg5[%parallel_loop3A_1015] : memref<32768xf32, #tpu.memory_space<vmem>>[vector<16xi32>], vector<16xf32>,
      %parallel_loop3A_1017 = arith.constant 0 : i32
      %parallel_loop3A_1018 = arith.constant 1 : i32
      %parallel_loop3A_1019 = arith.index_cast %parallel_loop3A_1017 : i32 to index
      %parallel_loop3A_1020 = arith.index_cast %parallel_loop3A_75 : i32 to index
      %parallel_loop3A_1021 = arith.index_cast %parallel_loop3A_1018 : i32 to index
      %parallel_loop3A_1022 = arith.constant 96 : index
      %parallel_loop3A_1023 = tpu.vector_load %arg7[%parallel_loop3A_1019, %parallel_loop3A_1020, %parallel_loop3A_1021, %parallel_loop3A_1022] {strides = array<i32>} : memref<2x25x8x128xf32, #tpu.memory_space<vmem>>, vector<16xf32>,
      tpu.vector_store %arg7[%parallel_loop3A_1019, %parallel_loop3A_1020, %parallel_loop3A_1021, %parallel_loop3A_1022], %parallel_loop3A_1016 {strides = array<i32>} : memref<2x25x8x128xf32, #tpu.memory_space<vmem>>, vector<16xf32>,
      %parallel_loop3A_1024 = arith.addi %parallel_loop3A_1005, %add3A_25 : vector<16xi32>
      %parallel_loop3A_1025 = tpu.vector_load_idx %arg5[%parallel_loop3A_1024] : memref<32768xf32, #tpu.memory_space<vmem>>[vector<16xi32>], vector<16xf32>,
      %parallel_loop3A_1026 = arith.constant 0 : i32
      %parallel_loop3A_1027 = arith.constant 2 : i32
      %parallel_loop3A_1028 = arith.index_cast %parallel_loop3A_1026 : i32 to index
      %parallel_loop3A_1029 = arith.index_cast %parallel_loop3A_75 : i32 to index
      %parallel_loop3A_1030 = arith.index_cast %parallel_loop3A_1027 : i32 to index
      %parallel_loop3A_1031 = arith.constant 96 : index
      %parallel_loop3A_1032 = tpu.vector_load %arg7[%parallel_loop3A_1028, %parallel_loop3A_1029, %parallel_loop3A_1030, %parallel_loop3A_1031] {strides = array<i32>} : memref<2x25x8x128xf32, #tpu.memory_space<vmem>>, vector<16xf32>,
      tpu.vector_store %arg7[%parallel_loop3A_1028, %parallel_loop3A_1029, %parallel_loop3A_1030, %parallel_loop3A_1031], %parallel_loop3A_1025 {strides = array<i32>} : memref<2x25x8x128xf32, #tpu.memory_space<vmem>>, vector<16xf32>,
      %parallel_loop3A_1033 = arith.addi %parallel_loop3A_1005, %add3A_28 : vector<16xi32>
      %parallel_loop3A_1034 = tpu.vector_load_idx %arg5[%parallel_loop3A_1033] : memref<32768xf32, #tpu.memory_space<vmem>>[vector<16xi32>], vector<16xf32>,
      %parallel_loop3A_1035 = arith.constant 0 : i32
      %parallel_loop3A_1036 = arith.constant 3 : i32
      %parallel_loop3A_1037 = arith.index_cast %parallel_loop3A_1035 : i32 to index
      %parallel_loop3A_1038 = arith.index_cast %parallel_loop3A_75 : i32 to index
      %parallel_loop3A_1039 = arith.index_cast %parallel_loop3A_1036 : i32 to index
      %parallel_loop3A_1040 = arith.constant 96 : index
      %parallel_loop3A_1041 = tpu.vector_load %arg7[%parallel_loop3A_1037, %parallel_loop3A_1038, %parallel_loop3A_1039, %parallel_loop3A_1040] {strides = array<i32>} : memref<2x25x8x128xf32, #tpu.memory_space<vmem>>, vector<16xf32>,
      tpu.vector_store %arg7[%parallel_loop3A_1037, %parallel_loop3A_1038, %parallel_loop3A_1039, %parallel_loop3A_1040], %parallel_loop3A_1034 {strides = array<i32>} : memref<2x25x8x128xf32, #tpu.memory_space<vmem>>, vector<16xf32>,
      %parallel_loop3A_1042 = arith.addi %parallel_loop3A_1005, %add3A_31 : vector<16xi32>
      %parallel_loop3A_1043 = tpu.vector_load_idx %arg5[%parallel_loop3A_1042] : memref<32768xf32, #tpu.memory_space<vmem>>[vector<16xi32>], vector<16xf32>,
      %parallel_loop3A_1044 = arith.constant 0 : i32
      %parallel_loop3A_1045 = arith.constant 4 : i32
      %parallel_loop3A_1046 = arith.index_cast %parallel_loop3A_1044 : i32 to index
      %parallel_loop3A_1047 = arith.index_cast %parallel_loop3A_75 : i32 to index
      %parallel_loop3A_1048 = arith.index_cast %parallel_loop3A_1045 : i32 to index
      %parallel_loop3A_1049 = arith.constant 96 : index
      %parallel_loop3A_1050 = tpu.vector_load %arg7[%parallel_loop3A_1046, %parallel_loop3A_1047, %parallel_loop3A_1048, %parallel_loop3A_1049] {strides = array<i32>} : memref<2x25x8x128xf32, #tpu.memory_space<vmem>>, vector<16xf32>,
      tpu.vector_store %arg7[%parallel_loop3A_1046, %parallel_loop3A_1047, %parallel_loop3A_1048, %parallel_loop3A_1049], %parallel_loop3A_1043 {strides = array<i32>} : memref<2x25x8x128xf32, #tpu.memory_space<vmem>>, vector<16xf32>,
      %parallel_loop3A_1051 = arith.addi %parallel_loop3A_1005, %add3A_34 : vector<16xi32>
      %parallel_loop3A_1052 = tpu.vector_load_idx %arg5[%parallel_loop3A_1051] : memref<32768xf32, #tpu.memory_space<vmem>>[vector<16xi32>], vector<16xf32>,
      %parallel_loop3A_1053 = arith.constant 0 : i32
      %parallel_loop3A_1054 = arith.constant 5 : i32
      %parallel_loop3A_1055 = arith.index_cast %parallel_loop3A_1053 : i32 to index
      %parallel_loop3A_1056 = arith.index_cast %parallel_loop3A_75 : i32 to index
      %parallel_loop3A_1057 = arith.index_cast %parallel_loop3A_1054 : i32 to index
      %parallel_loop3A_1058 = arith.constant 96 : index
      %parallel_loop3A_1059 = tpu.vector_load %arg7[%parallel_loop3A_1055, %parallel_loop3A_1056, %parallel_loop3A_1057, %parallel_loop3A_1058] {strides = array<i32>} : memref<2x25x8x128xf32, #tpu.memory_space<vmem>>, vector<16xf32>,
      tpu.vector_store %arg7[%parallel_loop3A_1055, %parallel_loop3A_1056, %parallel_loop3A_1057, %parallel_loop3A_1058], %parallel_loop3A_1052 {strides = array<i32>} : memref<2x25x8x128xf32, #tpu.memory_space<vmem>>, vector<16xf32>,
      %parallel_loop3A_1060 = arith.addi %parallel_loop3A_1005, %add3A_37 : vector<16xi32>
      %parallel_loop3A_1061 = tpu.vector_load_idx %arg5[%parallel_loop3A_1060] : memref<32768xf32, #tpu.memory_space<vmem>>[vector<16xi32>], vector<16xf32>,
      %parallel_loop3A_1062 = arith.constant 0 : i32
      %parallel_loop3A_1063 = arith.constant 6 : i32
      %parallel_loop3A_1064 = arith.index_cast %parallel_loop3A_1062 : i32 to index
      %parallel_loop3A_1065 = arith.index_cast %parallel_loop3A_75 : i32 to index
      %parallel_loop3A_1066 = arith.index_cast %parallel_loop3A_1063 : i32 to index
      %parallel_loop3A_1067 = arith.constant 96 : index
      %parallel_loop3A_1068 = tpu.vector_load %arg7[%parallel_loop3A_1064, %parallel_loop3A_1065, %parallel_loop3A_1066, %parallel_loop3A_1067] {strides = array<i32>} : memref<2x25x8x128xf32, #tpu.memory_space<vmem>>, vector<16xf32>,
      tpu.vector_store %arg7[%parallel_loop3A_1064, %parallel_loop3A_1065, %parallel_loop3A_1066, %parallel_loop3A_1067], %parallel_loop3A_1061 {strides = array<i32>} : memref<2x25x8x128xf32, #tpu.memory_space<vmem>>, vector<16xf32>,
      %parallel_loop3A_1069 = arith.addi %parallel_loop3A_1005, %add3A_40 : vector<16xi32>
      %parallel_loop3A_1070 = tpu.vector_load_idx %arg5[%parallel_loop3A_1069] : memref<32768xf32, #tpu.memory_space<vmem>>[vector<16xi32>], vector<16xf32>,
      %parallel_loop3A_1071 = arith.constant 0 : i32
      %parallel_loop3A_1072 = arith.constant 7 : i32
      %parallel_loop3A_1073 = arith.index_cast %parallel_loop3A_1071 : i32 to index
      %parallel_loop3A_1074 = arith.index_cast %parallel_loop3A_75 : i32 to index
      %parallel_loop3A_1075 = arith.index_cast %parallel_loop3A_1072 : i32 to index
      %parallel_loop3A_1076 = arith.constant 96 : index
      %parallel_loop3A_1077 = tpu.vector_load %arg7[%parallel_loop3A_1073, %parallel_loop3A_1074, %parallel_loop3A_1075, %parallel_loop3A_1076] {strides = array<i32>} : memref<2x25x8x128xf32, #tpu.memory_space<vmem>>, vector<16xf32>,
      tpu.vector_store %arg7[%parallel_loop3A_1073, %parallel_loop3A_1074, %parallel_loop3A_1075, %parallel_loop3A_1076], %parallel_loop3A_1070 {strides = array<i32>} : memref<2x25x8x128xf32, #tpu.memory_space<vmem>>, vector<16xf32>,
      %parallel_loop3A_1078 = arith.addi %parallel_loop3A_1005, %add3A_43 : vector<16xi32>
      %parallel_loop3A_1079 = tpu.vector_load_idx %arg5[%parallel_loop3A_1078] : memref<32768xf32, #tpu.memory_space<vmem>>[vector<16xi32>], vector<16xf32>,
      %parallel_loop3A_1080 = arith.constant 1 : i32
      %parallel_loop3A_1081 = arith.constant 0 : i32
      %parallel_loop3A_1082 = arith.index_cast %parallel_loop3A_1080 : i32 to index
      %parallel_loop3A_1083 = arith.index_cast %parallel_loop3A_75 : i32 to index
      %parallel_loop3A_1084 = arith.index_cast %parallel_loop3A_1081 : i32 to index
      %parallel_loop3A_1085 = arith.constant 96 : index
      %parallel_loop3A_1086 = tpu.vector_load %arg7[%parallel_loop3A_1082, %parallel_loop3A_1083, %parallel_loop3A_1084, %parallel_loop3A_1085] {strides = array<i32>} : memref<2x25x8x128xf32, #tpu.memory_space<vmem>>, vector<16xf32>,
      tpu.vector_store %arg7[%parallel_loop3A_1082, %parallel_loop3A_1083, %parallel_loop3A_1084, %parallel_loop3A_1085], %parallel_loop3A_1079 {strides = array<i32>} : memref<2x25x8x128xf32, #tpu.memory_space<vmem>>, vector<16xf32>,
      %parallel_loop3A_1087 = arith.addi %parallel_loop3A_1005, %add3A_46 : vector<16xi32>
      %parallel_loop3A_1088 = tpu.vector_load_idx %arg5[%parallel_loop3A_1087] : memref<32768xf32, #tpu.memory_space<vmem>>[vector<16xi32>], vector<16xf32>,
      %parallel_loop3A_1089 = arith.constant 1 : i32
      %parallel_loop3A_1090 = arith.constant 1 : i32
      %parallel_loop3A_1091 = arith.index_cast %parallel_loop3A_1089 : i32 to index
      %parallel_loop3A_1092 = arith.index_cast %parallel_loop3A_75 : i32 to index
      %parallel_loop3A_1093 = arith.index_cast %parallel_loop3A_1090 : i32 to index
      %parallel_loop3A_1094 = arith.constant 96 : index
      %parallel_loop3A_1095 = tpu.vector_load %arg7[%parallel_loop3A_1091, %parallel_loop3A_1092, %parallel_loop3A_1093, %parallel_loop3A_1094] {strides = array<i32>} : memref<2x25x8x128xf32, #tpu.memory_space<vmem>>, vector<16xf32>,
      tpu.vector_store %arg7[%parallel_loop3A_1091, %parallel_loop3A_1092, %parallel_loop3A_1093, %parallel_loop3A_1094], %parallel_loop3A_1088 {strides = array<i32>} : memref<2x25x8x128xf32, #tpu.memory_space<vmem>>, vector<16xf32>,
      %parallel_loop3A_1096 = arith.addi %parallel_loop3A_1005, %add3A_49 : vector<16xi32>
      %parallel_loop3A_1097 = tpu.vector_load_idx %arg5[%parallel_loop3A_1096] : memref<32768xf32, #tpu.memory_space<vmem>>[vector<16xi32>], vector<16xf32>,
      %parallel_loop3A_1098 = arith.constant 1 : i32
      %parallel_loop3A_1099 = arith.constant 2 : i32
      %parallel_loop3A_1100 = arith.index_cast %parallel_loop3A_1098 : i32 to index
      %parallel_loop3A_1101 = arith.index_cast %parallel_loop3A_75 : i32 to index
      %parallel_loop3A_1102 = arith.index_cast %parallel_loop3A_1099 : i32 to index
      %parallel_loop3A_1103 = arith.constant 96 : index
      %parallel_loop3A_1104 = tpu.vector_load %arg7[%parallel_loop3A_1100, %parallel_loop3A_1101, %parallel_loop3A_1102, %parallel_loop3A_1103] {strides = array<i32>} : memref<2x25x8x128xf32, #tpu.memory_space<vmem>>, vector<16xf32>,
      tpu.vector_store %arg7[%parallel_loop3A_1100, %parallel_loop3A_1101, %parallel_loop3A_1102, %parallel_loop3A_1103], %parallel_loop3A_1097 {strides = array<i32>} : memref<2x25x8x128xf32, #tpu.memory_space<vmem>>, vector<16xf32>,
      %parallel_loop3A_1105 = arith.addi %parallel_loop3A_1005, %add3A_52 : vector<16xi32>
      %parallel_loop3A_1106 = tpu.vector_load_idx %arg5[%parallel_loop3A_1105] : memref<32768xf32, #tpu.memory_space<vmem>>[vector<16xi32>], vector<16xf32>,
      %parallel_loop3A_1107 = arith.constant 1 : i32
      %parallel_loop3A_1108 = arith.constant 3 : i32
      %parallel_loop3A_1109 = arith.index_cast %parallel_loop3A_1107 : i32 to index
      %parallel_loop3A_1110 = arith.index_cast %parallel_loop3A_75 : i32 to index
      %parallel_loop3A_1111 = arith.index_cast %parallel_loop3A_1108 : i32 to index
      %parallel_loop3A_1112 = arith.constant 96 : index
      %parallel_loop3A_1113 = tpu.vector_load %arg7[%parallel_loop3A_1109, %parallel_loop3A_1110, %parallel_loop3A_1111, %parallel_loop3A_1112] {strides = array<i32>} : memref<2x25x8x128xf32, #tpu.memory_space<vmem>>, vector<16xf32>,
      tpu.vector_store %arg7[%parallel_loop3A_1109, %parallel_loop3A_1110, %parallel_loop3A_1111, %parallel_loop3A_1112], %parallel_loop3A_1106 {strides = array<i32>} : memref<2x25x8x128xf32, #tpu.memory_space<vmem>>, vector<16xf32>,
      %parallel_loop3A_1114 = arith.addi %parallel_loop3A_1005, %add3A_55 : vector<16xi32>
      %parallel_loop3A_1115 = tpu.vector_load_idx %arg5[%parallel_loop3A_1114] : memref<32768xf32, #tpu.memory_space<vmem>>[vector<16xi32>], vector<16xf32>,
      %parallel_loop3A_1116 = arith.constant 1 : i32
      %parallel_loop3A_1117 = arith.constant 4 : i32
      %parallel_loop3A_1118 = arith.index_cast %parallel_loop3A_1116 : i32 to index
      %parallel_loop3A_1119 = arith.index_cast %parallel_loop3A_75 : i32 to index
      %parallel_loop3A_1120 = arith.index_cast %parallel_loop3A_1117 : i32 to index
      %parallel_loop3A_1121 = arith.constant 96 : index
      %parallel_loop3A_1122 = tpu.vector_load %arg7[%parallel_loop3A_1118, %parallel_loop3A_1119, %parallel_loop3A_1120, %parallel_loop3A_1121] {strides = array<i32>} : memref<2x25x8x128xf32, #tpu.memory_space<vmem>>, vector<16xf32>,
      tpu.vector_store %arg7[%parallel_loop3A_1118, %parallel_loop3A_1119, %parallel_loop3A_1120, %parallel_loop3A_1121], %parallel_loop3A_1115 {strides = array<i32>} : memref<2x25x8x128xf32, #tpu.memory_space<vmem>>, vector<16xf32>,
      %parallel_loop3A_1123 = arith.addi %parallel_loop3A_1005, %add3A_58 : vector<16xi32>
      %parallel_loop3A_1124 = tpu.vector_load_idx %arg5[%parallel_loop3A_1123] : memref<32768xf32, #tpu.memory_space<vmem>>[vector<16xi32>], vector<16xf32>,
      %parallel_loop3A_1125 = arith.constant 1 : i32
      %parallel_loop3A_1126 = arith.constant 5 : i32
      %parallel_loop3A_1127 = arith.index_cast %parallel_loop3A_1125 : i32 to index
      %parallel_loop3A_1128 = arith.index_cast %parallel_loop3A_75 : i32 to index
      %parallel_loop3A_1129 = arith.index_cast %parallel_loop3A_1126 : i32 to index
      %parallel_loop3A_1130 = arith.constant 96 : index
      %parallel_loop3A_1131 = tpu.vector_load %arg7[%parallel_loop3A_1127, %parallel_loop3A_1128, %parallel_loop3A_1129, %parallel_loop3A_1130] {strides = array<i32>} : memref<2x25x8x128xf32, #tpu.memory_space<vmem>>, vector<16xf32>,
      tpu.vector_store %arg7[%parallel_loop3A_1127, %parallel_loop3A_1128, %parallel_loop3A_1129, %parallel_loop3A_1130], %parallel_loop3A_1124 {strides = array<i32>} : memref<2x25x8x128xf32, #tpu.memory_space<vmem>>, vector<16xf32>,
      %parallel_loop3A_1132 = arith.addi %parallel_loop3A_1005, %add3A_61 : vector<16xi32>
      %parallel_loop3A_1133 = tpu.vector_load_idx %arg5[%parallel_loop3A_1132] : memref<32768xf32, #tpu.memory_space<vmem>>[vector<16xi32>], vector<16xf32>,
      %parallel_loop3A_1134 = arith.constant 1 : i32
      %parallel_loop3A_1135 = arith.constant 6 : i32
      %parallel_loop3A_1136 = arith.index_cast %parallel_loop3A_1134 : i32 to index
      %parallel_loop3A_1137 = arith.index_cast %parallel_loop3A_75 : i32 to index
      %parallel_loop3A_1138 = arith.index_cast %parallel_loop3A_1135 : i32 to index
      %parallel_loop3A_1139 = arith.constant 96 : index
      %parallel_loop3A_1140 = tpu.vector_load %arg7[%parallel_loop3A_1136, %parallel_loop3A_1137, %parallel_loop3A_1138, %parallel_loop3A_1139] {strides = array<i32>} : memref<2x25x8x128xf32, #tpu.memory_space<vmem>>, vector<16xf32>,
      tpu.vector_store %arg7[%parallel_loop3A_1136, %parallel_loop3A_1137, %parallel_loop3A_1138, %parallel_loop3A_1139], %parallel_loop3A_1133 {strides = array<i32>} : memref<2x25x8x128xf32, #tpu.memory_space<vmem>>, vector<16xf32>,
      %parallel_loop3A_1141 = arith.addi %parallel_loop3A_1005, %add3A_64 : vector<16xi32>
      %parallel_loop3A_1142 = tpu.vector_load_idx %arg5[%parallel_loop3A_1141] : memref<32768xf32, #tpu.memory_space<vmem>>[vector<16xi32>], vector<16xf32>,
      %parallel_loop3A_1143 = arith.constant 1 : i32
      %parallel_loop3A_1144 = arith.constant 7 : i32
      %parallel_loop3A_1145 = arith.index_cast %parallel_loop3A_1143 : i32 to index
      %parallel_loop3A_1146 = arith.index_cast %parallel_loop3A_75 : i32 to index
      %parallel_loop3A_1147 = arith.index_cast %parallel_loop3A_1144 : i32 to index
      %parallel_loop3A_1148 = arith.constant 96 : index
      %parallel_loop3A_1149 = tpu.vector_load %arg7[%parallel_loop3A_1145, %parallel_loop3A_1146, %parallel_loop3A_1147, %parallel_loop3A_1148] {strides = array<i32>} : memref<2x25x8x128xf32, #tpu.memory_space<vmem>>, vector<16xf32>,
      tpu.vector_store %arg7[%parallel_loop3A_1145, %parallel_loop3A_1146, %parallel_loop3A_1147, %parallel_loop3A_1148], %parallel_loop3A_1142 {strides = array<i32>} : memref<2x25x8x128xf32, #tpu.memory_space<vmem>>, vector<16xf32>,
      %parallel_loop3A_1150 = arith.constant 112 : i32
      %parallel_loop3A_1151 = arith.addi %parallel_loop3A_78, %parallel_loop3A_1150 : i32
      %parallel_loop3A_1152 = arith.constant 3184 : i32
      %parallel_loop3A_1153 = arith.minsi %parallel_loop3A_1151, %parallel_loop3A_1152 : i32
      %parallel_loop3A_1154 = arith.index_cast %parallel_loop3A_1153 : i32 to index
      %parallel_loop3A_1155 = tpu.vector_load %arg6[%parallel_loop3A_1154] {strides = array<i32>} : memref<3200xi32, #tpu.memory_space<vmem>>, vector<16xi32>,
      %parallel_loop3A_1156 = arith.constant 16 : i32
      %parallel_loop3A_1157 = vector.broadcast %parallel_loop3A_1156 : i32 to vector<16xi32>
      %parallel_loop3A_1158 = arith.muli %parallel_loop3A_1155, %parallel_loop3A_1157 : vector<16xi32>
      %parallel_loop3A_1159 = arith.addi %parallel_loop3A_1158, %add3A_19 : vector<16xi32>
      %parallel_loop3A_1160 = tpu.vector_load_idx %arg5[%parallel_loop3A_1159] : memref<32768xf32, #tpu.memory_space<vmem>>[vector<16xi32>], vector<16xf32>,
      %parallel_loop3A_1161 = arith.constant 0 : i32
      %parallel_loop3A_1162 = arith.constant 0 : i32
      %parallel_loop3A_1163 = arith.index_cast %parallel_loop3A_1161 : i32 to index
      %parallel_loop3A_1164 = arith.index_cast %parallel_loop3A_75 : i32 to index
      %parallel_loop3A_1165 = arith.index_cast %parallel_loop3A_1162 : i32 to index
      %parallel_loop3A_1166 = arith.constant 112 : index
      %parallel_loop3A_1167 = tpu.vector_load %arg7[%parallel_loop3A_1163, %parallel_loop3A_1164, %parallel_loop3A_1165, %parallel_loop3A_1166] {strides = array<i32>} : memref<2x25x8x128xf32, #tpu.memory_space<vmem>>, vector<16xf32>,
      tpu.vector_store %arg7[%parallel_loop3A_1163, %parallel_loop3A_1164, %parallel_loop3A_1165, %parallel_loop3A_1166], %parallel_loop3A_1160 {strides = array<i32>} : memref<2x25x8x128xf32, #tpu.memory_space<vmem>>, vector<16xf32>,
      %parallel_loop3A_1168 = arith.addi %parallel_loop3A_1158, %add3A_22 : vector<16xi32>
      %parallel_loop3A_1169 = tpu.vector_load_idx %arg5[%parallel_loop3A_1168] : memref<32768xf32, #tpu.memory_space<vmem>>[vector<16xi32>], vector<16xf32>,
      %parallel_loop3A_1170 = arith.constant 0 : i32
      %parallel_loop3A_1171 = arith.constant 1 : i32
      %parallel_loop3A_1172 = arith.index_cast %parallel_loop3A_1170 : i32 to index
      %parallel_loop3A_1173 = arith.index_cast %parallel_loop3A_75 : i32 to index
      %parallel_loop3A_1174 = arith.index_cast %parallel_loop3A_1171 : i32 to index
      %parallel_loop3A_1175 = arith.constant 112 : index
      %parallel_loop3A_1176 = tpu.vector_load %arg7[%parallel_loop3A_1172, %parallel_loop3A_1173, %parallel_loop3A_1174, %parallel_loop3A_1175] {strides = array<i32>} : memref<2x25x8x128xf32, #tpu.memory_space<vmem>>, vector<16xf32>,
      tpu.vector_store %arg7[%parallel_loop3A_1172, %parallel_loop3A_1173, %parallel_loop3A_1174, %parallel_loop3A_1175], %parallel_loop3A_1169 {strides = array<i32>} : memref<2x25x8x128xf32, #tpu.memory_space<vmem>>, vector<16xf32>,
      %parallel_loop3A_1177 = arith.addi %parallel_loop3A_1158, %add3A_25 : vector<16xi32>
      %parallel_loop3A_1178 = tpu.vector_load_idx %arg5[%parallel_loop3A_1177] : memref<32768xf32, #tpu.memory_space<vmem>>[vector<16xi32>], vector<16xf32>,
      %parallel_loop3A_1179 = arith.constant 0 : i32
      %parallel_loop3A_1180 = arith.constant 2 : i32
      %parallel_loop3A_1181 = arith.index_cast %parallel_loop3A_1179 : i32 to index
      %parallel_loop3A_1182 = arith.index_cast %parallel_loop3A_75 : i32 to index
      %parallel_loop3A_1183 = arith.index_cast %parallel_loop3A_1180 : i32 to index
      %parallel_loop3A_1184 = arith.constant 112 : index
      %parallel_loop3A_1185 = tpu.vector_load %arg7[%parallel_loop3A_1181, %parallel_loop3A_1182, %parallel_loop3A_1183, %parallel_loop3A_1184] {strides = array<i32>} : memref<2x25x8x128xf32, #tpu.memory_space<vmem>>, vector<16xf32>,
      tpu.vector_store %arg7[%parallel_loop3A_1181, %parallel_loop3A_1182, %parallel_loop3A_1183, %parallel_loop3A_1184], %parallel_loop3A_1178 {strides = array<i32>} : memref<2x25x8x128xf32, #tpu.memory_space<vmem>>, vector<16xf32>,
      %parallel_loop3A_1186 = arith.addi %parallel_loop3A_1158, %add3A_28 : vector<16xi32>
      %parallel_loop3A_1187 = tpu.vector_load_idx %arg5[%parallel_loop3A_1186] : memref<32768xf32, #tpu.memory_space<vmem>>[vector<16xi32>], vector<16xf32>,
      %parallel_loop3A_1188 = arith.constant 0 : i32
      %parallel_loop3A_1189 = arith.constant 3 : i32
      %parallel_loop3A_1190 = arith.index_cast %parallel_loop3A_1188 : i32 to index
      %parallel_loop3A_1191 = arith.index_cast %parallel_loop3A_75 : i32 to index
      %parallel_loop3A_1192 = arith.index_cast %parallel_loop3A_1189 : i32 to index
      %parallel_loop3A_1193 = arith.constant 112 : index
      %parallel_loop3A_1194 = tpu.vector_load %arg7[%parallel_loop3A_1190, %parallel_loop3A_1191, %parallel_loop3A_1192, %parallel_loop3A_1193] {strides = array<i32>} : memref<2x25x8x128xf32, #tpu.memory_space<vmem>>, vector<16xf32>,
      tpu.vector_store %arg7[%parallel_loop3A_1190, %parallel_loop3A_1191, %parallel_loop3A_1192, %parallel_loop3A_1193], %parallel_loop3A_1187 {strides = array<i32>} : memref<2x25x8x128xf32, #tpu.memory_space<vmem>>, vector<16xf32>,
      %parallel_loop3A_1195 = arith.addi %parallel_loop3A_1158, %add3A_31 : vector<16xi32>
      %parallel_loop3A_1196 = tpu.vector_load_idx %arg5[%parallel_loop3A_1195] : memref<32768xf32, #tpu.memory_space<vmem>>[vector<16xi32>], vector<16xf32>,
      %parallel_loop3A_1197 = arith.constant 0 : i32
      %parallel_loop3A_1198 = arith.constant 4 : i32
      %parallel_loop3A_1199 = arith.index_cast %parallel_loop3A_1197 : i32 to index
      %parallel_loop3A_1200 = arith.index_cast %parallel_loop3A_75 : i32 to index
      %parallel_loop3A_1201 = arith.index_cast %parallel_loop3A_1198 : i32 to index
      %parallel_loop3A_1202 = arith.constant 112 : index
      %parallel_loop3A_1203 = tpu.vector_load %arg7[%parallel_loop3A_1199, %parallel_loop3A_1200, %parallel_loop3A_1201, %parallel_loop3A_1202] {strides = array<i32>} : memref<2x25x8x128xf32, #tpu.memory_space<vmem>>, vector<16xf32>,
      tpu.vector_store %arg7[%parallel_loop3A_1199, %parallel_loop3A_1200, %parallel_loop3A_1201, %parallel_loop3A_1202], %parallel_loop3A_1196 {strides = array<i32>} : memref<2x25x8x128xf32, #tpu.memory_space<vmem>>, vector<16xf32>,
      %parallel_loop3A_1204 = arith.addi %parallel_loop3A_1158, %add3A_34 : vector<16xi32>
      %parallel_loop3A_1205 = tpu.vector_load_idx %arg5[%parallel_loop3A_1204] : memref<32768xf32, #tpu.memory_space<vmem>>[vector<16xi32>], vector<16xf32>,
      %parallel_loop3A_1206 = arith.constant 0 : i32
      %parallel_loop3A_1207 = arith.constant 5 : i32
      %parallel_loop3A_1208 = arith.index_cast %parallel_loop3A_1206 : i32 to index
      %parallel_loop3A_1209 = arith.index_cast %parallel_loop3A_75 : i32 to index
      %parallel_loop3A_1210 = arith.index_cast %parallel_loop3A_1207 : i32 to index
      %parallel_loop3A_1211 = arith.constant 112 : index
      %parallel_loop3A_1212 = tpu.vector_load %arg7[%parallel_loop3A_1208, %parallel_loop3A_1209, %parallel_loop3A_1210, %parallel_loop3A_1211] {strides = array<i32>} : memref<2x25x8x128xf32, #tpu.memory_space<vmem>>, vector<16xf32>,
      tpu.vector_store %arg7[%parallel_loop3A_1208, %parallel_loop3A_1209, %parallel_loop3A_1210, %parallel_loop3A_1211], %parallel_loop3A_1205 {strides = array<i32>} : memref<2x25x8x128xf32, #tpu.memory_space<vmem>>, vector<16xf32>,
      %parallel_loop3A_1213 = arith.addi %parallel_loop3A_1158, %add3A_37 : vector<16xi32>
      %parallel_loop3A_1214 = tpu.vector_load_idx %arg5[%parallel_loop3A_1213] : memref<32768xf32, #tpu.memory_space<vmem>>[vector<16xi32>], vector<16xf32>,
      %parallel_loop3A_1215 = arith.constant 0 : i32
      %parallel_loop3A_1216 = arith.constant 6 : i32
      %parallel_loop3A_1217 = arith.index_cast %parallel_loop3A_1215 : i32 to index
      %parallel_loop3A_1218 = arith.index_cast %parallel_loop3A_75 : i32 to index
      %parallel_loop3A_1219 = arith.index_cast %parallel_loop3A_1216 : i32 to index
      %parallel_loop3A_1220 = arith.constant 112 : index
      %parallel_loop3A_1221 = tpu.vector_load %arg7[%parallel_loop3A_1217, %parallel_loop3A_1218, %parallel_loop3A_1219, %parallel_loop3A_1220] {strides = array<i32>} : memref<2x25x8x128xf32, #tpu.memory_space<vmem>>, vector<16xf32>,
      tpu.vector_store %arg7[%parallel_loop3A_1217, %parallel_loop3A_1218, %parallel_loop3A_1219, %parallel_loop3A_1220], %parallel_loop3A_1214 {strides = array<i32>} : memref<2x25x8x128xf32, #tpu.memory_space<vmem>>, vector<16xf32>,
      %parallel_loop3A_1222 = arith.addi %parallel_loop3A_1158, %add3A_40 : vector<16xi32>
      %parallel_loop3A_1223 = tpu.vector_load_idx %arg5[%parallel_loop3A_1222] : memref<32768xf32, #tpu.memory_space<vmem>>[vector<16xi32>], vector<16xf32>,
      %parallel_loop3A_1224 = arith.constant 0 : i32
      %parallel_loop3A_1225 = arith.constant 7 : i32
      %parallel_loop3A_1226 = arith.index_cast %parallel_loop3A_1224 : i32 to index
      %parallel_loop3A_1227 = arith.index_cast %parallel_loop3A_75 : i32 to index
      %parallel_loop3A_1228 = arith.index_cast %parallel_loop3A_1225 : i32 to index
      %parallel_loop3A_1229 = arith.constant 112 : index
      %parallel_loop3A_1230 = tpu.vector_load %arg7[%parallel_loop3A_1226, %parallel_loop3A_1227, %parallel_loop3A_1228, %parallel_loop3A_1229] {strides = array<i32>} : memref<2x25x8x128xf32, #tpu.memory_space<vmem>>, vector<16xf32>,
      tpu.vector_store %arg7[%parallel_loop3A_1226, %parallel_loop3A_1227, %parallel_loop3A_1228, %parallel_loop3A_1229], %parallel_loop3A_1223 {strides = array<i32>} : memref<2x25x8x128xf32, #tpu.memory_space<vmem>>, vector<16xf32>,
      %parallel_loop3A_1231 = arith.addi %parallel_loop3A_1158, %add3A_43 : vector<16xi32>
      %parallel_loop3A_1232 = tpu.vector_load_idx %arg5[%parallel_loop3A_1231] : memref<32768xf32, #tpu.memory_space<vmem>>[vector<16xi32>], vector<16xf32>,
      %parallel_loop3A_1233 = arith.constant 1 : i32
      %parallel_loop3A_1234 = arith.constant 0 : i32
      %parallel_loop3A_1235 = arith.index_cast %parallel_loop3A_1233 : i32 to index
      %parallel_loop3A_1236 = arith.index_cast %parallel_loop3A_75 : i32 to index
      %parallel_loop3A_1237 = arith.index_cast %parallel_loop3A_1234 : i32 to index
      %parallel_loop3A_1238 = arith.constant 112 : index
      %parallel_loop3A_1239 = tpu.vector_load %arg7[%parallel_loop3A_1235, %parallel_loop3A_1236, %parallel_loop3A_1237, %parallel_loop3A_1238] {strides = array<i32>} : memref<2x25x8x128xf32, #tpu.memory_space<vmem>>, vector<16xf32>,
      tpu.vector_store %arg7[%parallel_loop3A_1235, %parallel_loop3A_1236, %parallel_loop3A_1237, %parallel_loop3A_1238], %parallel_loop3A_1232 {strides = array<i32>} : memref<2x25x8x128xf32, #tpu.memory_space<vmem>>, vector<16xf32>,
      %parallel_loop3A_1240 = arith.addi %parallel_loop3A_1158, %add3A_46 : vector<16xi32>
      %parallel_loop3A_1241 = tpu.vector_load_idx %arg5[%parallel_loop3A_1240] : memref<32768xf32, #tpu.memory_space<vmem>>[vector<16xi32>], vector<16xf32>,
      %parallel_loop3A_1242 = arith.constant 1 : i32
      %parallel_loop3A_1243 = arith.constant 1 : i32
      %parallel_loop3A_1244 = arith.index_cast %parallel_loop3A_1242 : i32 to index
      %parallel_loop3A_1245 = arith.index_cast %parallel_loop3A_75 : i32 to index
      %parallel_loop3A_1246 = arith.index_cast %parallel_loop3A_1243 : i32 to index
      %parallel_loop3A_1247 = arith.constant 112 : index
      %parallel_loop3A_1248 = tpu.vector_load %arg7[%parallel_loop3A_1244, %parallel_loop3A_1245, %parallel_loop3A_1246, %parallel_loop3A_1247] {strides = array<i32>} : memref<2x25x8x128xf32, #tpu.memory_space<vmem>>, vector<16xf32>,
      tpu.vector_store %arg7[%parallel_loop3A_1244, %parallel_loop3A_1245, %parallel_loop3A_1246, %parallel_loop3A_1247], %parallel_loop3A_1241 {strides = array<i32>} : memref<2x25x8x128xf32, #tpu.memory_space<vmem>>, vector<16xf32>,
      %parallel_loop3A_1249 = arith.addi %parallel_loop3A_1158, %add3A_49 : vector<16xi32>
      %parallel_loop3A_1250 = tpu.vector_load_idx %arg5[%parallel_loop3A_1249] : memref<32768xf32, #tpu.memory_space<vmem>>[vector<16xi32>], vector<16xf32>,
      %parallel_loop3A_1251 = arith.constant 1 : i32
      %parallel_loop3A_1252 = arith.constant 2 : i32
      %parallel_loop3A_1253 = arith.index_cast %parallel_loop3A_1251 : i32 to index
      %parallel_loop3A_1254 = arith.index_cast %parallel_loop3A_75 : i32 to index
      %parallel_loop3A_1255 = arith.index_cast %parallel_loop3A_1252 : i32 to index
      %parallel_loop3A_1256 = arith.constant 112 : index
      %parallel_loop3A_1257 = tpu.vector_load %arg7[%parallel_loop3A_1253, %parallel_loop3A_1254, %parallel_loop3A_1255, %parallel_loop3A_1256] {strides = array<i32>} : memref<2x25x8x128xf32, #tpu.memory_space<vmem>>, vector<16xf32>,
      tpu.vector_store %arg7[%parallel_loop3A_1253, %parallel_loop3A_1254, %parallel_loop3A_1255, %parallel_loop3A_1256], %parallel_loop3A_1250 {strides = array<i32>} : memref<2x25x8x128xf32, #tpu.memory_space<vmem>>, vector<16xf32>,
      %parallel_loop3A_1258 = arith.addi %parallel_loop3A_1158, %add3A_52 : vector<16xi32>
      %parallel_loop3A_1259 = tpu.vector_load_idx %arg5[%parallel_loop3A_1258] : memref<32768xf32, #tpu.memory_space<vmem>>[vector<16xi32>], vector<16xf32>,
      %parallel_loop3A_1260 = arith.constant 1 : i32
      %parallel_loop3A_1261 = arith.constant 3 : i32
      %parallel_loop3A_1262 = arith.index_cast %parallel_loop3A_1260 : i32 to index
      %parallel_loop3A_1263 = arith.index_cast %parallel_loop3A_75 : i32 to index
      %parallel_loop3A_1264 = arith.index_cast %parallel_loop3A_1261 : i32 to index
      %parallel_loop3A_1265 = arith.constant 112 : index
      %parallel_loop3A_1266 = tpu.vector_load %arg7[%parallel_loop3A_1262, %parallel_loop3A_1263, %parallel_loop3A_1264, %parallel_loop3A_1265] {strides = array<i32>} : memref<2x25x8x128xf32, #tpu.memory_space<vmem>>, vector<16xf32>,
      tpu.vector_store %arg7[%parallel_loop3A_1262, %parallel_loop3A_1263, %parallel_loop3A_1264, %parallel_loop3A_1265], %parallel_loop3A_1259 {strides = array<i32>} : memref<2x25x8x128xf32, #tpu.memory_space<vmem>>, vector<16xf32>,
      %parallel_loop3A_1267 = arith.addi %parallel_loop3A_1158, %add3A_55 : vector<16xi32>
      %parallel_loop3A_1268 = tpu.vector_load_idx %arg5[%parallel_loop3A_1267] : memref<32768xf32, #tpu.memory_space<vmem>>[vector<16xi32>], vector<16xf32>,
      %parallel_loop3A_1269 = arith.constant 1 : i32
      %parallel_loop3A_1270 = arith.constant 4 : i32
      %parallel_loop3A_1271 = arith.index_cast %parallel_loop3A_1269 : i32 to index
      %parallel_loop3A_1272 = arith.index_cast %parallel_loop3A_75 : i32 to index
      %parallel_loop3A_1273 = arith.index_cast %parallel_loop3A_1270 : i32 to index
      %parallel_loop3A_1274 = arith.constant 112 : index
      %parallel_loop3A_1275 = tpu.vector_load %arg7[%parallel_loop3A_1271, %parallel_loop3A_1272, %parallel_loop3A_1273, %parallel_loop3A_1274] {strides = array<i32>} : memref<2x25x8x128xf32, #tpu.memory_space<vmem>>, vector<16xf32>,
      tpu.vector_store %arg7[%parallel_loop3A_1271, %parallel_loop3A_1272, %parallel_loop3A_1273, %parallel_loop3A_1274], %parallel_loop3A_1268 {strides = array<i32>} : memref<2x25x8x128xf32, #tpu.memory_space<vmem>>, vector<16xf32>,
      %parallel_loop3A_1276 = arith.addi %parallel_loop3A_1158, %add3A_58 : vector<16xi32>
      %parallel_loop3A_1277 = tpu.vector_load_idx %arg5[%parallel_loop3A_1276] : memref<32768xf32, #tpu.memory_space<vmem>>[vector<16xi32>], vector<16xf32>,
      %parallel_loop3A_1278 = arith.constant 1 : i32
      %parallel_loop3A_1279 = arith.constant 5 : i32
      %parallel_loop3A_1280 = arith.index_cast %parallel_loop3A_1278 : i32 to index
      %parallel_loop3A_1281 = arith.index_cast %parallel_loop3A_75 : i32 to index
      %parallel_loop3A_1282 = arith.index_cast %parallel_loop3A_1279 : i32 to index
      %parallel_loop3A_1283 = arith.constant 112 : index
      %parallel_loop3A_1284 = tpu.vector_load %arg7[%parallel_loop3A_1280, %parallel_loop3A_1281, %parallel_loop3A_1282, %parallel_loop3A_1283] {strides = array<i32>} : memref<2x25x8x128xf32, #tpu.memory_space<vmem>>, vector<16xf32>,
      tpu.vector_store %arg7[%parallel_loop3A_1280, %parallel_loop3A_1281, %parallel_loop3A_1282, %parallel_loop3A_1283], %parallel_loop3A_1277 {strides = array<i32>} : memref<2x25x8x128xf32, #tpu.memory_space<vmem>>, vector<16xf32>,
      %parallel_loop3A_1285 = arith.addi %parallel_loop3A_1158, %add3A_61 : vector<16xi32>
      %parallel_loop3A_1286 = tpu.vector_load_idx %arg5[%parallel_loop3A_1285] : memref<32768xf32, #tpu.memory_space<vmem>>[vector<16xi32>], vector<16xf32>,
      %parallel_loop3A_1287 = arith.constant 1 : i32
      %parallel_loop3A_1288 = arith.constant 6 : i32
      %parallel_loop3A_1289 = arith.index_cast %parallel_loop3A_1287 : i32 to index
      %parallel_loop3A_1290 = arith.index_cast %parallel_loop3A_75 : i32 to index
      %parallel_loop3A_1291 = arith.index_cast %parallel_loop3A_1288 : i32 to index
      %parallel_loop3A_1292 = arith.constant 112 : index
      %parallel_loop3A_1293 = tpu.vector_load %arg7[%parallel_loop3A_1289, %parallel_loop3A_1290, %parallel_loop3A_1291, %parallel_loop3A_1292] {strides = array<i32>} : memref<2x25x8x128xf32, #tpu.memory_space<vmem>>, vector<16xf32>,
      tpu.vector_store %arg7[%parallel_loop3A_1289, %parallel_loop3A_1290, %parallel_loop3A_1291, %parallel_loop3A_1292], %parallel_loop3A_1286 {strides = array<i32>} : memref<2x25x8x128xf32, #tpu.memory_space<vmem>>, vector<16xf32>,
      %parallel_loop3A_1294 = arith.addi %parallel_loop3A_1158, %add3A_64 : vector<16xi32>
      %parallel_loop3A_1295 = tpu.vector_load_idx %arg5[%parallel_loop3A_1294] : memref<32768xf32, #tpu.memory_space<vmem>>[vector<16xi32>], vector<16xf32>,
      %parallel_loop3A_1296 = arith.constant 1 : i32
      %parallel_loop3A_1297 = arith.constant 7 : i32
      %parallel_loop3A_1298 = arith.index_cast %parallel_loop3A_1296 : i32 to index
      %parallel_loop3A_1299 = arith.index_cast %parallel_loop3A_75 : i32 to index
      %parallel_loop3A_1300 = arith.index_cast %parallel_loop3A_1297 : i32 to index
      %parallel_loop3A_1301 = arith.constant 112 : index
      %parallel_loop3A_1302 = tpu.vector_load %arg7[%parallel_loop3A_1298, %parallel_loop3A_1299, %parallel_loop3A_1300, %parallel_loop3A_1301] {strides = array<i32>} : memref<2x25x8x128xf32, #tpu.memory_space<vmem>>, vector<16xf32>,
      tpu.vector_store %arg7[%parallel_loop3A_1298, %parallel_loop3A_1299, %parallel_loop3A_1300, %parallel_loop3A_1301], %parallel_loop3A_1295 {strides = array<i32>} : memref<2x25x8x128xf32, #tpu.memory_space<vmem>>, vector<16xf32>,
      %parallel_loop3A_1303 = arith.addi %add3A_4, %parallel_loop3A_75 : i32
      %parallel_loop3A_1304 = arith.constant 0 : i32
      %parallel_loop3A_1305 = arith.constant 0 : i32
      %parallel_loop3A_1306 = arith.constant 0 : i32
      %parallel_loop3A_1307 = tpu.memref_slice %arg7[%parallel_loop3A_1304, %parallel_loop3A_75, %parallel_loop3A_1305, %parallel_loop3A_1306] : memref<2x25x8x128xf32, #tpu.memory_space<vmem>> -> memref<2x1x8x128xf32, #tpu.memory_space<vmem>>
      %parallel_loop3A_1308 = arith.constant 0 : i32
      %parallel_loop3A_1309 = arith.constant 0 : i32
      %parallel_loop3A_1310 = arith.constant 0 : i32
      %parallel_loop3A_1311 = tpu.memref_slice %arg4[%parallel_loop3A_1308, %parallel_loop3A_1303, %parallel_loop3A_1309, %parallel_loop3A_1310] : memref<2x782x8x128xf32, #tpu.memory_space<hbm>> -> memref<2x1x8x128xf32, #tpu.memory_space<hbm>>
      %parallel_loop3A_1312 = arith.constant 0 : i32
      %parallel_loop3A_1313 = arith.constant 0 : i32
      %parallel_loop3A_1314 = arith.constant 0 : i32
      %parallel_loop3A_1315 = tpu.memref_slice %arg4[%parallel_loop3A_1312, %parallel_loop3A_1303, %parallel_loop3A_1313, %parallel_loop3A_1314] : memref<2x782x8x128xf32, #tpu.memory_space<hbm>> -> memref<2x1x8x128xf32, #tpu.memory_space<hbm>>
      %parallel_loop3A_1316 = arith.constant 0 : i32
      %parallel_loop3A_1317 = arith.constant 0 : i32
      %parallel_loop3A_1318 = arith.constant 0 : i32
      %parallel_loop3A_1319 = tpu.memref_slice %arg7[%parallel_loop3A_1316, %parallel_loop3A_75, %parallel_loop3A_1317, %parallel_loop3A_1318] : memref<2x25x8x128xf32, #tpu.memory_space<vmem>> -> memref<2x1x8x128xf32, #tpu.memory_space<vmem>>
      tpu.enqueue_dma source(%parallel_loop3A_1319 : memref<2x1x8x128xf32, #tpu.memory_space<vmem>>) target(%parallel_loop3A_1315 : memref<2x1x8x128xf32, #tpu.memory_space<hbm>>) target_semaphore(%arg8 : memref<!tpu.dma_semaphore, #tpu.memory_space<semaphore_mem>>)
    } {sc.loop_unroll_factor = 1 : i64, sc.parallel_access}
    %while3A = arith.constant 0 : i32
    %while3A_66 = arith.constant 0 : i32
    %while3A_67 = arith.subi %add3A_8, %while3A_66 : i32
    %while3A_68 = arith.addi %while3A_66, %while3A_67 : i32
    %while3A_69 = arith.constant 1 : i32
    %while3A_70 = arith.divsi %while3A_67, %while3A_69 : i32
    %while3A_71 = arith.muli %while3A_70, %while3A_69 : i32
    %while3A_72 = arith.addi %while3A_66, %while3A_71 : i32
    %while3A_73 = arith.constant 1 : i32
    scf.for %while3A_75 = %while3A_66 to %while3A_72 step %while3A_73  : i32 {
      %dma_wait3A_76 = arith.constant 0 : i32
      %dma_wait3A_77 = arith.constant 0 : i32
      %dma_wait3A_78 = arith.constant 0 : i32
      %dma_wait3A_79 = arith.constant 0 : i32
      %dma_wait3A_80 = tpu.memref_slice %arg7[%dma_wait3A_76, %dma_wait3A_77, %dma_wait3A_78, %dma_wait3A_79] : memref<2x25x8x128xf32, #tpu.memory_space<vmem>> -> memref<2x1x8x128xf32, #tpu.memory_space<vmem>>
      %dma_wait3A_81 = arith.constant 0 : i32
      %dma_wait3A_82 = arith.constant 0 : i32
      %dma_wait3A_83 = arith.constant 0 : i32
      %dma_wait3A_84 = tpu.memref_slice %arg4[%dma_wait3A_81, %add3A_4, %dma_wait3A_82, %dma_wait3A_83] : memref<2x782x8x128xf32, #tpu.memory_space<hbm>> -> memref<2x1x8x128xf32, #tpu.memory_space<hbm>>
      %dma_wait3A_85 = arith.constant 0 : i32
      %dma_wait3A_86 = arith.constant 0 : i32
      %dma_wait3A_87 = arith.constant 0 : i32
      %dma_wait3A_88 = tpu.memref_slice %arg4[%dma_wait3A_85, %add3A_4, %dma_wait3A_86, %dma_wait3A_87] : memref<2x782x8x128xf32, #tpu.memory_space<hbm>> -> memref<2x1x8x128xf32, #tpu.memory_space<hbm>>
      %dma_wait3A_89 = arith.constant 0 : i32
      %dma_wait3A_90 = arith.constant 0 : i32
      %dma_wait3A_91 = arith.constant 0 : i32
      %dma_wait3A_92 = arith.constant 0 : i32
      %dma_wait3A_93 = tpu.memref_slice %arg7[%dma_wait3A_89, %dma_wait3A_90, %dma_wait3A_91, %dma_wait3A_92] : memref<2x25x8x128xf32, #tpu.memory_space<vmem>> -> memref<2x1x8x128xf32, #tpu.memory_space<vmem>>
      tpu.wait_dma2 semaphore(%arg8 : memref<!tpu.dma_semaphore, #tpu.memory_space<semaphore_mem>>) src(%dma_wait3A_93 : memref<2x1x8x128xf32, #tpu.memory_space<vmem>>) dst(%dma_wait3A_88 : memref<2x1x8x128xf32, #tpu.memory_space<hbm>>)
    }
    %while3A_74 = arith.constant 1 : i32
    scf.for %while3A_75 = %while3A_72 to %while3A_68 step %while3A_74  : i32 {
      %dma_wait3A_76 = arith.constant 0 : i32
      %dma_wait3A_77 = arith.constant 0 : i32
      %dma_wait3A_78 = arith.constant 0 : i32
      %dma_wait3A_79 = arith.constant 0 : i32
      %dma_wait3A_80 = tpu.memref_slice %arg7[%dma_wait3A_76, %dma_wait3A_77, %dma_wait3A_78, %dma_wait3A_79] : memref<2x25x8x128xf32, #tpu.memory_space<vmem>> -> memref<2x1x8x128xf32, #tpu.memory_space<vmem>>
      %dma_wait3A_81 = arith.constant 0 : i32
      %dma_wait3A_82 = arith.constant 0 : i32
      %dma_wait3A_83 = arith.constant 0 : i32
      %dma_wait3A_84 = tpu.memref_slice %arg4[%dma_wait3A_81, %add3A_4, %dma_wait3A_82, %dma_wait3A_83] : memref<2x782x8x128xf32, #tpu.memory_space<hbm>> -> memref<2x1x8x128xf32, #tpu.memory_space<hbm>>
      %dma_wait3A_85 = arith.constant 0 : i32
      %dma_wait3A_86 = arith.constant 0 : i32
      %dma_wait3A_87 = arith.constant 0 : i32
      %dma_wait3A_88 = tpu.memref_slice %arg4[%dma_wait3A_85, %add3A_4, %dma_wait3A_86, %dma_wait3A_87] : memref<2x782x8x128xf32, #tpu.memory_space<hbm>> -> memref<2x1x8x128xf32, #tpu.memory_space<hbm>>
      %dma_wait3A_89 = arith.constant 0 : i32
      %dma_wait3A_90 = arith.constant 0 : i32
      %dma_wait3A_91 = arith.constant 0 : i32
      %dma_wait3A_92 = arith.constant 0 : i32
      %dma_wait3A_93 = tpu.memref_slice %arg7[%dma_wait3A_89, %dma_wait3A_90, %dma_wait3A_91, %dma_wait3A_92] : memref<2x25x8x128xf32, #tpu.memory_space<vmem>> -> memref<2x1x8x128xf32, #tpu.memory_space<vmem>>
      tpu.wait_dma2 semaphore(%arg8 : memref<!tpu.dma_semaphore, #tpu.memory_space<semaphore_mem>>) src(%dma_wait3A_93 : memref<2x1x8x128xf32, #tpu.memory_space<vmem>>) dst(%dma_wait3A_88 : memref<2x1x8x128xf32, #tpu.memory_space<hbm>>)
    }
    return
  }
}

</mosaic_0001>

<sc_bundles>
// kernel: kernel.3.cloned.1.call-start
scs
__scs_entry_jumppad:
0x0: {  	(pc) =	sbr.rel $0x88, $3  }
0x1: {  	(tag) =	ssettag $0x0;
	lr =	simm.s32 $0x1  }
0x2: {  	[smem:$0x3F9F] =	sst lr;
	_ =	strace $0xD0000000  }
0x3: {  	_ = 	snop  }
0x4: {  	_ = 	snop  }
0x5: {  	_ = 	snop  }
0x6: {  	_ = 	snop  }
0x7: {  	_ = 	snop  }
__scs_overlays_trampoline_lowered:
0x8: {  	[smem:$0x3FAE] =	sst s0  }
0x9: {  	[smem:$0x3FAF] =	sst s1  }
0xa: {  	[smem:$0x3FB0] =	sst s2  }
0xb: {  	[smem:$0x3FB1] =	sst s3  }
0xc: {  	[smem:$0x3FB2] =	sst s4  }
0xd: {  	[smem:$0x3FB3] =	sst s5  }
0xe: {  	[smem:$0x3FB4] =	sst s6  }
0xf: {  	[smem:$0x3FB5] =	sst s7  }
0x10: {  	[smem:$0x3FB6] =	sst s8  }
0x11: {  	[smem:$0x3FB7] =	sst s9;
	s0 =	simm.s32 @!p0 $0x0  }
0x12: {  	s1 =	sld [smem:$0x3F9D];
	s0 =	simm.s32 @p0 $0x1  }
0x13: {  	[smem:$0x3FB8] =	sst s0;
	s0 =	simm.s32 @!p1 $0x0  }
0x14: {  	s2 =	sld [smem:$0x3F9C];
	s0 =	simm.s32 @p1 $0x1  }
0x15: {  	[smem:$0x3FB9] =	sst s0;
	s0 =	simm.s32 @!p2 $0x0  }
0x16: {  	s3 =	sld [smem:$0x3FDB];
	s0 =	simm.s32 @p2 $0x1  }
0x17: {  	s4 =	simm.s32 $0x1BF5;
	[smem:$0x3FBB] =	sst s0  }
0x18: {  	s0 =	sld [smem:$0x3F9E];
	_ =	swait.ge [sflag:s4], $0x0  }
0x19: {  	s7 =	sld [smem:$0x3F9F]  }
0x1a: {  	s8 =	sadd.s32 $0xFFFFE003, lr  }
0x1b: {  	s9 =	sadd.s32 $0xFFFFFEF7, lr;
	s5 =	simm.s32 $0xFFFFFFFF;
	p2 =	slt.u32 s8, $0xFFFFF086  }
0x1c: {  	p1 =	slt.u32 s9, $0xF7A;
	s5 =	simm.s32 @!p2 $0x0  }
0x1d: {  	s5 =	simm.s32 @p1 $0x1;
	p0 =	seq.s32 s7, s2  }
0x1e: {  	s7 =	smul.u32 @!p0 $0xF7A, s2;
	p2 =	seq.s32 @!p0 s5, $0x0  }
0x1f: {  	s9 =	smul.u32 $0xF7A, s1;
	s8 =	simm.s32 @!p0 $0x1BF5;
	p2 =	por !p2, p0  }
0x20: {  	[sflag:s8] =	ssyncset.s32 @!p0 $0xFFFFF086;
	s6 =	sadd.s32 @!p0 s3, s7;
	s7 =	simm.s32 @!p0 $0x108  }
0x21: {  	s3 =	sadd.s32 s3, s9;
	s6 =	sadd.s32 @!p0 $0x88, s6;
	s7 =	simm.s32 @p2 $0x1082  }
0x22: {  	[simem:s7], [sflag:s8] =	dma.local @!p0 [hbm:s6], $0xF7A  }
0x23: {  	s9 =	sor.u32 $0xD0000000, s2;
	s6 =	simm.s32 $0x108;
	_ =	swait.ge @!p0 [sflag:s8], $0x0  }
0x24: {  	s3 =	sadd.s32 $0x88, s3;
	s6 =	simm.s32 @!p1 $0x1082;
	[sflag:s4] =	ssyncset.s32 $0xFFFFF086  }
0x25: {  	[simem:s6], [sflag:s4] =	dma.local [hbm:s3], $0xF7A  }
0x26: {  	[smem:$0x3F9F] =	sst s1;
	(tag) =	ssettag s2;
	_ =	strace s9  }
0x27: {  	s1 =	sld [smem:$0x3FAF]  }
0x28: {  	s2 =	sld [smem:$0x3FB0]  }
0x29: {  	s4 =	sld [smem:$0x3FB2]  }
0x2a: {  	p0 =	seq.s32 s5, $0x0;
	s5 =	sld [smem:$0x3FB3]  }
0x2b: {  	s6 =	sld [smem:$0x3FB4]  }
0x2c: {  	s7 =	sld [smem:$0x3FB5]  }
0x2d: {  	s3 =	simm.s32 $0x108;
	s8 =	sld [smem:$0x3FB6]  }
0x2e: {  	s3 =	simm.s32 @!p0 $0x1082;
	s9 =	sld [smem:$0x3FB7]  }
0x2f: {  	lr =	sadd.s32 s0, s3;
	s0 =	sld [smem:$0x3FAE]  }
0x30: {  	s3 =	sld [smem:$0x3FB1]  }
0x31: {  	[smem:$0x3FBA] =	sst s10  }
0x32: {  	s10 =	sld [smem:$0x3FB8];
	_ =	sdelay $0x3  }
0x33: {  	p0 =	seq.s32 s10, $0x1;
	s10 =	sld [smem:$0x3FBA];
	_ =	sdelay $0x3  }
0x34: {  	[smem:$0x3FBA] =	sst s10  }
0x35: {  	s10 =	sld [smem:$0x3FB9];
	_ =	sdelay $0x3  }
0x36: {  	p1 =	seq.s32 s10, $0x1;
	s10 =	sld [smem:$0x3FBA];
	_ =	sdelay $0x3  }
0x37: {  	[smem:$0x3FBA] =	sst s10  }
0x38: {  	s10 =	sld [smem:$0x3FBB]  }
0x39: {  	_ = 	snop;
	(pc) =	sbr.ind lr, $3  }
0x3a: {  	_ = 	snop  }
0x3b: {  	_ = 	snop  }
0x3c: {  	p2 =	seq.s32 s10, $0x1;
	s10 =	sld [smem:$0x3FBA]  }
0x3d: {  	_ =	shalt  }
0x3e: {  	_ =	shalt  }
0x3f: {  	_ =	shalt  }
0x40: {  	_ =	shalt  }
0x41: {  	_ =	shalt  }
0x42: {  	_ =	shalt  }
0x43: {  	_ =	shalt  }
0x44: {  	_ =	shalt  }
0x45: {  	_ =	shalt  }
0x46: {  	_ =	shalt  }
0x47: {  	_ =	shalt  }
0x48: {  	_ =	shalt  }
0x49: {  	_ =	shalt  }
0x4a: {  	_ =	shalt  }
0x4b: {  	_ =	shalt  }
0x4c: {  	_ =	shalt  }
0x4d: {  	_ =	shalt  }
0x4e: {  	_ =	shalt  }
0x4f: {  	_ =	shalt  }
0x50: {  	_ =	shalt  }
0x51: {  	_ =	shalt  }
0x52: {  	_ =	shalt  }
0x53: {  	_ =	shalt  }
0x54: {  	_ =	shalt  }
0x55: {  	_ =	shalt  }
0x56: {  	_ =	shalt  }
0x57: {  	_ =	shalt  }
0x58: {  	_ =	shalt  }
0x59: {  	_ =	shalt  }
0x5a: {  	_ =	shalt  }
0x5b: {  	_ =	shalt  }
0x5c: {  	_ =	shalt  }
0x5d: {  	_ =	shalt  }
0x5e: {  	_ =	shalt  }
0x5f: {  	_ =	shalt  }
0x60: {  	_ =	shalt  }
0x61: {  	_ =	shalt  }
0x62: {  	_ =	shalt  }
0x63: {  	_ =	shalt  }
0x64: {  	_ =	shalt  }
0x65: {  	_ =	shalt  }
0x66: {  	_ =	shalt  }
0x67: {  	_ =	shalt  }
0x68: {  	_ =	shalt  }
0x69: {  	_ =	shalt  }
0x6a: {  	_ =	shalt  }
0x6b: {  	_ =	shalt  }
0x6c: {  	_ =	shalt  }
0x6d: {  	_ =	shalt  }
0x6e: {  	_ =	shalt  }
0x6f: {  	_ =	shalt  }
0x70: {  	_ =	shalt  }
0x71: {  	_ =	shalt  }
0x72: {  	_ =	shalt  }
0x73: {  	_ =	shalt  }
0x74: {  	_ =	shalt  }
0x75: {  	_ =	shalt  }
0x76: {  	_ =	shalt  }
0x77: {  	_ =	shalt  }
0x78: {  	_ =	shalt  }
0x79: {  	_ =	shalt  }
0x7a: {  	_ =	shalt  }
0x7b: {  	_ =	shalt  }
0x7c: {  	_ =	shalt  }
0x7d: {  	_ =	shalt  }
0x7e: {  	_ =	shalt  }
0x7f: {  	_ =	shalt  }
0x80: {  	_ =	shalt  }
0x81: {  	_ =	shalt  }
0x82: {  	_ =	shalt  }
0x83: {  	_ =	shalt  }
0x84: {  	_ =	shalt  }
0x85: {  	_ =	shalt  }
0x86: {  	_ =	shalt  }
0x87: {  	_ =	shalt  }
.Lfunc_end0:
.L_simem_size_0:
called_computation_lowered:
.L_overlay_start_0:
0x88: {  	s2 =	sld [smem:$0x3FD9]  }
0x89: {  	s3 =	sld [smem:$0x3FFE];
	_ =	sdelay $0x1  }
0x8a: {  	s1 =	srdreg.scid  }
0x8b: {  	s0 =	sand.u32 $0x1, s1  }
0x8c: {  	s17 =	sshll.u32 s0, $0xA;
	s2 =	sadd.s32 s3, s2  }
0x8d: {  	s2 =	sadd.s32 s2, s17  }
0x8e: {  	[smem:$0x3FC6] =	sst s2  }
0x8f: {  	_ = 	snop  }
0x90: {  	s2 =	sld [smem:$0x3FC9]  }
0x91: {  	s18 =	sld [smem:$0x3FD0];
	(tm) =	ssettm $0x1  }
0x92: {  	s4 =	sld [smem:$0x3FFB];
	_ =	sdelay $0x3  }
0x93: {  	_ =	strace s4  }
0x94: {  	s4 =	sld [smem:$0x3FFC];
	_ =	sdelay $0x3  }
0x95: {  	_ =	strace s4  }
0x96: {  	s4 =	sld [smem:$0x3FFD];
	_ =	sdelay $0x3  }
0x97: {  	_ =	strace s4  }
0x98: {  	_ =	strace $0x8FFFFFFF  }
0x99: {  	s19 =	sld [smem:$0x3FDB];
	_ =	sdelay $0x1  }
0x9a: {  	s5 =	simm.s32 $_scs_section_size  }
0x9b: {  	s6 =	simm.s32 $_size__tile_overlayer_lowered;
	s7 =	simm.s32 $_tile_overlayer_lowered  }
0x9c: {  	s22 =	simm.s32 $0x1BFF;
	s21 =	sshll.u32 s7, $0x1;
	s4 =	sadd.s32 s5, s19  }
0x9d: {  	s8 =	simm.s32 $0x0;
	s20 =	sshll.u32 s6, $0x1;
	s6 =	sadd.s32 s21, s4  }
0x9e: {  	[timem:s8], [sflag:s22] =	dma.local [hbm:s6], s20  }
0x9f: {  	_ =	swait.ge [sflag:s22], s20  }
0xa0: {  	s5 =	ssub.s32 $0x0, s20;
	[sflag:s22] =	ssyncset.done $0x0  }
0xa1: {  	[sflag:s22] =	ssyncadd.s32 s5;
	_ =	sdelay $0x1  }
0xa2: {  	s23 =	simm.s32 $0x1B8B  }
0xa3: {  	_ =	swait.ge [sflag:s23], $0x1  }
0xa4: {  	[sflag:s23] =	ssyncset.done $0x0  }
0xa5: {  	s25 =	simm.s32 $0x1B8E;
	s24 =	sld [smem:$0x3FFE];
	[sflag:s23] =	ssyncadd.s32 $0xFFFFFFFF  }
0xa6: {  	s26 =	simm.s32 $execute0_lowered;
	[smem:$0x3FD2] =	sst s25  }
0xa7: {  	s6 =	sshll.u32 s26, $0x1;
	_ =	strace $0x80000046;
	[dreg:$0x1] =	wrdreg $0xFFFFFFFF  }
0xa8: {  	s28 =	simm.s32 $_size_execute0_lowered;
	s4 =	sadd.s32 s4, s6;
	[dreg:$0x0] =	wrdreg $0x0  }
0xa9: {  	s6 =	sshll.u32 s28, $0x1;
	[dreg:$0x2] =	wrdreg s4  }
0xaa: {  	[dreg:$0x3] =	wrdreg s6  }
0xab: {  	[dreg:$0x4] =	wrdreg $0xC0  }
0xac: {  	_ =	task [dreg:s8], $0x5FFFF  }
0xad: {  	[dreg:$0x1] =	wrdreg $0xFFFFFFFF  }
0xae: {  	[dreg:$0x0] =	wrdreg $0x60  }
0xaf: {  	[dreg:$0x2] =	wrdreg s2  }
0xb0: {  	[dreg:$0x3] =	wrdreg s24  }
0xb1: {  	[dreg:$0x4] =	wrdreg s18  }
0xb2: {  	[dreg:$0x5] =	wrdreg $0x9  }
0xb3: {  	_ =	task.clear_ibuf [dreg:s8], $0x6FFFF;
	_ =	strace $0x90000046  }
0xb4: {  	s29 =	simm.s32 $0x9;
	_ =	strace $0x80000048  }
0xb5: {  	_ =	swait.ge [sflag:s29], $0x1  }
0xb6: {  	[sflag:s29] =	ssyncadd.s32 $0xFFFFFFFF  }
0xb7: {  	_ =	strace $0x90000048  }
0xb8: {  	_ =	sfence  }
0xb9: {  	s30 =	sld [smem:$0x0];
	_ =	sdelay $0x2  }
0xba: {  	s31 =	sshll.u32 s1, $0xD;
	s1 =	sshrl.u32 s1, $0x2  }
0xbb: {  	s3 =	sand.u32 $0x4000, s31;
	s1 =	sadd.s32 s1, s30  }
0xbc: {  	s0 =	sor.u32 s3, s0;
	s1 =	sshll.u32 s1, $0x11  }
0xbd: {  	s0 =	sor.u32 s1, s0  }
0xbe: {  	s0 =	sadd.s32 $0x8F2B, s0  }
0xbf: {  	[sflag:s0] =	ssyncadd.remote.s32 $0x1  }
0xc0: {  	_ =	sfence.sel $0xFFFF  }
0xc1: {  	[dreg:$0x0] =	wrdreg $0xFFFFFFFF;
	(pc) =	sbr.abs _section_cstart, $3  }
0xc2: {  	[dreg:$0x1] =	wrdreg $0xFFFFFFFF  }
0xc3: {  	_ =	task.clear_ibuf [dreg:s8], $0x2FFFF;
	_ =	strace $0x9FFFFFFF  }
0xc4: {  	(tm) =	ssettm $0x7FFFFFFF  }
0xc5: {  	_ =	shalt  }
tec
execute0_lowered:
.L_overlay_start_1:
0x0: {  	(tag) =	ssettag $0x1  }
0x1: {  	s0 =	rddreg [dreg:$0x0]  }
0x2: {  	s1 =	rddreg [dreg:$0x1]  }
0x3: {  	s3 =	rddreg [dreg:$0x2];
	s4 =	srdreg.scid  }
0x4: {  	s9 =	stileid.u32;
	s2 =	simm.s32 $0x0;
	s4 =	sand.u32 $0x1, s4  }
0x5: {  	s5 =	sshll.u32 s9, $0x1;
	[smem:$0x7FF] =	sst s2;
	s1 =	sadd.s32 $0x400, s1  }
0x6: {  	p0 =	slt.u32 s9, $0x7;
	s25 =	smul.u32 $0x30, s9;
	s9 =	simm.s32 $0x19  }
0x7: {  	s6 =	ssub.s32 $0x2, s4;
	s5 =	sor.u32 s4, s5;
	s4 =	smul.u32 $0x18, s4  }
0x8: {  	_ =	strace $0x80000047;
	[dreg:$0x4] =	wrdreg s1;
	s8 =	smul.u32 $0x18, s5  }
0x9: {  	s9 =	simm.s32 @!p0 $0x18;
	s7 =	sshrl.u32 s6, $0x1;
	s5 =	smin.u32 s5, $0xE  }
0xa: {  	[dreg:$0x5] =	wrdreg s9;
	s23 =	ssub.s32 s6, s7;
	s24 =	sadd.s32 s5, s8  }
0xb: {  	v0 =	vlaneseq.u32;
	s26 =	sor.u32 s25, s5;
	s7 =	sadd.s32 s4, s25;
	s6 =	sshll.u32 s24, $0x7  }
0xc: {  	v1 =	vor.u32 $0x800, v0;
	s4 =	sadd.s32 s4, s26;
	s29 =	sadd.s32 s5, s7;
	s6 =	smin.u32 s6, $0x17A20  }
0xd: {  	v2 =	vand.u32 $0x7, v0;
	v3 =	vor.u32 $0x1000, v0;
	v4 =	vor.u32 $0x1800, v0;
	s1 =	smax.u32 s23, $0x1;
	s4 =	sshll.u32 s4, $0x7;
	s6 =	sshrl.u32 s6, $0x3  }
0xe: {  	v5 =	vor.u32 $0x2000, v0;
	v6 =	vor.u32 $0x2800, v0;
	v7 =	vor.u32 $0x3000, v0;
	[dreg:$0x7] =	wrdreg s1;
	s30 =	smax.u32 s4, $0x17A20;
	s0 =	sadd.s32 s0, s6  }
0xf: {  	v8 =	vor.u32 $0x3800, v0;
	v9 =	vor.u32 $0x4000, v0;
	v10 =	vor.u32 $0x4800, v0;
	s26 =	sadd.s32 $0xFFFE85E0, s30;
	[dreg:$0x6] =	wrdreg s0;
	s0 =	sshll.u32 s29, $0x7  }
0x10: {  	s11 =	simm.s32 $0x1;
	v11 =	vor.u32 $0x5000, v0;
	v12 =	vor.u32 $0x5800, v0;
	v13 =	vor.u32 $0x6000, v0;
	[dreg:$0x9] =	wrdreg s26;
	s31 =	sadd.s32 s0, s3  }
0x11: {  	s28 =	simm.s32 $0x0;
	v14 =	vor.u32 $0x6800, v0;
	v15 =	vor.u32 $0x7000, v0;
	v16 =	vor.u32 $0x7800, v0;
	s7 =	sshll.u32 s9, $0xC;
	[dreg:$0x8] =	wrdreg s31  }
.LBB2_1:
0x12: {  	s0 =	rddreg [dreg:$0x4]  }
0x13: {  	[tilespmem:s2], [sflag:$0x1] =	stream.linear.gather [hbm4b:s0+s2], $0x8000, $0x38;
	[tilespmem:$0x15480] =	vst v63  }
0x14: {  	s30 =	rddreg [dreg:$0x6];
	s1 =	simm.s32 $0x8000  }
0x15: {  	[tilespmem:s1], [sflag:$0x1] =	stream.linear.gather [hbm4b:s30+s2], $0xC80, $0x38;
	[tilespmem:$0x15480] =	vst v63  }
0x16: {  	_ =	swait.ge [sflag:s11], $0x8000  }
0x17: {  	[sflag:s11] =	ssyncset.done $0x0  }
0x18: {  	[sflag:s11] =	ssyncadd.s32 $0xFFFF8000  }
0x19: {  	_ =	swait.ge [sflag:s11], $0xC80  }
0x1a: {  	p0 =	slt.s32 s26, $0xC70;
	s0 =	smov.u32 s26;
	[sflag:s11] =	ssyncset.done $0x0  }
0x1b: {  	s0 =	simm.s32 @!p0 $0xC70;
	[sflag:s11] =	ssyncadd.s32 $0xFFFFF380  }
0x1c: {  	v17 =	vld [tilespmem:s0+$0x8000];
	_ =	sdelay $0x4  }
0x1d: {  	v43 =	vshll.u32 v17, $0x4  }
0x1e: {  	v17 =	vor.u32 v0, v43;
	_ =	sdelay $0x3  }
0x1f: {  	v18 =	vadd.s32 v1, v43  }
0x20: {  	v18 =	vand.u32 $0xFFFFFFF8, v18;
	v17 =	vld.idx.msk [tilespmem:v17+s2+$0x0], $0xffff  }
0x21: {  	v18 =	vor.u32 v2, v18;
	_ =	sdelay $0x2  }
0x22: {  	s13 =	simm.s32 $0x0  }
0x23: {  	[tilespmem:s13+$0x8C80] =	vst v17;
	v17 =	vadd.s32 v3, v43  }
0x24: {  	v18 =	vld.idx.msk [tilespmem:v18+s2+$0x0], $0xffff;
	v17 =	vand.u32 $0xFFFFFFF8, v17  }
0x25: {  	v17 =	vor.u32 v2, v17;
	_ =	sdelay $0x3  }
0x26: {  	[tilespmem:s13+$0x8D00] =	vst v18;
	v18 =	vadd.s32 v4, v43  }
0x27: {  	v17 =	vld.idx.msk [tilespmem:v17+s2+$0x0], $0xffff;
	v18 =	vand.u32 $0xFFFFFFF8, v18  }
0x28: {  	v18 =	vor.u32 v2, v18;
	_ =	sdelay $0x3  }
0x29: {  	[tilespmem:s13+$0x8D80] =	vst v17;
	v17 =	vadd.s32 v5, v43  }
0x2a: {  	v18 =	vld.idx.msk [tilespmem:v18+s2+$0x0], $0xffff;
	v17 =	vand.u32 $0xFFFFFFF8, v17  }
0x2b: {  	v17 =	vor.u32 v2, v17;
	_ =	sdelay $0x3  }
0x2c: {  	[tilespmem:s13+$0x8E00] =	vst v18;
	v18 =	vadd.s32 v6, v43  }
0x2d: {  	v17 =	vld.idx.msk [tilespmem:v17+s2+$0x0], $0xffff;
	v18 =	vand.u32 $0xFFFFFFF8, v18  }
0x2e: {  	v18 =	vor.u32 v2, v18;
	_ =	sdelay $0x3  }
0x2f: {  	[tilespmem:s13+$0x8E80] =	vst v17;
	v17 =	vadd.s32 v7, v43  }
0x30: {  	v18 =	vld.idx.msk [tilespmem:v18+s2+$0x0], $0xffff;
	v17 =	vand.u32 $0xFFFFFFF8, v17  }
0x31: {  	v17 =	vor.u32 v2, v17;
	_ =	sdelay $0x3  }
0x32: {  	[tilespmem:s13+$0x8F00] =	vst v18;
	v18 =	vadd.s32 v8, v43  }
0x33: {  	v17 =	vld.idx.msk [tilespmem:v17+s2+$0x0], $0xffff;
	v18 =	vand.u32 $0xFFFFFFF8, v18  }
0x34: {  	v18 =	vor.u32 v2, v18;
	_ =	sdelay $0x3  }
0x35: {  	[tilespmem:s13+$0x8F80] =	vst v17;
	v17 =	vadd.s32 v9, v43  }
0x36: {  	v18 =	vld.idx.msk [tilespmem:v18+s2+$0x0], $0xffff;
	v17 =	vand.u32 $0xFFFFFFF8, v17  }
0x37: {  	v17 =	vor.u32 v2, v17;
	_ =	sdelay $0x3  }
0x38: {  	[tilespmem:s13+$0x9000] =	vst v18  }
0x39: {  	v17 =	vld.idx.msk [tilespmem:v17+s2+$0x0], $0xffff  }
0x3a: {  	p6 =	sne.s32 s7, $0x1000  }
.Ltmp0:
0x3b: {  	_ = 	snop;
	(pc) =	sbr.rel @!p6 .LBB2_2-.Ltmp0, $4  }
0x3c: {  	p5 =	por $0x0, $0x0  }
0x3d: {  	s14 =	sadd.s32 $0x80, s26;
	p1 =	por $0x0, $0x0;
	s0 =	simm.s32 @!p5 $0x0;
	v18 =	vadd.s32 v10, v43  }
0x3e: {  	p2 =	por $0x0, $0x0;
	p3 =	por $0x0, $0x0;
	s0 =	simm.s32 @p5 $0x1;
	v18 =	vand.u32 $0xFFFFFFF8, v18;
	[tilespmem:s13+$0xF080] =	vst v17  }
0x3f: {  	p4 =	por $0x0, $0x0;
	p0 =	por $0x0, $0x0;
	v47 =	vor.u32 v2, v18;
	[smem:$0x7FD] =	sst s0  }
0x40: {  	_ =	sdelay $0x2  }
0x41: {  	v17 =	vadd.s32 v11, v43  }
0x42: {  	v18 =	vld.idx.msk [tilespmem:v47+s2+$0x0], $0xffff;
	v17 =	vand.u32 $0xFFFFFFF8, v17  }
0x43: {  	v17 =	vor.u32 v2, v17;
	_ =	sdelay $0x3  }
0x44: {  	[tilespmem:s13+$0xF100] =	vst v18;
	v18 =	vadd.s32 v12, v43  }
0x45: {  	v18 =	vand.u32 $0xFFFFFFF8, v18;
	v17 =	vld.idx.msk [tilespmem:v17+s2+$0x0], $0xffff  }
0x46: {  	v18 =	vor.u32 v2, v18;
	_ =	sdelay $0x3  }
0x47: {  	[tilespmem:s13+$0xF180] =	vst v17;
	v17 =	vadd.s32 v13, v43  }
0x48: {  	v18 =	vld.idx.msk [tilespmem:v18+s2+$0x0], $0xffff;
	v17 =	vand.u32 $0xFFFFFFF8, v17  }
0x49: {  	v17 =	vor.u32 v2, v17;
	_ =	sdelay $0x3  }
0x4a: {  	[tilespmem:s13+$0xF200] =	vst v18;
	v18 =	vadd.s32 v14, v43  }
0x4b: {  	v17 =	vld.idx.msk [tilespmem:v17+s2+$0x0], $0xffff;
	v18 =	vand.u32 $0xFFFFFFF8, v18  }
0x4c: {  	v18 =	vor.u32 v2, v18;
	_ =	sdelay $0x3  }
0x4d: {  	[tilespmem:s13+$0xF280] =	vst v17;
	v17 =	vadd.s32 v15, v43  }
0x4e: {  	v18 =	vld.idx.msk [tilespmem:v18+s2+$0x0], $0xffff;
	v17 =	vand.u32 $0xFFFFFFF8, v17  }
0x4f: {  	v17 =	vor.u32 v2, v17;
	_ =	sdelay $0x3  }
0x50: {  	[tilespmem:s13+$0xF300] =	vst v18;
	v18 =	vadd.s32 v16, v43  }
0x51: {  	v17 =	vld.idx.msk [tilespmem:v17+s2+$0x0], $0xffff;
	v18 =	vand.u32 $0xFFFFFFF8, v18  }
0x52: {  	v18 =	vor.u32 v2, v18;
	_ =	sdelay $0x3  }
0x53: {  	[tilespmem:s13+$0xF380] =	vst v17  }
0x54: {  	v17 =	vld.idx.msk [tilespmem:v18+s2+$0x0], $0xffff;
	_ =	sdelay $0x2  }
0x55: {  	s0 =	sadd.s32 $0x10, s26  }
0x56: {  	p0 =	slt.s32 s0, $0xC70  }
0x57: {  	p6 =	slt.s32 s14, $0xC70;
	s1 =	smov.u32 s14;
	s0 =	simm.s32 @!p0 $0xC70;
	[tilespmem:s13+$0xF400] =	vst v17  }
0x58: {  	s1 =	simm.s32 @!p6 $0xC70;
	v17 =	vld [tilespmem:s0+$0x8000]  }
0x59: {  	v18 =	vld [tilespmem:s1+$0x8000];
	_ =	sdelay $0x3  }
0x5a: {  	v22 =	vshll.u32 v17, $0x4  }
0x5b: {  	v43 =	vshll.u32 v18, $0x4;
	v17 =	vor.u32 v0, v22  }
0x5c: {  	v18 =	vor.u32 v0, v43;
	_ =	sdelay $0x2  }
0x5d: {  	v19 =	vadd.s32 v1, v22  }
0x5e: {  	v20 =	vadd.s32 v1, v43;
	v19 =	vand.u32 $0xFFFFFFF8, v19;
	v17 =	vld.idx.msk [tilespmem:v17+s2+$0x0], $0xffff  }
0x5f: {  	v20 =	vand.u32 $0xFFFFFFF8, v20;
	v18 =	vld.idx.msk [tilespmem:v18+s2+$0x0], $0xffff;
	v19 =	vor.u32 v2, v19  }
0x60: {  	v20 =	vor.u32 v2, v20;
	_ =	sdelay $0x2  }
0x61: {  	s15 =	simm.s32 $0x400;
	[tilespmem:s13+$0x8C90] =	vst v17;
	v17 =	vadd.s32 v3, v22  }
0x62: {  	[tilespmem:s15+$0x8C80] =	vst v18;
	v18 =	vadd.s32 v3, v43;
	v19 =	vld.idx.msk [tilespmem:v19+s2+$0x0], $0xffff;
	v17 =	vand.u32 $0xFFFFFFF8, v17  }
0x63: {  	v20 =	vld.idx.msk [tilespmem:v20+s2+$0x0], $0xffff;
	v18 =	vand.u32 $0xFFFFFFF8, v18;
	v17 =	vor.u32 v2, v17  }
0x64: {  	v18 =	vor.u32 v2, v18;
	_ =	sdelay $0x2  }
0x65: {  	[tilespmem:s13+$0x8D10] =	vst v19;
	v19 =	vadd.s32 v4, v22  }
0x66: {  	[tilespmem:s15+$0x8D00] =	vst v20;
	v20 =	vadd.s32 v4, v43;
	v17 =	vld.idx.msk [tilespmem:v17+s2+$0x0], $0xffff;
	v19 =	vand.u32 $0xFFFFFFF8, v19  }
0x67: {  	v18 =	vld.idx.msk [tilespmem:v18+s2+$0x0], $0xffff;
	v20 =	vand.u32 $0xFFFFFFF8, v20;
	v19 =	vor.u32 v2, v19  }
0x68: {  	v20 =	vor.u32 v2, v20;
	_ =	sdelay $0x2  }
0x69: {  	[tilespmem:s13+$0x8D90] =	vst v17;
	v17 =	vadd.s32 v5, v22  }
0x6a: {  	[tilespmem:s15+$0x8D80] =	vst v18;
	v18 =	vadd.s32 v5, v43;
	v19 =	vld.idx.msk [tilespmem:v19+s2+$0x0], $0xffff;
	v17 =	vand.u32 $0xFFFFFFF8, v17  }
0x6b: {  	v20 =	vld.idx.msk [tilespmem:v20+s2+$0x0], $0xffff;
	v18 =	vand.u32 $0xFFFFFFF8, v18;
	v17 =	vor.u32 v2, v17  }
0x6c: {  	v18 =	vor.u32 v2, v18;
	_ =	sdelay $0x2  }
0x6d: {  	[tilespmem:s13+$0x8E10] =	vst v19;
	v19 =	vadd.s32 v6, v22  }
0x6e: {  	[tilespmem:s15+$0x8E00] =	vst v20;
	v20 =	vadd.s32 v6, v43;
	v17 =	vld.idx.msk [tilespmem:v17+s2+$0x0], $0xffff;
	v19 =	vand.u32 $0xFFFFFFF8, v19  }
0x6f: {  	v18 =	vld.idx.msk [tilespmem:v18+s2+$0x0], $0xffff;
	v20 =	vand.u32 $0xFFFFFFF8, v20;
	v19 =	vor.u32 v2, v19  }
0x70: {  	v20 =	vor.u32 v2, v20;
	_ =	sdelay $0x2  }
0x71: {  	[tilespmem:s13+$0x8E90] =	vst v17;
	v17 =	vadd.s32 v7, v22  }
0x72: {  	[tilespmem:s15+$0x8E80] =	vst v18;
	v18 =	vld.idx.msk [tilespmem:v19+s2+$0x0], $0xffff;
	v17 =	vand.u32 $0xFFFFFFF8, v17;
	v19 =	vadd.s32 v7, v43  }
0x73: {  	v20 =	vld.idx.msk [tilespmem:v20+s2+$0x0], $0xffff;
	v17 =	vor.u32 v2, v17;
	v19 =	vand.u32 $0xFFFFFFF8, v19  }
0x74: {  	v19 =	vor.u32 v2, v19;
	_ =	sdelay $0x2  }
0x75: {  	[tilespmem:s13+$0x8F10] =	vst v18;
	v18 =	vadd.s32 v8, v22  }
0x76: {  	[tilespmem:s15+$0x8F00] =	vst v20;
	v20 =	vadd.s32 v8, v43;
	v17 =	vld.idx.msk [tilespmem:v17+s2+$0x0], $0xffff;
	v18 =	vand.u32 $0xFFFFFFF8, v18  }
0x77: {  	v20 =	vand.u32 $0xFFFFFFF8, v20;
	v18 =	vor.u32 v2, v18;
	v19 =	vld.idx.msk [tilespmem:v19+s2+$0x0], $0xffff  }
0x78: {  	v20 =	vor.u32 v2, v20;
	_ =	sdelay $0x2  }
0x79: {  	[tilespmem:s13+$0x8F90] =	vst v17;
	v17 =	vadd.s32 v9, v22  }
0x7a: {  	v18 =	vld.idx.msk [tilespmem:v18+s2+$0x0], $0xffff;
	v17 =	vand.u32 $0xFFFFFFF8, v17;
	[tilespmem:s15+$0x8F80] =	vst v19;
	v19 =	vadd.s32 v9, v43  }
0x7b: {  	v17 =	vor.u32 v2, v17;
	v20 =	vld.idx.msk [tilespmem:v20+s2+$0x0], $0xffff;
	v19 =	vand.u32 $0xFFFFFFF8, v19  }
0x7c: {  	v19 =	vor.u32 v2, v19;
	_ =	sdelay $0x2  }
0x7d: {  	[tilespmem:s13+$0x9010] =	vst v18;
	v18 =	vadd.s32 v10, v22  }
0x7e: {  	v17 =	vld.idx.msk [tilespmem:v17+s2+$0x0], $0xffff;
	v18 =	vand.u32 $0xFFFFFFF8, v18;
	[tilespmem:s15+$0x9000] =	vst v20  }
0x7f: {  	p6 =	sne.s32 s7, $0x2000;
	v18 =	vor.u32 v2, v18;
	v19 =	vld.idx.msk [tilespmem:v19+s2+$0x0], $0xffff  }
.Ltmp1:
0x80: {  	_ = 	snop;
	(pc) =	sbr.rel @!p6 .LBB2_4-.Ltmp1, $4  }
0x81: {  	_ = 	snop  }
0x82: {  	v21 =	vadd.s32 v11, v22;
	v20 =	vadd.s32 v10, v43  }
0x83: {  	[tilespmem:s13+$0xF090] =	vst v17;
	v17 =	vand.u32 $0xFFFFFFF8, v20;
	v20 =	vand.u32 $0xFFFFFFF8, v21  }
0x84: {  	s16 =	sadd.s32 $0x80, s14;
	p5 =	por $0x0, $0x0;
	p0 =	por $0x1, $0x1;
	v46 =	vld.idx.msk [tilespmem:v18+s2+$0x0], $0xffff;
	v47 =	vor.u32 v2, v17;
	v49 =	vor.u32 v2, v20;
	[tilespmem:s15+$0xF080] =	vst v19  }
0x85: {  	_ =	sdelay $0x2  }
0x86: {  	v17 =	vadd.s32 v11, v43  }
0x87: {  	v18 =	vld.idx.msk [tilespmem:v47+s2+$0x0], $0xffff;
	v19 =	vadd.s32 v12, v22;
	v17 =	vand.u32 $0xFFFFFFF8, v17;
	[tilespmem:s13+$0xF110] =	vst v46  }
0x88: {  	v19 =	vand.u32 $0xFFFFFFF8, v19;
	v17 =	vor.u32 v2, v17;
	v20 =	vld.idx.msk [tilespmem:v49+s2+$0x0], $0xffff  }
0x89: {  	v19 =	vor.u32 v2, v19;
	_ =	sdelay $0x2  }
0x8a: {  	[tilespmem:s15+$0xF100] =	vst v18;
	v18 =	vadd.s32 v12, v43  }
0x8b: {  	v18 =	vand.u32 $0xFFFFFFF8, v18;
	v17 =	vld.idx.msk [tilespmem:v17+s2+$0x0], $0xffff;
	[tilespmem:s13+$0xF190] =	vst v20;
	v20 =	vadd.s32 v13, v22  }
0x8c: {  	v18 =	vor.u32 v2, v18;
	v19 =	vld.idx.msk [tilespmem:v19+s2+$0x0], $0xffff;
	v20 =	vand.u32 $0xFFFFFFF8, v20  }
0x8d: {  	v20 =	vor.u32 v2, v20;
	_ =	sdelay $0x2  }
0x8e: {  	[tilespmem:s15+$0xF180] =	vst v17;
	v17 =	vadd.s32 v13, v43  }
0x8f: {  	v18 =	vld.idx.msk [tilespmem:v18+s2+$0x0], $0xffff;
	v17 =	vand.u32 $0xFFFFFFF8, v17;
	[tilespmem:s13+$0xF210] =	vst v19;
	v19 =	vadd.s32 v14, v22  }
0x90: {  	v17 =	vor.u32 v2, v17;
	v20 =	vld.idx.msk [tilespmem:v20+s2+$0x0], $0xffff;
	v19 =	vand.u32 $0xFFFFFFF8, v19  }
0x91: {  	v19 =	vor.u32 v2, v19;
	_ =	sdelay $0x2  }
0x92: {  	[tilespmem:s15+$0xF200] =	vst v18;
	v18 =	vadd.s32 v14, v43  }
0x93: {  	v17 =	vld.idx.msk [tilespmem:v17+s2+$0x0], $0xffff;
	v18 =	vand.u32 $0xFFFFFFF8, v18;
	[tilespmem:s13+$0xF290] =	vst v20;
	v20 =	vadd.s32 v15, v22  }
0x94: {  	v18 =	vor.u32 v2, v18;
	v19 =	vld.idx.msk [tilespmem:v19+s2+$0x0], $0xffff;
	v20 =	vand.u32 $0xFFFFFFF8, v20  }
0x95: {  	v20 =	vor.u32 v2, v20;
	_ =	sdelay $0x2  }
0x96: {  	[tilespmem:s15+$0xF280] =	vst v17;
	v17 =	vadd.s32 v15, v43  }
0x97: {  	v18 =	vld.idx.msk [tilespmem:v18+s2+$0x0], $0xffff;
	v17 =	vand.u32 $0xFFFFFFF8, v17;
	[tilespmem:s13+$0xF310] =	vst v19;
	v19 =	vadd.s32 v16, v22  }
0x98: {  	v17 =	vor.u32 v2, v17;
	v20 =	vld.idx.msk [tilespmem:v20+s2+$0x0], $0xffff;
	v19 =	vand.u32 $0xFFFFFFF8, v19  }
0x99: {  	v19 =	vor.u32 v2, v19;
	_ =	sdelay $0x2  }
0x9a: {  	[tilespmem:s15+$0xF300] =	vst v18;
	v18 =	vadd.s32 v16, v43  }
0x9b: {  	v17 =	vld.idx.msk [tilespmem:v17+s2+$0x0], $0xffff;
	v18 =	vand.u32 $0xFFFFFFF8, v18;
	[tilespmem:s13+$0xF390] =	vst v20  }
0x9c: {  	v18 =	vor.u32 v2, v18;
	v19 =	vld.idx.msk [tilespmem:v19+s2+$0x0], $0xffff;
	_ =	sdelay $0x3  }
0x9d: {  	p1 =	slt.s32 s26, $0xC50;
	s0 =	smov.u32 s26;
	[tilespmem:s15+$0xF380] =	vst v17  }
0x9e: {  	s0 =	simm.s32 @!p1 $0xC50;
	v17 =	vld.idx.msk [tilespmem:v18+s2+$0x0], $0xffff;
	[tilespmem:s13+$0xF410] =	vst v19  }
0x9f: {  	v18 =	vld [tilespmem:s0+$0x8020];
	_ =	sdelay $0x1  }
0xa0: {  	s0 =	sadd.s32 $0x10, s14  }
0xa1: {  	p1 =	slt.s32 s0, $0xC70  }
0xa2: {  	[tilespmem:s15+$0xF400] =	vst v17;
	s0 =	simm.s32 @!p1 $0xC70  }
0xa3: {  	s1 =	smov.u32 s16;
	p1 =	slt.s32 s16, $0xC70;
	v17 =	vld [tilespmem:s0+$0x8000];
	v29 =	vshll.u32 v18, $0x4  }
0xa4: {  	s1 =	simm.s32 @!p1 $0xC70;
	v18 =	vor.u32 v0, v29  }
0xa5: {  	v19 =	vld [tilespmem:s1+$0x8000];
	_ =	sdelay $0x2  }
0xa6: {  	v22 =	vshll.u32 v17, $0x4;
	v17 =	vadd.s32 v1, v29  }
0xa7: {  	v20 =	vor.u32 v0, v22;
	v17 =	vand.u32 $0xFFFFFFF8, v17;
	v18 =	vld.idx.msk [tilespmem:v18+s2+$0x0], $0xffff  }
0xa8: {  	v43 =	vshll.u32 v19, $0x4;
	v17 =	vor.u32 v2, v17  }
0xa9: {  	v19 =	vor.u32 v0, v43;
	_ =	sdelay $0x1  }
0xaa: {  	v21 =	vadd.s32 v1, v22  }
0xab: {  	v20 =	vld.idx.msk [tilespmem:v20+s2+$0x0], $0xffff;
	[tilespmem:s13+$0x8CA0] =	vst v18;
	v18 =	vand.u32 $0xFFFFFFF8, v21;
	v21 =	vadd.s32 v3, v29  }
0xac: {  	v23 =	vadd.s32 v1, v43;
	v17 =	vld.idx.msk [tilespmem:v17+s2+$0x0], $0xffff;
	v18 =	vor.u32 v2, v18;
	v21 =	vand.u32 $0xFFFFFFF8, v21  }
0xad: {  	v23 =	vand.u32 $0xFFFFFFF8, v23;
	v19 =	vld.idx.msk [tilespmem:v19+s2+$0x0], $0xffff;
	v21 =	vor.u32 v2, v21  }
0xae: {  	v23 =	vor.u32 v2, v23;
	_ =	sdelay $0x1  }
0xaf: {  	[tilespmem:s15+$0x8C90] =	vst v20;
	v20 =	vadd.s32 v3, v22  }
0xb0: {  	s17 =	simm.s32 $0x800;
	v18 =	vld.idx.msk [tilespmem:v18+s2+$0x0], $0xffff;
	[tilespmem:s13+$0x8D20] =	vst v17;
	v17 =	vand.u32 $0xFFFFFFF8, v20;
	v20 =	vadd.s32 v4, v29  }
0xb1: {  	[tilespmem:s17+$0x8C80] =	vst v19;
	v19 =	vadd.s32 v3, v43;
	v21 =	vld.idx.msk [tilespmem:v21+s2+$0x0], $0xffff;
	v17 =	vor.u32 v2, v17;
	v20 =	vand.u32 $0xFFFFFFF8, v20  }
0xb2: {  	v23 =	vld.idx.msk [tilespmem:v23+s2+$0x0], $0xffff;
	v19 =	vand.u32 $0xFFFFFFF8, v19;
	v20 =	vor.u32 v2, v20  }
0xb3: {  	v19 =	vor.u32 v2, v19;
	_ =	sdelay $0x1  }
0xb4: {  	[tilespmem:s15+$0x8D10] =	vst v18;
	v18 =	vadd.s32 v4, v22  }
0xb5: {  	v17 =	vld.idx.msk [tilespmem:v17+s2+$0x0], $0xffff;
	[tilespmem:s13+$0x8DA0] =	vst v21;
	v18 =	vand.u32 $0xFFFFFFF8, v18;
	v21 =	vadd.s32 v5, v29  }
0xb6: {  	[tilespmem:s17+$0x8D00] =	vst v23;
	v23 =	vadd.s32 v4, v43;
	v20 =	vld.idx.msk [tilespmem:v20+s2+$0x0], $0xffff;
	v18 =	vor.u32 v2, v18;
	v21 =	vand.u32 $0xFFFFFFF8, v21  }
0xb7: {  	v19 =	vld.idx.msk [tilespmem:v19+s2+$0x0], $0xffff;
	v23 =	vand.u32 $0xFFFFFFF8, v23;
	v21 =	vor.u32 v2, v21  }
0xb8: {  	v23 =	vor.u32 v2, v23;
	_ =	sdelay $0x1  }
0xb9: {  	[tilespmem:s15+$0x8D90] =	vst v17;
	v17 =	vadd.s32 v5, v22  }
0xba: {  	v18 =	vld.idx.msk [tilespmem:v18+s2+$0x0], $0xffff;
	[tilespmem:s13+$0x8E20] =	vst v20;
	v17 =	vand.u32 $0xFFFFFFF8, v17;
	v20 =	vadd.s32 v6, v29  }
0xbb: {  	[tilespmem:s17+$0x8D80] =	vst v19;
	v19 =	vadd.s32 v5, v43;
	v21 =	vld.idx.msk [tilespmem:v21+s2+$0x0], $0xffff;
	v17 =	vor.u32 v2, v17;
	v20 =	vand.u32 $0xFFFFFFF8, v20  }
0xbc: {  	v23 =	vld.idx.msk [tilespmem:v23+s2+$0x0], $0xffff;
	v19 =	vand.u32 $0xFFFFFFF8, v19;
	v20 =	vor.u32 v2, v20  }
0xbd: {  	v19 =	vor.u32 v2, v19;
	_ =	sdelay $0x1  }
0xbe: {  	[tilespmem:s15+$0x8E10] =	vst v18;
	v18 =	vadd.s32 v6, v22  }
0xbf: {  	v17 =	vld.idx.msk [tilespmem:v17+s2+$0x0], $0xffff;
	[tilespmem:s13+$0x8EA0] =	vst v21;
	v18 =	vand.u32 $0xFFFFFFF8, v18;
	v21 =	vadd.s32 v7, v29  }
0xc0: {  	[tilespmem:s17+$0x8E00] =	vst v23;
	v23 =	vadd.s32 v6, v43;
	v20 =	vld.idx.msk [tilespmem:v20+s2+$0x0], $0xffff;
	v18 =	vor.u32 v2, v18;
	v21 =	vand.u32 $0xFFFFFFF8, v21  }
0xc1: {  	v19 =	vld.idx.msk [tilespmem:v19+s2+$0x0], $0xffff;
	v23 =	vand.u32 $0xFFFFFFF8, v23;
	v21 =	vor.u32 v2, v21  }
0xc2: {  	v23 =	vor.u32 v2, v23;
	_ =	sdelay $0x1  }
0xc3: {  	[tilespmem:s15+$0x8E90] =	vst v17;
	v17 =	vadd.s32 v7, v22  }
0xc4: {  	v18 =	vld.idx.msk [tilespmem:v18+s2+$0x0], $0xffff;
	[tilespmem:s13+$0x8F20] =	vst v20;
	v17 =	vand.u32 $0xFFFFFFF8, v17;
	v20 =	vadd.s32 v8, v29  }
0xc5: {  	[tilespmem:s17+$0x8E80] =	vst v19;
	v19 =	vld.idx.msk [tilespmem:v21+s2+$0x0], $0xffff;
	v17 =	vor.u32 v2, v17;
	v20 =	vand.u32 $0xFFFFFFF8, v20;
	v21 =	vadd.s32 v7, v43  }
0xc6: {  	v23 =	vld.idx.msk [tilespmem:v23+s2+$0x0], $0xffff;
	v20 =	vor.u32 v2, v20;
	v21 =	vand.u32 $0xFFFFFFF8, v21  }
0xc7: {  	v21 =	vor.u32 v2, v21;
	_ =	sdelay $0x1  }
0xc8: {  	[tilespmem:s15+$0x8F10] =	vst v18;
	v18 =	vadd.s32 v8, v22  }
0xc9: {  	v17 =	vld.idx.msk [tilespmem:v17+s2+$0x0], $0xffff;
	[tilespmem:s13+$0x8FA0] =	vst v19;
	v18 =	vand.u32 $0xFFFFFFF8, v18;
	v19 =	vadd.s32 v9, v29  }
0xca: {  	[tilespmem:s17+$0x8F00] =	vst v23;
	v23 =	vadd.s32 v8, v43;
	v20 =	vld.idx.msk [tilespmem:v20+s2+$0x0], $0xffff;
	v18 =	vor.u32 v2, v18;
	v19 =	vand.u32 $0xFFFFFFF8, v19  }
0xcb: {  	v23 =	vand.u32 $0xFFFFFFF8, v23;
	v19 =	vor.u32 v2, v19;
	v21 =	vld.idx.msk [tilespmem:v21+s2+$0x0], $0xffff  }
0xcc: {  	v23 =	vor.u32 v2, v23;
	_ =	sdelay $0x1  }
0xcd: {  	[tilespmem:s15+$0x8F90] =	vst v17;
	v17 =	vadd.s32 v9, v22  }
0xce: {  	[tilespmem:s13+$0x9020] =	vst v20;
	v18 =	vld.idx.msk [tilespmem:v18+s2+$0x0], $0xffff;
	v17 =	vand.u32 $0xFFFFFFF8, v17;
	v20 =	vadd.s32 v10, v29  }
0xcf: {  	v19 =	vld.idx.msk [tilespmem:v19+s2+$0x0], $0xffff;
	v17 =	vor.u32 v2, v17;
	v20 =	vand.u32 $0xFFFFFFF8, v20;
	[tilespmem:s17+$0x8F80] =	vst v21;
	v21 =	vadd.s32 v9, v43  }
0xd0: {  	v20 =	vor.u32 v2, v20;
	v23 =	vld.idx.msk [tilespmem:v23+s2+$0x0], $0xffff;
	v21 =	vand.u32 $0xFFFFFFF8, v21  }
0xd1: {  	v21 =	vor.u32 v2, v21;
	_ =	sdelay $0x1  }
0xd2: {  	[tilespmem:s15+$0x9010] =	vst v18;
	v18 =	vadd.s32 v10, v22  }
0xd3: {  	v17 =	vld.idx.msk [tilespmem:v17+s2+$0x0], $0xffff;
	[tilespmem:s13+$0xF0A0] =	vst v19;
	v18 =	vand.u32 $0xFFFFFFF8, v18;
	v19 =	vadd.s32 v11, v29  }
0xd4: {  	v20 =	vld.idx.msk [tilespmem:v20+s2+$0x0], $0xffff;
	v18 =	vor.u32 v2, v18;
	v19 =	vand.u32 $0xFFFFFFF8, v19;
	[tilespmem:s17+$0x9000] =	vst v23  }
0xd5: {  	p6 =	sne.s32 s7, $0x3000;
	v19 =	vor.u32 v2, v19;
	v21 =	vld.idx.msk [tilespmem:v21+s2+$0x0], $0xffff  }
.Ltmp2:
0xd6: {  	_ = 	snop;
	(pc) =	sbr.rel @!p6 .LBB2_6-.Ltmp2, $4  }
0xd7: {  	_ = 	snop  }
0xd8: {  	v23 =	vadd.s32 v10, v43;
	[tilespmem:s15+$0xF090] =	vst v17;
	v17 =	vadd.s32 v11, v22  }
0xd9: {  	v23 =	vand.u32 $0xFFFFFFF8, v23;
	v46 =	vld.idx.msk [tilespmem:v18+s2+$0x0], $0xffff;
	[tilespmem:s13+$0xF120] =	vst v20;
	v17 =	vand.u32 $0xFFFFFFF8, v17;
	v18 =	vadd.s32 v12, v29  }
0xda: {  	p1 =	por $0x1, $0x1;
	s1 =	sadd.s32 $0x80, s16;
	v47 =	vor.u32 v2, v23;
	v48 =	vld.idx.msk [tilespmem:v19+s2+$0x0], $0xffff;
	v49 =	vor.u32 v2, v17;
	[tilespmem:s17+$0xF080] =	vst v21;
	v50 =	vand.u32 $0xFFFFFFF8, v18  }
0xdb: {  	_ = 	snop  }
0xdc: {  	v17 =	vor.u32 v2, v50;
	_ =	sdelay $0x1  }
0xdd: {  	v18 =	vadd.s32 v11, v43  }
0xde: {  	v19 =	vld.idx.msk [tilespmem:v47+s2+$0x0], $0xffff;
	v20 =	vadd.s32 v12, v22;
	v18 =	vand.u32 $0xFFFFFFF8, v18;
	[tilespmem:s15+$0xF110] =	vst v46  }
0xdf: {  	v23 =	vadd.s32 v13, v29;
	v20 =	vand.u32 $0xFFFFFFF8, v20;
	v18 =	vor.u32 v2, v18;
	v21 =	vld.idx.msk [tilespmem:v49+s2+$0x0], $0xffff;
	[tilespmem:s13+$0xF1A0] =	vst v48  }
0xe0: {  	v23 =	vand.u32 $0xFFFFFFF8, v23;
	v20 =	vor.u32 v2, v20;
	v17 =	vld.idx.msk [tilespmem:v17+s2+$0x0], $0xffff  }
0xe1: {  	v23 =	vor.u32 v2, v23;
	_ =	sdelay $0x1  }
0xe2: {  	[tilespmem:s17+$0xF100] =	vst v19;
	v19 =	vadd.s32 v12, v43  }
0xe3: {  	v19 =	vand.u32 $0xFFFFFFF8, v19;
	v18 =	vld.idx.msk [tilespmem:v18+s2+$0x0], $0xffff;
	[tilespmem:s15+$0xF190] =	vst v21;
	v21 =	vadd.s32 v13, v22  }
0xe4: {  	v19 =	vor.u32 v2, v19;
	v20 =	vld.idx.msk [tilespmem:v20+s2+$0x0], $0xffff;
	[tilespmem:s13+$0xF220] =	vst v17;
	v17 =	vand.u32 $0xFFFFFFF8, v21;
	v21 =	vadd.s32 v14, v29  }
0xe5: {  	v23 =	vld.idx.msk [tilespmem:v23+s2+$0x0], $0xffff;
	v17 =	vor.u32 v2, v17;
	v21 =	vand.u32 $0xFFFFFFF8, v21  }
0xe6: {  	v21 =	vor.u32 v2, v21;
	_ =	sdelay $0x1  }
0xe7: {  	[tilespmem:s17+$0xF180] =	vst v18;
	v18 =	vadd.s32 v13, v43  }
0xe8: {  	v19 =	vld.idx.msk [tilespmem:v19+s2+$0x0], $0xffff;
	v18 =	vand.u32 $0xFFFFFFF8, v18;
	[tilespmem:s15+$0xF210] =	vst v20;
	v20 =	vadd.s32 v14, v22  }
0xe9: {  	v18 =	vor.u32 v2, v18;
	v17 =	vld.idx.msk [tilespmem:v17+s2+$0x0], $0xffff;
	[tilespmem:s13+$0xF2A0] =	vst v23;
	v20 =	vand.u32 $0xFFFFFFF8, v20;
	v23 =	vadd.s32 v15, v29  }
0xea: {  	v21 =	vld.idx.msk [tilespmem:v21+s2+$0x0], $0xffff;
	v20 =	vor.u32 v2, v20;
	v23 =	vand.u32 $0xFFFFFFF8, v23  }
0xeb: {  	v23 =	vor.u32 v2, v23;
	_ =	sdelay $0x1  }
0xec: {  	[tilespmem:s17+$0xF200] =	vst v19;
	v19 =	vadd.s32 v14, v43  }
0xed: {  	v18 =	vld.idx.msk [tilespmem:v18+s2+$0x0], $0xffff;
	[tilespmem:s15+$0xF290] =	vst v17;
	v17 =	vand.u32 $0xFFFFFFF8, v19;
	v19 =	vadd.s32 v15, v22  }
0xee: {  	v20 =	vld.idx.msk [tilespmem:v20+s2+$0x0], $0xffff;
	[tilespmem:s13+$0xF320] =	vst v21;
	v17 =	vor.u32 v2, v17;
	v19 =	vand.u32 $0xFFFFFFF8, v19;
	v21 =	vadd.s32 v16, v29  }
0xef: {  	v23 =	vld.idx.msk [tilespmem:v23+s2+$0x0], $0xffff;
	v19 =	vor.u32 v2, v19;
	v21 =	vand.u32 $0xFFFFFFF8, v21  }
0xf0: {  	v21 =	vor.u32 v2, v21;
	_ =	sdelay $0x1  }
0xf1: {  	[tilespmem:s17+$0xF280] =	vst v18;
	v18 =	vadd.s32 v15, v43  }
0xf2: {  	v18 =	vand.u32 $0xFFFFFFF8, v18;
	v17 =	vld.idx.msk [tilespmem:v17+s2+$0x0], $0xffff;
	[tilespmem:s15+$0xF310] =	vst v20;
	v20 =	vadd.s32 v16, v22  }
0xf3: {  	v18 =	vor.u32 v2, v18;
	v19 =	vld.idx.msk [tilespmem:v19+s2+$0x0], $0xffff;
	[tilespmem:s13+$0xF3A0] =	vst v23;
	v20 =	vand.u32 $0xFFFFFFF8, v20  }
0xf4: {  	v21 =	vld.idx.msk [tilespmem:v21+s2+$0x0], $0xffff;
	v20 =	vor.u32 v2, v20;
	_ =	sdelay $0x2  }
0xf5: {  	[tilespmem:s17+$0xF300] =	vst v17;
	v17 =	vadd.s32 v16, v43  }
0xf6: {  	p2 =	slt.s32 s26, $0xC40;
	s0 =	smov.u32 s26;
	v18 =	vld.idx.msk [tilespmem:v18+s2+$0x0], $0xffff;
	[tilespmem:s15+$0xF390] =	vst v19;
	v17 =	vand.u32 $0xFFFFFFF8, v17  }
0xf7: {  	s0 =	simm.s32 @!p2 $0xC40;
	v19 =	vld.idx.msk [tilespmem:v20+s2+$0x0], $0xffff;
	[tilespmem:s13+$0xF420] =	vst v21;
	v17 =	vor.u32 v2, v17  }
0xf8: {  	v20 =	vld [tilespmem:s0+$0x8030];
	_ =	sdelay $0x2  }
0xf9: {  	p2 =	slt.s32 s14, $0xC50;
	s0 =	smov.u32 s14;
	[tilespmem:s17+$0xF380] =	vst v18  }
0xfa: {  	s0 =	simm.s32 @!p2 $0xC50;
	v17 =	vld.idx.msk [tilespmem:v17+s2+$0x0], $0xffff;
	[tilespmem:s15+$0xF410] =	vst v19  }
0xfb: {  	v18 =	vld [tilespmem:s0+$0x8020];
	v42 =	vshll.u32 v20, $0x4  }
0xfc: {  	v19 =	vor.u32 v0, v42  }
0xfd: {  	s0 =	sadd.s32 $0x10, s16  }
0xfe: {  	p2 =	slt.s32 s0, $0xC70  }
0xff: {  	s0 =	simm.s32 @!p2 $0xC70;
	[tilespmem:s17+$0xF400] =	vst v17  }
0x100: {  	v17 =	vld [tilespmem:s0+$0x8000];
	v29 =	vshll.u32 v18, $0x4;
	v18 =	vadd.s32 v1, v42  }
0x101: {  	p2 =	slt.s32 s1, $0xC70;
	s0 =	smov.u32 s1;
	v19 =	vld.idx.msk [tilespmem:v19+s2+$0x0], $0xffff;
	v20 =	vor.u32 v0, v29;
	v18 =	vand.u32 $0xFFFFFFF8, v18  }
0x102: {  	s0 =	simm.s32 @!p2 $0xC70;
	v18 =	vor.u32 v2, v18  }
0x103: {  	v21 =	vld [tilespmem:s0+$0x8000];
	_ =	sdelay $0x1  }
0x104: {  	v22 =	vshll.u32 v17, $0x4;
	v17 =	vadd.s32 v1, v29  }
0x105: {  	v23 =	vadd.s32 v3, v42;
	v20 =	vld.idx.msk [tilespmem:v20+s2+$0x0], $0xffff;
	[tilespmem:s13+$0x8CB0] =	vst v19;
	v19 =	vor.u32 v0, v22;
	v17 =	vand.u32 $0xFFFFFFF8, v17  }
0x106: {  	v23 =	vand.u32 $0xFFFFFFF8, v23;
	v18 =	vld.idx.msk [tilespmem:v18+s2+$0x0], $0xffff;
	v17 =	vor.u32 v2, v17  }
0x107: {  	v43 =	vshll.u32 v21, $0x4;
	v21 =	vor.u32 v2, v23  }
0x108: {  	v23 =	vor.u32 v0, v43  }
0x109: {  	v24 =	vadd.s32 v1, v22  }
0x10a: {  	v54 =	vadd.s32 v3, v29;
	v19 =	vld.idx.msk [tilespmem:v19+s2+$0x0], $0xffff;
	[tilespmem:s15+$0x8CA0] =	vst v20;
	v20 =	vand.u32 $0xFFFFFFF8, v24  }
0x10b: {  	v55 =	vadd.s32 v4, v42;
	v17 =	vld.idx.msk [tilespmem:v17+s2+$0x0], $0xffff;
	[tilespmem:s13+$0x8D30] =	vst v18;
	v18 =	vor.u32 v2, v20;
	v20 =	vand.u32 $0xFFFFFFF8, v54  }
0x10c: {  	v25 =	vadd.s32 v1, v43;
	v24 =	vand.u32 $0xFFFFFFF8, v55;
	v21 =	vld.idx.msk [tilespmem:v21+s2+$0x0], $0xffff;
	v20 =	vor.u32 v2, v20  }
0x10d: {  	v25 =	vand.u32 $0xFFFFFFF8, v25;
	v24 =	vor.u32 v2, v24;
	v23 =	vld.idx.msk [tilespmem:v23+s2+$0x0], $0xffff  }
0x10e: {  	v25 =	vor.u32 v2, v25  }
0x10f: {  	[tilespmem:s17+$0x8C90] =	vst v19;
	v19 =	vadd.s32 v3, v22  }
0x110: {  	v18 =	vld.idx.msk [tilespmem:v18+s2+$0x0], $0xffff;
	[tilespmem:s15+$0x8D20] =	vst v17;
	v17 =	vand.u32 $0xFFFFFFF8, v19;
	v19 =	vadd.s32 v4, v29  }
0x111: {  	s22 =	simm.s32 $0xC00;
	v20 =	vld.idx.msk [tilespmem:v20+s2+$0x0], $0xffff;
	[tilespmem:s13+$0x8DB0] =	vst v21;
	v17 =	vor.u32 v2, v17;
	v19 =	vand.u32 $0xFFFFFFF8, v19;
	v21 =	vadd.s32 v5, v42  }
0x112: {  	[tilespmem:s22+$0x8C80] =	vst v23;
	v23 =	vadd.s32 v3, v43;
	v24 =	vld.idx.msk [tilespmem:v24+s2+$0x0], $0xffff;
	v19 =	vor.u32 v2, v19;
	v21 =	vand.u32 $0xFFFFFFF8, v21  }
0x113: {  	v25 =	vld.idx.msk [tilespmem:v25+s2+$0x0], $0xffff;
	v23 =	vand.u32 $0xFFFFFFF8, v23;
	v21 =	vor.u32 v2, v21  }
0x114: {  	v23 =	vor.u32 v2, v23  }
0x115: {  	[tilespmem:s17+$0x8D10] =	vst v18;
	v18 =	vadd.s32 v4, v22  }
0x116: {  	v17 =	vld.idx.msk [tilespmem:v17+s2+$0x0], $0xffff;
	[tilespmem:s15+$0x8DA0] =	vst v20;
	v18 =	vand.u32 $0xFFFFFFF8, v18;
	v20 =	vadd.s32 v5, v29  }
0x117: {  	v56 =	vadd.s32 v6, v42;
	v19 =	vld.idx.msk [tilespmem:v19+s2+$0x0], $0xffff;
	[tilespmem:s13+$0x8E30] =	vst v24;
	v18 =	vor.u32 v2, v18;
	v20 =	vand.u32 $0xFFFFFFF8, v20  }
0x118: {  	v57 =	vadd.s32 v4, v43;
	[tilespmem:s22+$0x8D00] =	vst v25;
	v24 =	vand.u32 $0xFFFFFFF8, v56;
	v21 =	vld.idx.msk [tilespmem:v21+s2+$0x0], $0xffff;
	v20 =	vor.u32 v2, v20  }
0x119: {  	v25 =	vand.u32 $0xFFFFFFF8, v57;
	v23 =	vld.idx.msk [tilespmem:v23+s2+$0x0], $0xffff;
	v24 =	vor.u32 v2, v24  }
0x11a: {  	v25 =	vor.u32 v2, v25  }
0x11b: {  	[tilespmem:s17+$0x8D90] =	vst v17;
	v17 =	vadd.s32 v5, v22  }
0x11c: {  	v18 =	vld.idx.msk [tilespmem:v18+s2+$0x0], $0xffff;
	[tilespmem:s15+$0x8E20] =	vst v19;
	v17 =	vand.u32 $0xFFFFFFF8, v17;
	v19 =	vadd.s32 v6, v29  }
0x11d: {  	v20 =	vld.idx.msk [tilespmem:v20+s2+$0x0], $0xffff;
	[tilespmem:s13+$0x8EB0] =	vst v21;
	v17 =	vor.u32 v2, v17;
	v19 =	vand.u32 $0xFFFFFFF8, v19;
	v21 =	vadd.s32 v7, v42  }
0x11e: {  	[tilespmem:s22+$0x8D80] =	vst v23;
	v23 =	vadd.s32 v5, v43;
	v24 =	vld.idx.msk [tilespmem:v24+s2+$0x0], $0xffff;
	v19 =	vor.u32 v2, v19;
	v21 =	vand.u32 $0xFFFFFFF8, v21  }
0x11f: {  	v25 =	vld.idx.msk [tilespmem:v25+s2+$0x0], $0xffff;
	v23 =	vand.u32 $0xFFFFFFF8, v23;
	v21 =	vor.u32 v2, v21  }
0x120: {  	v23 =	vor.u32 v2, v23  }
0x121: {  	[tilespmem:s17+$0x8E10] =	vst v18;
	v18 =	vadd.s32 v6, v22  }
0x122: {  	v17 =	vld.idx.msk [tilespmem:v17+s2+$0x0], $0xffff;
	[tilespmem:s15+$0x8EA0] =	vst v20;
	v18 =	vand.u32 $0xFFFFFFF8, v18;
	v20 =	vadd.s32 v7, v29  }
0x123: {  	v58 =	vadd.s32 v8, v42;
	v19 =	vld.idx.msk [tilespmem:v19+s2+$0x0], $0xffff;
	[tilespmem:s13+$0x8F30] =	vst v24;
	v18 =	vor.u32 v2, v18;
	v20 =	vand.u32 $0xFFFFFFF8, v20  }
0x124: {  	v59 =	vadd.s32 v6, v43;
	[tilespmem:s22+$0x8E00] =	vst v25;
	v24 =	vand.u32 $0xFFFFFFF8, v58;
	v21 =	vld.idx.msk [tilespmem:v21+s2+$0x0], $0xffff;
	v20 =	vor.u32 v2, v20  }
0x125: {  	v25 =	vand.u32 $0xFFFFFFF8, v59;
	v23 =	vld.idx.msk [tilespmem:v23+s2+$0x0], $0xffff;
	v24 =	vor.u32 v2, v24  }
0x126: {  	v25 =	vor.u32 v2, v25  }
0x127: {  	[tilespmem:s17+$0x8E90] =	vst v17;
	v17 =	vadd.s32 v7, v22  }
0x128: {  	v18 =	vld.idx.msk [tilespmem:v18+s2+$0x0], $0xffff;
	[tilespmem:s15+$0x8F20] =	vst v19;
	v17 =	vand.u32 $0xFFFFFFF8, v17;
	v19 =	vadd.s32 v8, v29  }
0x129: {  	v20 =	vld.idx.msk [tilespmem:v20+s2+$0x0], $0xffff;
	[tilespmem:s13+$0x8FB0] =	vst v21;
	v17 =	vor.u32 v2, v17;
	v19 =	vand.u32 $0xFFFFFFF8, v19;
	v21 =	vadd.s32 v9, v42  }
0x12a: {  	v60 =	vadd.s32 v7, v43;
	[tilespmem:s22+$0x8E80] =	vst v23;
	v23 =	vld.idx.msk [tilespmem:v24+s2+$0x0], $0xffff;
	v19 =	vor.u32 v2, v19;
	v21 =	vand.u32 $0xFFFFFFF8, v21  }
0x12b: {  	v25 =	vld.idx.msk [tilespmem:v25+s2+$0x0], $0xffff;
	v24 =	vand.u32 $0xFFFFFFF8, v60;
	v21 =	vor.u32 v2, v21  }
0x12c: {  	v24 =	vor.u32 v2, v24  }
0x12d: {  	[tilespmem:s17+$0x8F10] =	vst v18;
	v18 =	vadd.s32 v8, v22  }
0x12e: {  	v17 =	vld.idx.msk [tilespmem:v17+s2+$0x0], $0xffff;
	[tilespmem:s15+$0x8FA0] =	vst v20;
	v18 =	vand.u32 $0xFFFFFFF8, v18;
	v20 =	vadd.s32 v9, v29  }
0x12f: {  	v19 =	vld.idx.msk [tilespmem:v19+s2+$0x0], $0xffff;
	[tilespmem:s13+$0x9030] =	vst v23;
	v18 =	vor.u32 v2, v18;
	v20 =	vand.u32 $0xFFFFFFF8, v20;
	v23 =	vadd.s32 v10, v42  }
0x130: {  	v61 =	vadd.s32 v8, v43;
	[tilespmem:s22+$0x8F00] =	vst v25;
	v21 =	vld.idx.msk [tilespmem:v21+s2+$0x0], $0xffff;
	v20 =	vor.u32 v2, v20;
	v23 =	vand.u32 $0xFFFFFFF8, v23  }
0x131: {  	v25 =	vand.u32 $0xFFFFFFF8, v61;
	v24 =	vld.idx.msk [tilespmem:v24+s2+$0x0], $0xffff;
	v23 =	vor.u32 v2, v23  }
0x132: {  	v25 =	vor.u32 v2, v25  }
0x133: {  	[tilespmem:s17+$0x8F90] =	vst v17;
	v17 =	vadd.s32 v9, v22  }
0x134: {  	[tilespmem:s15+$0x9020] =	vst v19;
	v18 =	vld.idx.msk [tilespmem:v18+s2+$0x0], $0xffff;
	v17 =	vand.u32 $0xFFFFFFF8, v17;
	v19 =	vadd.s32 v10, v29  }
0x135: {  	[tilespmem:s13+$0xF0B0] =	vst v21;
	v20 =	vld.idx.msk [tilespmem:v20+s2+$0x0], $0xffff;
	v17 =	vor.u32 v2, v17;
	v19 =	vand.u32 $0xFFFFFFF8, v19;
	v21 =	vadd.s32 v11, v42  }
0x136: {  	v62 =	vadd.s32 v9, v43;
	[tilespmem:s22+$0x8F80] =	vst v24;
	v19 =	vor.u32 v2, v19;
	v23 =	vld.idx.msk [tilespmem:v23+s2+$0x0], $0xffff;
	v21 =	vand.u32 $0xFFFFFFF8, v21  }
0x137: {  	v24 =	vand.u32 $0xFFFFFFF8, v62;
	v25 =	vld.idx.msk [tilespmem:v25+s2+$0x0], $0xffff;
	v21 =	vor.u32 v2, v21  }
0x138: {  	v24 =	vor.u32 v2, v24  }
0x139: {  	[tilespmem:s17+$0x9010] =	vst v18;
	v18 =	vadd.s32 v10, v22  }
0x13a: {  	v17 =	vld.idx.msk [tilespmem:v17+s2+$0x0], $0xffff;
	[tilespmem:s15+$0xF0A0] =	vst v20;
	v18 =	vand.u32 $0xFFFFFFF8, v18;
	v20 =	vadd.s32 v11, v29  }
0x13b: {  	v19 =	vld.idx.msk [tilespmem:v19+s2+$0x0], $0xffff;
	v18 =	vor.u32 v2, v18;
	v20 =	vand.u32 $0xFFFFFFF8, v20;
	[tilespmem:s13+$0xF130] =	vst v23;
	v23 =	vadd.s32 v12, v42  }
0x13c: {  	[tilespmem:s22+$0x9000] =	vst v25;
	v20 =	vor.u32 v2, v20;
	v21 =	vld.idx.msk [tilespmem:v21+s2+$0x0], $0xffff;
	v23 =	vand.u32 $0xFFFFFFF8, v23  }
0x13d: {  	p6 =	sne.s32 s7, $0x4000;
	v24 =	vld.idx.msk [tilespmem:v24+s2+$0x0], $0xffff;
	v23 =	vor.u32 v2, v23  }
.Ltmp3:
0x13e: {  	_ = 	snop;
	(pc) =	sbr.rel @!p6 .LBB2_8-.Ltmp3, $4  }
0x13f: {  	v63 =	vadd.s32 v10, v43;
	[tilespmem:s17+$0xF090] =	vst v17  }
0x140: {  	v17 =	vand.u32 $0xFFFFFFF8, v63;
	v46 =	vld.idx.msk [tilespmem:v18+s2+$0x0], $0xffff;
	v18 =	vadd.s32 v11, v22;
	[tilespmem:s15+$0xF120] =	vst v19  }
0x141: {  	v47 =	vor.u32 v2, v17;
	v17 =	vand.u32 $0xFFFFFFF8, v18;
	v48 =	vld.idx.msk [tilespmem:v20+s2+$0x0], $0xffff;
	v18 =	vadd.s32 v12, v29;
	[tilespmem:s13+$0xF1B0] =	vst v21  }
0x142: {  	s8 =	sadd.s32 $0x80, s1;
	p2 =	por $0x1, $0x1;
	v55 =	vadd.s32 v13, v42;
	[tilespmem:s22+$0xF080] =	vst v24;
	v49 =	vor.u32 v2, v17;
	v50 =	vand.u32 $0xFFFFFFF8, v18;
	v52 =	vld.idx.msk [tilespmem:v23+s2+$0x0], $0xffff  }
0x143: {  	_ = 	snop  }
0x144: {  	v17 =	vand.u32 $0xFFFFFFF8, v55  }
0x145: {  	v17 =	vor.u32 v2, v17  }
0x146: {  	v18 =	vadd.s32 v11, v43;
	v19 =	vor.u32 v2, v50  }
0x147: {  	v20 =	vld.idx.msk [tilespmem:v47+s2+$0x0], $0xffff;
	v21 =	vadd.s32 v12, v22;
	v18 =	vand.u32 $0xFFFFFFF8, v18;
	[tilespmem:s17+$0xF110] =	vst v46  }
0x148: {  	v21 =	vand.u32 $0xFFFFFFF8, v21;
	v18 =	vor.u32 v2, v18;
	v23 =	vld.idx.msk [tilespmem:v49+s2+$0x0], $0xffff  }
0x149: {  	v24 =	vadd.s32 v14, v42;
	v21 =	vor.u32 v2, v21;
	[tilespmem:s13+$0xF230] =	vst v52  }
0x14a: {  	v25 =	vadd.s32 v13, v29;
	v24 =	vand.u32 $0xFFFFFFF8, v24;
	[tilespmem:s15+$0xF1A0] =	vst v48;
	v17 =	vld.idx.msk [tilespmem:v17+s2+$0x0], $0xffff  }
0x14b: {  	v25 =	vand.u32 $0xFFFFFFF8, v25;
	v24 =	vor.u32 v2, v24;
	v19 =	vld.idx.msk [tilespmem:v19+s2+$0x0], $0xffff  }
0x14c: {  	v25 =	vor.u32 v2, v25;
	[tilespmem:s22+$0xF100] =	vst v20;
	v20 =	vadd.s32 v12, v43  }
0x14d: {  	v20 =	vand.u32 $0xFFFFFFF8, v20;
	v18 =	vld.idx.msk [tilespmem:v18+s2+$0x0], $0xffff;
	[tilespmem:s17+$0xF190] =	vst v23;
	v23 =	vadd.s32 v13, v22  }
0x14e: {  	v20 =	vor.u32 v2, v20;
	v21 =	vld.idx.msk [tilespmem:v21+s2+$0x0], $0xffff;
	v23 =	vand.u32 $0xFFFFFFF8, v23  }
0x14f: {  	[tilespmem:s13+$0xF2B0] =	vst v17;
	v17 =	vor.u32 v2, v23;
	v23 =	vadd.s32 v15, v42  }
0x150: {  	[tilespmem:s15+$0xF220] =	vst v19;
	v19 =	vadd.s32 v14, v29;
	v24 =	vld.idx.msk [tilespmem:v24+s2+$0x0], $0xffff;
	v23 =	vand.u32 $0xFFFFFFF8, v23  }
0x151: {  	v25 =	vld.idx.msk [tilespmem:v25+s2+$0x0], $0xffff;
	v19 =	vand.u32 $0xFFFFFFF8, v19;
	v23 =	vor.u32 v2, v23  }
0x152: {  	[tilespmem:s22+$0xF180] =	vst v18;
	v18 =	vadd.s32 v13, v43;
	v19 =	vor.u32 v2, v19  }
0x153: {  	v20 =	vld.idx.msk [tilespmem:v20+s2+$0x0], $0xffff;
	v18 =	vand.u32 $0xFFFFFFF8, v18;
	[tilespmem:s17+$0xF210] =	vst v21;
	v21 =	vadd.s32 v14, v22  }
0x154: {  	v18 =	vor.u32 v2, v18;
	v21 =	vand.u32 $0xFFFFFFF8, v21;
	v17 =	vld.idx.msk [tilespmem:v17+s2+$0x0], $0xffff  }
0x155: {  	v40 =	vadd.s32 v16, v42;
	v21 =	vor.u32 v2, v21;
	[tilespmem:s13+$0xF330] =	vst v24  }
0x156: {  	v41 =	vadd.s32 v15, v29;
	[tilespmem:s15+$0xF2A0] =	vst v25;
	v24 =	vand.u32 $0xFFFFFFF8, v40;
	v23 =	vld.idx.msk [tilespmem:v23+s2+$0x0], $0xffff  }
0x157: {  	v25 =	vand.u32 $0xFFFFFFF8, v41;
	v19 =	vld.idx.msk [tilespmem:v19+s2+$0x0], $0xffff;
	v24 =	vor.u32 v2, v24  }
0x158: {  	v42 =	vadd.s32 v14, v43;
	[tilespmem:s22+$0xF200] =	vst v20;
	v20 =	vor.u32 v2, v25  }
0x159: {  	v44 =	vadd.s32 v15, v22;
	v18 =	vld.idx.msk [tilespmem:v18+s2+$0x0], $0xffff;
	[tilespmem:s17+$0xF290] =	vst v17;
	v17 =	vand.u32 $0xFFFFFFF8, v42  }
0x15a: {  	v25 =	vand.u32 $0xFFFFFFF8, v44;
	v21 =	vld.idx.msk [tilespmem:v21+s2+$0x0], $0xffff;
	v17 =	vor.u32 v2, v17  }
0x15b: {  	[tilespmem:s13+$0xF3B0] =	vst v23;
	v23 =	vor.u32 v2, v25  }
0x15c: {  	[tilespmem:s15+$0xF320] =	vst v19;
	v19 =	vadd.s32 v16, v29;
	v24 =	vld.idx.msk [tilespmem:v24+s2+$0x0], $0xffff  }
0x15d: {  	v20 =	vld.idx.msk [tilespmem:v20+s2+$0x0], $0xffff;
	v19 =	vand.u32 $0xFFFFFFF8, v19  }
0x15e: {  	v19 =	vor.u32 v2, v19;
	[tilespmem:s22+$0xF280] =	vst v18;
	v18 =	vadd.s32 v15, v43  }
0x15f: {  	v18 =	vand.u32 $0xFFFFFFF8, v18;
	v17 =	vld.idx.msk [tilespmem:v17+s2+$0x0], $0xffff;
	[tilespmem:s17+$0xF310] =	vst v21;
	v21 =	vadd.s32 v16, v22  }
0x160: {  	p3 =	slt.s32 s26, $0xC30;
	s0 =	smov.u32 s26;
	v18 =	vor.u32 v2, v18;
	v22 =	vld.idx.msk [tilespmem:v23+s2+$0x0], $0xffff;
	v21 =	vand.u32 $0xFFFFFFF8, v21  }
0x161: {  	s0 =	simm.s32 @!p3 $0xC30;
	[tilespmem:s13+$0xF430] =	vst v24;
	v21 =	vor.u32 v2, v21  }
0x162: {  	[tilespmem:s15+$0xF3A0] =	vst v20;
	v20 =	vld [tilespmem:s0+$0x8040]  }
0x163: {  	v19 =	vld.idx.msk [tilespmem:v19+s2+$0x0], $0xffff  }
0x164: {  	[tilespmem:s22+$0xF300] =	vst v17;
	v17 =	vadd.s32 v16, v43  }
0x165: {  	v18 =	vld.idx.msk [tilespmem:v18+s2+$0x0], $0xffff;
	[tilespmem:s17+$0xF390] =	vst v22;
	v17 =	vand.u32 $0xFFFFFFF8, v17  }
0x166: {  	v21 =	vld.idx.msk [tilespmem:v21+s2+$0x0], $0xffff;
	v22 =	vor.u32 v2, v17  }
0x167: {  	p3 =	slt.s32 s14, $0xC40;
	s0 =	smov.u32 s14;
	v17 =	vshll.u32 v20, $0x4  }
0x168: {  	s0 =	simm.s32 @!p3 $0xC40;
	[tilespmem:s15+$0xF420] =	vst v19;
	v19 =	vor.u32 v0, v17  }
0x169: {  	v20 =	vld [tilespmem:s0+$0x8030]  }
0x16a: {  	p3 =	slt.s32 s16, $0xC50;
	s0 =	smov.u32 s16;
	[tilespmem:s22+$0xF380] =	vst v18  }
0x16b: {  	s0 =	simm.s32 @!p3 $0xC50;
	v18 =	vld.idx.msk [tilespmem:v22+s2+$0x0], $0xffff;
	[tilespmem:s17+$0xF410] =	vst v21  }
0x16c: {  	v22 =	vadd.s32 v1, v17;
	v21 =	vld [tilespmem:s0+$0x8020]  }
0x16d: {  	v22 =	vand.u32 $0xFFFFFFF8, v22;
	v19 =	vld.idx.msk [tilespmem:v19+s2+$0x0], $0xffff  }
0x16e: {  	v42 =	vshll.u32 v20, $0x4;
	v20 =	vor.u32 v2, v22  }
0x16f: {  	s0 =	sadd.s32 $0x10, s1;
	v22 =	vor.u32 v0, v42  }
0x170: {  	p3 =	slt.s32 s0, $0xC70  }
0x171: {  	s0 =	simm.s32 @!p3 $0xC70;
	[tilespmem:s22+$0xF400] =	vst v18  }
0x172: {  	v18 =	vld [tilespmem:s0+$0x8000];
	v29 =	vshll.u32 v21, $0x4;
	[tilespmem:s13+$0x8CC0] =	vst v19;
	v19 =	vadd.s32 v3, v17  }
0x173: {  	v21 =	vadd.s32 v1, v42;
	v23 =	vor.u32 v0, v29;
	v20 =	vld.idx.msk [tilespmem:v20+s2+$0x0], $0xffff;
	v19 =	vand.u32 $0xFFFFFFF8, v19  }
0x174: {  	p3 =	slt.s32 s8, $0xC70;
	s0 =	smov.u32 s8;
	v45 =	vld.idx.msk [tilespmem:v22+s2+$0x0], $0xffff;
	v21 =	vand.u32 $0xFFFFFFF8, v21;
	v19 =	vor.u32 v2, v19  }
0x175: {  	s0 =	simm.s32 @!p3 $0xC70;
	v21 =	vor.u32 v2, v21  }
0x176: {  	v46 =	vld [tilespmem:s0+$0x8000]  }
0x177: {  	v22 =	vshll.u32 v18, $0x4;
	v18 =	vadd.s32 v1, v29  }
0x178: {  	v23 =	vld.idx.msk [tilespmem:v23+s2+$0x0], $0xffff;
	v26 =	vor.u32 v0, v22;
	v18 =	vand.u32 $0xFFFFFFF8, v18;
	[tilespmem:s13+$0x8D40] =	vst v20;
	v20 =	vadd.s32 v4, v17  }
0x179: {  	v47 =	vadd.s32 v3, v42;
	[tilespmem:s15+$0x8CB0] =	vst v45;
	v18 =	vor.u32 v2, v18;
	v19 =	vld.idx.msk [tilespmem:v19+s2+$0x0], $0xffff;
	v20 =	vand.u32 $0xFFFFFFF8, v20  }
0x17a: {  	v24 =	vand.u32 $0xFFFFFFF8, v47;
	v21 =	vld.idx.msk [tilespmem:v21+s2+$0x0], $0xffff;
	v20 =	vor.u32 v2, v20  }
0x17b: {  	v24 =	vor.u32 v2, v24;
	v43 =	vshll.u32 v46, $0x4  }
0x17c: {  	v27 =	vadd.s32 v1, v22;
	v25 =	vor.u32 v0, v43  }
0x17d: {  	v26 =	vld.idx.msk [tilespmem:v26+s2+$0x0], $0xffff;
	[tilespmem:s17+$0x8CA0] =	vst v23;
	v23 =	vand.u32 $0xFFFFFFF8, v27;
	v27 =	vadd.s32 v3, v29  }
0x17e: {  	v18 =	vld.idx.msk [tilespmem:v18+s2+$0x0], $0xffff;
	v23 =	vor.u32 v2, v23;
	v27 =	vand.u32 $0xFFFFFFF8, v27;
	[tilespmem:s13+$0x8DC0] =	vst v19;
	v19 =	vadd.s32 v5, v17  }
0x17f: {  	[tilespmem:s15+$0x8D30] =	vst v21;
	v21 =	vadd.s32 v4, v42;
	v27 =	vor.u32 v2, v27;
	v20 =	vld.idx.msk [tilespmem:v20+s2+$0x0], $0xffff;
	v19 =	vand.u32 $0xFFFFFFF8, v19  }
0x180: {  	v28 =	vadd.s32 v1, v43;
	v24 =	vld.idx.msk [tilespmem:v24+s2+$0x0], $0xffff;
	v21 =	vand.u32 $0xFFFFFFF8, v21;
	v19 =	vor.u32 v2, v19  }
0x181: {  	v28 =	vand.u32 $0xFFFFFFF8, v28;
	v25 =	vld.idx.msk [tilespmem:v25+s2+$0x0], $0xffff;
	v21 =	vor.u32 v2, v21  }
0x182: {  	v48 =	vadd.s32 v3, v22;
	v28 =	vor.u32 v2, v28;
	[tilespmem:s22+$0x8C90] =	vst v26  }
0x183: {  	v49 =	vadd.s32 v4, v29;
	v23 =	vld.idx.msk [tilespmem:v23+s2+$0x0], $0xffff;
	[tilespmem:s17+$0x8D20] =	vst v18;
	v18 =	vand.u32 $0xFFFFFFF8, v48  }
0x184: {  	v26 =	vand.u32 $0xFFFFFFF8, v49;
	v27 =	vld.idx.msk [tilespmem:v27+s2+$0x0], $0xffff;
	v18 =	vor.u32 v2, v18;
	[tilespmem:s13+$0x8E40] =	vst v20;
	v20 =	vadd.s32 v6, v17  }
0x185: {  	s23 =	simm.s32 $0x1000;
	v50 =	vadd.s32 v5, v42;
	v26 =	vor.u32 v2, v26;
	[tilespmem:s15+$0x8DB0] =	vst v24;
	v19 =	vld.idx.msk [tilespmem:v19+s2+$0x0], $0xffff;
	v20 =	vand.u32 $0xFFFFFFF8, v20  }
0x186: {  	v51 =	vadd.s32 v3, v43;
	[tilespmem:s23+$0x8C80] =	vst v25;
	v24 =	vand.u32 $0xFFFFFFF8, v50;
	v21 =	vld.idx.msk [tilespmem:v21+s2+$0x0], $0xffff;
	v20 =	vor.u32 v2, v20  }
0x187: {  	v25 =	vand.u32 $0xFFFFFFF8, v51;
	v28 =	vld.idx.msk [tilespmem:v28+s2+$0x0], $0xffff;
	v24 =	vor.u32 v2, v24  }
0x188: {  	v25 =	vor.u32 v2, v25;
	[tilespmem:s22+$0x8D10] =	vst v23;
	v23 =	vadd.s32 v4, v22  }
0x189: {  	v18 =	vld.idx.msk [tilespmem:v18+s2+$0x0], $0xffff;
	[tilespmem:s17+$0x8DA0] =	vst v27;
	v23 =	vand.u32 $0xFFFFFFF8, v23;
	v27 =	vadd.s32 v5, v29  }
0x18a: {  	v26 =	vld.idx.msk [tilespmem:v26+s2+$0x0], $0xffff;
	v23 =	vor.u32 v2, v23;
	v27 =	vand.u32 $0xFFFFFFF8, v27;
	[tilespmem:s13+$0x8EC0] =	vst v19;
	v19 =	vadd.s32 v7, v17  }
0x18b: {  	[tilespmem:s15+$0x8E30] =	vst v21;
	v21 =	vadd.s32 v6, v42;
	v27 =	vor.u32 v2, v27;
	v20 =	vld.idx.msk [tilespmem:v20+s2+$0x0], $0xffff;
	v19 =	vand.u32 $0xFFFFFFF8, v19  }
0x18c: {  	[tilespmem:s23+$0x8D00] =	vst v28;
	v28 =	vadd.s32 v4, v43;
	v24 =	vld.idx.msk [tilespmem:v24+s2+$0x0], $0xffff;
	v21 =	vand.u32 $0xFFFFFFF8, v21;
	v19 =	vor.u32 v2, v19  }
0x18d: {  	v25 =	vld.idx.msk [tilespmem:v25+s2+$0x0], $0xffff;
	v28 =	vand.u32 $0xFFFFFFF8, v28;
	v21 =	vor.u32 v2, v21  }
0x18e: {  	v28 =	vor.u32 v2, v28;
	[tilespmem:s22+$0x8D90] =	vst v18;
	v18 =	vadd.s32 v5, v22  }
0x18f: {  	v52 =	vadd.s32 v6, v29;
	v23 =	vld.idx.msk [tilespmem:v23+s2+$0x0], $0xffff;
	[tilespmem:s17+$0x8E20] =	vst v26;
	v18 =	vand.u32 $0xFFFFFFF8, v18  }
0x190: {  	v26 =	vand.u32 $0xFFFFFFF8, v52;
	v27 =	vld.idx.msk [tilespmem:v27+s2+$0x0], $0xffff;
	v18 =	vor.u32 v2, v18;
	[tilespmem:s13+$0x8F40] =	vst v20;
	v20 =	vadd.s32 v8, v17  }
0x191: {  	v53 =	vadd.s32 v7, v42;
	[tilespmem:s15+$0x8EB0] =	vst v24;
	v26 =	vor.u32 v2, v26;
	v19 =	vld.idx.msk [tilespmem:v19+s2+$0x0], $0xffff;
	v20 =	vand.u32 $0xFFFFFFF8, v20  }
0x192: {  	v54 =	vadd.s32 v5, v43;
	[tilespmem:s23+$0x8D80] =	vst v25;
	v24 =	vand.u32 $0xFFFFFFF8, v53;
	v21 =	vld.idx.msk [tilespmem:v21+s2+$0x0], $0xffff;
	v20 =	vor.u32 v2, v20  }
0x193: {  	v25 =	vand.u32 $0xFFFFFFF8, v54;
	v28 =	vld.idx.msk [tilespmem:v28+s2+$0x0], $0xffff;
	v24 =	vor.u32 v2, v24  }
0x194: {  	v25 =	vor.u32 v2, v25;
	[tilespmem:s22+$0x8E10] =	vst v23;
	v23 =	vadd.s32 v6, v22  }
0x195: {  	v18 =	vld.idx.msk [tilespmem:v18+s2+$0x0], $0xffff;
	[tilespmem:s17+$0x8EA0] =	vst v27;
	v23 =	vand.u32 $0xFFFFFFF8, v23;
	v27 =	vadd.s32 v7, v29  }
0x196: {  	v26 =	vld.idx.msk [tilespmem:v26+s2+$0x0], $0xffff;
	v23 =	vor.u32 v2, v23;
	v27 =	vand.u32 $0xFFFFFFF8, v27;
	[tilespmem:s13+$0x8FC0] =	vst v19;
	v19 =	vadd.s32 v9, v17  }
0x197: {  	[tilespmem:s15+$0x8F30] =	vst v21;
	v21 =	vadd.s32 v8, v42;
	v27 =	vor.u32 v2, v27;
	v20 =	vld.idx.msk [tilespmem:v20+s2+$0x0], $0xffff;
	v19 =	vand.u32 $0xFFFFFFF8, v19  }
0x198: {  	[tilespmem:s23+$0x8E00] =	vst v28;
	v28 =	vadd.s32 v6, v43;
	v24 =	vld.idx.msk [tilespmem:v24+s2+$0x0], $0xffff;
	v21 =	vand.u32 $0xFFFFFFF8, v21;
	v19 =	vor.u32 v2, v19  }
0x199: {  	v25 =	vld.idx.msk [tilespmem:v25+s2+$0x0], $0xffff;
	v28 =	vand.u32 $0xFFFFFFF8, v28;
	v21 =	vor.u32 v2, v21  }
0x19a: {  	v28 =	vor.u32 v2, v28;
	[tilespmem:s22+$0x8E90] =	vst v18;
	v18 =	vadd.s32 v7, v22  }
0x19b: {  	v55 =	vadd.s32 v8, v29;
	v23 =	vld.idx.msk [tilespmem:v23+s2+$0x0], $0xffff;
	[tilespmem:s17+$0x8F20] =	vst v26;
	v18 =	vand.u32 $0xFFFFFFF8, v18  }
0x19c: {  	v26 =	vand.u32 $0xFFFFFFF8, v55;
	v27 =	vld.idx.msk [tilespmem:v27+s2+$0x0], $0xffff;
	v18 =	vor.u32 v2, v18;
	[tilespmem:s13+$0x9040] =	vst v20;
	v20 =	vadd.s32 v10, v17  }
0x19d: {  	v56 =	vadd.s32 v9, v42;
	[tilespmem:s15+$0x8FB0] =	vst v24;
	v26 =	vor.u32 v2, v26;
	v19 =	vld.idx.msk [tilespmem:v19+s2+$0x0], $0xffff;
	v20 =	vand.u32 $0xFFFFFFF8, v20  }
0x19e: {  	v57 =	vadd.s32 v7, v43;
	[tilespmem:s23+$0x8E80] =	vst v25;
	v24 =	vand.u32 $0xFFFFFFF8, v56;
	v21 =	vld.idx.msk [tilespmem:v21+s2+$0x0], $0xffff;
	v20 =	vor.u32 v2, v20  }
0x19f: {  	v25 =	vand.u32 $0xFFFFFFF8, v57;
	v28 =	vld.idx.msk [tilespmem:v28+s2+$0x0], $0xffff;
	v24 =	vor.u32 v2, v24  }
0x1a0: {  	v25 =	vor.u32 v2, v25;
	[tilespmem:s22+$0x8F10] =	vst v23;
	v23 =	vadd.s32 v8, v22  }
0x1a1: {  	v18 =	vld.idx.msk [tilespmem:v18+s2+$0x0], $0xffff;
	[tilespmem:s17+$0x8FA0] =	vst v27;
	v23 =	vand.u32 $0xFFFFFFF8, v23;
	v27 =	vadd.s32 v9, v29  }
0x1a2: {  	v26 =	vld.idx.msk [tilespmem:v26+s2+$0x0], $0xffff;
	[tilespmem:s13+$0xF0C0] =	vst v19;
	v19 =	vor.u32 v2, v23;
	v23 =	vand.u32 $0xFFFFFFF8, v27;
	v27 =	vadd.s32 v11, v17  }
0x1a3: {  	[tilespmem:s15+$0x9030] =	vst v21;
	v20 =	vld.idx.msk [tilespmem:v20+s2+$0x0], $0xffff;
	v21 =	vor.u32 v2, v23;
	v23 =	vand.u32 $0xFFFFFFF8, v27;
	v27 =	vadd.s32 v10, v42  }
0x1a4: {  	[tilespmem:s23+$0x8F00] =	vst v28;
	v28 =	vadd.s32 v8, v43;
	v24 =	vld.idx.msk [tilespmem:v24+s2+$0x0], $0xffff;
	v23 =	vor.u32 v2, v23;
	v27 =	vand.u32 $0xFFFFFFF8, v27  }
0x1a5: {  	v25 =	vld.idx.msk [tilespmem:v25+s2+$0x0], $0xffff;
	v28 =	vand.u32 $0xFFFFFFF8, v28;
	v27 =	vor.u32 v2, v27  }
0x1a6: {  	v28 =	vor.u32 v2, v28;
	[tilespmem:s22+$0x8F90] =	vst v18;
	v18 =	vadd.s32 v9, v22  }
0x1a7: {  	v58 =	vadd.s32 v10, v29;
	[tilespmem:s17+$0x9020] =	vst v26;
	v18 =	vand.u32 $0xFFFFFFF8, v18;
	v19 =	vld.idx.msk [tilespmem:v19+s2+$0x0], $0xffff  }
0x1a8: {  	v59 =	vadd.s32 v12, v17;
	v18 =	vor.u32 v2, v18;
	v21 =	vld.idx.msk [tilespmem:v21+s2+$0x0], $0xffff;
	[tilespmem:s13+$0xF140] =	vst v20;
	v20 =	vand.u32 $0xFFFFFFF8, v58  }
0x1a9: {  	v60 =	vand.u32 $0xFFFFFFF8, v59;
	v61 =	vadd.s32 v11, v42;
	[tilespmem:s15+$0xF0B0] =	vst v24;
	v23 =	vld.idx.msk [tilespmem:v23+s2+$0x0], $0xffff;
	v20 =	vor.u32 v2, v20  }
0x1aa: {  	v26 =	vand.u32 $0xFFFFFFF8, v61;
	v24 =	vor.u32 v2, v60;
	[tilespmem:s23+$0x8F80] =	vst v25;
	v62 =	vld.idx.msk [tilespmem:v27+s2+$0x0], $0xffff;
	v27 =	vadd.s32 v9, v43  }
0x1ab: {  	v26 =	vor.u32 v2, v26;
	v28 =	vld.idx.msk [tilespmem:v28+s2+$0x0], $0xffff;
	v27 =	vand.u32 $0xFFFFFFF8, v27  }
0x1ac: {  	[tilespmem:s22+$0x9010] =	vst v19;
	v19 =	vadd.s32 v10, v22;
	v27 =	vor.u32 v2, v27  }
0x1ad: {  	v18 =	vld.idx.msk [tilespmem:v18+s2+$0x0], $0xffff;
	[tilespmem:s17+$0xF0A0] =	vst v21;
	v19 =	vand.u32 $0xFFFFFFF8, v19;
	v21 =	vadd.s32 v11, v29  }
0x1ae: {  	v20 =	vld.idx.msk [tilespmem:v20+s2+$0x0], $0xffff;
	[tilespmem:s13+$0xF1C0] =	vst v23;
	v19 =	vor.u32 v2, v19;
	v21 =	vand.u32 $0xFFFFFFF8, v21;
	v23 =	vadd.s32 v13, v17  }
0x1af: {  	v63 =	vadd.s32 v12, v42;
	v24 =	vld.idx.msk [tilespmem:v24+s2+$0x0], $0xffff;
	v21 =	vor.u32 v2, v21;
	v23 =	vand.u32 $0xFFFFFFF8, v23;
	[tilespmem:s15+$0xF130] =	vst v62  }
0x1b0: {  	v25 =	vand.u32 $0xFFFFFFF8, v63;
	[tilespmem:s23+$0x9000] =	vst v28;
	v23 =	vor.u32 v2, v23;
	v26 =	vld.idx.msk [tilespmem:v26+s2+$0x0], $0xffff  }
0x1b1: {  	p6 =	sne.s32 s7, $0x5000;
	v25 =	vor.u32 v2, v25;
	v27 =	vld.idx.msk [tilespmem:v27+s2+$0x0], $0xffff  }
.Ltmp4:
0x1b2: {  	v28 =	vadd.s32 v10, v43;
	[tilespmem:s22+$0xF090] =	vst v18;
	(pc) =	sbr.rel @!p6 .LBB2_10-.Ltmp4, $4  }
0x1b3: {  	v18 =	vand.u32 $0xFFFFFFF8, v28;
	v46 =	vld.idx.msk [tilespmem:v19+s2+$0x0], $0xffff;
	v19 =	vadd.s32 v11, v22;
	[tilespmem:s17+$0xF120] =	vst v20  }
0x1b4: {  	v47 =	vor.u32 v2, v18;
	v18 =	vand.u32 $0xFFFFFFF8, v19;
	v48 =	vld.idx.msk [tilespmem:v21+s2+$0x0], $0xffff;
	[tilespmem:s13+$0xF240] =	vst v24;
	v19 =	vadd.s32 v14, v17  }
0x1b5: {  	v20 =	vadd.s32 v12, v29;
	v49 =	vor.u32 v2, v18;
	v18 =	vld.idx.msk [tilespmem:v23+s2+$0x0], $0xffff;
	v19 =	vand.u32 $0xFFFFFFF8, v19;
	[tilespmem:s15+$0xF1B0] =	vst v26  }
0x1b6: {  	s9 =	sadd.s32 $0x80, s8;
	p3 =	por $0x1, $0x1;
	v55 =	vadd.s32 v13, v42;
	v50 =	vand.u32 $0xFFFFFFF8, v20;
	v19 =	vor.u32 v2, v19;
	[tilespmem:s23+$0xF080] =	vst v27;
	v52 =	vld.idx.msk [tilespmem:v25+s2+$0x0], $0xffff  }
0x1b7: {  	_ =	sdelay $0x1  }
0x1b8: {  	[dreg:$0xa] =	wrdreg s28;
	v20 =	vand.u32 $0xFFFFFFF8, v55  }
0x1b9: {  	v21 =	vadd.s32 v15, v17;
	v20 =	vor.u32 v2, v20;
	[tilespmem:s13+$0xF2C0] =	vst v18  }
0x1ba: {  	v21 =	vand.u32 $0xFFFFFFF8, v21;
	v23 =	vld.idx.msk [tilespmem:v19+s2+$0x0], $0xffff  }
0x1bb: {  	v24 =	vadd.s32 v11, v43;
	v21 =	vor.u32 v2, v21  }
0x1bc: {  	v26 =	vor.u32 v2, v50;
	v27 =	vadd.s32 v12, v22;
	v25 =	vld.idx.msk [tilespmem:v47+s2+$0x0], $0xffff;
	[tilespmem:s22+$0xF110] =	vst v46;
	v24 =	vand.u32 $0xFFFFFFF8, v24  }
0x1bd: {  	v30 =	vadd.s32 v14, v42;
	v27 =	vand.u32 $0xFFFFFFF8, v27;
	v28 =	vld.idx.msk [tilespmem:v49+s2+$0x0], $0xffff;
	v24 =	vor.u32 v2, v24;
	[tilespmem:s15+$0xF230] =	vst v52  }
0x1be: {  	v30 =	vand.u32 $0xFFFFFFF8, v30;
	v27 =	vor.u32 v2, v27;
	v20 =	vld.idx.msk [tilespmem:v20+s2+$0x0], $0xffff  }
0x1bf: {  	v30 =	vor.u32 v2, v30;
	[tilespmem:s13+$0xF340] =	vst v23;
	v23 =	vadd.s32 v16, v17  }
0x1c0: {  	v31 =	vadd.s32 v13, v29;
	[tilespmem:s17+$0xF1A0] =	vst v48;
	v21 =	vld.idx.msk [tilespmem:v21+s2+$0x0], $0xffff;
	v23 =	vand.u32 $0xFFFFFFF8, v23  }
0x1c1: {  	v26 =	vld.idx.msk [tilespmem:v26+s2+$0x0], $0xffff;
	[tilespmem:s23+$0xF100] =	vst v25;
	v25 =	vand.u32 $0xFFFFFFF8, v31;
	v31 =	vadd.s32 v12, v43;
	v23 =	vor.u32 v2, v23  }
0x1c2: {  	v24 =	vld.idx.msk [tilespmem:v24+s2+$0x0], $0xffff;
	[tilespmem:s22+$0xF190] =	vst v28;
	v25 =	vor.u32 v2, v25;
	v28 =	vand.u32 $0xFFFFFFF8, v31;
	v31 =	vadd.s32 v13, v22  }
0x1c3: {  	v27 =	vld.idx.msk [tilespmem:v27+s2+$0x0], $0xffff;
	v28 =	vor.u32 v2, v28;
	v31 =	vand.u32 $0xFFFFFFF8, v31;
	[tilespmem:s15+$0xF2B0] =	vst v20;
	v20 =	vadd.s32 v15, v42  }
0x1c4: {  	v31 =	vor.u32 v2, v31;
	v30 =	vld.idx.msk [tilespmem:v30+s2+$0x0], $0xffff;
	v20 =	vand.u32 $0xFFFFFFF8, v20  }
0x1c5: {  	v20 =	vor.u32 v2, v20;
	[tilespmem:s13+$0xF3C0] =	vst v21  }
0x1c6: {  	[tilespmem:s17+$0xF220] =	vst v26;
	v21 =	vadd.s32 v14, v29;
	v23 =	vld.idx.msk [tilespmem:v23+s2+$0x0], $0xffff  }
0x1c7: {  	v25 =	vld.idx.msk [tilespmem:v25+s2+$0x0], $0xffff;
	[tilespmem:s23+$0xF180] =	vst v24;
	v24 =	vadd.s32 v13, v43;
	v21 =	vand.u32 $0xFFFFFFF8, v21  }
0x1c8: {  	v26 =	vld.idx.msk [tilespmem:v28+s2+$0x0], $0xffff;
	v24 =	vand.u32 $0xFFFFFFF8, v24;
	[tilespmem:s22+$0xF210] =	vst v27;
	v27 =	vadd.s32 v14, v22;
	v21 =	vor.u32 v2, v21  }
0x1c9: {  	v24 =	vor.u32 v2, v24;
	v28 =	vld.idx.msk [tilespmem:v31+s2+$0x0], $0xffff;
	v27 =	vand.u32 $0xFFFFFFF8, v27;
	[tilespmem:s15+$0xF330] =	vst v30;
	v30 =	vadd.s32 v16, v42  }
0x1ca: {  	p4 =	slt.s32 s26, $0xC20;
	s0 =	smov.u32 s26;
	v27 =	vor.u32 v2, v27;
	v20 =	vld.idx.msk [tilespmem:v20+s2+$0x0], $0xffff;
	v30 =	vand.u32 $0xFFFFFFF8, v30  }
0x1cb: {  	s0 =	simm.s32 @!p4 $0xC20;
	v30 =	vor.u32 v2, v30;
	[tilespmem:s13+$0xF440] =	vst v23  }
0x1cc: {  	[tilespmem:s17+$0xF2A0] =	vst v25;
	v23 =	vadd.s32 v15, v29;
	v25 =	vld [tilespmem:s0+$0x8050]  }
0x1cd: {  	[tilespmem:s23+$0xF200] =	vst v26;
	v26 =	vadd.s32 v14, v43;
	v21 =	vld.idx.msk [tilespmem:v21+s2+$0x0], $0xffff;
	v23 =	vand.u32 $0xFFFFFFF8, v23  }
0x1ce: {  	v31 =	vld.idx.msk [tilespmem:v24+s2+$0x0], $0xffff;
	[tilespmem:s22+$0xF290] =	vst v28;
	v24 =	vand.u32 $0xFFFFFFF8, v26;
	v26 =	vadd.s32 v15, v22;
	v23 =	vor.u32 v2, v23  }
0x1cf: {  	v27 =	vld.idx.msk [tilespmem:v27+s2+$0x0], $0xffff;
	v28 =	vor.u32 v2, v24;
	v24 =	vand.u32 $0xFFFFFFF8, v26;
	[tilespmem:s15+$0xF3B0] =	vst v20  }
0x1d0: {  	v20 =	vor.u32 v2, v24;
	v26 =	vld.idx.msk [tilespmem:v30+s2+$0x0], $0xffff  }
0x1d1: {  	v24 =	vshll.u32 v25, $0x4  }
0x1d2: {  	[tilespmem:s17+$0xF320] =	vst v21;
	v21 =	vadd.s32 v16, v29;
	v25 =	vor.u32 v0, v24  }
0x1d3: {  	[tilespmem:s23+$0xF280] =	vst v31;
	v29 =	vadd.s32 v15, v43;
	v23 =	vld.idx.msk [tilespmem:v23+s2+$0x0], $0xffff;
	v21 =	vand.u32 $0xFFFFFFF8, v21  }
0x1d4: {  	p4 =	slt.s32 s14, $0xC30;
	s0 =	smov.u32 s14;
	v28 =	vld.idx.msk [tilespmem:v28+s2+$0x0], $0xffff;
	[tilespmem:s22+$0xF310] =	vst v27;
	v27 =	vand.u32 $0xFFFFFFF8, v29;
	v21 =	vor.u32 v2, v21  }
0x1d5: {  	v22 =	vadd.s32 v16, v22;
	s0 =	simm.s32 @!p4 $0xC30;
	v20 =	vld.idx.msk [tilespmem:v20+s2+$0x0], $0xffff;
	[tilespmem:s15+$0xF430] =	vst v26;
	v26 =	vor.u32 v2, v27  }
0x1d6: {  	v22 =	vand.u32 $0xFFFFFFF8, v22;
	v29 =	vadd.s32 v1, v24;
	v27 =	vld [tilespmem:s0+$0x8040]  }
0x1d7: {  	v22 =	vor.u32 v2, v22;
	v29 =	vand.u32 $0xFFFFFFF8, v29;
	v25 =	vld.idx.msk [tilespmem:v25+s2+$0x0], $0xffff  }
0x1d8: {  	[tilespmem:s17+$0xF3A0] =	vst v23;
	v23 =	vor.u32 v2, v29  }
0x1d9: {  	[tilespmem:s23+$0xF300] =	vst v28;
	v28 =	vadd.s32 v16, v43;
	v21 =	vld.idx.msk [tilespmem:v21+s2+$0x0], $0xffff  }
0x1da: {  	[tilespmem:s22+$0xF390] =	vst v20;
	v20 =	vand.u32 $0xFFFFFFF8, v28;
	v26 =	vld.idx.msk [tilespmem:v26+s2+$0x0], $0xffff  }
0x1db: {  	v28 =	vor.u32 v2, v20;
	v20 =	vshll.u32 v27, $0x4  }
0x1dc: {  	v22 =	vld.idx.msk [tilespmem:v22+s2+$0x0], $0xffff;
	v27 =	vor.u32 v0, v20;
	[tilespmem:s13+$0x8CD0] =	vst v25;
	v25 =	vadd.s32 v3, v24  }
0x1dd: {  	p4 =	slt.s32 s16, $0xC40;
	s0 =	smov.u32 s16;
	v23 =	vld.idx.msk [tilespmem:v23+s2+$0x0], $0xffff;
	v25 =	vand.u32 $0xFFFFFFF8, v25  }
0x1de: {  	s0 =	simm.s32 @!p4 $0xC40;
	[tilespmem:s17+$0xF420] =	vst v21;
	v21 =	vor.u32 v2, v25  }
0x1df: {  	[tilespmem:s23+$0xF380] =	vst v26;
	v25 =	vld [tilespmem:s0+$0x8030]  }
0x1e0: {  	p4 =	slt.s32 s1, $0xC50;
	s0 =	smov.u32 s1;
	v26 =	vld.idx.msk [tilespmem:v28+s2+$0x0], $0xffff  }
0x1e1: {  	[tilespmem:s22+$0xF410] =	vst v22;
	v28 =	vadd.s32 v1, v20;
	s0 =	simm.s32 @!p4 $0xC50;
	v27 =	vld.idx.msk [tilespmem:v27+s2+$0x0], $0xffff  }
0x1e2: {  	v22 =	vld [tilespmem:s0+$0x8020];
	[tilespmem:s13+$0x8D50] =	vst v23;
	v23 =	vand.u32 $0xFFFFFFF8, v28;
	v28 =	vadd.s32 v4, v24  }
0x1e3: {  	v30 =	vld.idx.msk [tilespmem:v21+s2+$0x0], $0xffff;
	v23 =	vor.u32 v2, v23;
	v28 =	vand.u32 $0xFFFFFFF8, v28  }
0x1e4: {  	s0 =	sadd.s32 $0x10, s8;
	v21 =	vshll.u32 v25, $0x4;
	v25 =	vor.u32 v2, v28  }
0x1e5: {  	p4 =	slt.s32 s0, $0xC70;
	v28 =	vor.u32 v0, v21  }
0x1e6: {  	s0 =	simm.s32 @!p4 $0xC70;
	[tilespmem:s23+$0xF400] =	vst v26  }
0x1e7: {  	v26 =	vld [tilespmem:s0+$0x8000];
	[tilespmem:s15+$0x8CC0] =	vst v27;
	v29 =	vshll.u32 v22, $0x4;
	v22 =	vadd.s32 v3, v20  }
0x1e8: {  	v27 =	vor.u32 v0, v29;
	v22 =	vand.u32 $0xFFFFFFF8, v22;
	v23 =	vld.idx.msk [tilespmem:v23+s2+$0x0], $0xffff;
	[tilespmem:s13+$0x8DD0] =	vst v30;
	v30 =	vadd.s32 v5, v24  }
0x1e9: {  	v31 =	vadd.s32 v1, v21;
	v32 =	vor.u32 v2, v22;
	v25 =	vld.idx.msk [tilespmem:v25+s2+$0x0], $0xffff;
	v22 =	vand.u32 $0xFFFFFFF8, v30  }
0x1ea: {  	p4 =	slt.s32 s9, $0xC70;
	s0 =	smov.u32 s9;
	v28 =	vld.idx.msk [tilespmem:v28+s2+$0x0], $0xffff;
	v30 =	vand.u32 $0xFFFFFFF8, v31;
	v31 =	vor.u32 v2, v22  }
0x1eb: {  	s0 =	simm.s32 @!p4 $0xC70;
	v30 =	vor.u32 v2, v30  }
0x1ec: {  	v33 =	vld [tilespmem:s0+$0x8000];
	v22 =	vshll.u32 v26, $0x4;
	v26 =	vadd.s32 v1, v29  }
0x1ed: {  	v27 =	vld.idx.msk [tilespmem:v27+s2+$0x0], $0xffff;
	v34 =	vor.u32 v0, v22;
	v26 =	vand.u32 $0xFFFFFFF8, v26;
	[tilespmem:s15+$0x8D40] =	vst v23;
	v23 =	vadd.s32 v4, v20  }
0x1ee: {  	v26 =	vor.u32 v2, v26;
	v32 =	vld.idx.msk [tilespmem:v32+s2+$0x0], $0xffff;
	[tilespmem:s13+$0x8E50] =	vst v25;
	v23 =	vand.u32 $0xFFFFFFF8, v23;
	v25 =	vadd.s32 v6, v24  }
0x1ef: {  	[tilespmem:s17+$0x8CB0] =	vst v28;
	v28 =	vadd.s32 v3, v21;
	v31 =	vld.idx.msk [tilespmem:v31+s2+$0x0], $0xffff;
	v23 =	vor.u32 v2, v23;
	v25 =	vand.u32 $0xFFFFFFF8, v25  }
0x1f0: {  	v35 =	vld.idx.msk [tilespmem:v30+s2+$0x0], $0xffff;
	v28 =	vand.u32 $0xFFFFFFF8, v28;
	v25 =	vor.u32 v2, v25  }
0x1f1: {  	v59 =	vadd.s32 v1, v22;
	v30 =	vshll.u32 v33, $0x4;
	v28 =	vor.u32 v2, v28  }
0x1f2: {  	v60 =	vadd.s32 v3, v29;
	v36 =	vor.u32 v0, v30;
	v34 =	vld.idx.msk [tilespmem:v34+s2+$0x0], $0xffff;
	[tilespmem:s22+$0x8CA0] =	vst v27;
	v27 =	vand.u32 $0xFFFFFFF8, v59  }
0x1f3: {  	v61 =	vadd.s32 v5, v20;
	v33 =	vand.u32 $0xFFFFFFF8, v60;
	v26 =	vld.idx.msk [tilespmem:v26+s2+$0x0], $0xffff;
	v27 =	vor.u32 v2, v27;
	[tilespmem:s15+$0x8DC0] =	vst v32  }
0x1f4: {  	v62 =	vadd.s32 v7, v24;
	v33 =	vor.u32 v2, v33;
	v23 =	vld.idx.msk [tilespmem:v23+s2+$0x0], $0xffff;
	[tilespmem:s13+$0x8ED0] =	vst v31;
	v31 =	vand.u32 $0xFFFFFFF8, v61  }
0x1f5: {  	v63 =	vadd.s32 v4, v21;
	v32 =	vand.u32 $0xFFFFFFF8, v62;
	[tilespmem:s17+$0x8D30] =	vst v35;
	v25 =	vld.idx.msk [tilespmem:v25+s2+$0x0], $0xffff;
	v31 =	vor.u32 v2, v31  }
0x1f6: {  	v37 =	vadd.s32 v1, v30;
	v35 =	vand.u32 $0xFFFFFFF8, v63;
	v32 =	vor.u32 v2, v32;
	v28 =	vld.idx.msk [tilespmem:v28+s2+$0x0], $0xffff  }
0x1f7: {  	v40 =	vadd.s32 v3, v22;
	v37 =	vand.u32 $0xFFFFFFF8, v37;
	v36 =	vld.idx.msk [tilespmem:v36+s2+$0x0], $0xffff;
	v35 =	vor.u32 v2, v35;
	[tilespmem:s23+$0x8C90] =	vst v34  }
0x1f8: {  	v41 =	vadd.s32 v4, v29;
	v37 =	vor.u32 v2, v37;
	v27 =	vld.idx.msk [tilespmem:v27+s2+$0x0], $0xffff;
	[tilespmem:s22+$0x8D20] =	vst v26;
	v26 =	vand.u32 $0xFFFFFFF8, v40  }
0x1f9: {  	v34 =	vand.u32 $0xFFFFFFF8, v41;
	v33 =	vld.idx.msk [tilespmem:v33+s2+$0x0], $0xffff;
	v26 =	vor.u32 v2, v26;
	[tilespmem:s15+$0x8E40] =	vst v23;
	v23 =	vadd.s32 v6, v20  }
0x1fa: {  	v34 =	vor.u32 v2, v34;
	v31 =	vld.idx.msk [tilespmem:v31+s2+$0x0], $0xffff;
	[tilespmem:s13+$0x8F50] =	vst v25;
	v23 =	vand.u32 $0xFFFFFFF8, v23;
	v25 =	vadd.s32 v8, v24  }
0x1fb: {  	s5 =	simm.s32 $0x1400;
	[tilespmem:s17+$0x8DB0] =	vst v28;
	v28 =	vadd.s32 v5, v21;
	v32 =	vld.idx.msk [tilespmem:v32+s2+$0x0], $0xffff;
	v23 =	vor.u32 v2, v23;
	v25 =	vand.u32 $0xFFFFFFF8, v25  }
0x1fc: {  	v42 =	vadd.s32 v3, v30;
	[tilespmem:s5+$0x8C80] =	vst v36;
	v35 =	vld.idx.msk [tilespmem:v35+s2+$0x0], $0xffff;
	v28 =	vand.u32 $0xFFFFFFF8, v28;
	v25 =	vor.u32 v2, v25  }
0x1fd: {  	v36 =	vand.u32 $0xFFFFFFF8, v42;
	v37 =	vld.idx.msk [tilespmem:v37+s2+$0x0], $0xffff;
	[tilespmem:s23+$0x8D10] =	vst v27;
	v27 =	vadd.s32 v4, v22;
	v28 =	vor.u32 v2, v28  }
0x1fe: {  	v43 =	vadd.s32 v5, v29;
	v36 =	vor.u32 v2, v36;
	v26 =	vld.idx.msk [tilespmem:v26+s2+$0x0], $0xffff;
	[tilespmem:s22+$0x8DA0] =	vst v33;
	v27 =	vand.u32 $0xFFFFFFF8, v27  }
0x1ff: {  	v33 =	vand.u32 $0xFFFFFFF8, v43;
	v34 =	vld.idx.msk [tilespmem:v34+s2+$0x0], $0xffff;
	v27 =	vor.u32 v2, v27;
	[tilespmem:s15+$0x8EC0] =	vst v31;
	v31 =	vadd.s32 v7, v20  }
0x200: {  	v44 =	vadd.s32 v9, v24;
	v33 =	vor.u32 v2, v33;
	v23 =	vld.idx.msk [tilespmem:v23+s2+$0x0], $0xffff;
	[tilespmem:s13+$0x8FD0] =	vst v32;
	v31 =	vand.u32 $0xFFFFFFF8, v31  }
0x201: {  	v45 =	vadd.s32 v6, v21;
	[tilespmem:s17+$0x8E30] =	vst v35;
	v32 =	vand.u32 $0xFFFFFFF8, v44;
	v25 =	vld.idx.msk [tilespmem:v25+s2+$0x0], $0xffff;
	v31 =	vor.u32 v2, v31  }
0x202: {  	v46 =	vadd.s32 v4, v30;
	[tilespmem:s5+$0x8D00] =	vst v37;
	v35 =	vand.u32 $0xFFFFFFF8, v45;
	v28 =	vld.idx.msk [tilespmem:v28+s2+$0x0], $0xffff;
	v32 =	vor.u32 v2, v32  }
0x203: {  	v37 =	vand.u32 $0xFFFFFFF8, v46;
	v36 =	vld.idx.msk [tilespmem:v36+s2+$0x0], $0xffff;
	v35 =	vor.u32 v2, v35;
	[tilespmem:s23+$0x8D90] =	vst v26;
	v26 =	vadd.s32 v5, v22  }
0x204: {  	v47 =	vadd.s32 v6, v29;
	v37 =	vor.u32 v2, v37;
	v27 =	vld.idx.msk [tilespmem:v27+s2+$0x0], $0xffff;
	[tilespmem:s22+$0x8E20] =	vst v34;
	v26 =	vand.u32 $0xFFFFFFF8, v26  }
0x205: {  	v34 =	vand.u32 $0xFFFFFFF8, v47;
	v33 =	vld.idx.msk [tilespmem:v33+s2+$0x0], $0xffff;
	v26 =	vor.u32 v2, v26;
	[tilespmem:s15+$0x8F40] =	vst v23;
	v23 =	vadd.s32 v8, v20  }
0x206: {  	v34 =	vor.u32 v2, v34;
	v31 =	vld.idx.msk [tilespmem:v31+s2+$0x0], $0xffff;
	[tilespmem:s13+$0x9050] =	vst v25;
	v23 =	vand.u32 $0xFFFFFFF8, v23;
	v25 =	vadd.s32 v10, v24  }
0x207: {  	[tilespmem:s17+$0x8EB0] =	vst v28;
	v28 =	vadd.s32 v7, v21;
	v32 =	vld.idx.msk [tilespmem:v32+s2+$0x0], $0xffff;
	v23 =	vor.u32 v2, v23;
	v25 =	vand.u32 $0xFFFFFFF8, v25  }
0x208: {  	v48 =	vadd.s32 v5, v30;
	[tilespmem:s5+$0x8D80] =	vst v36;
	v35 =	vld.idx.msk [tilespmem:v35+s2+$0x0], $0xffff;
	v28 =	vand.u32 $0xFFFFFFF8, v28;
	v25 =	vor.u32 v2, v25  }
0x209: {  	v36 =	vand.u32 $0xFFFFFFF8, v48;
	v37 =	vld.idx.msk [tilespmem:v37+s2+$0x0], $0xffff;
	[tilespmem:s23+$0x8E10] =	vst v27;
	v27 =	vadd.s32 v6, v22;
	v28 =	vor.u32 v2, v28  }
0x20a: {  	v49 =	vadd.s32 v7, v29;
	v36 =	vor.u32 v2, v36;
	v26 =	vld.idx.msk [tilespmem:v26+s2+$0x0], $0xffff;
	[tilespmem:s22+$0x8EA0] =	vst v33;
	v27 =	vand.u32 $0xFFFFFFF8, v27  }
0x20b: {  	v33 =	vand.u32 $0xFFFFFFF8, v49;
	v34 =	vld.idx.msk [tilespmem:v34+s2+$0x0], $0xffff;
	v27 =	vor.u32 v2, v27;
	[tilespmem:s15+$0x8FC0] =	vst v31;
	v31 =	vadd.s32 v9, v20  }
0x20c: {  	v50 =	vadd.s32 v11, v24;
	v33 =	vor.u32 v2, v33;
	v23 =	vld.idx.msk [tilespmem:v23+s2+$0x0], $0xffff;
	[tilespmem:s13+$0xF0D0] =	vst v32;
	v31 =	vand.u32 $0xFFFFFFF8, v31  }
0x20d: {  	v51 =	vadd.s32 v8, v21;
	[tilespmem:s17+$0x8F30] =	vst v35;
	v32 =	vand.u32 $0xFFFFFFF8, v50;
	v25 =	vld.idx.msk [tilespmem:v25+s2+$0x0], $0xffff;
	v31 =	vor.u32 v2, v31  }
0x20e: {  	v52 =	vadd.s32 v6, v30;
	[tilespmem:s5+$0x8E00] =	vst v37;
	v35 =	vand.u32 $0xFFFFFFF8, v51;
	v28 =	vld.idx.msk [tilespmem:v28+s2+$0x0], $0xffff;
	v32 =	vor.u32 v2, v32  }
0x20f: {  	v37 =	vand.u32 $0xFFFFFFF8, v52;
	v36 =	vld.idx.msk [tilespmem:v36+s2+$0x0], $0xffff;
	v35 =	vor.u32 v2, v35;
	[tilespmem:s23+$0x8E90] =	vst v26;
	v26 =	vadd.s32 v7, v22  }
0x210: {  	v53 =	vadd.s32 v8, v29;
	v37 =	vor.u32 v2, v37;
	v27 =	vld.idx.msk [tilespmem:v27+s2+$0x0], $0xffff;
	[tilespmem:s22+$0x8F20] =	vst v34;
	v26 =	vand.u32 $0xFFFFFFF8, v26  }
0x211: {  	v34 =	vand.u32 $0xFFFFFFF8, v53;
	v33 =	vld.idx.msk [tilespmem:v33+s2+$0x0], $0xffff;
	v26 =	vor.u32 v2, v26;
	[tilespmem:s15+$0x9040] =	vst v23;
	v23 =	vadd.s32 v10, v20  }
0x212: {  	v34 =	vor.u32 v2, v34;
	v31 =	vld.idx.msk [tilespmem:v31+s2+$0x0], $0xffff;
	[tilespmem:s13+$0xF150] =	vst v25;
	v23 =	vand.u32 $0xFFFFFFF8, v23;
	v25 =	vadd.s32 v12, v24  }
0x213: {  	[tilespmem:s17+$0x8FB0] =	vst v28;
	v28 =	vadd.s32 v9, v21;
	v32 =	vld.idx.msk [tilespmem:v32+s2+$0x0], $0xffff;
	v23 =	vor.u32 v2, v23;
	v25 =	vand.u32 $0xFFFFFFF8, v25  }
0x214: {  	v54 =	vadd.s32 v7, v30;
	[tilespmem:s5+$0x8E80] =	vst v36;
	v35 =	vld.idx.msk [tilespmem:v35+s2+$0x0], $0xffff;
	v28 =	vand.u32 $0xFFFFFFF8, v28;
	v25 =	vor.u32 v2, v25  }
0x215: {  	v55 =	vadd.s32 v8, v22;
	v37 =	vld.idx.msk [tilespmem:v37+s2+$0x0], $0xffff;
	[tilespmem:s23+$0x8F10] =	vst v27;
	v27 =	vand.u32 $0xFFFFFFF8, v54;
	v28 =	vor.u32 v2, v28  }
0x216: {  	v57 =	vadd.s32 v9, v29;
	v56 =	vand.u32 $0xFFFFFFF8, v55;
	v26 =	vld.idx.msk [tilespmem:v26+s2+$0x0], $0xffff;
	[tilespmem:s22+$0x8FA0] =	vst v33;
	v27 =	vor.u32 v2, v27  }
0x217: {  	v58 =	vand.u32 $0xFFFFFFF8, v57;
	v59 =	vadd.s32 v11, v20;
	v34 =	vld.idx.msk [tilespmem:v34+s2+$0x0], $0xffff;
	[tilespmem:s15+$0xF0C0] =	vst v31;
	v31 =	vor.u32 v2, v56  }
0x218: {  	v60 =	vor.u32 v2, v58;
	v62 =	vadd.s32 v13, v24;
	v61 =	vand.u32 $0xFFFFFFF8, v59;
	v23 =	vld.idx.msk [tilespmem:v23+s2+$0x0], $0xffff;
	[tilespmem:s13+$0xF1D0] =	vst v32  }
0x219: {  	v63 =	vand.u32 $0xFFFFFFF8, v62;
	v40 =	vadd.s32 v10, v21;
	v33 =	vor.u32 v2, v61;
	[tilespmem:s17+$0x9030] =	vst v35;
	v25 =	vld.idx.msk [tilespmem:v25+s2+$0x0], $0xffff  }
0x21a: {  	v41 =	vadd.s32 v8, v30;
	v36 =	vand.u32 $0xFFFFFFF8, v40;
	[tilespmem:s5+$0x8F00] =	vst v37;
	v35 =	vor.u32 v2, v63;
	v28 =	vld.idx.msk [tilespmem:v28+s2+$0x0], $0xffff  }
0x21b: {  	v42 =	vadd.s32 v9, v22;
	v36 =	vor.u32 v2, v36;
	[tilespmem:s23+$0x8F90] =	vst v26;
	v26 =	vld.idx.msk [tilespmem:v27+s2+$0x0], $0xffff;
	v27 =	vand.u32 $0xFFFFFFF8, v41  }
0x21c: {  	v43 =	vand.u32 $0xFFFFFFF8, v42;
	v44 =	vadd.s32 v10, v29;
	[tilespmem:s22+$0x9020] =	vst v34;
	v27 =	vor.u32 v2, v27;
	v31 =	vld.idx.msk [tilespmem:v31+s2+$0x0], $0xffff  }
0x21d: {  	v46 =	vadd.s32 v12, v20;
	v45 =	vand.u32 $0xFFFFFFF8, v44;
	v32 =	vld.idx.msk [tilespmem:v60+s2+$0x0], $0xffff;
	[tilespmem:s15+$0xF140] =	vst v23;
	v23 =	vor.u32 v2, v43  }
0x21e: {  	v47 =	vand.u32 $0xFFFFFFF8, v46;
	v48 =	vadd.s32 v14, v24;
	v33 =	vld.idx.msk [tilespmem:v33+s2+$0x0], $0xffff;
	[tilespmem:s13+$0xF250] =	vst v25;
	v25 =	vor.u32 v2, v45  }
0x21f: {  	v49 =	vand.u32 $0xFFFFFFF8, v48;
	v50 =	vadd.s32 v11, v21;
	v34 =	vor.u32 v2, v47;
	[tilespmem:s17+$0xF0B0] =	vst v28;
	v28 =	vld.idx.msk [tilespmem:v35+s2+$0x0], $0xffff  }
0x220: {  	v51 =	vadd.s32 v9, v30;
	v37 =	vand.u32 $0xFFFFFFF8, v50;
	[tilespmem:s5+$0x8F80] =	vst v26;
	v26 =	vld.idx.msk [tilespmem:v36+s2+$0x0], $0xffff;
	v35 =	vor.u32 v2, v49  }
0x221: {  	v52 =	vadd.s32 v10, v22;
	v37 =	vor.u32 v2, v37;
	v27 =	vld.idx.msk [tilespmem:v27+s2+$0x0], $0xffff;
	[tilespmem:s23+$0x9010] =	vst v31;
	v31 =	vand.u32 $0xFFFFFFF8, v51  }
0x222: {  	v53 =	vand.u32 $0xFFFFFFF8, v52;
	v54 =	vadd.s32 v11, v29;
	[tilespmem:s22+$0xF0A0] =	vst v32;
	v23 =	vld.idx.msk [tilespmem:v23+s2+$0x0], $0xffff;
	v31 =	vor.u32 v2, v31  }
0x223: {  	v55 =	vand.u32 $0xFFFFFFF8, v54;
	v56 =	vadd.s32 v13, v20;
	v32 =	vor.u32 v2, v53;
	v25 =	vld.idx.msk [tilespmem:v25+s2+$0x0], $0xffff;
	[tilespmem:s15+$0xF1C0] =	vst v33  }
0x224: {  	v58 =	vadd.s32 v15, v24;
	v57 =	vand.u32 $0xFFFFFFF8, v56;
	v34 =	vld.idx.msk [tilespmem:v34+s2+$0x0], $0xffff;
	[tilespmem:s13+$0xF2D0] =	vst v28;
	v28 =	vor.u32 v2, v55  }
0x225: {  	v59 =	vand.u32 $0xFFFFFFF8, v58;
	v60 =	vadd.s32 v12, v21;
	[tilespmem:s17+$0xF130] =	vst v26;
	v26 =	vor.u32 v2, v57;
	v35 =	vld.idx.msk [tilespmem:v35+s2+$0x0], $0xffff  }
0x226: {  	v36 =	vand.u32 $0xFFFFFFF8, v60;
	v33 =	vor.u32 v2, v59;
	[tilespmem:s5+$0x9000] =	vst v27;
	v27 =	vld.idx.msk [tilespmem:v37+s2+$0x0], $0xffff  }
0x227: {  	p6 =	sne.s32 s7, $0x6000;
	v61 =	vadd.s32 v10, v30;
	v36 =	vor.u32 v2, v36;
	v31 =	vld.idx.msk [tilespmem:v31+s2+$0x0], $0xffff;
	[tilespmem:s23+$0xF090] =	vst v23  }
.Ltmp5:
0x228: {  	v62 =	vadd.s32 v11, v22;
	v23 =	vand.u32 $0xFFFFFFF8, v61;
	v46 =	vld.idx.msk [tilespmem:v32+s2+$0x0], $0xffff;
	[tilespmem:s22+$0xF120] =	vst v25;
	(pc) =	sbr.rel @!p6 .LBB2_12-.Ltmp5, $4  }
0x229: {  	v47 =	vor.u32 v2, v23;
	v23 =	vand.u32 $0xFFFFFFF8, v62;
	v25 =	vadd.s32 v14, v20;
	v48 =	vld.idx.msk [tilespmem:v28+s2+$0x0], $0xffff;
	[tilespmem:s15+$0xF240] =	vst v34  }
0x22a: {  	v49 =	vor.u32 v2, v23;
	v25 =	vand.u32 $0xFFFFFFF8, v25;
	v28 =	vadd.s32 v16, v24;
	v23 =	vld.idx.msk [tilespmem:v26+s2+$0x0], $0xffff;
	[tilespmem:s13+$0xF350] =	vst v35  }
0x22b: {  	v63 =	vadd.s32 v12, v29;
	[tilespmem:s17+$0xF1B0] =	vst v27;
	v24 =	vor.u32 v2, v25;
	v28 =	vand.u32 $0xFFFFFFF8, v28;
	v26 =	vld.idx.msk [tilespmem:v33+s2+$0x0], $0xffff  }
0x22c: {  	s28 =	sadd.s32 $0x80, s9;
	p4 =	por $0x1, $0x1;
	v50 =	vand.u32 $0xFFFFFFF8, v63;
	v25 =	vadd.s32 v13, v21;
	v27 =	vld.idx.msk [tilespmem:v36+s2+$0x0], $0xffff;
	v28 =	vor.u32 v2, v28;
	[tilespmem:s5+$0xF080] =	vst v31  }
0x22d: {  	_ =	sdelay $0x2  }
0x22e: {  	p5 =	slt.s32 s28, $0xC70;
	s0 =	smov.u32 s28  }
0x22f: {  	v31 =	vld.idx.msk [tilespmem:v47+s2+$0x0], $0xffff;
	v32 =	vadd.s32 v11, v30;
	[tilespmem:s23+$0xF110] =	vst v46;
	v33 =	vor.u32 v2, v50;
	v34 =	vand.u32 $0xFFFFFFF8, v25;
	s0 =	simm.s32 @!p5 $0xC70  }
0x230: {  	v36 =	vadd.s32 v15, v20;
	v32 =	vand.u32 $0xFFFFFFF8, v32;
	v34 =	vor.u32 v2, v34;
	[tilespmem:s15+$0xF2C0] =	vst v23;
	v40 =	vld [tilespmem:s0+$0x8000]  }
0x231: {  	v36 =	vand.u32 $0xFFFFFFF8, v36;
	v32 =	vor.u32 v2, v32;
	v37 =	vld.idx.msk [tilespmem:v24+s2+$0x0], $0xffff;
	[tilespmem:s13+$0xF3D0] =	vst v26  }
0x232: {  	v39 =	vadd.s32 v12, v22;
	[tilespmem:s22+$0xF1A0] =	vst v48;
	v36 =	vor.u32 v2, v36;
	v38 =	vld.idx.msk [tilespmem:v28+s2+$0x0], $0xffff  }
0x233: {  	v41 =	vadd.s32 v13, v29;
	v35 =	vld.idx.msk [tilespmem:v49+s2+$0x0], $0xffff;
	v39 =	vand.u32 $0xFFFFFFF8, v39;
	[tilespmem:s17+$0xF230] =	vst v27  }
0x234: {  	v59 =	vadd.s32 v14, v21;
	v39 =	vor.u32 v2, v39;
	v33 =	vld.idx.msk [tilespmem:v33+s2+$0x0], $0xffff;
	[tilespmem:s5+$0xF100] =	vst v31;
	v31 =	vand.u32 $0xFFFFFFF8, v41  }
0x235: {  	v42 =	vadd.s32 v12, v30;
	v41 =	vand.u32 $0xFFFFFFF8, v59;
	v34 =	vld.idx.msk [tilespmem:v34+s2+$0x0], $0xffff;
	v31 =	vor.u32 v2, v31  }
0x236: {  	p5 =	slt.s32 s26, $0xC10;
	v60 =	vand.u32 $0xFFFFFFF8, v42;
	s0 =	smov.u32 s26;
	v41 =	vor.u32 v2, v41;
	v32 =	vld.idx.msk [tilespmem:v32+s2+$0x0], $0xffff;
	[tilespmem:s15+$0xF340] =	vst v37  }
0x237: {  	v61 =	vadd.s32 v16, v20;
	s0 =	simm.s32 @!p5 $0xC10;
	v43 =	vshll.u32 v40, $0x4;
	v37 =	vor.u32 v2, v60;
	v36 =	vld.idx.msk [tilespmem:v36+s2+$0x0], $0xffff;
	[tilespmem:s13+$0xF450] =	vst v38  }
0x238: {  	v45 =	vadd.s32 v13, v22;
	v62 =	vand.u32 $0xFFFFFFF8, v61;
	[tilespmem:s23+$0xF190] =	vst v35;
	v40 =	vor.u32 v0, v43;
	v63 =	vld [tilespmem:s0+$0x8060]  }
0x239: {  	v47 =	vadd.s32 v14, v29;
	v46 =	vand.u32 $0xFFFFFFF8, v45;
	v39 =	vld.idx.msk [tilespmem:v39+s2+$0x0], $0xffff;
	v38 =	vor.u32 v2, v62;
	[tilespmem:s22+$0xF220] =	vst v33  }
0x23a: {  	v50 =	vadd.s32 v15, v21;
	v49 =	vand.u32 $0xFFFFFFF8, v47;
	v48 =	vor.u32 v2, v46;
	v31 =	vld.idx.msk [tilespmem:v31+s2+$0x0], $0xffff;
	[tilespmem:s17+$0xF2B0] =	vst v34  }
0x23b: {  	v56 =	vadd.s32 v13, v30;
	v53 =	vand.u32 $0xFFFFFFF8, v50;
	v52 =	vor.u32 v2, v49;
	[tilespmem:s5+$0xF180] =	vst v32;
	v51 =	vld.idx.msk [tilespmem:v41+s2+$0x0], $0xffff  }
0x23c: {  	v55 =	vor.u32 v2, v53;
	v54 =	vld.idx.msk [tilespmem:v37+s2+$0x0], $0xffff;
	[tilespmem:s15+$0xF3C0] =	vst v36;
	v36 =	vand.u32 $0xFFFFFFF8, v56  }
0x23d: {  	v40 =	vld.idx.msk [tilespmem:v40+s2+$0x0], $0xffff;
	v33 =	vshll.u32 v63, $0x4;
	v36 =	vor.u32 v2, v36  }
0x23e: {  	v57 =	vadd.s32 v14, v22;
	[tilespmem:s23+$0xF210] =	vst v39;
	v38 =	vld.idx.msk [tilespmem:v38+s2+$0x0], $0xffff;
	v42 =	vor.u32 v0, v33  }
0x23f: {  	v44 =	vadd.s32 v1, v43;
	v34 =	vld.idx.msk [tilespmem:v48+s2+$0x0], $0xffff;
	[tilespmem:s22+$0xF2A0] =	vst v31;
	v31 =	vand.u32 $0xFFFFFFF8, v57  }
0x240: {  	v58 =	vadd.s32 v15, v29;
	v44 =	vand.u32 $0xFFFFFFF8, v44;
	v41 =	vld.idx.msk [tilespmem:v52+s2+$0x0], $0xffff;
	[tilespmem:s17+$0xF330] =	vst v51;
	v31 =	vor.u32 v2, v31  }
0x241: {  	v59 =	vand.u32 $0xFFFFFFF8, v58;
	v60 =	vadd.s32 v16, v21;
	v61 =	vor.u32 v2, v44;
	v37 =	vld.idx.msk [tilespmem:v55+s2+$0x0], $0xffff;
	[tilespmem:s5+$0xF200] =	vst v54  }
0x242: {  	p5 =	slt.s32 s14, $0xC20;
	s0 =	smov.u32 s14;
	v32 =	vor.u32 v2, v59;
	v39 =	vand.u32 $0xFFFFFFF8, v60;
	v63 =	vadd.s32 v14, v30;
	v36 =	vld.idx.msk [tilespmem:v36+s2+$0x0], $0xffff  }
0x243: {  	s0 =	simm.s32 @!p5 $0xC20;
	v39 =	vor.u32 v2, v39;
	v45 =	vadd.s32 v1, v33;
	v50 =	vand.u32 $0xFFFFFFF8, v63;
	[tilespmem:s15+$0xF440] =	vst v38;
	v42 =	vld.idx.msk [tilespmem:v42+s2+$0x0], $0xffff  }
0x244: {  	s24 =	simm.s32 $0x1800;
	v62 =	vand.u32 $0xFFFFFFF8, v45;
	v51 =	vadd.s32 v15, v22;
	[tilespmem:s23+$0xF290] =	vst v34;
	v38 =	vor.u32 v2, v50;
	v48 =	vld [tilespmem:s0+$0x8050]  }
0x245: {  	v57 =	vadd.s32 v3, v43;
	v49 =	vor.u32 v2, v62;
	v52 =	vand.u32 $0xFFFFFFF8, v51;
	[tilespmem:s24+$0x8C80] =	vst v40;
	v31 =	vld.idx.msk [tilespmem:v31+s2+$0x0], $0xffff  }
0x246: {  	v29 =	vadd.s32 v16, v29;
	v58 =	vand.u32 $0xFFFFFFF8, v57;
	v53 =	vor.u32 v2, v52;
	v35 =	vld.idx.msk [tilespmem:v61+s2+$0x0], $0xffff;
	[tilespmem:s22+$0xF320] =	vst v41  }
0x247: {  	v29 =	vand.u32 $0xFFFFFFF8, v29;
	v60 =	vor.u32 v2, v58;
	v32 =	vld.idx.msk [tilespmem:v32+s2+$0x0], $0xffff;
	[tilespmem:s17+$0xF3B0] =	vst v37  }
0x248: {  	v54 =	vor.u32 v2, v29;
	v39 =	vld.idx.msk [tilespmem:v39+s2+$0x0], $0xffff;
	[tilespmem:s5+$0xF280] =	vst v36  }
0x249: {  	v55 =	vadd.s32 v3, v33;
	[tilespmem:s13+$0x8CE0] =	vst v42;
	v29 =	vshll.u32 v48, $0x4;
	v38 =	vld.idx.msk [tilespmem:v38+s2+$0x0], $0xffff  }
0x24a: {  	v59 =	vadd.s32 v15, v30;
	v41 =	vand.u32 $0xFFFFFFF8, v55;
	v34 =	vld.idx.msk [tilespmem:v49+s2+$0x0], $0xffff;
	v56 =	vor.u32 v0, v29;
	[tilespmem:s23+$0xF310] =	vst v31  }
0x24b: {  	v22 =	vadd.s32 v16, v22;
	v61 =	vand.u32 $0xFFFFFFF8, v59;
	[tilespmem:s24+$0x8D00] =	vst v35;
	v31 =	vor.u32 v2, v41;
	v37 =	vld.idx.msk [tilespmem:v53+s2+$0x0], $0xffff  }
0x24c: {  	p5 =	slt.s32 s16, $0xC30;
	v22 =	vand.u32 $0xFFFFFFF8, v22;
	v62 =	vor.u32 v2, v61;
	s0 =	smov.u32 s16;
	v49 =	vadd.s32 v4, v43;
	[tilespmem:s22+$0xF3A0] =	vst v32;
	v32 =	vld.idx.msk [tilespmem:v60+s2+$0x0], $0xffff  }
0x24d: {  	v22 =	vor.u32 v2, v22;
	s0 =	simm.s32 @!p5 $0xC30;
	v50 =	vand.u32 $0xFFFFFFF8, v49;
	v40 =	vld.idx.msk [tilespmem:v54+s2+$0x0], $0xffff;
	[tilespmem:s17+$0xF430] =	vst v39  }
0x24e: {  	v45 =	vadd.s32 v1, v29;
	v51 =	vor.u32 v2, v50;
	v63 =	vld [tilespmem:s0+$0x8040]  }
0x24f: {  	v47 =	vadd.s32 v4, v33;
	v46 =	vand.u32 $0xFFFFFFF8, v45;
	v36 =	vld.idx.msk [tilespmem:v56+s2+$0x0], $0xffff;
	[tilespmem:s13+$0x8D60] =	vst v34  }
0x250: {  	v30 =	vadd.s32 v16, v30;
	v48 =	vand.u32 $0xFFFFFFF8, v47;
	[tilespmem:s5+$0xF300] =	vst v38;
	v34 =	vor.u32 v2, v46;
	v31 =	vld.idx.msk [tilespmem:v31+s2+$0x0], $0xffff  }
0x251: {  	v30 =	vand.u32 $0xFFFFFFF8, v30;
	v35 =	vor.u32 v2, v48;
	v39 =	vld.idx.msk [tilespmem:v62+s2+$0x0], $0xffff;
	[tilespmem:s23+$0xF390] =	vst v37  }
0x252: {  	v52 =	vor.u32 v2, v30;
	p5 =	slt.s32 s1, $0xC40;
	s0 =	smov.u32 s1;
	[tilespmem:s24+$0x8D80] =	vst v32;
	v22 =	vld.idx.msk [tilespmem:v22+s2+$0x0], $0xffff  }
0x253: {  	s0 =	simm.s32 @!p5 $0xC40;
	[tilespmem:s22+$0xF420] =	vst v40;
	v37 =	vld.idx.msk [tilespmem:v51+s2+$0x0], $0xffff  }
0x254: {  	v53 =	vadd.s32 v3, v29;
	v40 =	vld [tilespmem:s0+$0x8030];
	v30 =	vshll.u32 v63, $0x4;
	[tilespmem:s15+$0x8CD0] =	vst v36  }
0x255: {  	v54 =	vadd.s32 v5, v33;
	v41 =	vor.u32 v0, v30;
	v34 =	vld.idx.msk [tilespmem:v34+s2+$0x0], $0xffff;
	[tilespmem:s13+$0x8DE0] =	vst v31;
	v31 =	vand.u32 $0xFFFFFFF8, v53  }
0x256: {  	p5 =	slt.s32 s8, $0xC50;
	v56 =	vadd.s32 v5, v43;
	s0 =	smov.u32 s8;
	[tilespmem:s5+$0xF380] =	vst v39;
	v35 =	vld.idx.msk [tilespmem:v35+s2+$0x0], $0xffff;
	v55 =	vor.u32 v2, v31;
	v31 =	vand.u32 $0xFFFFFFF8, v54  }
0x257: {  	s0 =	simm.s32 @!p5 $0xC50;
	v58 =	vld.idx.msk [tilespmem:v52+s2+$0x0], $0xffff;
	[tilespmem:s23+$0xF410] =	vst v22;
	v57 =	vor.u32 v2, v31;
	v31 =	vand.u32 $0xFFFFFFF8, v56  }
0x258: {  	v59 =	vld [tilespmem:s0+$0x8020];
	v22 =	vor.u32 v2, v31  }
0x259: {  	v60 =	vadd.s32 v1, v30;
	v31 =	vshll.u32 v40, $0x4  }
0x25a: {  	v62 =	vadd.s32 v4, v29;
	v41 =	vld.idx.msk [tilespmem:v41+s2+$0x0], $0xffff;
	v40 =	vand.u32 $0xFFFFFFF8, v60;
	v61 =	vor.u32 v0, v31;
	[tilespmem:s15+$0x8D50] =	vst v34  }
0x25b: {  	v50 =	vadd.s32 v6, v33;
	v49 =	vand.u32 $0xFFFFFFF8, v62;
	s0 =	sadd.s32 $0x10, s9;
	v48 =	vor.u32 v2, v40;
	v63 =	vld.idx.msk [tilespmem:v55+s2+$0x0], $0xffff;
	[tilespmem:s13+$0x8E60] =	vst v35  }
0x25c: {  	v51 =	vor.u32 v2, v49;
	v52 =	vand.u32 $0xFFFFFFF8, v50;
	[tilespmem:s24+$0x8E00] =	vst v37;
	p5 =	slt.s32 s0, $0xC70;
	v39 =	vld.idx.msk [tilespmem:v57+s2+$0x0], $0xffff  }
0x25d: {  	v53 =	vadd.s32 v6, v43;
	v54 =	vor.u32 v2, v52;
	s0 =	simm.s32 @!p5 $0xC70;
	[tilespmem:s5+$0xF400] =	vst v58;
	v32 =	vshll.u32 v59, $0x4;
	v22 =	vld.idx.msk [tilespmem:v22+s2+$0x0], $0xffff  }
0x25e: {  	v58 =	vadd.s32 v1, v31;
	v55 =	vand.u32 $0xFFFFFFF8, v53;
	v56 =	vld [tilespmem:s0+$0x8000];
	v60 =	vor.u32 v0, v32  }
0x25f: {  	v62 =	vadd.s32 v3, v30;
	v57 =	vor.u32 v2, v55;
	[tilespmem:s17+$0x8CC0] =	vst v41;
	v59 =	vld.idx.msk [tilespmem:v61+s2+$0x0], $0xffff;
	v61 =	vand.u32 $0xFFFFFFF8, v58  }
0x260: {  	v49 =	vadd.s32 v5, v29;
	v35 =	vld.idx.msk [tilespmem:v48+s2+$0x0], $0xffff;
	v48 =	vand.u32 $0xFFFFFFF8, v62;
	[tilespmem:s15+$0x8DD0] =	vst v63;
	v63 =	vor.u32 v2, v61  }
0x261: {  	v52 =	vadd.s32 v7, v33;
	v50 =	vor.u32 v2, v48;
	v37 =	vld.idx.msk [tilespmem:v51+s2+$0x0], $0xffff;
	[tilespmem:s13+$0x8EE0] =	vst v39;
	v51 =	vand.u32 $0xFFFFFFF8, v49  }
0x262: {  	v36 =	vld.idx.msk [tilespmem:v54+s2+$0x0], $0xffff;
	[tilespmem:s24+$0x8E80] =	vst v22;
	v53 =	vor.u32 v2, v51;
	v22 =	vand.u32 $0xFFFFFFF8, v52  }
0x263: {  	v54 =	vadd.s32 v1, v32;
	v41 =	vld.idx.msk [tilespmem:v60+s2+$0x0], $0xffff;
	v38 =	vor.u32 v2, v22;
	v22 =	vshll.u32 v56, $0x4  }
0x264: {  	v34 =	vld.idx.msk [tilespmem:v57+s2+$0x0], $0xffff;
	[tilespmem:s22+$0x8CB0] =	vst v59;
	v40 =	vand.u32 $0xFFFFFFF8, v54;
	v56 =	vadd.s32 v3, v31;
	v55 =	vor.u32 v0, v22  }
0x265: {  	[tilespmem:s17+$0x8D40] =	vst v35;
	v59 =	vadd.s32 v4, v30;
	v57 =	vor.u32 v2, v40;
	v58 =	vand.u32 $0xFFFFFFF8, v56;
	v44 =	vld.idx.msk [tilespmem:v63+s2+$0x0], $0xffff  }
0x266: {  	v62 =	vadd.s32 v6, v29;
	v39 =	vld.idx.msk [tilespmem:v50+s2+$0x0], $0xffff;
	v61 =	vand.u32 $0xFFFFFFF8, v59;
	v60 =	vor.u32 v2, v58;
	[tilespmem:s15+$0x8E50] =	vst v37  }
0x267: {  	v48 =	vand.u32 $0xFFFFFFF8, v62;
	v49 =	vadd.s32 v8, v33;
	v63 =	vor.u32 v2, v61;
	v46 =	vld.idx.msk [tilespmem:v53+s2+$0x0], $0xffff;
	[tilespmem:s13+$0x8F60] =	vst v36  }
0x268: {  	v45 =	vand.u32 $0xFFFFFFF8, v49;
	v40 =	vor.u32 v2, v48;
	v50 =	vadd.s32 v1, v22;
	v38 =	vld.idx.msk [tilespmem:v38+s2+$0x0], $0xffff  }
0x269: {  	v51 =	vor.u32 v2, v45;
	v52 =	vand.u32 $0xFFFFFFF8, v50;
	[tilespmem:s23+$0x8CA0] =	vst v41;
	v53 =	vadd.s32 v3, v32;
	v42 =	vld.idx.msk [tilespmem:v55+s2+$0x0], $0xffff  }
0x26a: {  	v56 =	vadd.s32 v4, v31;
	v54 =	vor.u32 v2, v52;
	v35 =	vld.idx.msk [tilespmem:v57+s2+$0x0], $0xffff;
	v55 =	vand.u32 $0xFFFFFFF8, v53;
	[tilespmem:s22+$0x8D30] =	vst v44  }
0x26b: {  	v59 =	vadd.s32 v5, v30;
	v58 =	vand.u32 $0xFFFFFFF8, v56;
	[tilespmem:s17+$0x8DC0] =	vst v39;
	v57 =	vor.u32 v2, v55;
	v37 =	vld.idx.msk [tilespmem:v60+s2+$0x0], $0xffff  }
0x26c: {  	v61 =	vadd.s32 v7, v29;
	v45 =	vor.u32 v2, v58;
	v36 =	vld.idx.msk [tilespmem:v63+s2+$0x0], $0xffff;
	v60 =	vand.u32 $0xFFFFFFF8, v59;
	[tilespmem:s15+$0x8ED0] =	vst v46  }
0x26d: {  	v48 =	vadd.s32 v9, v33;
	v63 =	vand.u32 $0xFFFFFFF8, v61;
	v62 =	vor.u32 v2, v60;
	v40 =	vld.idx.msk [tilespmem:v40+s2+$0x0], $0xffff;
	[tilespmem:s13+$0x8FE0] =	vst v38  }
0x26e: {  	v50 =	vand.u32 $0xFFFFFFF8, v48;
	v49 =	vor.u32 v2, v63;
	v41 =	vld.idx.msk [tilespmem:v51+s2+$0x0], $0xffff;
	[tilespmem:s5+$0x8C90] =	vst v42;
	v51 =	vadd.s32 v3, v22  }
0x26f: {  	v52 =	vor.u32 v2, v50;
	[tilespmem:s23+$0x8D20] =	vst v35;
	v44 =	vld.idx.msk [tilespmem:v54+s2+$0x0], $0xffff;
	v53 =	vand.u32 $0xFFFFFFF8, v51;
	v54 =	vadd.s32 v4, v32  }
0x270: {  	v39 =	vld.idx.msk [tilespmem:v57+s2+$0x0], $0xffff;
	v57 =	vadd.s32 v5, v31;
	[tilespmem:s22+$0x8DB0] =	vst v37;
	v55 =	vor.u32 v2, v53;
	v56 =	vand.u32 $0xFFFFFFF8, v54  }
0x271: {  	v60 =	vadd.s32 v6, v30;
	[tilespmem:s17+$0x8E40] =	vst v36;
	v59 =	vand.u32 $0xFFFFFFF8, v57;
	v45 =	vld.idx.msk [tilespmem:v45+s2+$0x0], $0xffff;
	v58 =	vor.u32 v2, v56  }
0x272: {  	v63 =	vadd.s32 v8, v29;
	v38 =	vld.idx.msk [tilespmem:v62+s2+$0x0], $0xffff;
	v61 =	vor.u32 v2, v59;
	v62 =	vand.u32 $0xFFFFFFF8, v60;
	[tilespmem:s15+$0x8F50] =	vst v40  }
0x273: {  	v50 =	vadd.s32 v10, v33;
	v48 =	vor.u32 v2, v62;
	v42 =	vld.idx.msk [tilespmem:v49+s2+$0x0], $0xffff;
	[tilespmem:s13+$0x9060] =	vst v41;
	v49 =	vand.u32 $0xFFFFFFF8, v63  }
0x274: {  	v53 =	vadd.s32 v4, v22;
	v35 =	vld.idx.msk [tilespmem:v52+s2+$0x0], $0xffff;
	[tilespmem:s5+$0x8D10] =	vst v44;
	v51 =	vor.u32 v2, v49;
	v52 =	vand.u32 $0xFFFFFFF8, v50  }
0x275: {  	v56 =	vadd.s32 v5, v32;
	[tilespmem:s23+$0x8DA0] =	vst v39;
	v37 =	vld.idx.msk [tilespmem:v55+s2+$0x0], $0xffff;
	v54 =	vor.u32 v2, v52;
	v55 =	vand.u32 $0xFFFFFFF8, v53  }
0x276: {  	v59 =	vadd.s32 v6, v31;
	v36 =	vld.idx.msk [tilespmem:v58+s2+$0x0], $0xffff;
	[tilespmem:s22+$0x8E30] =	vst v45;
	v57 =	vor.u32 v2, v55;
	v58 =	vand.u32 $0xFFFFFFF8, v56  }
0x277: {  	v62 =	vadd.s32 v7, v30;
	[tilespmem:s17+$0x8EC0] =	vst v38;
	v40 =	vld.idx.msk [tilespmem:v61+s2+$0x0], $0xffff;
	v60 =	vor.u32 v2, v58;
	v61 =	vand.u32 $0xFFFFFFF8, v59  }
0x278: {  	v49 =	vadd.s32 v9, v29;
	v41 =	vld.idx.msk [tilespmem:v48+s2+$0x0], $0xffff;
	v48 =	vand.u32 $0xFFFFFFF8, v62;
	[tilespmem:s15+$0x8FD0] =	vst v42;
	v63 =	vor.u32 v2, v61  }
0x279: {  	v52 =	vadd.s32 v11, v33;
	v50 =	vor.u32 v2, v48;
	v44 =	vld.idx.msk [tilespmem:v51+s2+$0x0], $0xffff;
	[tilespmem:s13+$0xF0E0] =	vst v35;
	v51 =	vand.u32 $0xFFFFFFF8, v49  }
0x27a: {  	v55 =	vadd.s32 v5, v22;
	v39 =	vld.idx.msk [tilespmem:v54+s2+$0x0], $0xffff;
	[tilespmem:s5+$0x8D90] =	vst v37;
	v53 =	vor.u32 v2, v51;
	v54 =	vand.u32 $0xFFFFFFF8, v52  }
0x27b: {  	v58 =	vadd.s32 v6, v32;
	v45 =	vld.idx.msk [tilespmem:v57+s2+$0x0], $0xffff;
	[tilespmem:s23+$0x8E20] =	vst v36;
	v56 =	vor.u32 v2, v54;
	v57 =	vand.u32 $0xFFFFFFF8, v55  }
0x27c: {  	v61 =	vadd.s32 v7, v31;
	v38 =	vld.idx.msk [tilespmem:v60+s2+$0x0], $0xffff;
	[tilespmem:s22+$0x8EB0] =	vst v40;
	v59 =	vor.u32 v2, v57;
	v60 =	vand.u32 $0xFFFFFFF8, v58  }
0x27d: {  	v48 =	vadd.s32 v8, v30;
	[tilespmem:s17+$0x8F40] =	vst v41;
	v42 =	vld.idx.msk [tilespmem:v63+s2+$0x0], $0xffff;
	v62 =	vor.u32 v2, v60;
	v63 =	vand.u32 $0xFFFFFFF8, v61  }
0x27e: {  	v51 =	vadd.s32 v10, v29;
	v35 =	vld.idx.msk [tilespmem:v50+s2+$0x0], $0xffff;
	v50 =	vand.u32 $0xFFFFFFF8, v48;
	[tilespmem:s15+$0x9050] =	vst v44;
	v49 =	vor.u32 v2, v63  }
0x27f: {  	v54 =	vadd.s32 v12, v33;
	v52 =	vor.u32 v2, v50;
	v37 =	vld.idx.msk [tilespmem:v53+s2+$0x0], $0xffff;
	[tilespmem:s13+$0xF160] =	vst v39;
	v53 =	vand.u32 $0xFFFFFFF8, v51  }
0x280: {  	v57 =	vadd.s32 v6, v22;
	v36 =	vld.idx.msk [tilespmem:v56+s2+$0x0], $0xffff;
	[tilespmem:s5+$0x8E10] =	vst v45;
	v55 =	vor.u32 v2, v53;
	v56 =	vand.u32 $0xFFFFFFF8, v54  }
0x281: {  	v60 =	vadd.s32 v7, v32;
	v40 =	vld.idx.msk [tilespmem:v59+s2+$0x0], $0xffff;
	[tilespmem:s23+$0x8EA0] =	vst v38;
	v58 =	vor.u32 v2, v56;
	v59 =	vand.u32 $0xFFFFFFF8, v57  }
0x282: {  	v63 =	vadd.s32 v8, v31;
	v41 =	vld.idx.msk [tilespmem:v62+s2+$0x0], $0xffff;
	[tilespmem:s22+$0x8F30] =	vst v42;
	v61 =	vor.u32 v2, v59;
	v62 =	vand.u32 $0xFFFFFFF8, v60  }
0x283: {  	v50 =	vadd.s32 v9, v30;
	[tilespmem:s17+$0x8FC0] =	vst v35;
	v44 =	vld.idx.msk [tilespmem:v49+s2+$0x0], $0xffff;
	v48 =	vor.u32 v2, v62;
	v49 =	vand.u32 $0xFFFFFFF8, v63  }
0x284: {  	v53 =	vadd.s32 v11, v29;
	v39 =	vld.idx.msk [tilespmem:v52+s2+$0x0], $0xffff;
	v52 =	vand.u32 $0xFFFFFFF8, v50;
	[tilespmem:s15+$0xF0D0] =	vst v37;
	v51 =	vor.u32 v2, v49  }
0x285: {  	v56 =	vadd.s32 v13, v33;
	v54 =	vor.u32 v2, v52;
	v45 =	vld.idx.msk [tilespmem:v55+s2+$0x0], $0xffff;
	[tilespmem:s13+$0xF1E0] =	vst v36;
	v55 =	vand.u32 $0xFFFFFFF8, v53  }
0x286: {  	v59 =	vadd.s32 v7, v22;
	v38 =	vld.idx.msk [tilespmem:v58+s2+$0x0], $0xffff;
	[tilespmem:s5+$0x8E90] =	vst v40;
	v57 =	vor.u32 v2, v55;
	v58 =	vand.u32 $0xFFFFFFF8, v56  }
0x287: {  	v62 =	vadd.s32 v8, v32;
	v42 =	vld.idx.msk [tilespmem:v61+s2+$0x0], $0xffff;
	[tilespmem:s23+$0x8F20] =	vst v41;
	v60 =	vor.u32 v2, v58;
	v61 =	vand.u32 $0xFFFFFFF8, v59  }
0x288: {  	v49 =	vadd.s32 v9, v31;
	v35 =	vld.idx.msk [tilespmem:v48+s2+$0x0], $0xffff;
	[tilespmem:s22+$0x8FB0] =	vst v44;
	v63 =	vor.u32 v2, v61;
	v48 =	vand.u32 $0xFFFFFFF8, v62  }
0x289: {  	v52 =	vadd.s32 v10, v30;
	[tilespmem:s17+$0x9040] =	vst v39;
	v37 =	vld.idx.msk [tilespmem:v51+s2+$0x0], $0xffff;
	v50 =	vor.u32 v2, v48;
	v51 =	vand.u32 $0xFFFFFFF8, v49  }
0x28a: {  	v55 =	vadd.s32 v12, v29;
	v36 =	vld.idx.msk [tilespmem:v54+s2+$0x0], $0xffff;
	v54 =	vand.u32 $0xFFFFFFF8, v52;
	[tilespmem:s15+$0xF150] =	vst v45;
	v53 =	vor.u32 v2, v51  }
0x28b: {  	v58 =	vadd.s32 v14, v33;
	v56 =	vor.u32 v2, v54;
	v40 =	vld.idx.msk [tilespmem:v57+s2+$0x0], $0xffff;
	[tilespmem:s13+$0xF260] =	vst v38;
	v57 =	vand.u32 $0xFFFFFFF8, v55  }
0x28c: {  	v61 =	vadd.s32 v7, v43;
	v41 =	vld.idx.msk [tilespmem:v60+s2+$0x0], $0xffff;
	[tilespmem:s5+$0x8F10] =	vst v42;
	v59 =	vor.u32 v2, v57;
	v60 =	vand.u32 $0xFFFFFFF8, v58  }
0x28d: {  	v48 =	vadd.s32 v8, v22;
	v44 =	vld.idx.msk [tilespmem:v63+s2+$0x0], $0xffff;
	[tilespmem:s23+$0x8FA0] =	vst v35;
	v62 =	vor.u32 v2, v60;
	v63 =	vand.u32 $0xFFFFFFF8, v61  }
0x28e: {  	v51 =	vadd.s32 v9, v32;
	v39 =	vld.idx.msk [tilespmem:v50+s2+$0x0], $0xffff;
	[tilespmem:s22+$0x9030] =	vst v37;
	v49 =	vor.u32 v2, v63;
	v50 =	vand.u32 $0xFFFFFFF8, v48  }
0x28f: {  	v54 =	vadd.s32 v11, v30;
	[tilespmem:s17+$0xF0C0] =	vst v36;
	v45 =	vld.idx.msk [tilespmem:v53+s2+$0x0], $0xffff;
	v52 =	vor.u32 v2, v50;
	v53 =	vand.u32 $0xFFFFFFF8, v51  }
0x290: {  	v57 =	vadd.s32 v13, v29;
	v38 =	vld.idx.msk [tilespmem:v56+s2+$0x0], $0xffff;
	v56 =	vand.u32 $0xFFFFFFF8, v54;
	[tilespmem:s15+$0xF1D0] =	vst v40;
	v55 =	vor.u32 v2, v53  }
0x291: {  	v60 =	vadd.s32 v15, v33;
	v58 =	vor.u32 v2, v56;
	v42 =	vld.idx.msk [tilespmem:v59+s2+$0x0], $0xffff;
	[tilespmem:s13+$0xF2E0] =	vst v41;
	v59 =	vand.u32 $0xFFFFFFF8, v57  }
0x292: {  	[tilespmem:s24+$0x8F00] =	vst v34;
	v47 =	vand.u32 $0xFFFFFFF8, v60;
	v61 =	vld.idx.msk [tilespmem:v62+s2+$0x0], $0xffff;
	v62 =	vadd.s32 v10, v31;
	v46 =	vor.u32 v2, v59  }
0x293: {  	v63 =	vadd.s32 v8, v43;
	v47 =	vor.u32 v2, v47;
	[tilespmem:s5+$0x8F90] =	vst v44;
	v37 =	vld.idx.msk [tilespmem:v49+s2+$0x0], $0xffff;
	v35 =	vand.u32 $0xFFFFFFF8, v62  }
0x294: {  	v48 =	vand.u32 $0xFFFFFFF8, v63;
	[tilespmem:s23+$0x9020] =	vst v39;
	v49 =	vadd.s32 v9, v22;
	v36 =	vld.idx.msk [tilespmem:v52+s2+$0x0], $0xffff;
	v35 =	vor.u32 v2, v35  }
0x295: {  	v50 =	vadd.s32 v10, v32;
	v39 =	vor.u32 v2, v48;
	v44 =	vand.u32 $0xFFFFFFF8, v49;
	[tilespmem:s17+$0xF140] =	vst v38;
	v40 =	vld.idx.msk [tilespmem:v55+s2+$0x0], $0xffff  }
0x296: {  	v51 =	vadd.s32 v12, v30;
	v38 =	vand.u32 $0xFFFFFFF8, v50;
	v44 =	vor.u32 v2, v44;
	v41 =	vld.idx.msk [tilespmem:v58+s2+$0x0], $0xffff;
	[tilespmem:s15+$0xF250] =	vst v42  }
0x297: {  	v52 =	vadd.s32 v14, v29;
	v38 =	vor.u32 v2, v38;
	v42 =	vand.u32 $0xFFFFFFF8, v51;
	v46 =	vld.idx.msk [tilespmem:v46+s2+$0x0], $0xffff;
	[tilespmem:s13+$0xF360] =	vst v61  }
0x298: {  	v33 =	vadd.s32 v16, v33;
	[tilespmem:s22+$0xF0B0] =	vst v45;
	v34 =	vand.u32 $0xFFFFFFF8, v52;
	v42 =	vor.u32 v2, v42;
	v45 =	vld.idx.msk [tilespmem:v47+s2+$0x0], $0xffff  }
0x299: {  	v33 =	vand.u32 $0xFFFFFFF8, v33;
	v53 =	vadd.s32 v11, v31;
	v34 =	vor.u32 v2, v34;
	[tilespmem:s24+$0x8F80] =	vst v37;
	v35 =	vld.idx.msk [tilespmem:v35+s2+$0x0], $0xffff  }
0x29a: {  	v54 =	vadd.s32 v9, v43;
	v33 =	vor.u32 v2, v33;
	v55 =	vand.u32 $0xFFFFFFF8, v53;
	v39 =	vld.idx.msk [tilespmem:v39+s2+$0x0], $0xffff;
	[tilespmem:s5+$0x9010] =	vst v36  }
0x29b: {  	v56 =	vand.u32 $0xFFFFFFF8, v54;
	v57 =	vadd.s32 v10, v22;
	v36 =	vor.u32 v2, v55;
	v44 =	vld.idx.msk [tilespmem:v44+s2+$0x0], $0xffff;
	[tilespmem:s23+$0xF0A0] =	vst v40  }
0x29c: {  	v59 =	vadd.s32 v11, v32;
	v58 =	vand.u32 $0xFFFFFFF8, v57;
	v37 =	vor.u32 v2, v56;
	[tilespmem:s17+$0xF1C0] =	vst v41;
	v38 =	vld.idx.msk [tilespmem:v38+s2+$0x0], $0xffff  }
0x29d: {  	v60 =	vand.u32 $0xFFFFFFF8, v59;
	v61 =	vadd.s32 v13, v30;
	v40 =	vor.u32 v2, v58;
	v42 =	vld.idx.msk [tilespmem:v42+s2+$0x0], $0xffff;
	[tilespmem:s15+$0xF2D0] =	vst v46  }
0x29e: {  	v52 =	vadd.s32 v15, v29;
	v62 =	vand.u32 $0xFFFFFFF8, v61;
	v41 =	vor.u32 v2, v60;
	v63 =	vld.idx.msk [tilespmem:v34+s2+$0x0], $0xffff;
	[tilespmem:s13+$0xF3E0] =	vst v45  }
0x29f: {  	v53 =	vor.u32 v2, v62;
	v34 =	vand.u32 $0xFFFFFFF8, v52;
	[tilespmem:s22+$0xF130] =	vst v35;
	v33 =	vld.idx.msk [tilespmem:v33+s2+$0x0], $0xffff  }
0x2a0: {  	v54 =	vadd.s32 v12, v31;
	[tilespmem:s24+$0x9000] =	vst v39;
	v55 =	vor.u32 v2, v34;
	v36 =	vld.idx.msk [tilespmem:v36+s2+$0x0], $0xffff  }
0x2a1: {  	v57 =	vand.u32 $0xFFFFFFF8, v54;
	v56 =	vld.idx.msk [tilespmem:v37+s2+$0x0], $0xffff;
	[tilespmem:s5+$0xF090] =	vst v44  }
0x2a2: {  	p6 =	sne.s32 s7, $0x7000;
	v29 =	vadd.s32 v16, v29;
	v59 =	vor.u32 v2, v57;
	v46 =	vld.idx.msk [tilespmem:v40+s2+$0x0], $0xffff;
	[tilespmem:s23+$0xF120] =	vst v38  }
.Ltmp6:
0x2a3: {  	v29 =	vand.u32 $0xFFFFFFF8, v29;
	v61 =	vadd.s32 v11, v22;
	v37 =	vld.idx.msk [tilespmem:v41+s2+$0x0], $0xffff;
	[tilespmem:s17+$0xF240] =	vst v42;
	(pc) =	sbr.rel @!p6 .LBB2_14-.Ltmp6, $4  }
0x2a4: {  	p5 =	slt.s32 s26, $0xC00;
	s0 =	smov.u32 s26;
	v62 =	vadd.s32 v14, v30;
	v58 =	vadd.s32 v10, v43;
	v38 =	vand.u32 $0xFFFFFFF8, v61;
	v34 =	vld.idx.msk [tilespmem:v53+s2+$0x0], $0xffff;
	[tilespmem:s15+$0xF350] =	vst v63  }
0x2a5: {  	s0 =	simm.s32 @!p5 $0xC00;
	v60 =	vand.u32 $0xFFFFFFF8, v58;
	v35 =	vand.u32 $0xFFFFFFF8, v62;
	v49 =	vor.u32 v2, v38;
	v38 =	vld.idx.msk [tilespmem:v55+s2+$0x0], $0xffff;
	[tilespmem:s13+$0xF460] =	vst v33  }
0x2a6: {  	v47 =	vor.u32 v2, v60;
	v39 =	vor.u32 v2, v35;
	v63 =	vadd.s32 v12, v32;
	[tilespmem:s22+$0xF1B0] =	vst v36;
	v33 =	vld [tilespmem:s0+$0x8070]  }
0x2a7: {  	s19 =	sadd.s32 $0x80, s28;
	p5 =	por $0x1, $0x1;
	v41 =	vor.u32 v2, v29;
	v35 =	vand.u32 $0xFFFFFFF8, v63;
	[tilespmem:s24+$0xF080] =	vst v56;
	v36 =	vadd.s32 v13, v31;
	v40 =	vld.idx.msk [tilespmem:v59+s2+$0x0], $0xffff  }
0x2a8: {  	_ =	sdelay $0x3  }
0x2a9: {  	p6 =	slt.s32 s19, $0xC70;
	v29 =	vld.idx.msk [tilespmem:v47+s2+$0x0], $0xffff;
	v42 =	vadd.s32 v11, v43;
	[tilespmem:s5+$0xF110] =	vst v46;
	v44 =	vor.u32 v2, v35;
	v45 =	vand.u32 $0xFFFFFFF8, v36;
	s0 =	smov.u32 s19  }
0x2aa: {  	v57 =	vadd.s32 v12, v22;
	s0 =	simm.s32 @!p6 $0xC70;
	v42 =	vand.u32 $0xFFFFFFF8, v42;
	v46 =	vld.idx.msk [tilespmem:v49+s2+$0x0], $0xffff;
	v45 =	vor.u32 v2, v45  }
0x2ab: {  	v51 =	vadd.s32 v15, v30;
	v47 =	vand.u32 $0xFFFFFFF8, v57;
	[tilespmem:s17+$0xF2C0] =	vst v34;
	v48 =	vld [tilespmem:s0+$0x8000];
	v42 =	vor.u32 v2, v42  }
0x2ac: {  	v51 =	vand.u32 $0xFFFFFFF8, v51;
	v58 =	vor.u32 v2, v47;
	v50 =	vld.idx.msk [tilespmem:v39+s2+$0x0], $0xffff;
	[tilespmem:s15+$0xF3D0] =	vst v38  }
0x2ad: {  	[tilespmem:s23+$0xF1A0] =	vst v37;
	v51 =	vor.u32 v2, v51;
	v47 =	vshll.u32 v33, $0x4;
	v52 =	vld.idx.msk [tilespmem:v41+s2+$0x0], $0xffff  }
0x2ae: {  	v54 =	vadd.s32 v13, v32;
	v53 =	vor.u32 v0, v47;
	[tilespmem:s22+$0xF230] =	vst v40;
	v44 =	vld.idx.msk [tilespmem:v44+s2+$0x0], $0xffff  }
0x2af: {  	v59 =	vadd.s32 v14, v31;
	[tilespmem:s24+$0xF100] =	vst v29;
	v29 =	vand.u32 $0xFFFFFFF8, v54;
	v54 =	vld.idx.msk [tilespmem:v45+s2+$0x0], $0xffff  }
0x2b0: {  	v55 =	vadd.s32 v12, v43;
	[tilespmem:s5+$0xF190] =	vst v46;
	v29 =	vor.u32 v2, v29;
	v45 =	vand.u32 $0xFFFFFFF8, v59;
	v42 =	vld.idx.msk [tilespmem:v42+s2+$0x0], $0xffff  }
0x2b1: {  	v56 =	vadd.s32 v16, v30;
	v60 =	vand.u32 $0xFFFFFFF8, v55;
	v49 =	vld.idx.msk [tilespmem:v58+s2+$0x0], $0xffff;
	v55 =	vor.u32 v2, v45;
	[tilespmem:s17+$0xF340] =	vst v50  }
0x2b2: {  	v62 =	vadd.s32 v13, v22;
	p6 =	slt.s32 s14, $0xC10;
	s0 =	smov.u32 s14;
	v46 =	vor.u32 v2, v60;
	v45 =	vshll.u32 v48, $0x4;
	v51 =	vld.idx.msk [tilespmem:v51+s2+$0x0], $0xffff  }
0x2b3: {  	s0 =	simm.s32 @!p6 $0xC10;
	v61 =	vadd.s32 v1, v47;
	[tilespmem:s15+$0xF450] =	vst v52;
	v52 =	vand.u32 $0xFFFFFFF8, v62;
	v48 =	vld.idx.msk [tilespmem:v53+s2+$0x0], $0xffff;
	v53 =	vor.u32 v0, v45  }
0x2b4: {  	v63 =	vand.u32 $0xFFFFFFF8, v56;
	v50 =	vand.u32 $0xFFFFFFF8, v61;
	v56 =	vld [tilespmem:s0+$0x8060];
	v60 =	vor.u32 v2, v52;
	[tilespmem:s23+$0xF220] =	vst v44  }
0x2b5: {  	v57 =	vadd.s32 v14, v32;
	v50 =	vor.u32 v2, v50;
	v29 =	vld.idx.msk [tilespmem:v29+s2+$0x0], $0xffff;
	[tilespmem:s22+$0xF2B0] =	vst v54  }
0x2b6: {  	v61 =	vand.u32 $0xFFFFFFF8, v57;
	v62 =	vadd.s32 v15, v31;
	v44 =	vor.u32 v2, v63;
	[tilespmem:s24+$0xF180] =	vst v42;
	v54 =	vld.idx.msk [tilespmem:v55+s2+$0x0], $0xffff  }
0x2b7: {  	v58 =	vadd.s32 v13, v43;
	v52 =	vor.u32 v2, v61;
	v55 =	vand.u32 $0xFFFFFFF8, v62;
	v63 =	vld.idx.msk [tilespmem:v46+s2+$0x0], $0xffff  }
0x2b8: {  	[tilespmem:s5+$0xF210] =	vst v49;
	v46 =	vand.u32 $0xFFFFFFF8, v58;
	v55 =	vor.u32 v2, v55;
	v53 =	vld.idx.msk [tilespmem:v53+s2+$0x0], $0xffff  }
0x2b9: {  	v59 =	vadd.s32 v3, v47;
	[tilespmem:s13+$0x8CF0] =	vst v48;
	v48 =	vor.u32 v2, v46;
	v46 =	vshll.u32 v56, $0x4;
	v42 =	vld.idx.msk [tilespmem:v60+s2+$0x0], $0xffff  }
0x2ba: {  	[tilespmem:s17+$0xF3C0] =	vst v51;
	v51 =	vand.u32 $0xFFFFFFF8, v59;
	v50 =	vld.idx.msk [tilespmem:v50+s2+$0x0], $0xffff;
	v49 =	vor.u32 v0, v46  }
0x2bb: {  	v60 =	vadd.s32 v14, v22;
	v44 =	vld.idx.msk [tilespmem:v44+s2+$0x0], $0xffff;
	[tilespmem:s23+$0xF2A0] =	vst v29;
	v29 =	vor.u32 v2, v51  }
0x2bc: {  	v62 =	vadd.s32 v15, v32;
	v61 =	vand.u32 $0xFFFFFFF8, v60;
	v52 =	vld.idx.msk [tilespmem:v52+s2+$0x0], $0xffff;
	[tilespmem:s22+$0xF330] =	vst v54  }
0x2bd: {  	v60 =	vadd.s32 v16, v31;
	v51 =	vor.u32 v2, v61;
	[tilespmem:s24+$0xF200] =	vst v63;
	v63 =	vand.u32 $0xFFFFFFF8, v62;
	v55 =	vld.idx.msk [tilespmem:v55+s2+$0x0], $0xffff  }
0x2be: {  	v61 =	vadd.s32 v1, v45;
	v56 =	vand.u32 $0xFFFFFFF8, v60;
	v48 =	vld.idx.msk [tilespmem:v48+s2+$0x0], $0xffff;
	v54 =	vor.u32 v2, v63;
	[tilespmem:s5+$0xF290] =	vst v42  }
0x2bf: {  	p6 =	slt.s32 s16, $0xC20;
	s0 =	smov.u32 s16;
	v58 =	vadd.s32 v1, v46;
	v57 =	vand.u32 $0xFFFFFFF8, v61;
	v56 =	vor.u32 v2, v56;
	v49 =	vld.idx.msk [tilespmem:v49+s2+$0x0], $0xffff;
	[tilespmem:s13+$0x8D70] =	vst v50  }
0x2c0: {  	s18 =	simm.s32 $0x1C00;
	s0 =	simm.s32 @!p6 $0xC20;
	v62 =	vand.u32 $0xFFFFFFF8, v58;
	v63 =	vadd.s32 v4, v47;
	v50 =	vor.u32 v2, v57;
	[tilespmem:s17+$0xF440] =	vst v44;
	v29 =	vld.idx.msk [tilespmem:v29+s2+$0x0], $0xffff  }
0x2c1: {  	v60 =	vadd.s32 v14, v43;
	[tilespmem:s18+$0x8C80] =	vst v53;
	v44 =	vor.u32 v2, v62;
	v57 =	vand.u32 $0xFFFFFFF8, v63;
	v61 =	vld [tilespmem:s0+$0x8050]  }
0x2c2: {  	v59 =	vadd.s32 v15, v22;
	v58 =	vand.u32 $0xFFFFFFF8, v60;
	v51 =	vld.idx.msk [tilespmem:v51+s2+$0x0], $0xffff;
	[tilespmem:s23+$0xF320] =	vst v52;
	v52 =	vor.u32 v2, v57  }
0x2c3: {  	v62 =	vand.u32 $0xFFFFFFF8, v59;
	v63 =	vadd.s32 v16, v32;
	v57 =	vor.u32 v2, v58;
	[tilespmem:s22+$0xF3B0] =	vst v55;
	v54 =	vld.idx.msk [tilespmem:v54+s2+$0x0], $0xffff  }
0x2c4: {  	v53 =	vor.u32 v2, v62;
	v60 =	vand.u32 $0xFFFFFFF8, v63;
	v56 =	vld.idx.msk [tilespmem:v56+s2+$0x0], $0xffff;
	[tilespmem:s24+$0xF280] =	vst v48  }
0x2c5: {  	v63 =	vadd.s32 v3, v45;
	v55 =	vor.u32 v2, v60;
	v58 =	vld.idx.msk [tilespmem:v50+s2+$0x0], $0xffff;
	[tilespmem:s15+$0x8CE0] =	vst v49  }
0x2c6: {  	v60 =	vand.u32 $0xFFFFFFF8, v63;
	v42 =	vld.idx.msk [tilespmem:v44+s2+$0x0], $0xffff;
	[tilespmem:s13+$0x8DF0] =	vst v29  }
0x2c7: {  	v50 =	vshll.u32 v61, $0x4;
	v61 =	vadd.s32 v3, v46;
	[tilespmem:s5+$0xF310] =	vst v51;
	v51 =	vor.u32 v2, v60;
	v48 =	vld.idx.msk [tilespmem:v52+s2+$0x0], $0xffff  }
0x2c8: {  	v62 =	vadd.s32 v5, v47;
	v29 =	vor.u32 v0, v50;
	v44 =	vand.u32 $0xFFFFFFF8, v61;
	v57 =	vld.idx.msk [tilespmem:v57+s2+$0x0], $0xffff  }
0x2c9: {  	p6 =	slt.s32 s1, $0xC30;
	v22 =	vadd.s32 v16, v22;
	s0 =	smov.u32 s1;
	v49 =	vand.u32 $0xFFFFFFF8, v62;
	v53 =	vld.idx.msk [tilespmem:v53+s2+$0x0], $0xffff;
	v44 =	vor.u32 v2, v44;
	[tilespmem:s23+$0xF3A0] =	vst v54  }
0x2ca: {  	v22 =	vand.u32 $0xFFFFFFF8, v22;
	s0 =	simm.s32 @!p6 $0xC30;
	v49 =	vor.u32 v2, v49;
	v61 =	vadd.s32 v15, v43;
	[tilespmem:s22+$0xF430] =	vst v56;
	v54 =	vld.idx.msk [tilespmem:v55+s2+$0x0], $0xffff  }
0x2cb: {  	v22 =	vor.u32 v2, v22;
	v52 =	vand.u32 $0xFFFFFFF8, v61;
	v55 =	vld [tilespmem:s0+$0x8040];
	[tilespmem:s18+$0x8D00] =	vst v58  }
0x2cc: {  	v62 =	vadd.s32 v1, v50;
	v52 =	vor.u32 v2, v52;
	v51 =	vld.idx.msk [tilespmem:v51+s2+$0x0], $0xffff  }
0x2cd: {  	v63 =	vand.u32 $0xFFFFFFF8, v62;
	v62 =	vadd.s32 v4, v45;
	[tilespmem:s15+$0x8D60] =	vst v42;
	v29 =	vld.idx.msk [tilespmem:v29+s2+$0x0], $0xffff  }
0x2ce: {  	v60 =	vadd.s32 v4, v46;
	v59 =	vand.u32 $0xFFFFFFF8, v62;
	v42 =	vor.u32 v2, v63;
	[tilespmem:s13+$0x8E70] =	vst v48;
	v56 =	vld.idx.msk [tilespmem:v44+s2+$0x0], $0xffff  }
0x2cf: {  	v61 =	vadd.s32 v6, v47;
	[tilespmem:s5+$0xF390] =	vst v53;
	v44 =	vand.u32 $0xFFFFFFF8, v60;
	v48 =	vld.idx.msk [tilespmem:v49+s2+$0x0], $0xffff;
	v49 =	vor.u32 v2, v59  }
0x2d0: {  	p6 =	slt.s32 s8, $0xC40;
	s0 =	smov.u32 s8;
	v63 =	vand.u32 $0xFFFFFFF8, v61;
	[tilespmem:s24+$0xF300] =	vst v57;
	v22 =	vld.idx.msk [tilespmem:v22+s2+$0x0], $0xffff;
	v57 =	vor.u32 v2, v44  }
0x2d1: {  	s0 =	simm.s32 @!p6 $0xC40;
	v61 =	vor.u32 v2, v63;
	v60 =	vadd.s32 v16, v43;
	v52 =	vld.idx.msk [tilespmem:v52+s2+$0x0], $0xffff;
	[tilespmem:s23+$0xF420] =	vst v54  }
0x2d2: {  	v43 =	vand.u32 $0xFFFFFFF8, v60;
	v54 =	vld [tilespmem:s0+$0x8030];
	[tilespmem:s17+$0x8CD0] =	vst v29  }
0x2d3: {  	v62 =	vadd.s32 v3, v50;
	v43 =	vor.u32 v2, v43;
	v44 =	vshll.u32 v55, $0x4;
	[tilespmem:s18+$0x8D80] =	vst v51;
	v29 =	vld.idx.msk [tilespmem:v42+s2+$0x0], $0xffff  }
0x2d4: {  	v63 =	vadd.s32 v5, v46;
	v55 =	vor.u32 v0, v44;
	[tilespmem:s15+$0x8DE0] =	vst v56;
	v42 =	vand.u32 $0xFFFFFFF8, v62;
	v49 =	vld.idx.msk [tilespmem:v49+s2+$0x0], $0xffff  }
0x2d5: {  	p6 =	slt.s32 s9, $0xC50;
	v60 =	vand.u32 $0xFFFFFFF8, v63;
	s0 =	smov.u32 s9;
	[tilespmem:s13+$0x8EF0] =	vst v48;
	v62 =	vadd.s32 v5, v45;
	v56 =	vld.idx.msk [tilespmem:v57+s2+$0x0], $0xffff;
	v48 =	vor.u32 v2, v42  }
0x2d6: {  	v63 =	vor.u32 v2, v60;
	s0 =	simm.s32 @!p6 $0xC50;
	[tilespmem:s5+$0xF410] =	vst v22;
	v51 =	vld.idx.msk [tilespmem:v61+s2+$0x0], $0xffff;
	v61 =	vadd.s32 v7, v47;
	v59 =	vand.u32 $0xFFFFFFF8, v62  }
0x2d7: {  	[tilespmem:s24+$0xF380] =	vst v52;
	v57 =	vld [tilespmem:s0+$0x8020];
	v58 =	vand.u32 $0xFFFFFFF8, v61;
	v53 =	vor.u32 v2, v59  }
0x2d8: {  	v43 =	vld.idx.msk [tilespmem:v43+s2+$0x0], $0xffff;
	v22 =	vor.u32 v2, v58  }
0x2d9: {  	v60 =	vadd.s32 v1, v44;
	v42 =	vshll.u32 v54, $0x4;
	v54 =	vld.idx.msk [tilespmem:v55+s2+$0x0], $0xffff;
	[tilespmem:s17+$0x8D50] =	vst v29  }
0x2da: {  	v61 =	vadd.s32 v4, v50;
	v58 =	vor.u32 v0, v42;
	v29 =	vand.u32 $0xFFFFFFF8, v60;
	v48 =	vld.idx.msk [tilespmem:v48+s2+$0x0], $0xffff;
	[tilespmem:s15+$0x8E60] =	vst v56  }
0x2db: {  	s0 =	sadd.s32 $0x10, s28;
	v62 =	vadd.s32 v6, v46;
	[tilespmem:s18+$0x8E00] =	vst v49;
	v56 =	vor.u32 v2, v29;
	v29 =	vand.u32 $0xFFFFFFF8, v61;
	v52 =	vld.idx.msk [tilespmem:v63+s2+$0x0], $0xffff  }
0x2dc: {  	p6 =	slt.s32 s0, $0xC70;
	v59 =	vadd.s32 v6, v45;
	[tilespmem:s13+$0x8F70] =	vst v51;
	v49 =	vor.u32 v2, v29;
	v29 =	vand.u32 $0xFFFFFFF8, v62;
	v53 =	vld.idx.msk [tilespmem:v53+s2+$0x0], $0xffff  }
0x2dd: {  	s0 =	simm.s32 @!p6 $0xC70;
	v60 =	vand.u32 $0xFFFFFFF8, v59;
	v63 =	vadd.s32 v8, v47;
	[tilespmem:s24+$0xF400] =	vst v43;
	v22 =	vld.idx.msk [tilespmem:v22+s2+$0x0], $0xffff;
	v43 =	vor.u32 v2, v29  }
0x2de: {  	v51 =	vor.u32 v2, v60;
	v29 =	vand.u32 $0xFFFFFFF8, v63;
	v55 =	vld [tilespmem:s0+$0x8000]  }
0x2df: {  	[tilespmem:s22+$0x8CC0] =	vst v54;
	v59 =	vor.u32 v2, v29;
	v29 =	vshll.u32 v57, $0x4;
	v57 =	vld.idx.msk [tilespmem:v58+s2+$0x0], $0xffff  }
0x2e0: {  	v61 =	vadd.s32 v1, v42;
	v56 =	vld.idx.msk [tilespmem:v56+s2+$0x0], $0xffff;
	[tilespmem:s17+$0x8DD0] =	vst v48  }
0x2e1: {  	v60 =	vadd.s32 v3, v44;
	v58 =	vand.u32 $0xFFFFFFF8, v61;
	v54 =	vor.u32 v0, v29;
	v49 =	vld.idx.msk [tilespmem:v49+s2+$0x0], $0xffff;
	[tilespmem:s15+$0x8EE0] =	vst v52  }
0x2e2: {  	v48 =	vor.u32 v2, v58;
	v58 =	vand.u32 $0xFFFFFFF8, v60;
	v60 =	vadd.s32 v5, v50;
	[tilespmem:s18+$0x8E80] =	vst v53;
	v43 =	vld.idx.msk [tilespmem:v43+s2+$0x0], $0xffff  }
0x2e3: {  	v52 =	vor.u32 v2, v58;
	v58 =	vand.u32 $0xFFFFFFF8, v60;
	v60 =	vadd.s32 v7, v46;
	[tilespmem:s13+$0x8FF0] =	vst v22;
	v51 =	vld.idx.msk [tilespmem:v51+s2+$0x0], $0xffff  }
0x2e4: {  	v53 =	vor.u32 v2, v58;
	v22 =	vand.u32 $0xFFFFFFF8, v60;
	v58 =	vld.idx.msk [tilespmem:v59+s2+$0x0], $0xffff;
	v59 =	vadd.s32 v9, v47  }
0x2e5: {  	v60 =	vor.u32 v2, v22;
	[tilespmem:s23+$0x8CB0] =	vst v57;
	v59 =	vand.u32 $0xFFFFFFF8, v59  }
0x2e6: {  	v62 =	vadd.s32 v1, v29;
	v22 =	vshll.u32 v55, $0x4;
	v54 =	vld.idx.msk [tilespmem:v54+s2+$0x0], $0xffff;
	v57 =	vor.u32 v2, v59;
	[tilespmem:s22+$0x8D40] =	vst v56  }
0x2e7: {  	v61 =	vadd.s32 v3, v42;
	v55 =	vand.u32 $0xFFFFFFF8, v62;
	v59 =	vor.u32 v0, v22;
	v48 =	vld.idx.msk [tilespmem:v48+s2+$0x0], $0xffff;
	[tilespmem:s17+$0x8E50] =	vst v49  }
0x2e8: {  	v55 =	vor.u32 v2, v55;
	v56 =	vand.u32 $0xFFFFFFF8, v61;
	v61 =	vadd.s32 v4, v44;
	v52 =	vld.idx.msk [tilespmem:v52+s2+$0x0], $0xffff;
	[tilespmem:s15+$0x8F60] =	vst v43  }
0x2e9: {  	v49 =	vor.u32 v2, v56;
	v56 =	vand.u32 $0xFFFFFFF8, v61;
	v61 =	vadd.s32 v6, v50;
	v53 =	vld.idx.msk [tilespmem:v53+s2+$0x0], $0xffff;
	[tilespmem:s18+$0x8F00] =	vst v51  }
0x2ea: {  	v43 =	vor.u32 v2, v56;
	v56 =	vand.u32 $0xFFFFFFF8, v61;
	v61 =	vadd.s32 v8, v46;
	v60 =	vld.idx.msk [tilespmem:v60+s2+$0x0], $0xffff;
	[tilespmem:s13+$0x9070] =	vst v58  }
0x2eb: {  	v51 =	vor.u32 v2, v56;
	v56 =	vand.u32 $0xFFFFFFF8, v61;
	v58 =	vadd.s32 v10, v47;
	[tilespmem:s5+$0x8CA0] =	vst v54;
	v57 =	vld.idx.msk [tilespmem:v57+s2+$0x0], $0xffff  }
0x2ec: {  	v61 =	vadd.s32 v1, v22;
	v54 =	vor.u32 v2, v56;
	v56 =	vand.u32 $0xFFFFFFF8, v58;
	v59 =	vld.idx.msk [tilespmem:v59+s2+$0x0], $0xffff;
	[tilespmem:s23+$0x8D30] =	vst v48  }
0x2ed: {  	v58 =	vand.u32 $0xFFFFFFF8, v61;
	v61 =	vadd.s32 v3, v29;
	v55 =	vld.idx.msk [tilespmem:v55+s2+$0x0], $0xffff;
	v48 =	vor.u32 v2, v56;
	[tilespmem:s22+$0x8DC0] =	vst v52  }
0x2ee: {  	v56 =	vor.u32 v2, v58;
	v58 =	vand.u32 $0xFFFFFFF8, v61;
	v61 =	vadd.s32 v4, v42;
	v49 =	vld.idx.msk [tilespmem:v49+s2+$0x0], $0xffff;
	[tilespmem:s17+$0x8ED0] =	vst v53  }
0x2ef: {  	v52 =	vor.u32 v2, v58;
	v58 =	vand.u32 $0xFFFFFFF8, v61;
	v61 =	vadd.s32 v5, v44;
	v43 =	vld.idx.msk [tilespmem:v43+s2+$0x0], $0xffff;
	[tilespmem:s15+$0x8FE0] =	vst v60  }
0x2f0: {  	v53 =	vor.u32 v2, v58;
	v58 =	vand.u32 $0xFFFFFFF8, v61;
	v61 =	vadd.s32 v7, v50;
	v51 =	vld.idx.msk [tilespmem:v51+s2+$0x0], $0xffff;
	[tilespmem:s13+$0xF0F0] =	vst v57  }
0x2f1: {  	v58 =	vor.u32 v2, v58;
	v60 =	vand.u32 $0xFFFFFFF8, v61;
	v61 =	vadd.s32 v9, v46;
	v54 =	vld.idx.msk [tilespmem:v54+s2+$0x0], $0xffff;
	[tilespmem:s24+$0x8C90] =	vst v59  }
0x2f2: {  	v57 =	vor.u32 v2, v60;
	v59 =	vand.u32 $0xFFFFFFF8, v61;
	v60 =	vadd.s32 v11, v47;
	[tilespmem:s5+$0x8D20] =	vst v55;
	v48 =	vld.idx.msk [tilespmem:v48+s2+$0x0], $0xffff  }
0x2f3: {  	v61 =	vadd.s32 v3, v22;
	v56 =	vld.idx.msk [tilespmem:v56+s2+$0x0], $0xffff;
	v55 =	vor.u32 v2, v59;
	v59 =	vand.u32 $0xFFFFFFF8, v60;
	[tilespmem:s23+$0x8DB0] =	vst v49  }
0x2f4: {  	v60 =	vand.u32 $0xFFFFFFF8, v61;
	v52 =	vld.idx.msk [tilespmem:v52+s2+$0x0], $0xffff;
	v61 =	vadd.s32 v4, v29;
	v49 =	vor.u32 v2, v59;
	[tilespmem:s22+$0x8E40] =	vst v43  }
0x2f5: {  	v59 =	vor.u32 v2, v60;
	v60 =	vand.u32 $0xFFFFFFF8, v61;
	v53 =	vld.idx.msk [tilespmem:v53+s2+$0x0], $0xffff;
	v61 =	vadd.s32 v5, v42;
	[tilespmem:s17+$0x8F50] =	vst v51  }
0x2f6: {  	v43 =	vor.u32 v2, v60;
	v60 =	vand.u32 $0xFFFFFFF8, v61;
	v58 =	vld.idx.msk [tilespmem:v58+s2+$0x0], $0xffff;
	v61 =	vadd.s32 v6, v44;
	[tilespmem:s15+$0x9060] =	vst v54  }
0x2f7: {  	v51 =	vor.u32 v2, v60;
	v60 =	vand.u32 $0xFFFFFFF8, v61;
	v61 =	vadd.s32 v8, v50;
	v57 =	vld.idx.msk [tilespmem:v57+s2+$0x0], $0xffff;
	[tilespmem:s13+$0xF170] =	vst v48  }
0x2f8: {  	v54 =	vor.u32 v2, v60;
	v60 =	vand.u32 $0xFFFFFFF8, v61;
	v61 =	vadd.s32 v10, v46;
	v55 =	vld.idx.msk [tilespmem:v55+s2+$0x0], $0xffff;
	[tilespmem:s24+$0x8D10] =	vst v56  }
0x2f9: {  	v48 =	vor.u32 v2, v60;
	v56 =	vand.u32 $0xFFFFFFF8, v61;
	v60 =	vadd.s32 v12, v47;
	[tilespmem:s5+$0x8DA0] =	vst v52;
	v49 =	vld.idx.msk [tilespmem:v49+s2+$0x0], $0xffff  }
0x2fa: {  	v61 =	vadd.s32 v4, v22;
	v59 =	vld.idx.msk [tilespmem:v59+s2+$0x0], $0xffff;
	v52 =	vor.u32 v2, v56;
	v56 =	vand.u32 $0xFFFFFFF8, v60;
	[tilespmem:s23+$0x8E30] =	vst v53  }
0x2fb: {  	v60 =	vand.u32 $0xFFFFFFF8, v61;
	v61 =	vadd.s32 v5, v29;
	v43 =	vld.idx.msk [tilespmem:v43+s2+$0x0], $0xffff;
	v53 =	vor.u32 v2, v56;
	[tilespmem:s22+$0x8EC0] =	vst v58  }
0x2fc: {  	v56 =	vor.u32 v2, v60;
	v60 =	vand.u32 $0xFFFFFFF8, v61;
	v61 =	vadd.s32 v6, v42;
	v51 =	vld.idx.msk [tilespmem:v51+s2+$0x0], $0xffff;
	[tilespmem:s17+$0x8FD0] =	vst v57  }
0x2fd: {  	v58 =	vor.u32 v2, v60;
	v60 =	vand.u32 $0xFFFFFFF8, v61;
	v61 =	vadd.s32 v7, v44;
	v54 =	vld.idx.msk [tilespmem:v54+s2+$0x0], $0xffff;
	[tilespmem:s15+$0xF0E0] =	vst v55  }
0x2fe: {  	v57 =	vor.u32 v2, v60;
	v60 =	vand.u32 $0xFFFFFFF8, v61;
	v61 =	vadd.s32 v9, v50;
	v48 =	vld.idx.msk [tilespmem:v48+s2+$0x0], $0xffff;
	[tilespmem:s13+$0xF1F0] =	vst v49  }
0x2ff: {  	v55 =	vor.u32 v2, v60;
	v60 =	vand.u32 $0xFFFFFFF8, v61;
	v61 =	vadd.s32 v11, v46;
	v52 =	vld.idx.msk [tilespmem:v52+s2+$0x0], $0xffff;
	[tilespmem:s24+$0x8D90] =	vst v59  }
0x300: {  	v49 =	vor.u32 v2, v60;
	v59 =	vand.u32 $0xFFFFFFF8, v61;
	v60 =	vadd.s32 v13, v47;
	v53 =	vld.idx.msk [tilespmem:v53+s2+$0x0], $0xffff;
	[tilespmem:s5+$0x8E20] =	vst v43  }
0x301: {  	v61 =	vadd.s32 v5, v22;
	v56 =	vld.idx.msk [tilespmem:v56+s2+$0x0], $0xffff;
	v43 =	vor.u32 v2, v59;
	v59 =	vand.u32 $0xFFFFFFF8, v60;
	[tilespmem:s23+$0x8EB0] =	vst v51  }
0x302: {  	v60 =	vand.u32 $0xFFFFFFF8, v61;
	v61 =	vadd.s32 v6, v29;
	v58 =	vld.idx.msk [tilespmem:v58+s2+$0x0], $0xffff;
	v51 =	vor.u32 v2, v59;
	[tilespmem:s22+$0x8F40] =	vst v54  }
0x303: {  	v59 =	vor.u32 v2, v60;
	v60 =	vand.u32 $0xFFFFFFF8, v61;
	v61 =	vadd.s32 v7, v42;
	v57 =	vld.idx.msk [tilespmem:v57+s2+$0x0], $0xffff;
	[tilespmem:s17+$0x9050] =	vst v48  }
0x304: {  	v54 =	vor.u32 v2, v60;
	v60 =	vand.u32 $0xFFFFFFF8, v61;
	v61 =	vadd.s32 v8, v44;
	v55 =	vld.idx.msk [tilespmem:v55+s2+$0x0], $0xffff;
	[tilespmem:s15+$0xF160] =	vst v52  }
0x305: {  	v48 =	vor.u32 v2, v60;
	v60 =	vand.u32 $0xFFFFFFF8, v61;
	v61 =	vadd.s32 v10, v50;
	v49 =	vld.idx.msk [tilespmem:v49+s2+$0x0], $0xffff;
	[tilespmem:s13+$0xF270] =	vst v53  }
0x306: {  	v52 =	vor.u32 v2, v60;
	v60 =	vand.u32 $0xFFFFFFF8, v61;
	v61 =	vadd.s32 v12, v46;
	v43 =	vld.idx.msk [tilespmem:v43+s2+$0x0], $0xffff;
	[tilespmem:s24+$0x8E10] =	vst v56  }
0x307: {  	v53 =	vor.u32 v2, v60;
	v56 =	vand.u32 $0xFFFFFFF8, v61;
	v60 =	vadd.s32 v14, v47;
	v51 =	vld.idx.msk [tilespmem:v51+s2+$0x0], $0xffff;
	[tilespmem:s5+$0x8EA0] =	vst v58  }
0x308: {  	v61 =	vadd.s32 v6, v22;
	v59 =	vld.idx.msk [tilespmem:v59+s2+$0x0], $0xffff;
	v56 =	vor.u32 v2, v56;
	v58 =	vand.u32 $0xFFFFFFF8, v60;
	[tilespmem:s23+$0x8F30] =	vst v57  }
0x309: {  	v60 =	vand.u32 $0xFFFFFFF8, v61;
	v61 =	vadd.s32 v7, v29;
	v54 =	vld.idx.msk [tilespmem:v54+s2+$0x0], $0xffff;
	v57 =	vor.u32 v2, v58;
	[tilespmem:s22+$0x8FC0] =	vst v55  }
0x30a: {  	v58 =	vor.u32 v2, v60;
	v60 =	vand.u32 $0xFFFFFFF8, v61;
	v61 =	vadd.s32 v8, v42;
	v48 =	vld.idx.msk [tilespmem:v48+s2+$0x0], $0xffff;
	[tilespmem:s17+$0xF0D0] =	vst v49  }
0x30b: {  	v55 =	vor.u32 v2, v60;
	v60 =	vand.u32 $0xFFFFFFF8, v61;
	v61 =	vadd.s32 v9, v44;
	v52 =	vld.idx.msk [tilespmem:v52+s2+$0x0], $0xffff;
	[tilespmem:s15+$0xF1E0] =	vst v43  }
0x30c: {  	v49 =	vor.u32 v2, v60;
	v60 =	vand.u32 $0xFFFFFFF8, v61;
	v61 =	vadd.s32 v11, v50;
	v53 =	vld.idx.msk [tilespmem:v53+s2+$0x0], $0xffff;
	[tilespmem:s13+$0xF2F0] =	vst v51  }
0x30d: {  	v43 =	vor.u32 v2, v60;
	v60 =	vand.u32 $0xFFFFFFF8, v61;
	v61 =	vadd.s32 v13, v46;
	v56 =	vld.idx.msk [tilespmem:v56+s2+$0x0], $0xffff;
	[tilespmem:s24+$0x8E90] =	vst v59  }
0x30e: {  	v51 =	vor.u32 v2, v60;
	v59 =	vand.u32 $0xFFFFFFF8, v61;
	v60 =	vadd.s32 v15, v47;
	v57 =	vld.idx.msk [tilespmem:v57+s2+$0x0], $0xffff;
	[tilespmem:s5+$0x8F20] =	vst v54  }
0x30f: {  	v61 =	vadd.s32 v7, v22;
	v58 =	vld.idx.msk [tilespmem:v58+s2+$0x0], $0xffff;
	v54 =	vor.u32 v2, v59;
	v59 =	vand.u32 $0xFFFFFFF8, v60;
	[tilespmem:s23+$0x8FB0] =	vst v48  }
0x310: {  	v60 =	vand.u32 $0xFFFFFFF8, v61;
	v61 =	vadd.s32 v8, v29;
	v55 =	vld.idx.msk [tilespmem:v55+s2+$0x0], $0xffff;
	v48 =	vor.u32 v2, v59;
	[tilespmem:s22+$0x9040] =	vst v52  }
0x311: {  	v59 =	vor.u32 v2, v60;
	v60 =	vand.u32 $0xFFFFFFF8, v61;
	v61 =	vadd.s32 v9, v42;
	v49 =	vld.idx.msk [tilespmem:v49+s2+$0x0], $0xffff;
	[tilespmem:s17+$0xF150] =	vst v53  }
0x312: {  	v52 =	vor.u32 v2, v60;
	v60 =	vand.u32 $0xFFFFFFF8, v61;
	v61 =	vadd.s32 v10, v44;
	v43 =	vld.idx.msk [tilespmem:v43+s2+$0x0], $0xffff;
	[tilespmem:s15+$0xF260] =	vst v56  }
0x313: {  	v53 =	vor.u32 v2, v60;
	v60 =	vand.u32 $0xFFFFFFF8, v61;
	v61 =	vadd.s32 v12, v50;
	v51 =	vld.idx.msk [tilespmem:v51+s2+$0x0], $0xffff;
	[tilespmem:s13+$0xF370] =	vst v57  }
0x314: {  	v56 =	vor.u32 v2, v60;
	v60 =	vand.u32 $0xFFFFFFF8, v61;
	v61 =	vadd.s32 v14, v46;
	v54 =	vld.idx.msk [tilespmem:v54+s2+$0x0], $0xffff;
	[tilespmem:s24+$0x8F10] =	vst v58  }
0x315: {  	v47 =	vadd.s32 v16, v47;
	v57 =	vor.u32 v2, v60;
	v58 =	vand.u32 $0xFFFFFFF8, v61;
	v48 =	vld.idx.msk [tilespmem:v48+s2+$0x0], $0xffff;
	[tilespmem:s5+$0x8FA0] =	vst v55  }
0x316: {  	v47 =	vand.u32 $0xFFFFFFF8, v47;
	v60 =	vadd.s32 v7, v45;
	v59 =	vld.idx.msk [tilespmem:v59+s2+$0x0], $0xffff;
	v55 =	vor.u32 v2, v58;
	[tilespmem:s23+$0x9030] =	vst v49  }
0x317: {  	v47 =	vor.u32 v2, v47;
	v58 =	vand.u32 $0xFFFFFFF8, v60;
	v60 =	vadd.s32 v8, v22;
	v52 =	vld.idx.msk [tilespmem:v52+s2+$0x0], $0xffff;
	[tilespmem:s22+$0xF0C0] =	vst v43  }
0x318: {  	v49 =	vor.u32 v2, v58;
	v58 =	vand.u32 $0xFFFFFFF8, v60;
	v60 =	vadd.s32 v9, v29;
	v53 =	vld.idx.msk [tilespmem:v53+s2+$0x0], $0xffff;
	[tilespmem:s17+$0xF1D0] =	vst v51  }
0x319: {  	v43 =	vor.u32 v2, v58;
	v58 =	vand.u32 $0xFFFFFFF8, v60;
	v60 =	vadd.s32 v11, v44;
	v56 =	vld.idx.msk [tilespmem:v56+s2+$0x0], $0xffff;
	[tilespmem:s15+$0xF2E0] =	vst v54  }
0x31a: {  	v51 =	vor.u32 v2, v58;
	v58 =	vand.u32 $0xFFFFFFF8, v60;
	v60 =	vadd.s32 v13, v50;
	v57 =	vld.idx.msk [tilespmem:v57+s2+$0x0], $0xffff;
	[tilespmem:s13+$0xF3F0] =	vst v48  }
0x31b: {  	v54 =	vor.u32 v2, v58;
	v58 =	vand.u32 $0xFFFFFFF8, v60;
	v60 =	vadd.s32 v15, v46;
	v55 =	vld.idx.msk [tilespmem:v55+s2+$0x0], $0xffff;
	[tilespmem:s24+$0x8F90] =	vst v59  }
0x31c: {  	v48 =	vadd.s32 v10, v42;
	v58 =	vor.u32 v2, v58;
	v59 =	vand.u32 $0xFFFFFFF8, v60;
	v47 =	vld.idx.msk [tilespmem:v47+s2+$0x0], $0xffff;
	[tilespmem:s5+$0x9020] =	vst v52  }
0x31d: {  	v60 =	vadd.s32 v8, v45;
	v49 =	vld.idx.msk [tilespmem:v49+s2+$0x0], $0xffff;
	v48 =	vand.u32 $0xFFFFFFF8, v48;
	v52 =	vor.u32 v2, v59;
	[tilespmem:s23+$0xF0B0] =	vst v53  }
0x31e: {  	v59 =	vand.u32 $0xFFFFFFF8, v60;
	v60 =	vadd.s32 v9, v22;
	v43 =	vld.idx.msk [tilespmem:v43+s2+$0x0], $0xffff;
	v48 =	vor.u32 v2, v48;
	[tilespmem:s22+$0xF140] =	vst v56  }
0x31f: {  	v53 =	vor.u32 v2, v59;
	v59 =	vand.u32 $0xFFFFFFF8, v60;
	v60 =	vadd.s32 v10, v29;
	v51 =	vld.idx.msk [tilespmem:v51+s2+$0x0], $0xffff;
	[tilespmem:s17+$0xF250] =	vst v57  }
0x320: {  	v56 =	vor.u32 v2, v59;
	v59 =	vand.u32 $0xFFFFFFF8, v60;
	v60 =	vadd.s32 v12, v44;
	v54 =	vld.idx.msk [tilespmem:v54+s2+$0x0], $0xffff;
	[tilespmem:s15+$0xF360] =	vst v55  }
0x321: {  	v46 =	vadd.s32 v16, v46;
	v57 =	vor.u32 v2, v59;
	v59 =	vand.u32 $0xFFFFFFF8, v60;
	v58 =	vld.idx.msk [tilespmem:v58+s2+$0x0], $0xffff;
	[tilespmem:s13+$0xF470] =	vst v47  }
0x322: {  	v46 =	vand.u32 $0xFFFFFFF8, v46;
	v60 =	vadd.s32 v14, v50;
	v55 =	vor.u32 v2, v59;
	v52 =	vld.idx.msk [tilespmem:v52+s2+$0x0], $0xffff;
	[tilespmem:s18+$0x8F80] =	vst v49  }
0x323: {  	v46 =	vor.u32 v2, v46;
	v63 =	vand.u32 $0xFFFFFFF8, v60;
	v60 =	vadd.s32 v11, v42;
	v47 =	vld.idx.msk [tilespmem:v48+s2+$0x0], $0xffff;
	[tilespmem:s24+$0x9010] =	vst v43  }
0x324: {  	v61 =	vadd.s32 v9, v45;
	v49 =	vor.u32 v2, v63;
	v62 =	vand.u32 $0xFFFFFFF8, v60;
	v53 =	vld.idx.msk [tilespmem:v53+s2+$0x0], $0xffff;
	[tilespmem:s5+$0xF0A0] =	vst v51  }
0x325: {  	v63 =	vand.u32 $0xFFFFFFF8, v61;
	v60 =	vadd.s32 v10, v22;
	v43 =	vor.u32 v2, v62;
	v56 =	vld.idx.msk [tilespmem:v56+s2+$0x0], $0xffff;
	[tilespmem:s22+$0xF1C0] =	vst v54  }
0x326: {  	v48 =	vor.u32 v2, v63;
	v61 =	vand.u32 $0xFFFFFFF8, v60;
	v62 =	vadd.s32 v11, v29;
	v57 =	vld.idx.msk [tilespmem:v57+s2+$0x0], $0xffff;
	[tilespmem:s17+$0xF2D0] =	vst v58  }
0x327: {  	v51 =	vor.u32 v2, v61;
	v63 =	vand.u32 $0xFFFFFFF8, v62;
	v55 =	vld.idx.msk [tilespmem:v55+s2+$0x0], $0xffff;
	[tilespmem:s15+$0xF3E0] =	vst v52  }
0x328: {  	s25 =	simm.s32 $0x8C80;
	v60 =	vadd.s32 v13, v44;
	v54 =	vor.u32 v2, v63;
	[tilespmem:s23+$0xF130] =	vst v47;
	v58 =	vld.idx.msk [tilespmem:v46+s2+$0x0], $0xffff  }
0x329: {  	s26 =	simm.s32 $0xF080;
	s3 =	sadd.s32 $0x18700, s31;
	p5 =	slt.s32 s14, $0xC00;
	v61 =	vand.u32 $0xFFFFFFF8, v60;
	v62 =	vadd.s32 v15, v50;
	v49 =	vld.idx.msk [tilespmem:v49+s2+$0x0], $0xffff;
	[tilespmem:s18+$0x9000] =	vst v53  }
0x32a: {  	[hbm4b:s31+s2] =	stream.linear.scatter [tilespmem:s25], [sflag:$0x1], $0x400, $0x38;
	v60 =	vadd.s32 v12, v42;
	v63 =	vand.u32 $0xFFFFFFF8, v62;
	v52 =	vor.u32 v2, v61;
	v43 =	vld.idx.msk [tilespmem:v43+s2+$0x0], $0xffff;
	[tilespmem:s24+$0xF090] =	vst v56  }
0x32b: {  	s4 =	sadd.s32 $0x80, s19;
	p6 =	sne.s32 s7, $0x8000;
	s0 =	smov.u32 s14;
	v62 =	vadd.s32 v10, v45;
	v61 =	vand.u32 $0xFFFFFFF8, v60;
	v53 =	vor.u32 v2, v63;
	v59 =	vld.idx.msk [tilespmem:v48+s2+$0x0], $0xffff;
	[tilespmem:s5+$0xF120] =	vst v57  }
0x32c: {  	[hbm4b:s3+s2] =	stream.linear.scatter [tilespmem:s26], [sflag:$0x1], $0x400, $0x38;
	v63 =	vand.u32 $0xFFFFFFF8, v62;
	v56 =	vadd.s32 v11, v22;
	v46 =	vld.idx.msk [tilespmem:v51+s2+$0x0], $0xffff;
	v57 =	vor.u32 v2, v61;
	[tilespmem:s22+$0xF240] =	vst v55  }
.Ltmp7:
0x32d: {  	s0 =	simm.s32 @!p5 $0xC00;
	p5 =	por $0x1, $0x1;
	v47 =	vor.u32 v2, v63;
	v60 =	vand.u32 $0xFFFFFFF8, v56;
	v48 =	vld.idx.msk [tilespmem:v54+s2+$0x0], $0xffff;
	[tilespmem:s15+$0xF460] =	vst v58;
	(pc) =	sbr.rel @!p6 .LBB2_16-.Ltmp7, $4  }
0x32e: {  	s29 =	simm.s32 $0x800;
	s10 =	simm.s32 $0x1000;
	v61 =	vadd.s32 v14, v44;
	[tilespmem:s17+$0xF350] =	vst v49;
	v49 =	vor.u32 v2, v60;
	v56 =	vld [tilespmem:s0+$0x8070];
	s0 =	simm.s32 @!p5 $0x0  }
0x32f: {  	s30 =	smov.u32 s16;
	s20 =	smov.u32 s1;
	v50 =	vadd.s32 v16, v50;
	v51 =	vld.idx.msk [tilespmem:v52+s2+$0x0], $0xffff;
	v52 =	vand.u32 $0xFFFFFFF8, v61;
	[tilespmem:s23+$0xF1B0] =	vst v43;
	s0 =	simm.s32 @p5 $0x1  }
0x330: {  	s21 =	smov.u32 s8;
	s25 =	simm.s32 $0x400;
	v62 =	vadd.s32 v12, v29;
	v63 =	vand.u32 $0xFFFFFFF8, v50;
	v54 =	vld.idx.msk [tilespmem:v53+s2+$0x0], $0xffff;
	v53 =	vor.u32 v2, v52;
	[smem:$0x7FD] =	sst s0  }
0x331: {  	s3 =	simm.s32 $0x8000;
	s26 =	smov.u32 s31;
	v50 =	vand.u32 $0xFFFFFFF8, v62;
	v55 =	vadd.s32 v13, v42;
	s0 =	simm.s32 $0xC00;
	[tilespmem:s18+$0xF080] =	vst v59;
	v52 =	vld.idx.msk [tilespmem:v57+s2+$0x0], $0xffff;
	v57 =	vor.u32 v2, v63  }
.LBB2_17:
0x332: {  	p5 =	slt.s32 s4, $0xC70;
	v43 =	vld.idx.msk [tilespmem:v47+s2+$0x0], $0xffff;
	v47 =	vadd.s32 v11, v45;
	[tilespmem:s24+$0xF110] =	vst v46;
	v46 =	vor.u32 v2, v50;
	v50 =	vand.u32 $0xFFFFFFF8, v55;
	s12 =	smov.u32 s4  }
0x333: {  	v55 =	vadd.s32 v12, v22;
	s12 =	simm.s32 @!p5 $0xC70;
	v47 =	vand.u32 $0xFFFFFFF8, v47;
	v49 =	vld.idx.msk [tilespmem:v49+s2+$0x0], $0xffff;
	v50 =	vor.u32 v2, v50  }
0x334: {  	v58 =	vld [tilespmem:s12+$0x8000];
	v59 =	vor.u32 v2, v47;
	v47 =	vand.u32 $0xFFFFFFF8, v55;
	[tilespmem:s0+$0xF2C0] =	vst v51  }
0x335: {  	v55 =	vadd.s32 v15, v44;
	v51 =	vor.u32 v2, v47;
	v53 =	vld.idx.msk [tilespmem:v53+s2+$0x0], $0xffff;
	[tilespmem:s29+$0xF3D0] =	vst v54;
	v47 =	vshll.u32 v56, $0x4  }
0x336: {  	[tilespmem:s5+$0xF1A0] =	vst v48;
	v48 =	vand.u32 $0xFFFFFFF8, v55;
	v54 =	vld.idx.msk [tilespmem:v57+s2+$0x0], $0xffff;
	v55 =	vor.u32 v0, v47  }
0x337: {  	v56 =	vadd.s32 v13, v29;
	v46 =	vld.idx.msk [tilespmem:v46+s2+$0x0], $0xffff;
	[tilespmem:s10+$0xF230] =	vst v52;
	v52 =	vor.u32 v2, v48  }
0x338: {  	v48 =	vadd.s32 v14, v42;
	[tilespmem:s18+$0xF100] =	vst v43;
	v43 =	vand.u32 $0xFFFFFFF8, v56;
	v50 =	vld.idx.msk [tilespmem:v50+s2+$0x0], $0xffff  }
0x339: {  	v57 =	vadd.s32 v12, v45;
	v48 =	vand.u32 $0xFFFFFFF8, v48;
	v56 =	vld.idx.msk [tilespmem:v59+s2+$0x0], $0xffff;
	[tilespmem:s24+$0xF190] =	vst v49;
	v43 =	vor.u32 v2, v43  }
0x33a: {  	v49 =	vand.u32 $0xFFFFFFF8, v57;
	v57 =	vor.u32 v2, v48;
	v51 =	vld.idx.msk [tilespmem:v51+s2+$0x0], $0xffff  }
0x33b: {  	p5 =	slt.s32 s30, $0xC10;
	s12 =	smov.u32 s30;
	v48 =	vshll.u32 v58, $0x4;
	v49 =	vor.u32 v2, v49;
	[tilespmem:s0+$0xF340] =	vst v53;
	v53 =	vld.idx.msk [tilespmem:v55+s2+$0x0], $0xffff;
	v55 =	vadd.s32 v1, v47  }
0x33c: {  	v44 =	vadd.s32 v16, v44;
	s12 =	simm.s32 @!p5 $0xC10;
	v58 =	vor.u32 v0, v48;
	v52 =	vld.idx.msk [tilespmem:v52+s2+$0x0], $0xffff;
	[tilespmem:s29+$0xF450] =	vst v54;
	v54 =	vand.u32 $0xFFFFFFF8, v55  }
0x33d: {  	v44 =	vand.u32 $0xFFFFFFF8, v44;
	v55 =	vadd.s32 v13, v22;
	[tilespmem:s5+$0xF220] =	vst v46;
	v46 =	vld [tilespmem:s12+$0x8060];
	v54 =	vor.u32 v2, v54  }
0x33e: {  	v44 =	vor.u32 v2, v44;
	v59 =	vadd.s32 v14, v29;
	v55 =	vand.u32 $0xFFFFFFF8, v55;
	v43 =	vld.idx.msk [tilespmem:v43+s2+$0x0], $0xffff;
	[tilespmem:s10+$0xF2B0] =	vst v50  }
0x33f: {  	v50 =	vor.u32 v2, v55;
	v55 =	vand.u32 $0xFFFFFFF8, v59;
	[tilespmem:s18+$0xF180] =	vst v56;
	v56 =	vld.idx.msk [tilespmem:v57+s2+$0x0], $0xffff;
	v57 =	vadd.s32 v15, v42  }
0x340: {  	v59 =	vadd.s32 v13, v45;
	v55 =	vor.u32 v2, v55;
	v49 =	vld.idx.msk [tilespmem:v49+s2+$0x0], $0xffff;
	v57 =	vand.u32 $0xFFFFFFF8, v57  }
0x341: {  	v59 =	vand.u32 $0xFFFFFFF8, v59;
	v58 =	vld.idx.msk [tilespmem:v58+s2+$0x0], $0xffff;
	v57 =	vor.u32 v2, v57;
	[tilespmem:s25+$0x8CF0] =	vst v53  }
0x342: {  	v53 =	vor.u32 v2, v59;
	[tilespmem:s0+$0xF3C0] =	vst v52;
	v46 =	vshll.u32 v46, $0x4;
	v52 =	vld.idx.msk [tilespmem:v54+s2+$0x0], $0xffff;
	v54 =	vadd.s32 v3, v47  }
0x343: {  	[tilespmem:s24+$0xF210] =	vst v51;
	v44 =	vld.idx.msk [tilespmem:v44+s2+$0x0], $0xffff;
	v51 =	vor.u32 v0, v46;
	v54 =	vand.u32 $0xFFFFFFF8, v54  }
0x344: {  	v59 =	vadd.s32 v14, v22;
	v50 =	vld.idx.msk [tilespmem:v50+s2+$0x0], $0xffff;
	[tilespmem:s5+$0xF2A0] =	vst v43;
	v43 =	vor.u32 v2, v54  }
0x345: {  	v54 =	vand.u32 $0xFFFFFFF8, v59;
	v59 =	vadd.s32 v15, v29;
	v55 =	vld.idx.msk [tilespmem:v55+s2+$0x0], $0xffff;
	[tilespmem:s10+$0xF330] =	vst v56  }
0x346: {  	v42 =	vadd.s32 v16, v42;
	[tilespmem:s18+$0xF200] =	vst v49;
	v49 =	vor.u32 v2, v54;
	v54 =	vand.u32 $0xFFFFFFF8, v59;
	v56 =	vld.idx.msk [tilespmem:v57+s2+$0x0], $0xffff  }
0x347: {  	v42 =	vand.u32 $0xFFFFFFF8, v42;
	v57 =	vadd.s32 v1, v48;
	v53 =	vld.idx.msk [tilespmem:v53+s2+$0x0], $0xffff;
	v54 =	vor.u32 v2, v54  }
0x348: {  	p5 =	slt.s32 s20, $0xC20;
	s12 =	smov.u32 s20;
	v42 =	vor.u32 v2, v42;
	v59 =	vadd.s32 v1, v46;
	v57 =	vand.u32 $0xFFFFFFF8, v57;
	v51 =	vld.idx.msk [tilespmem:v51+s2+$0x0], $0xffff;
	[tilespmem:s25+$0x8D70] =	vst v52  }
0x349: {  	s12 =	simm.s32 @!p5 $0xC20;
	v52 =	vor.u32 v2, v57;
	[tilespmem:s0+$0xF440] =	vst v44;
	v44 =	vand.u32 $0xFFFFFFF8, v59;
	v57 =	vld.idx.msk [tilespmem:v43+s2+$0x0], $0xffff;
	v43 =	vadd.s32 v4, v47  }
0x34a: {  	v59 =	vadd.s32 v14, v45;
	[tilespmem:s24+$0xF290] =	vst v50;
	v50 =	vld [tilespmem:s12+$0x8050];
	v44 =	vor.u32 v2, v44;
	v43 =	vand.u32 $0xFFFFFFF8, v43  }
0x34b: {  	v60 =	vadd.s32 v15, v22;
	v59 =	vand.u32 $0xFFFFFFF8, v59;
	v49 =	vld.idx.msk [tilespmem:v49+s2+$0x0], $0xffff;
	[tilespmem:s5+$0xF320] =	vst v55;
	v55 =	vor.u32 v2, v43  }
0x34c: {  	v29 =	vadd.s32 v16, v29;
	s12 =	sshra.s32 s3, $0x2;
	v59 =	vor.u32 v2, v59;
	v43 =	vand.u32 $0xFFFFFFF8, v60;
	v54 =	vld.idx.msk [tilespmem:v54+s2+$0x0], $0xffff;
	[tilespmem:s10+$0xF3B0] =	vst v56  }
0x34d: {  	v29 =	vand.u32 $0xFFFFFFF8, v29;
	v56 =	vor.u32 v2, v43;
	[tilespmem:s12+$0x8C80] =	vst v58;
	v42 =	vld.idx.msk [tilespmem:v42+s2+$0x0], $0xffff  }
0x34e: {  	v29 =	vor.u32 v2, v29;
	v52 =	vld.idx.msk [tilespmem:v52+s2+$0x0], $0xffff;
	[tilespmem:s29+$0x8CE0] =	vst v51  }
0x34f: {  	v43 =	vshll.u32 v50, $0x4;
	v44 =	vld.idx.msk [tilespmem:v44+s2+$0x0], $0xffff;
	v50 =	vadd.s32 v3, v46;
	[tilespmem:s25+$0x8DF0] =	vst v57  }
0x350: {  	[tilespmem:s18+$0xF280] =	vst v53;
	v51 =	vor.u32 v0, v43;
	v50 =	vand.u32 $0xFFFFFFF8, v50;
	v53 =	vld.idx.msk [tilespmem:v55+s2+$0x0], $0xffff;
	v55 =	vadd.s32 v5, v47  }
0x351: {  	v57 =	vadd.s32 v3, v48;
	v58 =	vld.idx.msk [tilespmem:v59+s2+$0x0], $0xffff;
	[tilespmem:s24+$0xF310] =	vst v49;
	v49 =	vor.u32 v2, v50;
	v50 =	vand.u32 $0xFFFFFFF8, v55  }
0x352: {  	s31 =	smov.u32 s21;
	p5 =	slt.s32 s21, $0xC30;
	v55 =	vand.u32 $0xFFFFFFF8, v57;
	v57 =	vadd.s32 v15, v45;
	v56 =	vld.idx.msk [tilespmem:v56+s2+$0x0], $0xffff;
	[tilespmem:s5+$0xF3A0] =	vst v54;
	v50 =	vor.u32 v2, v50  }
0x353: {  	s31 =	simm.s32 @!p5 $0xC30;
	v22 =	vadd.s32 v16, v22;
	v54 =	vor.u32 v2, v55;
	v55 =	vand.u32 $0xFFFFFFF8, v57;
	v29 =	vld.idx.msk [tilespmem:v29+s2+$0x0], $0xffff;
	[tilespmem:s10+$0xF430] =	vst v42  }
0x354: {  	v22 =	vand.u32 $0xFFFFFFF8, v22;
	v42 =	vor.u32 v2, v55;
	v55 =	vld [tilespmem:s31+$0x8040]  }
0x355: {  	v22 =	vor.u32 v2, v22;
	v57 =	vadd.s32 v1, v43;
	v51 =	vld.idx.msk [tilespmem:v51+s2+$0x0], $0xffff;
	[tilespmem:s29+$0x8D60] =	vst v44  }
0x356: {  	v44 =	vand.u32 $0xFFFFFFF8, v57;
	v57 =	vadd.s32 v4, v46;
	v49 =	vld.idx.msk [tilespmem:v49+s2+$0x0], $0xffff;
	[tilespmem:s25+$0x8E70] =	vst v53  }
0x357: {  	v53 =	vadd.s32 v6, v47;
	[tilespmem:s12+$0x8D00] =	vst v52;
	v52 =	vor.u32 v2, v44;
	v44 =	vand.u32 $0xFFFFFFF8, v57;
	v50 =	vld.idx.msk [tilespmem:v50+s2+$0x0], $0xffff  }
0x358: {  	v57 =	vadd.s32 v4, v48;
	v54 =	vld.idx.msk [tilespmem:v54+s2+$0x0], $0xffff;
	[tilespmem:s18+$0xF300] =	vst v58;
	v58 =	vor.u32 v2, v44;
	v44 =	vand.u32 $0xFFFFFFF8, v53  }
0x359: {  	p5 =	slt.s32 s9, $0xC40;
	s31 =	smov.u32 s9;
	v53 =	vand.u32 $0xFFFFFFF8, v57;
	v57 =	vadd.s32 v16, v45;
	v42 =	vld.idx.msk [tilespmem:v42+s2+$0x0], $0xffff;
	[tilespmem:s24+$0xF390] =	vst v56;
	v56 =	vor.u32 v2, v44  }
0x35a: {  	s31 =	simm.s32 @!p5 $0xC40;
	v45 =	vmov v48;
	v53 =	vor.u32 v2, v53;
	v44 =	vand.u32 $0xFFFFFFF8, v57;
	v22 =	vld.idx.msk [tilespmem:v22+s2+$0x0], $0xffff;
	[tilespmem:s5+$0xF420] =	vst v29  }
0x35b: {  	v29 =	vor.u32 v2, v44;
	v48 =	vld [tilespmem:s31+$0x8030];
	[tilespmem:s0+$0x8CD0] =	vst v51  }
0x35c: {  	v44 =	vshll.u32 v55, $0x4;
	v51 =	vld.idx.msk [tilespmem:v52+s2+$0x0], $0xffff;
	v52 =	vadd.s32 v3, v43;
	[tilespmem:s29+$0x8DE0] =	vst v49  }
0x35d: {  	v57 =	vadd.s32 v5, v46;
	v49 =	vor.u32 v0, v44;
	v52 =	vand.u32 $0xFFFFFFF8, v52;
	v55 =	vld.idx.msk [tilespmem:v58+s2+$0x0], $0xffff;
	[tilespmem:s25+$0x8EF0] =	vst v50  }
0x35e: {  	[tilespmem:s12+$0x8D80] =	vst v54;
	v50 =	vor.u32 v2, v52;
	v52 =	vand.u32 $0xFFFFFFF8, v57;
	v54 =	vld.idx.msk [tilespmem:v56+s2+$0x0], $0xffff;
	v56 =	vadd.s32 v7, v47  }
0x35f: {  	p5 =	slt.s32 s28, $0xC50;
	s31 =	smov.u32 s28;
	v57 =	vadd.s32 v5, v45;
	v53 =	vld.idx.msk [tilespmem:v53+s2+$0x0], $0xffff;
	[tilespmem:s18+$0xF380] =	vst v42;
	v52 =	vor.u32 v2, v52;
	v42 =	vand.u32 $0xFFFFFFF8, v56  }
0x360: {  	s31 =	simm.s32 @!p5 $0xC50;
	v56 =	vand.u32 $0xFFFFFFF8, v57;
	v29 =	vld.idx.msk [tilespmem:v29+s2+$0x0], $0xffff;
	[tilespmem:s24+$0xF410] =	vst v22;
	v22 =	vor.u32 v2, v42  }
0x361: {  	v56 =	vor.u32 v2, v56;
	v57 =	vld [tilespmem:s31+$0x8020]  }
0x362: {  	v42 =	vshll.u32 v48, $0x4;
	v48 =	vld.idx.msk [tilespmem:v49+s2+$0x0], $0xffff;
	v49 =	vadd.s32 v1, v44;
	[tilespmem:s0+$0x8D50] =	vst v51  }
0x363: {  	v58 =	vadd.s32 v4, v43;
	v51 =	vor.u32 v0, v42;
	v49 =	vand.u32 $0xFFFFFFF8, v49;
	v50 =	vld.idx.msk [tilespmem:v50+s2+$0x0], $0xffff;
	[tilespmem:s29+$0x8E60] =	vst v55  }
0x364: {  	s31 =	sadd.s32 $0x10, s19;
	v55 =	vand.u32 $0xFFFFFFF8, v58;
	v58 =	vadd.s32 v6, v46;
	v49 =	vor.u32 v2, v49;
	v52 =	vld.idx.msk [tilespmem:v52+s2+$0x0], $0xffff;
	[tilespmem:s25+$0x8F70] =	vst v54  }
0x365: {  	p5 =	slt.s32 s31, $0xC70;
	v54 =	vand.u32 $0xFFFFFFF8, v58;
	[tilespmem:s12+$0x8E00] =	vst v53;
	v53 =	vor.u32 v2, v55;
	v22 =	vld.idx.msk [tilespmem:v22+s2+$0x0], $0xffff;
	v55 =	vadd.s32 v8, v47  }
0x366: {  	s31 =	simm.s32 @!p5 $0xC70;
	v58 =	vadd.s32 v6, v45;
	v54 =	vor.u32 v2, v54;
	v56 =	vld.idx.msk [tilespmem:v56+s2+$0x0], $0xffff;
	[tilespmem:s18+$0xF400] =	vst v29;
	v29 =	vand.u32 $0xFFFFFFF8, v55  }
0x367: {  	v55 =	vand.u32 $0xFFFFFFF8, v58;
	v58 =	vld [tilespmem:s31+$0x8000];
	v59 =	vor.u32 v2, v29  }
0x368: {  	v55 =	vor.u32 v2, v55;
	v29 =	vshll.u32 v57, $0x4;
	v57 =	vadd.s32 v1, v42;
	v51 =	vld.idx.msk [tilespmem:v51+s2+$0x0], $0xffff;
	[tilespmem:s10+$0x8CC0] =	vst v48  }
0x369: {  	v60 =	vadd.s32 v3, v44;
	v48 =	vor.u32 v0, v29;
	v57 =	vand.u32 $0xFFFFFFF8, v57;
	v49 =	vld.idx.msk [tilespmem:v49+s2+$0x0], $0xffff;
	[tilespmem:s0+$0x8DD0] =	vst v50  }
0x36a: {  	v50 =	vor.u32 v2, v57;
	v57 =	vand.u32 $0xFFFFFFF8, v60;
	v60 =	vadd.s32 v5, v43;
	v53 =	vld.idx.msk [tilespmem:v53+s2+$0x0], $0xffff;
	[tilespmem:s29+$0x8EE0] =	vst v52  }
0x36b: {  	v52 =	vor.u32 v2, v57;
	v57 =	vand.u32 $0xFFFFFFF8, v60;
	v60 =	vadd.s32 v7, v46;
	v54 =	vld.idx.msk [tilespmem:v54+s2+$0x0], $0xffff;
	[tilespmem:s25+$0x8FF0] =	vst v22  }
0x36c: {  	v22 =	vand.u32 $0xFFFFFFF8, v60;
	[tilespmem:s12+$0x8E80] =	vst v56;
	v56 =	vor.u32 v2, v57;
	v57 =	vld.idx.msk [tilespmem:v59+s2+$0x0], $0xffff;
	v59 =	vadd.s32 v9, v47  }
0x36d: {  	v60 =	vor.u32 v2, v22;
	v55 =	vld.idx.msk [tilespmem:v55+s2+$0x0], $0xffff;
	v59 =	vand.u32 $0xFFFFFFF8, v59  }
0x36e: {  	v22 =	vshll.u32 v58, $0x4;
	v58 =	vadd.s32 v1, v29;
	v48 =	vld.idx.msk [tilespmem:v48+s2+$0x0], $0xffff;
	[tilespmem:s5+$0x8CB0] =	vst v51;
	v51 =	vor.u32 v2, v59  }
0x36f: {  	v61 =	vadd.s32 v3, v42;
	v58 =	vand.u32 $0xFFFFFFF8, v58;
	v59 =	vor.u32 v0, v22;
	v50 =	vld.idx.msk [tilespmem:v50+s2+$0x0], $0xffff;
	[tilespmem:s10+$0x8D40] =	vst v49  }
0x370: {  	v49 =	vor.u32 v2, v58;
	v58 =	vand.u32 $0xFFFFFFF8, v61;
	v61 =	vadd.s32 v4, v44;
	v52 =	vld.idx.msk [tilespmem:v52+s2+$0x0], $0xffff;
	[tilespmem:s0+$0x8E50] =	vst v53  }
0x371: {  	v53 =	vor.u32 v2, v58;
	v58 =	vand.u32 $0xFFFFFFF8, v61;
	v61 =	vadd.s32 v6, v43;
	v56 =	vld.idx.msk [tilespmem:v56+s2+$0x0], $0xffff;
	[tilespmem:s29+$0x8F60] =	vst v54  }
0x372: {  	v54 =	vor.u32 v2, v58;
	v58 =	vand.u32 $0xFFFFFFF8, v61;
	v61 =	vadd.s32 v8, v46;
	v60 =	vld.idx.msk [tilespmem:v60+s2+$0x0], $0xffff;
	[tilespmem:s25+$0x9070] =	vst v57  }
0x373: {  	v57 =	vand.u32 $0xFFFFFFF8, v61;
	[tilespmem:s12+$0x8F00] =	vst v55;
	v55 =	vor.u32 v2, v58;
	v51 =	vld.idx.msk [tilespmem:v51+s2+$0x0], $0xffff;
	v58 =	vadd.s32 v10, v47  }
0x374: {  	v61 =	vadd.s32 v1, v22;
	v59 =	vld.idx.msk [tilespmem:v59+s2+$0x0], $0xffff;
	[tilespmem:s24+$0x8CA0] =	vst v48;
	v48 =	vor.u32 v2, v57;
	v57 =	vand.u32 $0xFFFFFFF8, v58  }
0x375: {  	v58 =	vand.u32 $0xFFFFFFF8, v61;
	v61 =	vadd.s32 v3, v29;
	v49 =	vld.idx.msk [tilespmem:v49+s2+$0x0], $0xffff;
	[tilespmem:s5+$0x8D30] =	vst v50;
	v50 =	vor.u32 v2, v57  }
0x376: {  	v57 =	vor.u32 v2, v58;
	v58 =	vand.u32 $0xFFFFFFF8, v61;
	v61 =	vadd.s32 v4, v42;
	v53 =	vld.idx.msk [tilespmem:v53+s2+$0x0], $0xffff;
	[tilespmem:s10+$0x8DC0] =	vst v52  }
0x377: {  	v52 =	vor.u32 v2, v58;
	v58 =	vand.u32 $0xFFFFFFF8, v61;
	v61 =	vadd.s32 v5, v44;
	v54 =	vld.idx.msk [tilespmem:v54+s2+$0x0], $0xffff;
	[tilespmem:s0+$0x8ED0] =	vst v56  }
0x378: {  	v56 =	vor.u32 v2, v58;
	v58 =	vand.u32 $0xFFFFFFF8, v61;
	v61 =	vadd.s32 v7, v43;
	v55 =	vld.idx.msk [tilespmem:v55+s2+$0x0], $0xffff;
	[tilespmem:s29+$0x8FE0] =	vst v60  }
0x379: {  	v58 =	vor.u32 v2, v58;
	v60 =	vand.u32 $0xFFFFFFF8, v61;
	v61 =	vadd.s32 v9, v46;
	v48 =	vld.idx.msk [tilespmem:v48+s2+$0x0], $0xffff;
	[tilespmem:s25+$0xF0F0] =	vst v51  }
0x37a: {  	v51 =	vor.u32 v2, v60;
	v60 =	vadd.s32 v11, v47;
	[tilespmem:s18+$0x8C90] =	vst v59;
	v59 =	vand.u32 $0xFFFFFFF8, v61;
	v50 =	vld.idx.msk [tilespmem:v50+s2+$0x0], $0xffff  }
0x37b: {  	v61 =	vadd.s32 v3, v22;
	v57 =	vld.idx.msk [tilespmem:v57+s2+$0x0], $0xffff;
	[tilespmem:s24+$0x8D20] =	vst v49;
	v49 =	vor.u32 v2, v59;
	v59 =	vand.u32 $0xFFFFFFF8, v60  }
0x37c: {  	v60 =	vand.u32 $0xFFFFFFF8, v61;
	v61 =	vadd.s32 v4, v29;
	v52 =	vld.idx.msk [tilespmem:v52+s2+$0x0], $0xffff;
	[tilespmem:s5+$0x8DB0] =	vst v53;
	v53 =	vor.u32 v2, v59  }
0x37d: {  	v59 =	vor.u32 v2, v60;
	v60 =	vand.u32 $0xFFFFFFF8, v61;
	v61 =	vadd.s32 v5, v42;
	v56 =	vld.idx.msk [tilespmem:v56+s2+$0x0], $0xffff;
	[tilespmem:s10+$0x8E40] =	vst v54  }
0x37e: {  	v54 =	vor.u32 v2, v60;
	v60 =	vand.u32 $0xFFFFFFF8, v61;
	v61 =	vadd.s32 v6, v44;
	v58 =	vld.idx.msk [tilespmem:v58+s2+$0x0], $0xffff;
	[tilespmem:s0+$0x8F50] =	vst v55  }
0x37f: {  	v55 =	vor.u32 v2, v60;
	v60 =	vand.u32 $0xFFFFFFF8, v61;
	v61 =	vadd.s32 v8, v43;
	v51 =	vld.idx.msk [tilespmem:v51+s2+$0x0], $0xffff;
	[tilespmem:s29+$0x9060] =	vst v48  }
0x380: {  	v48 =	vor.u32 v2, v60;
	v60 =	vand.u32 $0xFFFFFFF8, v61;
	v61 =	vadd.s32 v10, v46;
	v49 =	vld.idx.msk [tilespmem:v49+s2+$0x0], $0xffff;
	[tilespmem:s25+$0xF170] =	vst v50  }
0x381: {  	v50 =	vor.u32 v2, v60;
	v60 =	vadd.s32 v12, v47;
	[tilespmem:s18+$0x8D10] =	vst v57;
	v57 =	vand.u32 $0xFFFFFFF8, v61;
	v53 =	vld.idx.msk [tilespmem:v53+s2+$0x0], $0xffff  }
0x382: {  	v61 =	vadd.s32 v4, v22;
	v59 =	vld.idx.msk [tilespmem:v59+s2+$0x0], $0xffff;
	[tilespmem:s24+$0x8DA0] =	vst v52;
	v52 =	vor.u32 v2, v57;
	v57 =	vand.u32 $0xFFFFFFF8, v60  }
0x383: {  	v60 =	vand.u32 $0xFFFFFFF8, v61;
	v61 =	vadd.s32 v5, v29;
	v54 =	vld.idx.msk [tilespmem:v54+s2+$0x0], $0xffff;
	[tilespmem:s5+$0x8E30] =	vst v56;
	v56 =	vor.u32 v2, v57  }
0x384: {  	v57 =	vor.u32 v2, v60;
	v60 =	vand.u32 $0xFFFFFFF8, v61;
	v61 =	vadd.s32 v6, v42;
	v55 =	vld.idx.msk [tilespmem:v55+s2+$0x0], $0xffff;
	[tilespmem:s10+$0x8EC0] =	vst v58  }
0x385: {  	v58 =	vor.u32 v2, v60;
	v60 =	vand.u32 $0xFFFFFFF8, v61;
	v61 =	vadd.s32 v7, v44;
	v48 =	vld.idx.msk [tilespmem:v48+s2+$0x0], $0xffff;
	[tilespmem:s0+$0x8FD0] =	vst v51  }
0x386: {  	v51 =	vor.u32 v2, v60;
	v60 =	vand.u32 $0xFFFFFFF8, v61;
	v61 =	vadd.s32 v9, v43;
	v50 =	vld.idx.msk [tilespmem:v50+s2+$0x0], $0xffff;
	[tilespmem:s29+$0xF0E0] =	vst v49  }
0x387: {  	v49 =	vor.u32 v2, v60;
	v60 =	vand.u32 $0xFFFFFFF8, v61;
	v61 =	vadd.s32 v11, v46;
	v52 =	vld.idx.msk [tilespmem:v52+s2+$0x0], $0xffff;
	[tilespmem:s25+$0xF1F0] =	vst v53  }
0x388: {  	v53 =	vor.u32 v2, v60;
	v60 =	vadd.s32 v13, v47;
	[tilespmem:s18+$0x8D90] =	vst v59;
	v59 =	vand.u32 $0xFFFFFFF8, v61;
	v56 =	vld.idx.msk [tilespmem:v56+s2+$0x0], $0xffff  }
0x389: {  	s3 =	sadd.s32 $0x1000, s3;
	v61 =	vadd.s32 v5, v22;
	v57 =	vld.idx.msk [tilespmem:v57+s2+$0x0], $0xffff;
	[tilespmem:s24+$0x8E20] =	vst v54;
	v54 =	vor.u32 v2, v59;
	v59 =	vand.u32 $0xFFFFFFF8, v60  }
0x38a: {  	p6 =	sne.s32 s7, s3;
	v60 =	vand.u32 $0xFFFFFFF8, v61;
	v61 =	vadd.s32 v6, v29;
	v58 =	vld.idx.msk [tilespmem:v58+s2+$0x0], $0xffff;
	[tilespmem:s5+$0x8EB0] =	vst v55;
	v55 =	vor.u32 v2, v59  }
0x38b: {  	v59 =	vor.u32 v2, v60;
	v60 =	vand.u32 $0xFFFFFFF8, v61;
	v61 =	vadd.s32 v7, v42;
	v51 =	vld.idx.msk [tilespmem:v51+s2+$0x0], $0xffff;
	[tilespmem:s10+$0x8F40] =	vst v48  }
0x38c: {  	v48 =	vor.u32 v2, v60;
	v60 =	vand.u32 $0xFFFFFFF8, v61;
	v61 =	vadd.s32 v8, v44;
	v49 =	vld.idx.msk [tilespmem:v49+s2+$0x0], $0xffff;
	[tilespmem:s0+$0x9050] =	vst v50  }
0x38d: {  	v50 =	vor.u32 v2, v60;
	v60 =	vand.u32 $0xFFFFFFF8, v61;
	v61 =	vadd.s32 v10, v43;
	v53 =	vld.idx.msk [tilespmem:v53+s2+$0x0], $0xffff;
	[tilespmem:s29+$0xF160] =	vst v52  }
0x38e: {  	v52 =	vor.u32 v2, v60;
	v60 =	vand.u32 $0xFFFFFFF8, v61;
	v61 =	vadd.s32 v12, v46;
	v54 =	vld.idx.msk [tilespmem:v54+s2+$0x0], $0xffff;
	[tilespmem:s25+$0xF270] =	vst v56  }
0x38f: {  	v56 =	vor.u32 v2, v60;
	v60 =	vadd.s32 v14, v47;
	[tilespmem:s18+$0x8E10] =	vst v57;
	v57 =	vand.u32 $0xFFFFFFF8, v61;
	v55 =	vld.idx.msk [tilespmem:v55+s2+$0x0], $0xffff  }
0x390: {  	v61 =	vadd.s32 v6, v22;
	v59 =	vld.idx.msk [tilespmem:v59+s2+$0x0], $0xffff;
	[tilespmem:s24+$0x8EA0] =	vst v58;
	v57 =	vor.u32 v2, v57;
	v58 =	vand.u32 $0xFFFFFFF8, v60  }
0x391: {  	v60 =	vand.u32 $0xFFFFFFF8, v61;
	v61 =	vadd.s32 v7, v29;
	v48 =	vld.idx.msk [tilespmem:v48+s2+$0x0], $0xffff;
	[tilespmem:s5+$0x8F30] =	vst v51;
	v51 =	vor.u32 v2, v58  }
0x392: {  	v58 =	vor.u32 v2, v60;
	v60 =	vand.u32 $0xFFFFFFF8, v61;
	v61 =	vadd.s32 v8, v42;
	v50 =	vld.idx.msk [tilespmem:v50+s2+$0x0], $0xffff;
	[tilespmem:s10+$0x8FC0] =	vst v49  }
0x393: {  	v49 =	vor.u32 v2, v60;
	v60 =	vand.u32 $0xFFFFFFF8, v61;
	v61 =	vadd.s32 v9, v44;
	v52 =	vld.idx.msk [tilespmem:v52+s2+$0x0], $0xffff;
	[tilespmem:s0+$0xF0D0] =	vst v53  }
0x394: {  	v53 =	vor.u32 v2, v60;
	v60 =	vand.u32 $0xFFFFFFF8, v61;
	v61 =	vadd.s32 v11, v43;
	v56 =	vld.idx.msk [tilespmem:v56+s2+$0x0], $0xffff;
	[tilespmem:s29+$0xF1E0] =	vst v54  }
0x395: {  	v54 =	vor.u32 v2, v60;
	v60 =	vand.u32 $0xFFFFFFF8, v61;
	v61 =	vadd.s32 v13, v46;
	v57 =	vld.idx.msk [tilespmem:v57+s2+$0x0], $0xffff;
	[tilespmem:s25+$0xF2F0] =	vst v55  }
0x396: {  	v55 =	vor.u32 v2, v60;
	v60 =	vadd.s32 v15, v47;
	[tilespmem:s18+$0x8E90] =	vst v59;
	v59 =	vand.u32 $0xFFFFFFF8, v61;
	v51 =	vld.idx.msk [tilespmem:v51+s2+$0x0], $0xffff  }
0x397: {  	v61 =	vadd.s32 v7, v22;
	v58 =	vld.idx.msk [tilespmem:v58+s2+$0x0], $0xffff;
	[tilespmem:s24+$0x8F20] =	vst v48;
	v48 =	vor.u32 v2, v59;
	v59 =	vand.u32 $0xFFFFFFF8, v60  }
0x398: {  	v60 =	vand.u32 $0xFFFFFFF8, v61;
	v61 =	vadd.s32 v8, v29;
	v49 =	vld.idx.msk [tilespmem:v49+s2+$0x0], $0xffff;
	[tilespmem:s5+$0x8FB0] =	vst v50;
	v50 =	vor.u32 v2, v59  }
0x399: {  	v59 =	vor.u32 v2, v60;
	v60 =	vand.u32 $0xFFFFFFF8, v61;
	v61 =	vadd.s32 v9, v42;
	v53 =	vld.idx.msk [tilespmem:v53+s2+$0x0], $0xffff;
	[tilespmem:s10+$0x9040] =	vst v52  }
0x39a: {  	v52 =	vor.u32 v2, v60;
	v60 =	vand.u32 $0xFFFFFFF8, v61;
	v61 =	vadd.s32 v10, v44;
	v54 =	vld.idx.msk [tilespmem:v54+s2+$0x0], $0xffff;
	[tilespmem:s0+$0xF150] =	vst v56  }
0x39b: {  	v56 =	vor.u32 v2, v60;
	v60 =	vand.u32 $0xFFFFFFF8, v61;
	v61 =	vadd.s32 v12, v43;
	v55 =	vld.idx.msk [tilespmem:v55+s2+$0x0], $0xffff;
	[tilespmem:s29+$0xF260] =	vst v57  }
0x39c: {  	v57 =	vor.u32 v2, v60;
	v60 =	vand.u32 $0xFFFFFFF8, v61;
	v61 =	vadd.s32 v14, v46;
	v48 =	vld.idx.msk [tilespmem:v48+s2+$0x0], $0xffff;
	[tilespmem:s25+$0xF370] =	vst v51  }
0x39d: {  	v47 =	vadd.s32 v16, v47;
	v51 =	vor.u32 v2, v60;
	[tilespmem:s18+$0x8F10] =	vst v58;
	v58 =	vand.u32 $0xFFFFFFF8, v61;
	v50 =	vld.idx.msk [tilespmem:v50+s2+$0x0], $0xffff  }
0x39e: {  	v47 =	vand.u32 $0xFFFFFFF8, v47;
	v60 =	vadd.s32 v7, v45;
	v59 =	vld.idx.msk [tilespmem:v59+s2+$0x0], $0xffff;
	[tilespmem:s24+$0x8FA0] =	vst v49;
	v49 =	vor.u32 v2, v58  }
0x39f: {  	v47 =	vor.u32 v2, v47;
	v58 =	vand.u32 $0xFFFFFFF8, v60;
	v60 =	vadd.s32 v8, v22;
	v52 =	vld.idx.msk [tilespmem:v52+s2+$0x0], $0xffff;
	[tilespmem:s5+$0x9030] =	vst v53  }
0x3a0: {  	v53 =	vor.u32 v2, v58;
	v58 =	vand.u32 $0xFFFFFFF8, v60;
	v60 =	vadd.s32 v9, v29;
	v56 =	vld.idx.msk [tilespmem:v56+s2+$0x0], $0xffff;
	[tilespmem:s10+$0xF0C0] =	vst v54  }
0x3a1: {  	v54 =	vor.u32 v2, v58;
	v58 =	vand.u32 $0xFFFFFFF8, v60;
	v60 =	vadd.s32 v11, v44;
	v57 =	vld.idx.msk [tilespmem:v57+s2+$0x0], $0xffff;
	[tilespmem:s0+$0xF1D0] =	vst v55  }
0x3a2: {  	v55 =	vor.u32 v2, v58;
	v58 =	vand.u32 $0xFFFFFFF8, v60;
	v60 =	vadd.s32 v13, v43;
	v51 =	vld.idx.msk [tilespmem:v51+s2+$0x0], $0xffff;
	[tilespmem:s29+$0xF2E0] =	vst v48  }
0x3a3: {  	v48 =	vor.u32 v2, v58;
	v58 =	vand.u32 $0xFFFFFFF8, v60;
	v60 =	vadd.s32 v15, v46;
	v49 =	vld.idx.msk [tilespmem:v49+s2+$0x0], $0xffff;
	[tilespmem:s25+$0xF3F0] =	vst v50  }
0x3a4: {  	v50 =	vadd.s32 v10, v42;
	v58 =	vor.u32 v2, v58;
	[tilespmem:s18+$0x8F90] =	vst v59;
	v59 =	vand.u32 $0xFFFFFFF8, v60;
	v47 =	vld.idx.msk [tilespmem:v47+s2+$0x0], $0xffff  }
0x3a5: {  	v60 =	vadd.s32 v8, v45;
	v50 =	vand.u32 $0xFFFFFFF8, v50;
	v53 =	vld.idx.msk [tilespmem:v53+s2+$0x0], $0xffff;
	[tilespmem:s24+$0x9020] =	vst v52;
	v52 =	vor.u32 v2, v59  }
0x3a6: {  	v59 =	vand.u32 $0xFFFFFFF8, v60;
	v60 =	vadd.s32 v9, v22;
	v50 =	vor.u32 v2, v50;
	v54 =	vld.idx.msk [tilespmem:v54+s2+$0x0], $0xffff;
	[tilespmem:s5+$0xF0B0] =	vst v56  }
0x3a7: {  	v56 =	vor.u32 v2, v59;
	v59 =	vand.u32 $0xFFFFFFF8, v60;
	v60 =	vadd.s32 v10, v29;
	v55 =	vld.idx.msk [tilespmem:v55+s2+$0x0], $0xffff;
	[tilespmem:s10+$0xF140] =	vst v57  }
0x3a8: {  	v57 =	vor.u32 v2, v59;
	v59 =	vand.u32 $0xFFFFFFF8, v60;
	v60 =	vadd.s32 v12, v44;
	v48 =	vld.idx.msk [tilespmem:v48+s2+$0x0], $0xffff;
	[tilespmem:s0+$0xF250] =	vst v51  }
0x3a9: {  	s26 =	sadd.s32 $0x80, s26;
	s31 =	sadd.s32 $0x8C80, s25;
	v51 =	vor.u32 v2, v59;
	v59 =	vand.u32 $0xFFFFFFF8, v60;
	v60 =	vadd.s32 v14, v43;
	v58 =	vld.idx.msk [tilespmem:v58+s2+$0x0], $0xffff;
	[tilespmem:s29+$0xF360] =	vst v49  }
0x3aa: {  	v46 =	vadd.s32 v16, v46;
	v49 =	vor.u32 v2, v59;
	v59 =	vand.u32 $0xFFFFFFF8, v60;
	v52 =	vld.idx.msk [tilespmem:v52+s2+$0x0], $0xffff;
	[tilespmem:s25+$0xF470] =	vst v47;
	[hbm4b:s26+s2] =	stream.linear.scatter [tilespmem:s31], [sflag:$0x1], $0x400, $0x38  }
0x3ab: {  	s6 =	sadd.s32 $0x18700, s26;
	v46 =	vand.u32 $0xFFFFFFF8, v46;
	s31 =	sadd.s32 $0xF080, s25;
	s25 =	smov.u32 s29;
	[tilespmem:s12+$0x8F80] =	vst v53;
	v47 =	vld.idx.msk [tilespmem:v50+s2+$0x0], $0xffff;
	v50 =	vadd.s32 v11, v42;
	v53 =	vor.u32 v2, v59  }
0x3ac: {  	v46 =	vor.u32 v2, v46;
	v59 =	vadd.s32 v9, v45;
	v56 =	vld.idx.msk [tilespmem:v56+s2+$0x0], $0xffff;
	[tilespmem:s18+$0x9010] =	vst v54;
	v50 =	vand.u32 $0xFFFFFFF8, v50;
	[hbm4b:s6+s2] =	stream.linear.scatter [tilespmem:s31], [sflag:$0x1], $0x400, $0x38  }
0x3ad: {  	s29 =	smov.u32 s0;
	s0 =	smov.u32 s10;
	s10 =	smov.u32 s5;
	v54 =	vand.u32 $0xFFFFFFF8, v59;
	v59 =	vadd.s32 v10, v22;
	v57 =	vld.idx.msk [tilespmem:v57+s2+$0x0], $0xffff;
	[tilespmem:s24+$0xF0A0] =	vst v55;
	v50 =	vor.u32 v2, v50  }
0x3ae: {  	s5 =	smov.u32 s24;
	v54 =	vor.u32 v2, v54;
	v55 =	vand.u32 $0xFFFFFFF8, v59;
	v59 =	vadd.s32 v11, v29;
	s24 =	smov.u32 s18;
	s18 =	smov.u32 s12;
	v51 =	vld.idx.msk [tilespmem:v51+s2+$0x0], $0xffff;
	[tilespmem:s0+$0xF1C0] =	vst v48  }
0x3af: {  	v48 =	vor.u32 v2, v55;
	v55 =	vand.u32 $0xFFFFFFF8, v59;
	v59 =	vadd.s32 v13, v44;
	v49 =	vld.idx.msk [tilespmem:v49+s2+$0x0], $0xffff;
	[tilespmem:s29+$0xF2D0] =	vst v58  }
0x3b0: {  	v55 =	vor.u32 v2, v55;
	v58 =	vand.u32 $0xFFFFFFF8, v59;
	v59 =	vadd.s32 v15, v43;
	v53 =	vld.idx.msk [tilespmem:v53+s2+$0x0], $0xffff;
	[tilespmem:s25+$0xF3E0] =	vst v52  }
0x3b1: {  	v52 =	vor.u32 v2, v58;
	[tilespmem:s10+$0xF130] =	vst v47;
	v47 =	vand.u32 $0xFFFFFFF8, v59;
	v58 =	vld.idx.msk [tilespmem:v46+s2+$0x0], $0xffff  }
0x3b2: {  	v46 =	vadd.s32 v12, v42;
	[tilespmem:s18+$0x9000] =	vst v56;
	v50 =	vld.idx.msk [tilespmem:v50+s2+$0x0], $0xffff;
	v56 =	vor.u32 v2, v47  }
0x3b3: {  	v47 =	vadd.s32 v10, v45;
	v59 =	vld.idx.msk [tilespmem:v54+s2+$0x0], $0xffff;
	[tilespmem:s24+$0xF090] =	vst v57;
	v54 =	vand.u32 $0xFFFFFFF8, v46  }
0x3b4: {  	v47 =	vand.u32 $0xFFFFFFF8, v47;
	v46 =	vld.idx.msk [tilespmem:v48+s2+$0x0], $0xffff;
	v48 =	vadd.s32 v11, v22;
	[tilespmem:s5+$0xF120] =	vst v51;
	v57 =	vor.u32 v2, v54  }
.Ltmp8:
0x3b5: {  	v47 =	vor.u32 v2, v47;
	v51 =	vand.u32 $0xFFFFFFF8, v48;
	v48 =	vld.idx.msk [tilespmem:v55+s2+$0x0], $0xffff;
	[tilespmem:s0+$0xF240] =	vst v49;
	(pc) =	sbr.rel @p6 .LBB2_17-.Ltmp8, $4  }
0x3b6: {  	p5 =	slt.s32 s30, $0xC00;
	s6 =	smov.u32 s30;
	v49 =	vor.u32 v2, v51;
	v51 =	vld.idx.msk [tilespmem:v52+s2+$0x0], $0xffff;
	v52 =	vadd.s32 v14, v44;
	[tilespmem:s29+$0xF350] =	vst v53  }
0x3b7: {  	s30 =	smov.u32 s20;
	s20 =	smov.u32 s21;
	s6 =	simm.s32 @!p5 $0xC00;
	v43 =	vadd.s32 v16, v43;
	v52 =	vand.u32 $0xFFFFFFF8, v52;
	v54 =	vld.idx.msk [tilespmem:v56+s2+$0x0], $0xffff;
	[tilespmem:s25+$0xF460] =	vst v58  }
0x3b8: {  	s21 =	smov.u32 s9;
	s9 =	smov.u32 s28;
	s28 =	smov.u32 s19;
	v43 =	vand.u32 $0xFFFFFFF8, v43;
	v55 =	vadd.s32 v12, v29;
	[tilespmem:s10+$0xF1B0] =	vst v50;
	v53 =	vor.u32 v2, v52;
	v56 =	vld [tilespmem:s6+$0x8070]  }
0x3b9: {  	s19 =	smov.u32 s4;
	s4 =	sadd.s32 $0x80, s4;
	v50 =	vand.u32 $0xFFFFFFF8, v55;
	v55 =	vadd.s32 v13, v42;
	[tilespmem:s18+$0xF080] =	vst v59;
	v52 =	vld.idx.msk [tilespmem:v57+s2+$0x0], $0xffff;
	v57 =	vor.u32 v2, v43  }
0x3ba: {  	s4 =	smov.u32 s5;
	s3 =	smov.u32 s9  }
0x3bb: {  	s5 =	smov.u32 s18;
	s18 =	smov.u32 s28;
	s31 =	rddreg [dreg:$0x8]  }
0x3bc: {  	v43 =	vmov v45;
	s9 =	smov.u32 s19;
	s28 =	rddreg [dreg:$0xa];
	p5 =	por $0x1, $0x1  }
.LBB2_19:
0x3bd: {  	_ =	sdelay $0x2  }
0x3be: {  	v45 =	vadd.s32 v11, v43;
	v50 =	vor.u32 @p1 v2, v50;
	v55 =	vand.u32 @p2 $0xFFFFFFF8, v55;
	[tilespmem:s24+$0xF110] =	vst @p0 v46  }
0x3bf: {  	v47 =	vld.idx.msk [tilespmem:v47+s2+$0x0], $0xffff;
	[tilespmem:s29+$0xF3D0] =	vst @p4 v54;
	v45 =	vand.u32 $0xFFFFFFF8, v45;
	v46 =	vor.u32 @p2 v2, v55  }
0x3c0: {  	[tilespmem:s0+$0xF2C0] =	vst @p3 v51;
	v51 =	vadd.s32 @p3 v15, v44;
	v54 =	vld.idx.msk @p4 [tilespmem:v57+s2+$0x0], $0xffff;
	v62 =	vor.u32 v2, v45  }
0x3c1: {  	[tilespmem:s4+$0xF1A0] =	vst @p1 v48;
	v53 =	vld.idx.msk @p3 [tilespmem:v53+s2+$0x0], $0xffff;
	v48 =	vand.u32 @p3 $0xFFFFFFF8, v51  }
0x3c2: {  	v49 =	vld.idx.msk @p0 [tilespmem:v49+s2+$0x0], $0xffff;
	v57 =	vadd.s32 @p0 v12, v22;
	v45 =	vshll.u32 @p5 v56, $0x4;
	v48 =	vor.u32 @p3 v2, v48  }
0x3c3: {  	p6 =	por p5, p5;
	v63 =	vadd.s32 v12, v43;
	[tilespmem:s10+$0xF230] =	vst @p2 v52;
	v51 =	vand.u32 @p0 $0xFFFFFFF8, v57;
	v56 =	vor.u32 @p5 v0, v45;
	p5 =	slt.s32 @p4 s30, $0xC10;
	v50 =	vld.idx.msk @p1 [tilespmem:v50+s2+$0x0], $0xffff  }
0x3c4: {  	s6 =	smov.u32 s30;
	v57 =	vadd.s32 @p1 v13, v29;
	v51 =	vor.u32 @p0 v2, v51;
	p5 =	por !p5, !p4;
	[tilespmem:s5+$0xF100] =	vst v47;
	v46 =	vld.idx.msk @p2 [tilespmem:v46+s2+$0x0], $0xffff  }
0x3c5: {  	v52 =	vadd.s32 @p2 v14, v42;
	v47 =	vand.u32 @p1 $0xFFFFFFF8, v57;
	s6 =	simm.s32 @p5 $0xC10;
	v57 =	vand.u32 $0xFFFFFFF8, v63;
	[tilespmem:s29+$0xF450] =	vst @p4 v54;
	v55 =	vld.idx.msk [tilespmem:v62+s2+$0x0], $0xffff  }
0x3c6: {  	v52 =	vand.u32 @p2 $0xFFFFFFF8, v52;
	v47 =	vor.u32 @p1 v2, v47;
	v60 =	vor.u32 v2, v57;
	[tilespmem:s0+$0xF340] =	vst @p3 v53;
	v57 =	vld @p4 [tilespmem:s6+$0x8060]  }
0x3c7: {  	v44 =	vadd.s32 @p3 v16, v44;
	v52 =	vor.u32 @p2 v2, v52;
	v48 =	vld.idx.msk @p3 [tilespmem:v48+s2+$0x0], $0xffff  }
0x3c8: {  	v44 =	vand.u32 @p3 $0xFFFFFFF8, v44;
	v58 =	vadd.s32 @p6 v1, v45;
	[tilespmem:s24+$0xF190] =	vst @p0 v49;
	v56 =	vld.idx.msk @p6 [tilespmem:v56+s2+$0x0], $0xffff  }
0x3c9: {  	v53 =	vand.u32 @p6 $0xFFFFFFF8, v58;
	v58 =	vor.u32 @p3 v2, v44;
	v51 =	vld.idx.msk @p0 [tilespmem:v51+s2+$0x0], $0xffff;
	[tilespmem:s4+$0xF220] =	vst @p1 v50  }
0x3ca: {  	v49 =	vadd.s32 @p0 v13, v22;
	v53 =	vor.u32 @p6 v2, v53;
	[tilespmem:s10+$0xF2B0] =	vst @p2 v46  }
0x3cb: {  	v49 =	vand.u32 @p0 $0xFFFFFFF8, v49;
	v50 =	vadd.s32 @p1 v14, v29;
	v47 =	vld.idx.msk @p1 [tilespmem:v47+s2+$0x0], $0xffff;
	[tilespmem:s5+$0xF180] =	vst v55  }
0x3cc: {  	v46 =	vor.u32 @p0 v2, v49;
	v44 =	vand.u32 @p1 $0xFFFFFFF8, v50;
	v49 =	vadd.s32 @p2 v15, v42;
	v50 =	vld.idx.msk @p2 [tilespmem:v52+s2+$0x0], $0xffff;
	[tilespmem:s0+$0xF3C0] =	vst @p3 v48  }
0x3cd: {  	v52 =	vor.u32 @p1 v2, v44;
	v44 =	vand.u32 @p2 $0xFFFFFFF8, v49;
	v61 =	vld.idx.msk [tilespmem:v60+s2+$0x0], $0xffff;
	[tilespmem:s25+$0x8CF0] =	vst @p6 v56  }
0x3ce: {  	v54 =	vor.u32 @p2 v2, v44;
	v44 =	vshll.u32 @p4 v57, $0x4;
	[tilespmem:s24+$0xF210] =	vst @p0 v51;
	v51 =	vld.idx.msk @p3 [tilespmem:v58+s2+$0x0], $0xffff  }
0x3cf: {  	v62 =	vadd.s32 v13, v43;
	v48 =	vld.idx.msk @p6 [tilespmem:v53+s2+$0x0], $0xffff;
	v53 =	vor.u32 @p4 v0, v44  }
0x3d0: {  	v55 =	vadd.s32 @p6 v3, v45;
	v56 =	vand.u32 $0xFFFFFFF8, v62  }
0x3d1: {  	v55 =	vand.u32 @p6 $0xFFFFFFF8, v55;
	v63 =	vor.u32 v2, v56;
	v46 =	vld.idx.msk @p0 [tilespmem:v46+s2+$0x0], $0xffff;
	[tilespmem:s4+$0xF2A0] =	vst @p1 v47  }
0x3d2: {  	p5 =	slt.s32 @p3 s20, $0xC20;
	v57 =	vadd.s32 @p0 v14, v22;
	v55 =	vor.u32 @p6 v2, v55;
	v52 =	vld.idx.msk @p1 [tilespmem:v52+s2+$0x0], $0xffff;
	[tilespmem:s10+$0xF330] =	vst @p2 v50  }
0x3d3: {  	p5 =	por !p5, !p3;
	s6 =	smov.u32 s20;
	v42 =	vadd.s32 @p2 v16, v42;
	v56 =	vand.u32 @p0 $0xFFFFFFF8, v57;
	v57 =	vadd.s32 @p1 v15, v29;
	v54 =	vld.idx.msk @p2 [tilespmem:v54+s2+$0x0], $0xffff;
	[tilespmem:s0+$0xF440] =	vst @p3 v51  }
0x3d4: {  	s6 =	simm.s32 @p5 $0xC20;
	v50 =	vor.u32 @p0 v2, v56;
	v56 =	vand.u32 @p1 $0xFFFFFFF8, v57;
	v57 =	vadd.s32 @p4 v1, v44;
	[tilespmem:s5+$0xF200] =	vst v61;
	v53 =	vld.idx.msk @p4 [tilespmem:v53+s2+$0x0], $0xffff  }
0x3d5: {  	v42 =	vand.u32 @p2 $0xFFFFFFF8, v42;
	v56 =	vor.u32 @p1 v2, v56;
	[tilespmem:s25+$0x8D70] =	vst @p6 v48;
	v48 =	vand.u32 @p4 $0xFFFFFFF8, v57;
	v57 =	vld @p3 [tilespmem:s6+$0x8050]  }
0x3d6: {  	v42 =	vor.u32 @p2 v2, v42;
	v60 =	vadd.s32 v14, v43;
	v47 =	vld.idx.msk [tilespmem:v63+s2+$0x0], $0xffff  }
0x3d7: {  	v61 =	vand.u32 $0xFFFFFFF8, v60;
	v51 =	vld.idx.msk @p6 [tilespmem:v55+s2+$0x0], $0xffff;
	v55 =	vadd.s32 @p6 v4, v45;
	v48 =	vor.u32 @p4 v2, v48  }
0x3d8: {  	v49 =	vadd.s32 @p0 v15, v22;
	v55 =	vand.u32 @p6 $0xFFFFFFF8, v55;
	[tilespmem:s24+$0xF290] =	vst @p0 v46;
	v46 =	vor.u32 v2, v61  }
0x3d9: {  	v49 =	vand.u32 @p0 $0xFFFFFFF8, v49;
	v29 =	vadd.s32 @p1 v16, v29;
	v55 =	vor.u32 @p6 v2, v55;
	v50 =	vld.idx.msk @p0 [tilespmem:v50+s2+$0x0], $0xffff;
	[tilespmem:s4+$0xF320] =	vst @p1 v52  }
0x3da: {  	v49 =	vor.u32 @p0 v2, v49;
	v29 =	vand.u32 @p1 $0xFFFFFFF8, v29;
	v52 =	vld.idx.msk @p1 [tilespmem:v56+s2+$0x0], $0xffff;
	[tilespmem:s10+$0xF3B0] =	vst @p2 v54  }
0x3db: {  	v54 =	vor.u32 @p1 v2, v29;
	v42 =	vld.idx.msk @p2 [tilespmem:v42+s2+$0x0], $0xffff;
	[tilespmem:s29+$0x8CE0] =	vst @p4 v53  }
0x3dc: {  	v29 =	vshll.u32 @p3 v57, $0x4;
	v53 =	vadd.s32 @p4 v3, v44;
	[tilespmem:s5+$0xF280] =	vst v47;
	v48 =	vld.idx.msk @p4 [tilespmem:v48+s2+$0x0], $0xffff  }
0x3dd: {  	v62 =	vadd.s32 v15, v43;
	[tilespmem:s25+$0x8DF0] =	vst @p6 v51;
	v47 =	vor.u32 @p3 v0, v29;
	v51 =	vand.u32 @p4 $0xFFFFFFF8, v53;
	v46 =	vld.idx.msk [tilespmem:v46+s2+$0x0], $0xffff  }
0x3de: {  	p5 =	slt.s32 @p2 s21, $0xC30;
	v63 =	vand.u32 $0xFFFFFFF8, v62;
	v53 =	vld.idx.msk @p6 [tilespmem:v55+s2+$0x0], $0xffff;
	v55 =	vadd.s32 @p6 v5, v45;
	[tilespmem:s24+$0xF310] =	vst @p0 v50;
	v50 =	vor.u32 @p4 v2, v51  }
0x3df: {  	p5 =	por !p5, !p2;
	v22 =	vadd.s32 @p0 v16, v22;
	s6 =	smov.u32 s21;
	v57 =	vor.u32 v2, v63;
	v51 =	vand.u32 @p6 $0xFFFFFFF8, v55;
	v49 =	vld.idx.msk @p0 [tilespmem:v49+s2+$0x0], $0xffff;
	[tilespmem:s4+$0xF3A0] =	vst @p1 v52  }
0x3e0: {  	v22 =	vand.u32 @p0 $0xFFFFFFF8, v22;
	s6 =	simm.s32 @p5 $0xC30;
	v51 =	vor.u32 @p6 v2, v51;
	v54 =	vld.idx.msk @p1 [tilespmem:v54+s2+$0x0], $0xffff;
	[tilespmem:s10+$0xF430] =	vst @p2 v42  }
0x3e1: {  	v22 =	vor.u32 @p0 v2, v22;
	v55 =	vadd.s32 @p3 v1, v29;
	v52 =	vld @p2 [tilespmem:s6+$0x8040];
	[tilespmem:s29+$0x8D60] =	vst @p4 v48  }
0x3e2: {  	v47 =	vld.idx.msk @p3 [tilespmem:v47+s2+$0x0], $0xffff;
	v48 =	vand.u32 @p3 $0xFFFFFFF8, v55;
	v55 =	vadd.s32 @p4 v4, v44;
	[tilespmem:s5+$0xF300] =	vst v46  }
0x3e3: {  	v58 =	vadd.s32 v16, v43;
	v48 =	vor.u32 @p3 v2, v48;
	v50 =	vld.idx.msk @p4 [tilespmem:v50+s2+$0x0], $0xffff;
	[tilespmem:s25+$0x8E70] =	vst @p6 v53;
	v53 =	vand.u32 @p4 $0xFFFFFFF8, v55  }
0x3e4: {  	v43 =	vand.u32 $0xFFFFFFF8, v58;
	p5 =	slt.s32 @p1 s3, $0xC40;
	v55 =	vadd.s32 @p6 v6, v45;
	v42 =	vld.idx.msk [tilespmem:v57+s2+$0x0], $0xffff;
	v46 =	vor.u32 @p4 v2, v53  }
0x3e5: {  	v59 =	vor.u32 v2, v43;
	p5 =	por !p5, !p1;
	s6 =	smov.u32 s3;
	v53 =	vand.u32 @p6 $0xFFFFFFF8, v55;
	[tilespmem:s24+$0xF390] =	vst @p0 v49;
	v51 =	vld.idx.msk @p6 [tilespmem:v51+s2+$0x0], $0xffff  }
0x3e6: {  	s6 =	simm.s32 @p5 $0xC40;
	v49 =	vor.u32 @p6 v2, v53;
	v22 =	vld.idx.msk @p0 [tilespmem:v22+s2+$0x0], $0xffff;
	[tilespmem:s4+$0xF420] =	vst @p1 v54;
	v43 =	vshll.u32 @p2 v52, $0x4  }
0x3e7: {  	v52 =	vld @p1 [tilespmem:s6+$0x8030];
	[tilespmem:s0+$0x8CD0] =	vst @p3 v47;
	v47 =	vadd.s32 @p3 v3, v29;
	v54 =	vor.u32 @p2 v0, v43  }
0x3e8: {  	v48 =	vld.idx.msk @p3 [tilespmem:v48+s2+$0x0], $0xffff;
	v47 =	vand.u32 @p3 $0xFFFFFFF8, v47;
	[tilespmem:s29+$0x8DE0] =	vst @p4 v50  }
0x3e9: {  	v50 =	vadd.s32 @p4 v5, v44;
	v47 =	vor.u32 @p3 v2, v47;
	[tilespmem:s5+$0xF380] =	vst v42;
	v46 =	vld.idx.msk @p4 [tilespmem:v46+s2+$0x0], $0xffff  }
0x3ea: {  	p5 =	slt.s32 @p0 s18, $0xC50;
	v50 =	vand.u32 @p4 $0xFFFFFFF8, v50;
	v60 =	vld.idx.msk [tilespmem:v59+s2+$0x0], $0xffff;
	[tilespmem:s25+$0x8EF0] =	vst @p6 v51;
	v51 =	vadd.s32 @p6 v7, v45  }
0x3eb: {  	p5 =	por !p5, !p0;
	s6 =	smov.u32 s18;
	v53 =	vadd.s32 @p2 v1, v43;
	v50 =	vor.u32 @p4 v2, v50;
	v49 =	vld.idx.msk @p6 [tilespmem:v49+s2+$0x0], $0xffff;
	v42 =	vand.u32 @p6 $0xFFFFFFF8, v51  }
0x3ec: {  	s6 =	simm.s32 @p5 $0xC50;
	[tilespmem:s24+$0xF410] =	vst @p0 v22;
	v22 =	vor.u32 @p6 v2, v42;
	v54 =	vld.idx.msk @p2 [tilespmem:v54+s2+$0x0], $0xffff;
	v42 =	vand.u32 @p2 $0xFFFFFFF8, v53  }
0x3ed: {  	v53 =	vld @p0 [tilespmem:s6+$0x8020];
	[tilespmem:s0+$0x8D50] =	vst @p3 v48;
	v48 =	vadd.s32 @p3 v4, v29;
	v55 =	vor.u32 @p2 v2, v42  }
0x3ee: {  	v47 =	vld.idx.msk @p3 [tilespmem:v47+s2+$0x0], $0xffff;
	v48 =	vand.u32 @p3 $0xFFFFFFF8, v48  }
0x3ef: {  	v42 =	vshll.u32 @p1 v52, $0x4;
	[tilespmem:s29+$0x8E60] =	vst @p4 v46;
	v46 =	vadd.s32 @p4 v6, v44;
	v48 =	vor.u32 @p3 v2, v48  }
0x3f0: {  	s6 =	sadd.s32 $0x10, s9;
	v52 =	vor.u32 @p1 v0, v42;
	v50 =	vld.idx.msk @p4 [tilespmem:v50+s2+$0x0], $0xffff;
	v46 =	vand.u32 @p4 $0xFFFFFFF8, v46;
	[tilespmem:s25+$0x8F70] =	vst @p6 v49;
	v49 =	vadd.s32 @p6 v8, v45  }
0x3f1: {  	p5 =	slt.s32 s6, $0xC70;
	v56 =	vor.u32 @p4 v2, v46;
	v22 =	vld.idx.msk @p6 [tilespmem:v22+s2+$0x0], $0xffff;
	v46 =	vand.u32 @p6 $0xFFFFFFF8, v49;
	[tilespmem:s10+$0x8CC0] =	vst @p2 v54;
	v49 =	vadd.s32 @p2 v3, v43  }
0x3f2: {  	s6 =	simm.s32 @!p5 $0xC70;
	[tilespmem:s5+$0xF400] =	vst v60;
	v51 =	vor.u32 @p6 v2, v46;
	v54 =	vld.idx.msk @p2 [tilespmem:v55+s2+$0x0], $0xffff;
	v49 =	vand.u32 @p2 $0xFFFFFFF8, v49  }
0x3f3: {  	v61 =	vld [tilespmem:s6+$0x8000];
	v46 =	vshll.u32 @p0 v53, $0x4;
	[tilespmem:s0+$0x8DD0] =	vst @p3 v47;
	v47 =	vadd.s32 @p3 v5, v29;
	v49 =	vor.u32 @p2 v2, v49  }
0x3f4: {  	v53 =	vadd.s32 @p1 v1, v42;
	v57 =	vor.u32 @p0 v0, v46;
	v48 =	vld.idx.msk @p3 [tilespmem:v48+s2+$0x0], $0xffff;
	v47 =	vand.u32 @p3 $0xFFFFFFF8, v47  }
0x3f5: {  	v52 =	vld.idx.msk @p1 [tilespmem:v52+s2+$0x0], $0xffff;
	v53 =	vand.u32 @p1 $0xFFFFFFF8, v53;
	[tilespmem:s29+$0x8EE0] =	vst @p4 v50;
	v50 =	vadd.s32 @p4 v7, v44;
	v47 =	vor.u32 @p3 v2, v47  }
0x3f6: {  	v53 =	vor.u32 @p1 v2, v53;
	v56 =	vld.idx.msk @p4 [tilespmem:v56+s2+$0x0], $0xffff;
	[tilespmem:s25+$0x8FF0] =	vst @p6 v22;
	v22 =	vand.u32 @p4 $0xFFFFFFF8, v50;
	v50 =	vadd.s32 @p6 v9, v45  }
0x3f7: {  	v51 =	vld.idx.msk @p6 [tilespmem:v51+s2+$0x0], $0xffff;
	v58 =	vor.u32 @p4 v2, v22;
	v22 =	vand.u32 @p6 $0xFFFFFFF8, v50;
	[tilespmem:s10+$0x8D40] =	vst @p2 v54;
	v50 =	vadd.s32 @p2 v4, v43  }
0x3f8: {  	v54 =	vor.u32 @p6 v2, v22;
	v49 =	vld.idx.msk @p2 [tilespmem:v49+s2+$0x0], $0xffff;
	v50 =	vand.u32 @p2 $0xFFFFFFF8, v50  }
0x3f9: {  	v22 =	vshll.u32 v61, $0x4;
	v55 =	vld.idx.msk @p0 [tilespmem:v57+s2+$0x0], $0xffff;
	[tilespmem:s0+$0x8E50] =	vst @p3 v48;
	v48 =	vadd.s32 @p3 v6, v29;
	v50 =	vor.u32 @p2 v2, v50  }
0x3fa: {  	v57 =	vadd.s32 @p0 v1, v46;
	[tilespmem:s4+$0x8CB0] =	vst @p1 v52;
	v62 =	vor.u32 v0, v22;
	v47 =	vld.idx.msk @p3 [tilespmem:v47+s2+$0x0], $0xffff;
	v48 =	vand.u32 @p3 $0xFFFFFFF8, v48  }
0x3fb: {  	v59 =	vadd.s32 @p1 v3, v42;
	v57 =	vand.u32 @p0 $0xFFFFFFF8, v57;
	v53 =	vld.idx.msk @p1 [tilespmem:v53+s2+$0x0], $0xffff;
	[tilespmem:s29+$0x8F60] =	vst @p4 v56;
	v48 =	vor.u32 @p3 v2, v48  }
0x3fc: {  	v56 =	vor.u32 @p0 v2, v57;
	v57 =	vand.u32 @p1 $0xFFFFFFF8, v59;
	v59 =	vadd.s32 @p4 v8, v44;
	v58 =	vld.idx.msk @p4 [tilespmem:v58+s2+$0x0], $0xffff;
	[tilespmem:s25+$0x9070] =	vst @p6 v51  }
0x3fd: {  	v60 =	vadd.s32 v1, v22;
	v51 =	vor.u32 @p1 v2, v57;
	v57 =	vand.u32 @p4 $0xFFFFFFF8, v59;
	v54 =	vld.idx.msk @p6 [tilespmem:v54+s2+$0x0], $0xffff;
	[tilespmem:s10+$0x8DC0] =	vst @p2 v49  }
0x3fe: {  	v59 =	vadd.s32 @p6 v10, v45;
	v49 =	vadd.s32 @p2 v5, v43;
	v57 =	vor.u32 @p4 v2, v57;
	v50 =	vld.idx.msk @p2 [tilespmem:v50+s2+$0x0], $0xffff  }
0x3ff: {  	v59 =	vand.u32 @p6 $0xFFFFFFF8, v59;
	v49 =	vand.u32 @p2 $0xFFFFFFF8, v49;
	v52 =	vld.idx.msk [tilespmem:v62+s2+$0x0], $0xffff;
	[tilespmem:s0+$0x8ED0] =	vst @p3 v47;
	v47 =	vadd.s32 @p3 v7, v29  }
0x400: {  	[tilespmem:s24+$0x8CA0] =	vst @p0 v55;
	v55 =	vor.u32 @p6 v2, v59;
	v59 =	vand.u32 $0xFFFFFFF8, v60;
	v60 =	vadd.s32 @p0 v3, v46;
	v48 =	vld.idx.msk @p3 [tilespmem:v48+s2+$0x0], $0xffff  }
0x401: {  	[tilespmem:s4+$0x8D30] =	vst @p1 v53;
	v49 =	vor.u32 @p2 v2, v49;
	v47 =	vand.u32 @p3 $0xFFFFFFF8, v47;
	v56 =	vld.idx.msk @p0 [tilespmem:v56+s2+$0x0], $0xffff;
	v59 =	vor.u32 v2, v59  }
0x402: {  	v53 =	vor.u32 @p3 v2, v47;
	v47 =	vand.u32 @p0 $0xFFFFFFF8, v60;
	v60 =	vadd.s32 @p1 v4, v42;
	v51 =	vld.idx.msk @p1 [tilespmem:v51+s2+$0x0], $0xffff;
	[tilespmem:s29+$0x8FE0] =	vst @p4 v58  }
0x403: {  	v63 =	vadd.s32 v3, v22;
	v58 =	vor.u32 @p0 v2, v47;
	v47 =	vand.u32 @p1 $0xFFFFFFF8, v60;
	v57 =	vld.idx.msk @p4 [tilespmem:v57+s2+$0x0], $0xffff;
	[tilespmem:s25+$0xF0F0] =	vst @p6 v54  }
0x404: {  	v60 =	vor.u32 @p1 v2, v47;
	v47 =	vadd.s32 @p4 v9, v44;
	[tilespmem:s10+$0x8E40] =	vst @p2 v50;
	v50 =	vadd.s32 @p2 v6, v43  }
0x405: {  	v54 =	vand.u32 @p4 $0xFFFFFFF8, v47;
	v47 =	vld.idx.msk @p6 [tilespmem:v55+s2+$0x0], $0xffff;
	[tilespmem:s5+$0x8C90] =	vst v52;
	v52 =	vand.u32 $0xFFFFFFF8, v63;
	v63 =	vadd.s32 v4, v22  }
0x406: {  	v49 =	vld.idx.msk @p2 [tilespmem:v49+s2+$0x0], $0xffff;
	v50 =	vand.u32 @p2 $0xFFFFFFF8, v50;
	[tilespmem:s0+$0x8F50] =	vst @p3 v48;
	v48 =	vadd.s32 @p3 v8, v29;
	v54 =	vor.u32 @p4 v2, v54  }
0x407: {  	v61 =	vld.idx.msk [tilespmem:v59+s2+$0x0], $0xffff;
	[tilespmem:s24+$0x8D20] =	vst @p0 v56;
	v56 =	vadd.s32 @p0 v4, v46;
	v50 =	vor.u32 @p2 v2, v50  }
0x408: {  	v62 =	vor.u32 v2, v52;
	v55 =	vand.u32 $0xFFFFFFF8, v63;
	v53 =	vld.idx.msk @p3 [tilespmem:v53+s2+$0x0], $0xffff;
	v48 =	vand.u32 @p3 $0xFFFFFFF8, v48  }
0x409: {  	v52 =	vand.u32 @p0 $0xFFFFFFF8, v56;
	v56 =	vadd.s32 @p1 v5, v42;
	v48 =	vor.u32 @p3 v2, v48;
	v58 =	vld.idx.msk @p0 [tilespmem:v58+s2+$0x0], $0xffff;
	[tilespmem:s4+$0x8DB0] =	vst @p1 v51  }
0x40a: {  	v52 =	vor.u32 @p0 v2, v52;
	v56 =	vand.u32 @p1 $0xFFFFFFF8, v56;
	v59 =	vld.idx.msk @p1 [tilespmem:v60+s2+$0x0], $0xffff;
	[tilespmem:s29+$0x9060] =	vst @p4 v57;
	v57 =	vadd.s32 @p4 v10, v44  }
0x40b: {  	v56 =	vor.u32 @p1 v2, v56;
	v57 =	vand.u32 @p4 $0xFFFFFFF8, v57;
	[tilespmem:s10+$0x8EC0] =	vst @p2 v49;
	v49 =	vadd.s32 @p2 v7, v43;
	v54 =	vld.idx.msk @p4 [tilespmem:v54+s2+$0x0], $0xffff  }
0x40c: {  	v63 =	vadd.s32 v8, v22;
	[tilespmem:s5+$0x8D10] =	vst v61;
	v57 =	vor.u32 @p4 v2, v57;
	v50 =	vld.idx.msk @p2 [tilespmem:v50+s2+$0x0], $0xffff;
	v49 =	vand.u32 @p2 $0xFFFFFFF8, v49  }
0x40d: {  	[tilespmem:s0+$0x8FD0] =	vst @p3 v53;
	v53 =	vadd.s32 @p3 v9, v29;
	v51 =	vld.idx.msk [tilespmem:v62+s2+$0x0], $0xffff;
	v49 =	vor.u32 @p2 v2, v49  }
0x40e: {  	v55 =	vor.u32 v2, v55;
	v48 =	vld.idx.msk @p3 [tilespmem:v48+s2+$0x0], $0xffff;
	v53 =	vand.u32 @p3 $0xFFFFFFF8, v53;
	[tilespmem:s24+$0x8DA0] =	vst @p0 v58;
	v58 =	vadd.s32 @p0 v5, v46  }
0x40f: {  	v53 =	vor.u32 @p3 v2, v53;
	v52 =	vld.idx.msk @p0 [tilespmem:v52+s2+$0x0], $0xffff;
	[tilespmem:s4+$0x8E30] =	vst @p1 v59;
	v58 =	vand.u32 @p0 $0xFFFFFFF8, v58;
	v59 =	vadd.s32 @p1 v6, v42  }
0x410: {  	v56 =	vld.idx.msk @p1 [tilespmem:v56+s2+$0x0], $0xffff;
	v58 =	vor.u32 @p0 v2, v58;
	v59 =	vand.u32 @p1 $0xFFFFFFF8, v59;
	[tilespmem:s29+$0xF0E0] =	vst @p4 v54;
	v54 =	vadd.s32 @p4 v11, v44  }
0x411: {  	v59 =	vor.u32 @p1 v2, v59;
	[tilespmem:s10+$0x8F40] =	vst @p2 v50;
	v50 =	vadd.s32 @p2 v8, v43;
	v57 =	vld.idx.msk @p4 [tilespmem:v57+s2+$0x0], $0xffff;
	v54 =	vand.u32 @p4 $0xFFFFFFF8, v54  }
0x412: {  	v60 =	vadd.s32 v5, v22;
	[tilespmem:s5+$0x8D90] =	vst v51;
	v49 =	vld.idx.msk @p2 [tilespmem:v49+s2+$0x0], $0xffff;
	v50 =	vand.u32 @p2 $0xFFFFFFF8, v50;
	v54 =	vor.u32 @p4 v2, v54  }
0x413: {  	v51 =	vand.u32 $0xFFFFFFF8, v60;
	[tilespmem:s0+$0x9050] =	vst @p3 v48;
	v48 =	vadd.s32 @p3 v10, v29;
	v55 =	vld.idx.msk [tilespmem:v55+s2+$0x0], $0xffff;
	v50 =	vor.u32 @p2 v2, v50  }
0x414: {  	v51 =	vor.u32 v2, v51;
	v53 =	vld.idx.msk @p3 [tilespmem:v53+s2+$0x0], $0xffff;
	v48 =	vand.u32 @p3 $0xFFFFFFF8, v48;
	[tilespmem:s24+$0x8E20] =	vst @p0 v52;
	v52 =	vadd.s32 @p0 v6, v46  }
0x415: {  	v48 =	vor.u32 @p3 v2, v48;
	v58 =	vld.idx.msk @p0 [tilespmem:v58+s2+$0x0], $0xffff;
	[tilespmem:s4+$0x8EB0] =	vst @p1 v56;
	v52 =	vand.u32 @p0 $0xFFFFFFF8, v52;
	v56 =	vadd.s32 @p1 v7, v42  }
0x416: {  	v59 =	vld.idx.msk @p1 [tilespmem:v59+s2+$0x0], $0xffff;
	v52 =	vor.u32 @p0 v2, v52;
	v56 =	vand.u32 @p1 $0xFFFFFFF8, v56;
	[tilespmem:s29+$0xF160] =	vst @p4 v57;
	v57 =	vadd.s32 @p4 v12, v44  }
0x417: {  	v56 =	vor.u32 @p1 v2, v56;
	[tilespmem:s10+$0x8FC0] =	vst @p2 v49;
	v49 =	vadd.s32 @p2 v9, v43;
	v54 =	vld.idx.msk @p4 [tilespmem:v54+s2+$0x0], $0xffff;
	v57 =	vand.u32 @p4 $0xFFFFFFF8, v57  }
0x418: {  	v61 =	vadd.s32 v6, v22;
	[tilespmem:s5+$0x8E10] =	vst v55;
	v50 =	vld.idx.msk @p2 [tilespmem:v50+s2+$0x0], $0xffff;
	v49 =	vand.u32 @p2 $0xFFFFFFF8, v49;
	v57 =	vor.u32 @p4 v2, v57  }
0x419: {  	v55 =	vand.u32 $0xFFFFFFF8, v61;
	[tilespmem:s0+$0xF0D0] =	vst @p3 v53;
	v53 =	vadd.s32 @p3 v11, v29;
	v51 =	vld.idx.msk [tilespmem:v51+s2+$0x0], $0xffff;
	v49 =	vor.u32 @p2 v2, v49  }
0x41a: {  	v55 =	vor.u32 v2, v55;
	v48 =	vld.idx.msk @p3 [tilespmem:v48+s2+$0x0], $0xffff;
	v53 =	vand.u32 @p3 $0xFFFFFFF8, v53;
	[tilespmem:s24+$0x8EA0] =	vst @p0 v58;
	v58 =	vadd.s32 @p0 v7, v46  }
0x41b: {  	v53 =	vor.u32 @p3 v2, v53;
	v52 =	vld.idx.msk @p0 [tilespmem:v52+s2+$0x0], $0xffff;
	[tilespmem:s4+$0x8F30] =	vst @p1 v59;
	v58 =	vand.u32 @p0 $0xFFFFFFF8, v58;
	v59 =	vadd.s32 @p1 v8, v42  }
0x41c: {  	v62 =	vadd.s32 v7, v22;
	v56 =	vld.idx.msk @p1 [tilespmem:v56+s2+$0x0], $0xffff;
	v58 =	vor.u32 @p0 v2, v58;
	v59 =	vand.u32 @p1 $0xFFFFFFF8, v59;
	[tilespmem:s29+$0xF1E0] =	vst @p4 v54  }
0x41d: {  	v59 =	vor.u32 @p1 v2, v59;
	v54 =	vadd.s32 @p4 v13, v44;
	[tilespmem:s10+$0x9040] =	vst @p2 v50;
	v57 =	vld.idx.msk @p4 [tilespmem:v57+s2+$0x0], $0xffff  }
0x41e: {  	v50 =	vadd.s32 @p2 v10, v43;
	v54 =	vand.u32 @p4 $0xFFFFFFF8, v54;
	[tilespmem:s5+$0x8E90] =	vst v51;
	v51 =	vand.u32 $0xFFFFFFF8, v62;
	v49 =	vld.idx.msk @p2 [tilespmem:v49+s2+$0x0], $0xffff  }
0x41f: {  	v50 =	vand.u32 @p2 $0xFFFFFFF8, v50;
	[tilespmem:s0+$0xF150] =	vst @p3 v48;
	v48 =	vadd.s32 @p3 v12, v29;
	v54 =	vor.u32 @p4 v2, v54;
	v55 =	vld.idx.msk [tilespmem:v55+s2+$0x0], $0xffff  }
0x420: {  	v51 =	vor.u32 v2, v51;
	v50 =	vor.u32 @p2 v2, v50;
	v53 =	vld.idx.msk @p3 [tilespmem:v53+s2+$0x0], $0xffff;
	[tilespmem:s24+$0x8F20] =	vst @p0 v52  }
0x421: {  	v48 =	vand.u32 @p3 $0xFFFFFFF8, v48;
	v52 =	vadd.s32 @p0 v8, v46;
	[tilespmem:s4+$0x8FB0] =	vst @p1 v56;
	v56 =	vadd.s32 @p1 v9, v42  }
0x422: {  	v48 =	vor.u32 @p3 v2, v48;
	v58 =	vld.idx.msk @p0 [tilespmem:v58+s2+$0x0], $0xffff;
	v52 =	vand.u32 @p0 $0xFFFFFFF8, v52;
	v56 =	vand.u32 @p1 $0xFFFFFFF8, v56;
	[tilespmem:s29+$0xF260] =	vst @p4 v57  }
0x423: {  	v59 =	vld.idx.msk @p1 [tilespmem:v59+s2+$0x0], $0xffff;
	v52 =	vor.u32 @p0 v2, v52;
	v56 =	vor.u32 @p1 v2, v56;
	[tilespmem:s10+$0xF0C0] =	vst @p2 v49  }
0x424: {  	v57 =	vadd.s32 @p4 v14, v44;
	v49 =	vadd.s32 @p2 v11, v43;
	v54 =	vld.idx.msk @p4 [tilespmem:v54+s2+$0x0], $0xffff;
	[tilespmem:s5+$0x8F10] =	vst v55  }
0x425: {  	v57 =	vand.u32 @p4 $0xFFFFFFF8, v57;
	v50 =	vld.idx.msk @p2 [tilespmem:v50+s2+$0x0], $0xffff;
	v49 =	vand.u32 @p2 $0xFFFFFFF8, v49;
	[tilespmem:s0+$0xF1D0] =	vst @p3 v53;
	v53 =	vadd.s32 @p3 v13, v29  }
0x426: {  	v55 =	vor.u32 @p4 v2, v57;
	v51 =	vld.idx.msk [tilespmem:v51+s2+$0x0], $0xffff;
	v57 =	vand.u32 $0xFFFFFFF8, v63;
	v49 =	vor.u32 @p2 v2, v49  }
0x427: {  	v48 =	vld.idx.msk @p3 [tilespmem:v48+s2+$0x0], $0xffff;
	v53 =	vand.u32 @p3 $0xFFFFFFF8, v53;
	[tilespmem:s24+$0x8FA0] =	vst @p0 v58;
	v57 =	vor.u32 v2, v57  }
0x428: {  	v58 =	vadd.s32 @p0 v9, v46;
	v53 =	vor.u32 @p3 v2, v53;
	[tilespmem:s4+$0x9030] =	vst @p1 v59  }
0x429: {  	v52 =	vld.idx.msk @p0 [tilespmem:v52+s2+$0x0], $0xffff;
	v58 =	vand.u32 @p0 $0xFFFFFFF8, v58;
	v59 =	vadd.s32 @p1 v10, v42;
	[tilespmem:s29+$0xF2E0] =	vst @p4 v54  }
0x42a: {  	v56 =	vld.idx.msk @p1 [tilespmem:v56+s2+$0x0], $0xffff;
	v58 =	vor.u32 @p0 v2, v58;
	v59 =	vand.u32 @p1 $0xFFFFFFF8, v59;
	[tilespmem:s10+$0xF140] =	vst @p2 v50;
	v50 =	vadd.s32 @p2 v12, v43  }
0x42b: {  	v54 =	vor.u32 @p1 v2, v59;
	v59 =	vadd.s32 v9, v22;
	[tilespmem:s5+$0x8F90] =	vst v51;
	v49 =	vld.idx.msk @p2 [tilespmem:v49+s2+$0x0], $0xffff;
	v50 =	vand.u32 @p2 $0xFFFFFFF8, v50  }
0x42c: {  	v51 =	vand.u32 $0xFFFFFFF8, v59;
	[tilespmem:s0+$0xF250] =	vst @p3 v48;
	v48 =	vadd.s32 @p3 v14, v29;
	v60 =	vld.idx.msk [tilespmem:v57+s2+$0x0], $0xffff;
	v50 =	vor.u32 @p2 v2, v50  }
0x42d: {  	v51 =	vor.u32 v2, v51;
	v53 =	vld.idx.msk @p3 [tilespmem:v53+s2+$0x0], $0xffff;
	v48 =	vand.u32 @p3 $0xFFFFFFF8, v48  }
0x42e: {  	v30 =	vpsel p2, v43, v30;
	v57 =	vadd.s32 @p0 v10, v46;
	[tilespmem:s24+$0x9020] =	vst @p0 v52;
	v48 =	vor.u32 @p3 v2, v48  }
0x42f: {  	v31 =	vpsel p1, v42, v31;
	s6 =	smov.u32 @p2 s10;
	v57 =	vand.u32 @p0 $0xFFFFFFF8, v57;
	[tilespmem:s4+$0xF0B0] =	vst @p1 v56;
	v56 =	vld.idx.msk @p0 [tilespmem:v58+s2+$0x0], $0xffff;
	v58 =	vadd.s32 @p1 v11, v42  }
0x430: {  	v57 =	vor.u32 @p0 v2, v57;
	v54 =	vld.idx.msk @p1 [tilespmem:v54+s2+$0x0], $0xffff;
	v58 =	vand.u32 @p1 $0xFFFFFFF8, v58;
	[tilespmem:s6+$0xF1C0] =	vst @p2 v49;
	v49 =	vadd.s32 @p2 v13, v43  }
0x431: {  	v32 =	vpsel p0, v46, v32;
	v58 =	vor.u32 @p1 v2, v58;
	[tilespmem:s5+$0x9010] =	vst v60;
	v50 =	vld.idx.msk @p2 [tilespmem:v50+s2+$0x0], $0xffff;
	v49 =	vand.u32 @p2 $0xFFFFFFF8, v49  }
0x432: {  	v61 =	vadd.s32 v10, v22;
	[tilespmem:s0+$0xF2D0] =	vst @p3 v53;
	v51 =	vld.idx.msk [tilespmem:v51+s2+$0x0], $0xffff;
	v49 =	vor.u32 @p2 v2, v49  }
0x433: {  	v59 =	vadd.s32 @p4 v15, v44;
	v52 =	vand.u32 $0xFFFFFFF8, v61;
	v53 =	vadd.s32 @p3 v15, v29;
	v48 =	vld.idx.msk @p3 [tilespmem:v48+s2+$0x0], $0xffff  }
0x434: {  	v55 =	vld.idx.msk @p4 [tilespmem:v55+s2+$0x0], $0xffff;
	s10 =	smov.u32 @p1 s4;
	v52 =	vor.u32 v2, v52;
	v53 =	vand.u32 @p3 $0xFFFFFFF8, v53;
	[tilespmem:s24+$0xF0A0] =	vst @p0 v56;
	v56 =	vadd.s32 @p0 v11, v46  }
0x435: {  	v53 =	vor.u32 @p3 v2, v53;
	v57 =	vld.idx.msk @p0 [tilespmem:v57+s2+$0x0], $0xffff;
	v56 =	vand.u32 @p0 $0xFFFFFFF8, v56;
	[tilespmem:s10+$0xF130] =	vst @p1 v54;
	v54 =	vadd.s32 @p1 v12, v42  }
0x436: {  	v59 =	vand.u32 @p4 $0xFFFFFFF8, v59;
	v56 =	vor.u32 @p0 v2, v56;
	v58 =	vld.idx.msk @p1 [tilespmem:v58+s2+$0x0], $0xffff;
	[tilespmem:s6+$0xF240] =	vst @p2 v50;
	v50 =	vadd.s32 @p2 v14, v43  }
0x437: {  	v59 =	vor.u32 @p4 v2, v59;
	v54 =	vand.u32 @p1 $0xFFFFFFF8, v54;
	[tilespmem:s5+$0xF090] =	vst v51;
	v49 =	vld.idx.msk @p2 [tilespmem:v49+s2+$0x0], $0xffff;
	v50 =	vand.u32 @p2 $0xFFFFFFF8, v50  }
0x438: {  	v29 =	vadd.s32 @p3 v16, v29;
	v54 =	vor.u32 @p1 v2, v54;
	[tilespmem:s0+$0xF350] =	vst @p3 v48;
	v48 =	vor.u32 @p2 v2, v50  }
0x439: {  	s19 =	smov.u32 @p0 s24;
	v60 =	vadd.s32 v11, v22;
	v29 =	vand.u32 @p3 $0xFFFFFFF8, v29;
	v63 =	vld.idx.msk [tilespmem:v52+s2+$0x0], $0xffff;
	v39 =	vpsel p2, v48, v39  }
0x43a: {  	v62 =	vand.u32 $0xFFFFFFF8, v60;
	v29 =	vor.u32 @p3 v2, v29;
	v52 =	vadd.s32 @p0 v12, v46;
	v51 =	vld.idx.msk @p3 [tilespmem:v53+s2+$0x0], $0xffff;
	[tilespmem:s19+$0xF120] =	vst @p0 v57  }
0x43b: {  	s4 =	smov.u32 s17;
	v29 =	vpsel p3, v29, v41;
	v50 =	vor.u32 v2, v62;
	v52 =	vand.u32 @p0 $0xFFFFFFF8, v52;
	v53 =	vld.idx.msk @p0 [tilespmem:v56+s2+$0x0], $0xffff  }
0x43c: {  	s4 =	smov.u32 @p2 s6;
	[tilespmem:s10+$0xF1B0] =	vst @p1 v58;
	v56 =	vadd.s32 @p1 v13, v42;
	v35 =	vpsel p0, v52, v35;
	v34 =	vpsel p2, v49, v34  }
0x43d: {  	v54 =	vld.idx.msk @p1 [tilespmem:v54+s2+$0x0], $0xffff;
	v36 =	vpsel p1, v56, v36;
	[tilespmem:s4+$0xF2C0] =	vst @p2 v34;
	v34 =	vadd.s32 @p2 v15, v30  }
0x43e: {  	s12 =	smov.u32 s15;
	v35 =	vor.u32 @p0 v2, v35;
	v56 =	vadd.s32 v12, v22;
	v39 =	vld.idx.msk @p2 [tilespmem:v39+s2+$0x0], $0xffff;
	v34 =	vand.u32 @p2 $0xFFFFFFF8, v34  }
0x43f: {  	s12 =	smov.u32 @p3 s0;
	v36 =	vand.u32 @p1 $0xFFFFFFF8, v36;
	[tilespmem:s5+$0xF110] =	vst v63;
	v38 =	vpsel p3, v51, v38;
	v34 =	vor.u32 @p2 v2, v34  }
0x440: {  	v44 =	vadd.s32 @p4 v16, v44;
	v43 =	vand.u32 $0xFFFFFFF8, v56;
	v36 =	vor.u32 @p1 v2, v36;
	v48 =	vld.idx.msk [tilespmem:v50+s2+$0x0], $0xffff;
	[tilespmem:s12+$0xF3D0] =	vst @p3 v38  }
0x441: {  	s23 =	smov.u32 @p0 s19;
	v44 =	vand.u32 @p4 $0xFFFFFFF8, v44;
	[tilespmem:s29+$0xF360] =	vst @p4 v55;
	v57 =	vor.u32 v2, v43;
	v37 =	vpsel p0, v53, v37;
	v29 =	vld.idx.msk @p3 [tilespmem:v29+s2+$0x0], $0xffff  }
0x442: {  	v41 =	vld.idx.msk @p4 [tilespmem:v59+s2+$0x0], $0xffff;
	s6 =	smov.u32 @p3 s20;
	s0 =	smov.u32 s14;
	v43 =	vor.u32 @p4 v2, v44;
	[tilespmem:s23+$0xF1A0] =	vst @p0 v37;
	v37 =	vadd.s32 @p0 v13, v32  }
0x443: {  	s22 =	smov.u32 @p1 s10;
	s0 =	smov.u32 @p3 s6;
	v30 =	vadd.s32 @p2 v16, v30;
	v40 =	vpsel p1, v54, v40;
	v35 =	vld.idx.msk @p0 [tilespmem:v35+s2+$0x0], $0xffff;
	v37 =	vand.u32 @p0 $0xFFFFFFF8, v37;
	[tilespmem:s4+$0xF340] =	vst @p2 v39  }
0x444: {  	p5 =	slt.s32 @p3 s0, $0xC10;
	v30 =	vand.u32 @p2 $0xFFFFFFF8, v30;
	[tilespmem:s22+$0xF230] =	vst @p1 v40;
	v37 =	vor.u32 @p0 v2, v37;
	v39 =	vadd.s32 @p1 v14, v31;
	v34 =	vld.idx.msk @p2 [tilespmem:v34+s2+$0x0], $0xffff  }
0x445: {  	s6 =	smov.u32 s0;
	p5 =	por !p5, !p3;
	v30 =	vor.u32 @p2 v2, v30;
	v40 =	vadd.s32 @p6 v11, v45;
	v36 =	vld.idx.msk @p1 [tilespmem:v36+s2+$0x0], $0xffff;
	[tilespmem:s5+$0xF190] =	vst v48;
	v39 =	vand.u32 @p1 $0xFFFFFFF8, v39  }
0x446: {  	s20 =	smov.u32 @p4 s29;
	v58 =	vadd.s32 v13, v22;
	s6 =	simm.s32 @p5 $0xC10;
	v40 =	vand.u32 @p6 $0xFFFFFFF8, v40;
	v38 =	vld.idx.msk [tilespmem:v57+s2+$0x0], $0xffff;
	[tilespmem:s12+$0xF450] =	vst @p3 v29;
	v39 =	vor.u32 @p1 v2, v39  }
0x447: {  	[tilespmem:s20+$0xF3E0] =	vst @p4 v41;
	v40 =	vor.u32 @p6 v2, v40;
	v29 =	vand.u32 $0xFFFFFFF8, v58;
	v41 =	vld @p3 [tilespmem:s6+$0x8060]  }
0x448: {  	v42 =	vld.idx.msk @p4 [tilespmem:v43+s2+$0x0], $0xffff;
	[tilespmem:s23+$0xF220] =	vst @p0 v35;
	v35 =	vadd.s32 @p0 v14, v32;
	v29 =	vor.u32 v2, v29  }
0x449: {  	v37 =	vld.idx.msk @p0 [tilespmem:v37+s2+$0x0], $0xffff;
	v35 =	vand.u32 @p0 $0xFFFFFFF8, v35;
	[tilespmem:s4+$0xF3C0] =	vst @p2 v34  }
0x44a: {  	[tilespmem:s22+$0xF2B0] =	vst @p1 v36;
	v35 =	vor.u32 @p0 v2, v35;
	v34 =	vadd.s32 @p1 v15, v31;
	v36 =	vld.idx.msk @p2 [tilespmem:v30+s2+$0x0], $0xffff  }
0x44b: {  	[tilespmem:s25+$0xF170] =	vst @p6 v47;
	s10 =	smov.u32 s16;
	p5 =	slt.s32 @p4 s30, $0xC00;
	s6 =	smov.u32 @p2 s21;
	v39 =	vld.idx.msk @p1 [tilespmem:v39+s2+$0x0], $0xffff;
	v30 =	vand.u32 @p1 $0xFFFFFFF8, v34  }
0x44c: {  	v59 =	vadd.s32 v14, v22;
	p5 =	por !p5, !p4;
	s10 =	smov.u32 @p2 s6;
	[tilespmem:s5+$0xF210] =	vst v38;
	v34 =	vld.idx.msk @p6 [tilespmem:v40+s2+$0x0], $0xffff;
	v40 =	vor.u32 @p1 v2, v30;
	v30 =	vshll.u32 @p3 v41, $0x4  }
0x44d: {  	s30 =	simm.s32 @p5 $0xC00;
	[tilespmem:s20+$0xF460] =	vst @p4 v42;
	p5 =	slt.s32 @p2 s10, $0xC20;
	v38 =	vand.u32 $0xFFFFFFF8, v59;
	v29 =	vld.idx.msk [tilespmem:v29+s2+$0x0], $0xffff;
	v41 =	vadd.s32 @p6 v12, v45;
	v42 =	vor.u32 @p3 v0, v30  }
0x44e: {  	v43 =	vld @p4 [tilespmem:s30+$0x8070];
	s6 =	smov.u32 s10;
	p5 =	por !p5, !p2;
	v38 =	vor.u32 v2, v38;
	[tilespmem:s23+$0xF2A0] =	vst @p0 v37;
	v37 =	vadd.s32 @p0 v15, v32;
	v41 =	vand.u32 @p6 $0xFFFFFFF8, v41  }
0x44f: {  	s6 =	simm.s32 @p5 $0xC20;
	v35 =	vld.idx.msk @p0 [tilespmem:v35+s2+$0x0], $0xffff;
	v37 =	vand.u32 @p0 $0xFFFFFFF8, v37;
	v41 =	vor.u32 @p6 v2, v41;
	[tilespmem:s4+$0xF440] =	vst @p2 v36  }
0x450: {  	v31 =	vadd.s32 @p1 v16, v31;
	v37 =	vor.u32 @p0 v2, v37;
	[tilespmem:s22+$0xF330] =	vst @p1 v39;
	v36 =	vld @p2 [tilespmem:s6+$0x8050]  }
0x451: {  	v31 =	vand.u32 @p1 $0xFFFFFFF8, v31;
	v39 =	vld.idx.msk @p1 [tilespmem:v40+s2+$0x0], $0xffff;
	v40 =	vadd.s32 @p3 v1, v30  }
0x452: {  	v60 =	vadd.s32 v15, v22;
	v44 =	vor.u32 @p1 v2, v31;
	[tilespmem:s5+$0xF290] =	vst v29;
	v42 =	vld.idx.msk @p3 [tilespmem:v42+s2+$0x0], $0xffff;
	v31 =	vand.u32 @p3 $0xFFFFFFF8, v40  }
0x453: {  	[tilespmem:s25+$0xF1F0] =	vst @p6 v34;
	v34 =	vadd.s32 @p6 v13, v45;
	v29 =	vand.u32 $0xFFFFFFF8, v60;
	v38 =	vld.idx.msk [tilespmem:v38+s2+$0x0], $0xffff;
	v40 =	vor.u32 @p3 v2, v31  }
0x454: {  	v32 =	vadd.s32 @p0 v16, v32;
	v29 =	vor.u32 v2, v29;
	[tilespmem:s23+$0xF320] =	vst @p0 v35;
	v41 =	vld.idx.msk @p6 [tilespmem:v41+s2+$0x0], $0xffff;
	v31 =	vand.u32 @p6 $0xFFFFFFF8, v34  }
0x455: {  	v35 =	vld.idx.msk @p0 [tilespmem:v37+s2+$0x0], $0xffff;
	v34 =	vor.u32 @p6 v2, v31;
	v31 =	vand.u32 @p0 $0xFFFFFFF8, v32  }
0x456: {  	v32 =	vor.u32 @p0 v2, v31;
	[tilespmem:s22+$0xF3B0] =	vst @p1 v39;
	v31 =	vshll.u32 @p2 v36, $0x4  }
0x457: {  	v37 =	vadd.s32 @p3 v3, v30;
	v36 =	vld.idx.msk @p1 [tilespmem:v44+s2+$0x0], $0xffff;
	[tilespmem:s12+$0x8CE0] =	vst @p3 v42;
	v39 =	vor.u32 @p2 v0, v31  }
0x458: {  	v22 =	vadd.s32 v16, v22;
	v33 =	vpsel p4, v43, v33;
	v37 =	vand.u32 @p3 $0xFFFFFFF8, v37;
	[tilespmem:s5+$0xF310] =	vst v38;
	v40 =	vld.idx.msk @p3 [tilespmem:v40+s2+$0x0], $0xffff  }
0x459: {  	s1 =	smov.u32 @p1 s3;
	v61 =	vand.u32 $0xFFFFFFF8, v22;
	v22 =	vshll.u32 @p4 v33, $0x4;
	v37 =	vor.u32 @p3 v2, v37;
	v29 =	vld.idx.msk [tilespmem:v29+s2+$0x0], $0xffff;
	[tilespmem:s25+$0xF270] =	vst @p6 v41  }
0x45a: {  	p5 =	slt.s32 @p1 s1, $0xC30;
	v38 =	vor.u32 @p4 v0, v22;
	v41 =	vadd.s32 @p6 v14, v45;
	[tilespmem:s23+$0xF3A0] =	vst @p0 v35;
	v34 =	vld.idx.msk @p6 [tilespmem:v34+s2+$0x0], $0xffff  }
0x45b: {  	s3 =	smov.u32 s1;
	v62 =	vor.u32 v2, v61;
	p5 =	por !p5, !p1;
	v35 =	vand.u32 @p6 $0xFFFFFFF8, v41;
	v41 =	vadd.s32 @p2 v1, v31;
	v32 =	vld.idx.msk @p0 [tilespmem:v32+s2+$0x0], $0xffff  }
0x45c: {  	s3 =	simm.s32 @p5 $0xC30;
	v35 =	vor.u32 @p6 v2, v35;
	[tilespmem:s22+$0xF430] =	vst @p1 v36;
	v36 =	vld.idx.msk @p2 [tilespmem:v39+s2+$0x0], $0xffff;
	v39 =	vand.u32 @p2 $0xFFFFFFF8, v41  }
0x45d: {  	v41 =	vld @p1 [tilespmem:s3+$0x8040];
	[tilespmem:s12+$0x8D60] =	vst @p3 v40;
	v40 =	vadd.s32 @p3 v4, v30;
	v39 =	vor.u32 @p2 v2, v39  }
0x45e: {  	[tilespmem:s5+$0xF390] =	vst v29;
	v29 =	vadd.s32 @p4 v1, v22;
	s3 =	smov.u32 @p0 s18;
	v37 =	vld.idx.msk @p3 [tilespmem:v37+s2+$0x0], $0xffff;
	v40 =	vand.u32 @p3 $0xFFFFFFF8, v40  }
0x45f: {  	v38 =	vld.idx.msk @p4 [tilespmem:v38+s2+$0x0], $0xffff;
	v29 =	vand.u32 @p4 $0xFFFFFFF8, v29;
	s8 =	smov.u32 @p0 s3;
	v40 =	vor.u32 @p3 v2, v40  }
0x460: {  	v33 =	vld.idx.msk [tilespmem:v62+s2+$0x0], $0xffff;
	[tilespmem:s25+$0xF2F0] =	vst @p6 v34;
	v34 =	vadd.s32 @p6 v15, v45;
	v29 =	vor.u32 @p4 v2, v29;
	p5 =	slt.s32 @p0 s8, $0xC40  }
0x461: {  	v35 =	vld.idx.msk @p6 [tilespmem:v35+s2+$0x0], $0xffff;
	v34 =	vand.u32 @p6 $0xFFFFFFF8, v34;
	s3 =	smov.u32 s8;
	p5 =	por !p5, !p0;
	[tilespmem:s4+$0x8CD0] =	vst @p2 v36;
	v36 =	vadd.s32 @p2 v3, v31  }
0x462: {  	s19 =	smov.u32 s13;
	[tilespmem:s23+$0xF420] =	vst @p0 v32;
	v34 =	vor.u32 @p6 v2, v34;
	s3 =	simm.s32 @p5 $0xC40;
	v39 =	vld.idx.msk @p2 [tilespmem:v39+s2+$0x0], $0xffff;
	v36 =	vand.u32 @p2 $0xFFFFFFF8, v36  }
0x463: {  	s19 =	smov.u32 @p4 s20;
	v42 =	vld @p0 [tilespmem:s3+$0x8030];
	v32 =	vshll.u32 @p1 v41, $0x4;
	[tilespmem:s12+$0x8DE0] =	vst @p3 v37;
	v37 =	vadd.s32 @p3 v5, v30;
	v36 =	vor.u32 @p2 v2, v36  }
0x464: {  	[tilespmem:s19+$0x8CF0] =	vst @p4 v38;
	p5 =	slt.s32 s9, $0xC50;
	s3 =	smov.u32 s9;
	v41 =	vor.u32 @p1 v0, v32;
	v40 =	vld.idx.msk @p3 [tilespmem:v40+s2+$0x0], $0xffff;
	v37 =	vand.u32 @p3 $0xFFFFFFF8, v37  }
0x465: {  	[tilespmem:s5+$0xF410] =	vst v33;
	v33 =	vadd.s32 @p4 v3, v22;
	s3 =	simm.s32 @!p5 $0xC50;
	v29 =	vld.idx.msk @p4 [tilespmem:v29+s2+$0x0], $0xffff;
	v37 =	vor.u32 @p3 v2, v37  }
0x466: {  	v33 =	vand.u32 @p4 $0xFFFFFFF8, v33;
	v63 =	vld [tilespmem:s3+$0x8020];
	[tilespmem:s25+$0xF370] =	vst @p6 v35;
	v35 =	vadd.s32 @p6 v16, v45  }
0x467: {  	v38 =	vor.u32 @p4 v2, v33;
	v33 =	vadd.s32 @p2 v4, v31;
	v34 =	vld.idx.msk @p6 [tilespmem:v34+s2+$0x0], $0xffff;
	v35 =	vand.u32 @p6 $0xFFFFFFF8, v35;
	[tilespmem:s4+$0x8D50] =	vst @p2 v39  }
0x468: {  	v33 =	vand.u32 @p2 $0xFFFFFFF8, v33;
	v35 =	vor.u32 @p6 v2, v35;
	v39 =	vadd.s32 @p1 v1, v32;
	v36 =	vld.idx.msk @p2 [tilespmem:v36+s2+$0x0], $0xffff  }
0x469: {  	v44 =	vor.u32 @p2 v2, v33;
	v41 =	vld.idx.msk @p1 [tilespmem:v41+s2+$0x0], $0xffff;
	v39 =	vand.u32 @p1 $0xFFFFFFF8, v39;
	[tilespmem:s12+$0x8E60] =	vst @p3 v40;
	v40 =	vadd.s32 @p3 v6, v30  }
0x46a: {  	v39 =	vor.u32 @p1 v2, v39;
	v37 =	vld.idx.msk @p3 [tilespmem:v37+s2+$0x0], $0xffff;
	v40 =	vand.u32 @p3 $0xFFFFFFF8, v40  }
0x46b: {  	v33 =	vshll.u32 @p0 v42, $0x4;
	[tilespmem:s19+$0x8D70] =	vst @p4 v29;
	v29 =	vadd.s32 @p4 v4, v22;
	v40 =	vor.u32 @p3 v2, v40  }
0x46c: {  	v42 =	vor.u32 @p0 v0, v33;
	v38 =	vld.idx.msk @p4 [tilespmem:v38+s2+$0x0], $0xffff;
	v29 =	vand.u32 @p4 $0xFFFFFFF8, v29;
	[tilespmem:s25+$0xF3F0] =	vst @p6 v34  }
0x46d: {  	v34 =	vld.idx.msk @p6 [tilespmem:v35+s2+$0x0], $0xffff;
	v35 =	vor.u32 @p4 v2, v29;
	v29 =	vshll.u32 v63, $0x4;
	[tilespmem:s4+$0x8DD0] =	vst @p2 v36;
	v36 =	vadd.s32 @p2 v5, v31  }
0x46e: {  	v43 =	vadd.s32 @p1 v3, v32;
	v48 =	vor.u32 v0, v29;
	[tilespmem:s22+$0x8CC0] =	vst @p1 v41;
	v44 =	vld.idx.msk @p2 [tilespmem:v44+s2+$0x0], $0xffff;
	v36 =	vand.u32 @p2 $0xFFFFFFF8, v36  }
0x46f: {  	v43 =	vand.u32 @p1 $0xFFFFFFF8, v43;
	v39 =	vld.idx.msk @p1 [tilespmem:v39+s2+$0x0], $0xffff;
	[tilespmem:s12+$0x8EE0] =	vst @p3 v37;
	v37 =	vadd.s32 @p3 v7, v30;
	v36 =	vor.u32 @p2 v2, v36  }
0x470: {  	v43 =	vor.u32 @p1 v2, v43;
	v45 =	vadd.s32 @p0 v1, v33;
	v40 =	vld.idx.msk @p3 [tilespmem:v40+s2+$0x0], $0xffff;
	v37 =	vand.u32 @p3 $0xFFFFFFF8, v37  }
0x471: {  	v45 =	vand.u32 @p0 $0xFFFFFFF8, v45;
	v42 =	vld.idx.msk @p0 [tilespmem:v42+s2+$0x0], $0xffff;
	[tilespmem:s19+$0x8DF0] =	vst @p4 v38;
	v38 =	vadd.s32 @p4 v5, v22;
	v37 =	vor.u32 @p3 v2, v37  }
0x472: {  	v45 =	vor.u32 @p0 v2, v45;
	v49 =	vadd.s32 v1, v29;
	v38 =	vand.u32 @p4 $0xFFFFFFF8, v38;
	v35 =	vld.idx.msk @p4 [tilespmem:v35+s2+$0x0], $0xffff  }
0x473: {  	v46 =	vand.u32 $0xFFFFFFF8, v49;
	v38 =	vor.u32 @p4 v2, v38;
	v41 =	vld.idx.msk [tilespmem:v48+s2+$0x0], $0xffff;
	[tilespmem:s4+$0x8E50] =	vst @p2 v44;
	v44 =	vadd.s32 @p2 v6, v31  }
0x474: {  	v50 =	vor.u32 v2, v46;
	v46 =	vadd.s32 @p1 v4, v32;
	[tilespmem:s22+$0x8D40] =	vst @p1 v39;
	v36 =	vld.idx.msk @p2 [tilespmem:v36+s2+$0x0], $0xffff;
	v44 =	vand.u32 @p2 $0xFFFFFFF8, v44  }
0x475: {  	v46 =	vand.u32 @p1 $0xFFFFFFF8, v46;
	v43 =	vld.idx.msk @p1 [tilespmem:v43+s2+$0x0], $0xffff;
	[tilespmem:s12+$0x8F60] =	vst @p3 v40;
	v40 =	vadd.s32 @p3 v8, v30;
	v44 =	vor.u32 @p2 v2, v44  }
0x476: {  	v46 =	vor.u32 @p1 v2, v46;
	[tilespmem:s23+$0x8CB0] =	vst @p0 v42;
	v42 =	vadd.s32 @p0 v3, v33;
	v37 =	vld.idx.msk @p3 [tilespmem:v37+s2+$0x0], $0xffff;
	v40 =	vand.u32 @p3 $0xFFFFFFF8, v40  }
0x477: {  	v45 =	vld.idx.msk @p0 [tilespmem:v45+s2+$0x0], $0xffff;
	v42 =	vand.u32 @p0 $0xFFFFFFF8, v42;
	[tilespmem:s19+$0x8E70] =	vst @p4 v35;
	v35 =	vadd.s32 @p4 v6, v22;
	v40 =	vor.u32 @p3 v2, v40  }
0x478: {  	v51 =	vadd.s32 v3, v29;
	v42 =	vor.u32 @p0 v2, v42;
	v38 =	vld.idx.msk @p4 [tilespmem:v38+s2+$0x0], $0xffff;
	v35 =	vand.u32 @p4 $0xFFFFFFF8, v35;
	[tilespmem:s5+$0x8CA0] =	vst v41  }
0x479: {  	v41 =	vand.u32 $0xFFFFFFF8, v51;
	v35 =	vor.u32 @p4 v2, v35;
	v39 =	vld.idx.msk [tilespmem:v50+s2+$0x0], $0xffff;
	[tilespmem:s4+$0x8ED0] =	vst @p2 v36;
	v36 =	vadd.s32 @p2 v7, v31  }
0x47a: {  	v41 =	vor.u32 v2, v41;
	[tilespmem:s22+$0x8DC0] =	vst @p1 v43;
	v43 =	vadd.s32 @p1 v5, v32;
	v44 =	vld.idx.msk @p2 [tilespmem:v44+s2+$0x0], $0xffff;
	v36 =	vand.u32 @p2 $0xFFFFFFF8, v36  }
0x47b: {  	v46 =	vld.idx.msk @p1 [tilespmem:v46+s2+$0x0], $0xffff;
	v43 =	vand.u32 @p1 $0xFFFFFFF8, v43;
	[tilespmem:s12+$0x8FE0] =	vst @p3 v37;
	v37 =	vadd.s32 @p3 v9, v30;
	v36 =	vor.u32 @p2 v2, v36  }
0x47c: {  	[tilespmem:s23+$0x8D30] =	vst @p0 v45;
	v45 =	vadd.s32 @p0 v4, v33;
	v43 =	vor.u32 @p1 v2, v43;
	v40 =	vld.idx.msk @p3 [tilespmem:v40+s2+$0x0], $0xffff;
	v37 =	vand.u32 @p3 $0xFFFFFFF8, v37  }
0x47d: {  	v42 =	vld.idx.msk @p0 [tilespmem:v42+s2+$0x0], $0xffff;
	v45 =	vand.u32 @p0 $0xFFFFFFF8, v45;
	[tilespmem:s19+$0x8EF0] =	vst @p4 v38;
	v38 =	vadd.s32 @p4 v7, v22;
	v37 =	vor.u32 @p3 v2, v37  }
0x47e: {  	v52 =	vadd.s32 v4, v29;
	v45 =	vor.u32 @p0 v2, v45;
	v35 =	vld.idx.msk @p4 [tilespmem:v35+s2+$0x0], $0xffff;
	v38 =	vand.u32 @p4 $0xFFFFFFF8, v38;
	[tilespmem:s5+$0x8D20] =	vst v39  }
0x47f: {  	v39 =	vand.u32 $0xFFFFFFF8, v52;
	v38 =	vor.u32 @p4 v2, v38;
	v41 =	vld.idx.msk [tilespmem:v41+s2+$0x0], $0xffff;
	[tilespmem:s4+$0x8F50] =	vst @p2 v44;
	v44 =	vadd.s32 @p2 v8, v31  }
0x480: {  	v39 =	vor.u32 v2, v39;
	[tilespmem:s22+$0x8E40] =	vst @p1 v46;
	v46 =	vadd.s32 @p1 v6, v32;
	v36 =	vld.idx.msk @p2 [tilespmem:v36+s2+$0x0], $0xffff;
	v44 =	vand.u32 @p2 $0xFFFFFFF8, v44  }
0x481: {  	v43 =	vld.idx.msk @p1 [tilespmem:v43+s2+$0x0], $0xffff;
	v46 =	vand.u32 @p1 $0xFFFFFFF8, v46;
	[tilespmem:s12+$0x9060] =	vst @p3 v40;
	v40 =	vadd.s32 @p3 v10, v30;
	v44 =	vor.u32 @p2 v2, v44  }
0x482: {  	[tilespmem:s23+$0x8DB0] =	vst @p0 v42;
	v42 =	vadd.s32 @p0 v5, v33;
	v46 =	vor.u32 @p1 v2, v46;
	v37 =	vld.idx.msk @p3 [tilespmem:v37+s2+$0x0], $0xffff;
	v40 =	vand.u32 @p3 $0xFFFFFFF8, v40  }
0x483: {  	v45 =	vld.idx.msk @p0 [tilespmem:v45+s2+$0x0], $0xffff;
	v42 =	vand.u32 @p0 $0xFFFFFFF8, v42;
	[tilespmem:s19+$0x8F70] =	vst @p4 v35;
	v35 =	vadd.s32 @p4 v8, v22;
	v40 =	vor.u32 @p3 v2, v40  }
0x484: {  	v53 =	vadd.s32 v5, v29;
	v42 =	vor.u32 @p0 v2, v42;
	v38 =	vld.idx.msk @p4 [tilespmem:v38+s2+$0x0], $0xffff;
	v35 =	vand.u32 @p4 $0xFFFFFFF8, v35;
	[tilespmem:s5+$0x8DA0] =	vst v41  }
0x485: {  	v41 =	vand.u32 $0xFFFFFFF8, v53;
	v35 =	vor.u32 @p4 v2, v35;
	v39 =	vld.idx.msk [tilespmem:v39+s2+$0x0], $0xffff;
	[tilespmem:s4+$0x8FD0] =	vst @p2 v36;
	v36 =	vadd.s32 @p2 v9, v31  }
0x486: {  	v41 =	vor.u32 v2, v41;
	[tilespmem:s22+$0x8EC0] =	vst @p1 v43;
	v43 =	vadd.s32 @p1 v7, v32;
	v44 =	vld.idx.msk @p2 [tilespmem:v44+s2+$0x0], $0xffff;
	v36 =	vand.u32 @p2 $0xFFFFFFF8, v36  }
0x487: {  	v46 =	vld.idx.msk @p1 [tilespmem:v46+s2+$0x0], $0xffff;
	v43 =	vand.u32 @p1 $0xFFFFFFF8, v43;
	[tilespmem:s12+$0xF0E0] =	vst @p3 v37;
	v37 =	vadd.s32 @p3 v11, v30;
	v36 =	vor.u32 @p2 v2, v36  }
0x488: {  	[tilespmem:s23+$0x8E30] =	vst @p0 v45;
	v45 =	vadd.s32 @p0 v6, v33;
	v43 =	vor.u32 @p1 v2, v43;
	v40 =	vld.idx.msk @p3 [tilespmem:v40+s2+$0x0], $0xffff;
	v37 =	vand.u32 @p3 $0xFFFFFFF8, v37  }
0x489: {  	v42 =	vld.idx.msk @p0 [tilespmem:v42+s2+$0x0], $0xffff;
	v45 =	vand.u32 @p0 $0xFFFFFFF8, v45;
	[tilespmem:s19+$0x8FF0] =	vst @p4 v38;
	v38 =	vadd.s32 @p4 v9, v22;
	v37 =	vor.u32 @p3 v2, v37  }
0x48a: {  	v54 =	vadd.s32 v6, v29;
	v45 =	vor.u32 @p0 v2, v45;
	v35 =	vld.idx.msk @p4 [tilespmem:v35+s2+$0x0], $0xffff;
	v38 =	vand.u32 @p4 $0xFFFFFFF8, v38;
	[tilespmem:s5+$0x8E20] =	vst v39  }
0x48b: {  	v39 =	vand.u32 $0xFFFFFFF8, v54;
	v38 =	vor.u32 @p4 v2, v38;
	v41 =	vld.idx.msk [tilespmem:v41+s2+$0x0], $0xffff;
	[tilespmem:s4+$0x9050] =	vst @p2 v44;
	v44 =	vadd.s32 @p2 v10, v31  }
0x48c: {  	v39 =	vor.u32 v2, v39;
	[tilespmem:s22+$0x8F40] =	vst @p1 v46;
	v46 =	vadd.s32 @p1 v8, v32;
	v36 =	vld.idx.msk @p2 [tilespmem:v36+s2+$0x0], $0xffff;
	v44 =	vand.u32 @p2 $0xFFFFFFF8, v44  }
0x48d: {  	v43 =	vld.idx.msk @p1 [tilespmem:v43+s2+$0x0], $0xffff;
	v46 =	vand.u32 @p1 $0xFFFFFFF8, v46;
	[tilespmem:s12+$0xF160] =	vst @p3 v40;
	v40 =	vadd.s32 @p3 v12, v30;
	v44 =	vor.u32 @p2 v2, v44  }
0x48e: {  	[tilespmem:s23+$0x8EB0] =	vst @p0 v42;
	v42 =	vadd.s32 @p0 v7, v33;
	v46 =	vor.u32 @p1 v2, v46;
	v37 =	vld.idx.msk @p3 [tilespmem:v37+s2+$0x0], $0xffff;
	v40 =	vand.u32 @p3 $0xFFFFFFF8, v40  }
0x48f: {  	v45 =	vld.idx.msk @p0 [tilespmem:v45+s2+$0x0], $0xffff;
	v42 =	vand.u32 @p0 $0xFFFFFFF8, v42;
	[tilespmem:s19+$0x9070] =	vst @p4 v35;
	v35 =	vadd.s32 @p4 v10, v22;
	v40 =	vor.u32 @p3 v2, v40  }
0x490: {  	v55 =	vadd.s32 v7, v29;
	v42 =	vor.u32 @p0 v2, v42;
	v38 =	vld.idx.msk @p4 [tilespmem:v38+s2+$0x0], $0xffff;
	v35 =	vand.u32 @p4 $0xFFFFFFF8, v35;
	[tilespmem:s5+$0x8EA0] =	vst v41  }
0x491: {  	v41 =	vand.u32 $0xFFFFFFF8, v55;
	v35 =	vor.u32 @p4 v2, v35;
	v39 =	vld.idx.msk [tilespmem:v39+s2+$0x0], $0xffff;
	[tilespmem:s4+$0xF0D0] =	vst @p2 v36;
	v36 =	vadd.s32 @p2 v11, v31  }
0x492: {  	v41 =	vor.u32 v2, v41;
	[tilespmem:s22+$0x8FC0] =	vst @p1 v43;
	v43 =	vadd.s32 @p1 v9, v32;
	v44 =	vld.idx.msk @p2 [tilespmem:v44+s2+$0x0], $0xffff;
	v36 =	vand.u32 @p2 $0xFFFFFFF8, v36  }
0x493: {  	v46 =	vld.idx.msk @p1 [tilespmem:v46+s2+$0x0], $0xffff;
	v43 =	vand.u32 @p1 $0xFFFFFFF8, v43;
	[tilespmem:s12+$0xF1E0] =	vst @p3 v37;
	v37 =	vadd.s32 @p3 v13, v30;
	v36 =	vor.u32 @p2 v2, v36  }
0x494: {  	[tilespmem:s23+$0x8F30] =	vst @p0 v45;
	v45 =	vadd.s32 @p0 v8, v33;
	v43 =	vor.u32 @p1 v2, v43;
	v40 =	vld.idx.msk @p3 [tilespmem:v40+s2+$0x0], $0xffff;
	v37 =	vand.u32 @p3 $0xFFFFFFF8, v37  }
0x495: {  	v42 =	vld.idx.msk @p0 [tilespmem:v42+s2+$0x0], $0xffff;
	v45 =	vand.u32 @p0 $0xFFFFFFF8, v45;
	[tilespmem:s19+$0xF0F0] =	vst @p4 v38;
	v38 =	vadd.s32 @p4 v11, v22;
	v37 =	vor.u32 @p3 v2, v37  }
0x496: {  	v56 =	vadd.s32 v8, v29;
	v45 =	vor.u32 @p0 v2, v45;
	v35 =	vld.idx.msk @p4 [tilespmem:v35+s2+$0x0], $0xffff;
	v38 =	vand.u32 @p4 $0xFFFFFFF8, v38;
	[tilespmem:s5+$0x8F20] =	vst v39  }
0x497: {  	v39 =	vand.u32 $0xFFFFFFF8, v56;
	v38 =	vor.u32 @p4 v2, v38;
	v41 =	vld.idx.msk [tilespmem:v41+s2+$0x0], $0xffff;
	[tilespmem:s4+$0xF150] =	vst @p2 v44;
	v44 =	vadd.s32 @p2 v12, v31  }
0x498: {  	v39 =	vor.u32 v2, v39;
	[tilespmem:s22+$0x9040] =	vst @p1 v46;
	v46 =	vadd.s32 @p1 v10, v32;
	v36 =	vld.idx.msk @p2 [tilespmem:v36+s2+$0x0], $0xffff;
	v44 =	vand.u32 @p2 $0xFFFFFFF8, v44  }
0x499: {  	v43 =	vld.idx.msk @p1 [tilespmem:v43+s2+$0x0], $0xffff;
	v46 =	vand.u32 @p1 $0xFFFFFFF8, v46;
	[tilespmem:s12+$0xF260] =	vst @p3 v40;
	v40 =	vadd.s32 @p3 v14, v30;
	v44 =	vor.u32 @p2 v2, v44  }
0x49a: {  	[tilespmem:s23+$0x8FB0] =	vst @p0 v42;
	v42 =	vadd.s32 @p0 v9, v33;
	v46 =	vor.u32 @p1 v2, v46;
	v37 =	vld.idx.msk @p3 [tilespmem:v37+s2+$0x0], $0xffff;
	v40 =	vand.u32 @p3 $0xFFFFFFF8, v40  }
0x49b: {  	v45 =	vld.idx.msk @p0 [tilespmem:v45+s2+$0x0], $0xffff;
	v42 =	vand.u32 @p0 $0xFFFFFFF8, v42;
	[tilespmem:s19+$0xF170] =	vst @p4 v35;
	v35 =	vadd.s32 @p4 v12, v22;
	v40 =	vor.u32 @p3 v2, v40  }
0x49c: {  	v57 =	vadd.s32 v9, v29;
	v42 =	vor.u32 @p0 v2, v42;
	v38 =	vld.idx.msk @p4 [tilespmem:v38+s2+$0x0], $0xffff;
	v35 =	vand.u32 @p4 $0xFFFFFFF8, v35;
	[tilespmem:s5+$0x8FA0] =	vst v41  }
0x49d: {  	v41 =	vand.u32 $0xFFFFFFF8, v57;
	v35 =	vor.u32 @p4 v2, v35;
	v39 =	vld.idx.msk [tilespmem:v39+s2+$0x0], $0xffff;
	[tilespmem:s4+$0xF1D0] =	vst @p2 v36;
	v36 =	vadd.s32 @p2 v13, v31  }
0x49e: {  	v41 =	vor.u32 v2, v41;
	[tilespmem:s22+$0xF0C0] =	vst @p1 v43;
	v43 =	vadd.s32 @p1 v11, v32;
	v44 =	vld.idx.msk @p2 [tilespmem:v44+s2+$0x0], $0xffff;
	v36 =	vand.u32 @p2 $0xFFFFFFF8, v36  }
0x49f: {  	v46 =	vld.idx.msk @p1 [tilespmem:v46+s2+$0x0], $0xffff;
	v43 =	vand.u32 @p1 $0xFFFFFFF8, v43;
	[tilespmem:s12+$0xF2E0] =	vst @p3 v37;
	v37 =	vadd.s32 @p3 v15, v30;
	v36 =	vor.u32 @p2 v2, v36  }
0x4a0: {  	[tilespmem:s23+$0x9030] =	vst @p0 v45;
	v45 =	vadd.s32 @p0 v10, v33;
	v43 =	vor.u32 @p1 v2, v43;
	v40 =	vld.idx.msk @p3 [tilespmem:v40+s2+$0x0], $0xffff;
	v37 =	vand.u32 @p3 $0xFFFFFFF8, v37  }
0x4a1: {  	v42 =	vld.idx.msk @p0 [tilespmem:v42+s2+$0x0], $0xffff;
	v45 =	vand.u32 @p0 $0xFFFFFFF8, v45;
	[tilespmem:s19+$0xF1F0] =	vst @p4 v38;
	v38 =	vadd.s32 @p4 v13, v22;
	v37 =	vor.u32 @p3 v2, v37  }
0x4a2: {  	v58 =	vadd.s32 v10, v29;
	v35 =	vld.idx.msk @p4 [tilespmem:v35+s2+$0x0], $0xffff;
	v38 =	vand.u32 @p4 $0xFFFFFFF8, v38;
	[tilespmem:s5+$0x9020] =	vst v39;
	v39 =	vor.u32 @p0 v2, v45  }
0x4a3: {  	v45 =	vand.u32 $0xFFFFFFF8, v58;
	v38 =	vor.u32 @p4 v2, v38;
	v41 =	vld.idx.msk [tilespmem:v41+s2+$0x0], $0xffff;
	[tilespmem:s4+$0xF250] =	vst @p2 v44;
	v44 =	vadd.s32 @p2 v14, v31  }
0x4a4: {  	v45 =	vor.u32 v2, v45;
	[tilespmem:s22+$0xF140] =	vst @p1 v46;
	v46 =	vadd.s32 @p1 v12, v32;
	v36 =	vld.idx.msk @p2 [tilespmem:v36+s2+$0x0], $0xffff;
	v44 =	vand.u32 @p2 $0xFFFFFFF8, v44  }
0x4a5: {  	v30 =	vadd.s32 @p3 v16, v30;
	v43 =	vld.idx.msk @p1 [tilespmem:v43+s2+$0x0], $0xffff;
	v46 =	vand.u32 @p1 $0xFFFFFFF8, v46;
	[tilespmem:s12+$0xF360] =	vst @p3 v40;
	v40 =	vor.u32 @p2 v2, v44  }
0x4a6: {  	v30 =	vand.u32 @p3 $0xFFFFFFF8, v30;
	[tilespmem:s23+$0xF0B0] =	vst @p0 v42;
	v42 =	vor.u32 @p1 v2, v46;
	v44 =	vadd.s32 @p0 v11, v33;
	v37 =	vld.idx.msk @p3 [tilespmem:v37+s2+$0x0], $0xffff  }
0x4a7: {  	v30 =	vor.u32 @p3 v2, v30;
	[tilespmem:s19+$0xF270] =	vst @p4 v35;
	v35 =	vadd.s32 @p4 v14, v22;
	v39 =	vld.idx.msk @p0 [tilespmem:v39+s2+$0x0], $0xffff;
	v44 =	vand.u32 @p0 $0xFFFFFFF8, v44  }
0x4a8: {  	s20 =	smov.u32 @p2 s4;
	v38 =	vld.idx.msk @p4 [tilespmem:v38+s2+$0x0], $0xffff;
	v35 =	vand.u32 @p4 $0xFFFFFFF8, v35;
	[tilespmem:s5+$0xF0A0] =	vst v41;
	v41 =	vor.u32 @p0 v2, v44  }
0x4a9: {  	s3 =	smov.u32 @p1 s22;
	v35 =	vor.u32 @p4 v2, v35;
	v45 =	vld.idx.msk [tilespmem:v45+s2+$0x0], $0xffff;
	[tilespmem:s20+$0xF2D0] =	vst @p2 v36  }
0x4aa: {  	s4 =	smov.u32 @p3 s12;
	[tilespmem:s3+$0xF1C0] =	vst @p1 v43;
	v40 =	vld.idx.msk @p2 [tilespmem:v40+s2+$0x0], $0xffff  }
0x4ab: {  	s12 =	smov.u32 @p0 s23;
	v36 =	vadd.s32 @p2 v15, v31;
	v42 =	vld.idx.msk @p1 [tilespmem:v42+s2+$0x0], $0xffff;
	[tilespmem:s4+$0xF3E0] =	vst @p3 v37  }
0x4ac: {  	v36 =	vand.u32 @p2 $0xFFFFFFF8, v36;
	[tilespmem:s12+$0xF130] =	vst @p0 v39;
	v30 =	vld.idx.msk @p3 [tilespmem:v30+s2+$0x0], $0xffff  }
0x4ad: {  	v59 =	vadd.s32 v11, v29;
	v36 =	vor.u32 @p2 v2, v36;
	[tilespmem:s19+$0xF2F0] =	vst @p4 v38;
	v38 =	vld.idx.msk @p0 [tilespmem:v41+s2+$0x0], $0xffff  }
0x4ae: {  	v44 =	vand.u32 $0xFFFFFFF8, v59;
	v43 =	vadd.s32 @p1 v13, v32;
	v35 =	vld.idx.msk @p4 [tilespmem:v35+s2+$0x0], $0xffff;
	[tilespmem:s5+$0xF120] =	vst v45  }
0x4af: {  	v44 =	vor.u32 v2, v44;
	v43 =	vand.u32 @p1 $0xFFFFFFF8, v43;
	[tilespmem:s20+$0xF350] =	vst @p2 v40  }
0x4b0: {  	v39 =	vadd.s32 @p0 v12, v33;
	v37 =	vor.u32 @p1 v2, v43;
	[tilespmem:s3+$0xF240] =	vst @p1 v42  }
0x4b1: {  	v31 =	vadd.s32 @p2 v16, v31;
	v39 =	vand.u32 @p0 $0xFFFFFFF8, v39;
	v41 =	vadd.s32 @p4 v15, v22;
	[tilespmem:s4+$0xF460] =	vst @p3 v30  }
0x4b2: {  	v31 =	vand.u32 @p2 $0xFFFFFFF8, v31;
	v39 =	vor.u32 @p0 v2, v39;
	v41 =	vand.u32 @p4 $0xFFFFFFF8, v41;
	v36 =	vld.idx.msk @p2 [tilespmem:v36+s2+$0x0], $0xffff;
	[tilespmem:s12+$0xF1B0] =	vst @p0 v38  }
0x4b3: {  	p5 =	slt.s32 @p3 s0, $0xC00;
	v61 =	vadd.s32 v12, v29;
	v31 =	vor.u32 @p2 v2, v31;
	v40 =	vor.u32 @p4 v2, v41;
	[tilespmem:s19+$0xF370] =	vst @p4 v35  }
0x4b4: {  	p5 =	por !p5, !p3;
	v28 =	vpsel p2, v31, v28;
	v60 =	vld.idx.msk [tilespmem:v44+s2+$0x0], $0xffff;
	v41 =	vadd.s32 @p1 v14, v32;
	v30 =	vand.u32 $0xFFFFFFF8, v61;
	s24 =	sld [smem:$0x7FD]  }
0x4b5: {  	s0 =	simm.s32 @p5 $0xC00;
	v37 =	vld.idx.msk @p1 [tilespmem:v37+s2+$0x0], $0xffff;
	v31 =	vand.u32 @p1 $0xFFFFFFF8, v41;
	v30 =	vor.u32 v2, v30  }
0x4b6: {  	s18 =	smov.u32 s13;
	v41 =	vadd.s32 @p0 v13, v33;
	v31 =	vor.u32 @p1 v2, v31;
	v38 =	vld @p3 [tilespmem:s0+$0x8070]  }
0x4b7: {  	s18 =	smov.u32 @p2 s20;
	v25 =	vpsel p0, v41, v25;
	v39 =	vld.idx.msk @p0 [tilespmem:v39+s2+$0x0], $0xffff;
	[tilespmem:s25+$0xF470] =	vst @p6 v34;
	p5 =	seq.s32 s24, $0x1;
	v26 =	vpsel p2, v36, v26  }
0x4b8: {  	s6 =	smov.u32 s31;
	v22 =	vadd.s32 @p4 v16, v22;
	v24 =	vpsel p1, v31, v24;
	v25 =	vand.u32 @p0 $0xFFFFFFF8, v25;
	v34 =	vld.idx.msk @p4 [tilespmem:v40+s2+$0x0], $0xffff;
	s0 =	sadd.s32 @p5 $0x80, s26;
	[tilespmem:s18+$0xF3D0] =	vst @p2 v26  }
0x4b9: {  	v62 =	vadd.s32 v13, v29;
	v22 =	vand.u32 @p4 $0xFFFFFFF8, v22;
	[tilespmem:s5+$0xF1A0] =	vst v60;
	v25 =	vor.u32 @p0 v2, v25;
	s6 =	smov.u32 @p5 s0;
	s0 =	sadd.s32 @p6 $0x8C80, s25;
	v26 =	vld.idx.msk @p2 [tilespmem:v28+s2+$0x0], $0xffff  }
0x4ba: {  	v22 =	vor.u32 @p4 v2, v22;
	v30 =	vld.idx.msk [tilespmem:v30+s2+$0x0], $0xffff;
	v28 =	vand.u32 $0xFFFFFFF8, v62;
	[hbm4b:s6+s2] =	stream.linear.scatter @p6 [tilespmem:s0], [sflag:$0x1], $0x400, $0x38  }
0x4bb: {  	s15 =	smov.u32 @p1 s3;
	v23 =	vpsel p1, v37, v23;
	v28 =	vor.u32 v2, v28;
	s26 =	rddreg [dreg:$0x9]  }
0x4bc: {  	s17 =	smov.u32 @p0 s12;
	v31 =	vpsel p1, v32, v20;
	v20 =	vpsel p3, v38, v0;
	v27 =	vpsel p0, v39, v27;
	s0 =	smov.u32 @p2 s10;
	[tilespmem:s15+$0xF2C0] =	vst @p1 v23;
	s3 =	smov.u32 s26  }
0x4bd: {  	v21 =	vpsel p0, v33, v21;
	v20 =	vshll.u32 @p3 v20, $0x4;
	v23 =	vadd.s32 @p1 v15, v31;
	[tilespmem:s17+$0xF230] =	vst @p0 v27;
	v24 =	vld.idx.msk @p1 [tilespmem:v24+s2+$0x0], $0xffff;
	s3 =	smov.u32 @p2 s0  }
0x4be: {  	v32 =	vor.u32 @p3 v0, v20;
	v27 =	vadd.s32 @p0 v14, v21;
	[tilespmem:s19+$0xF3F0] =	vst @p4 v34;
	v23 =	vand.u32 @p1 $0xFFFFFFF8, v23;
	v25 =	vld.idx.msk @p0 [tilespmem:v25+s2+$0x0], $0xffff;
	p5 =	slt.s32 @p2 s3, $0xC10  }
0x4bf: {  	v27 =	vand.u32 @p0 $0xFFFFFFF8, v27;
	v22 =	vld.idx.msk @p4 [tilespmem:v22+s2+$0x0], $0xffff;
	v23 =	vor.u32 @p1 v2, v23;
	s0 =	smov.u32 s3;
	[tilespmem:s5+$0xF220] =	vst v30;
	p5 =	por !p5, !p2  }
0x4c0: {  	v63 =	vadd.s32 v14, v29;
	v27 =	vor.u32 @p0 v2, v27;
	[tilespmem:s18+$0xF450] =	vst @p2 v26;
	v28 =	vld.idx.msk [tilespmem:v28+s2+$0x0], $0xffff;
	s0 =	simm.s32 @p5 $0xC10  }
0x4c1: {  	v30 =	vand.u32 $0xFFFFFFF8, v63;
	v26 =	vld @p2 [tilespmem:s0+$0x8060]  }
0x4c2: {  	v33 =	vadd.s32 @p3 v1, v20;
	v30 =	vor.u32 v2, v30  }
0x4c3: {  	v31 =	vadd.s32 @p1 v16, v31;
	[tilespmem:s15+$0xF340] =	vst @p1 v24;
	v24 =	vld.idx.msk @p3 [tilespmem:v32+s2+$0x0], $0xffff;
	v32 =	vand.u32 @p3 $0xFFFFFFF8, v33  }
0x4c4: {  	v31 =	vand.u32 @p1 $0xFFFFFFF8, v31;
	[tilespmem:s17+$0xF2B0] =	vst @p0 v25;
	v25 =	vadd.s32 @p0 v15, v21;
	v23 =	vld.idx.msk @p1 [tilespmem:v23+s2+$0x0], $0xffff;
	v32 =	vor.u32 @p3 v2, v32  }
0x4c5: {  	s10 =	sadd.s32 @p6 $0xF080, s25;
	v31 =	vor.u32 @p1 v2, v31;
	s0 =	sadd.s32 @p6 $0x18700, s6;
	[tilespmem:s19+$0xF470] =	vst @p4 v22;
	v27 =	vld.idx.msk @p0 [tilespmem:v27+s2+$0x0], $0xffff;
	v22 =	vand.u32 @p0 $0xFFFFFFF8, v25  }
0x4c6: {  	v34 =	vadd.s32 v15, v29;
	[hbm4b:s0+s2] =	stream.linear.scatter @p6 [tilespmem:s10], [sflag:$0x1], $0x400, $0x38;
	v25 =	vor.u32 @p0 v2, v22;
	[tilespmem:s5+$0xF2A0] =	vst v28;
	v22 =	vshll.u32 @p2 v26, $0x4  }
0x4c7: {  	s10 =	smov.u32 @p3 s4;
	v28 =	vand.u32 $0xFFFFFFF8, v34;
	v30 =	vld.idx.msk [tilespmem:v30+s2+$0x0], $0xffff;
	v26 =	vor.u32 @p2 v0, v22  }
0x4c8: {  	v28 =	vor.u32 v2, v28;
	[tilespmem:s10+$0x8CF0] =	vst @p3 v24;
	v24 =	vadd.s32 @p3 v3, v20  }
0x4c9: {  	[tilespmem:s15+$0xF3C0] =	vst @p1 v23;
	v23 =	vld.idx.msk @p3 [tilespmem:v32+s2+$0x0], $0xffff;
	v24 =	vand.u32 @p3 $0xFFFFFFF8, v24  }
0x4ca: {  	v21 =	vadd.s32 @p0 v16, v21;
	[tilespmem:s17+$0xF330] =	vst @p0 v27;
	v31 =	vld.idx.msk @p1 [tilespmem:v31+s2+$0x0], $0xffff;
	v24 =	vor.u32 @p3 v2, v24  }
0x4cb: {  	s14 =	smov.u32 @p1 s1;
	s6 =	sadd.s32 @p6 $0x80, s6;
	s0 =	smov.u32 s31;
	v21 =	vand.u32 @p0 $0xFFFFFFF8, v21;
	v27 =	vadd.s32 @p2 v1, v22;
	v25 =	vld.idx.msk @p0 [tilespmem:v25+s2+$0x0], $0xffff  }
0x4cc: {  	v35 =	vadd.s32 v16, v29;
	p5 =	slt.s32 @p1 s14, $0xC20;
	s0 =	smov.u32 @p6 s6;
	s6 =	sadd.s32 @p4 $0x8C80, s19;
	v32 =	vor.u32 @p0 v2, v21;
	v21 =	vand.u32 @p2 $0xFFFFFFF8, v27;
	[tilespmem:s5+$0xF320] =	vst v30;
	v26 =	vld.idx.msk @p2 [tilespmem:v26+s2+$0x0], $0xffff  }
0x4cd: {  	v36 =	vand.u32 $0xFFFFFFF8, v35;
	[hbm4b:s0+s2] =	stream.linear.scatter @p4 [tilespmem:s6], [sflag:$0x1], $0x400, $0x38;
	v27 =	vor.u32 @p2 v2, v21;
	v28 =	vld.idx.msk [tilespmem:v28+s2+$0x0], $0xffff  }
0x4ce: {  	s1 =	smov.u32 s14;
	v37 =	vor.u32 v2, v36;
	p5 =	por !p5, !p1;
	[tilespmem:s10+$0x8D70] =	vst @p3 v23  }
0x4cf: {  	s1 =	simm.s32 @p5 $0xC20;
	[tilespmem:s15+$0xF440] =	vst @p1 v31;
	v21 =	vld.idx.msk @p3 [tilespmem:v24+s2+$0x0], $0xffff  }
0x4d0: {  	[tilespmem:s17+$0xF3B0] =	vst @p0 v25;
	v24 =	vld @p1 [tilespmem:s1+$0x8050]  }
0x4d1: {  	s6 =	sadd.s32 @p4 $0xF080, s19;
	s12 =	sadd.s32 @p4 $0x18700, s0;
	v25 =	vld.idx.msk @p0 [tilespmem:v32+s2+$0x0], $0xffff;
	[tilespmem:s18+$0x8CE0] =	vst @p2 v26  }
0x4d2: {  	[hbm4b:s12+s2] =	stream.linear.scatter @p4 [tilespmem:s6], [sflag:$0x1], $0x400, $0x38;
	v23 =	vld.idx.msk @p2 [tilespmem:v27+s2+$0x0], $0xffff;
	[tilespmem:s5+$0xF3A0] =	vst v28  }
0x4d3: {  	v38 =	vld.idx.msk [tilespmem:v37+s2+$0x0], $0xffff;
	_ =	sdelay $0x3  }
0x4d4: {  	p5 =	slt.s32 s9, $0xC40;
	s1 =	smov.u32 s9  }
0x4d5: {  	s1 =	simm.s32 @!p5 $0xC40;
	[tilespmem:s5+$0xF420] =	vst v38  }
0x4d6: {  	v26 =	vld [tilespmem:s1+$0x8030];
	_ =	sdelay $0x4  }
0x4d7: {  	v26 =	vshll.u32 v26, $0x4  }
0x4d8: {  	v39 =	vor.u32 v0, v26;
	_ =	sdelay $0x3  }
0x4d9: {  	v40 =	vadd.s32 v1, v26  }
0x4da: {  	v28 =	vand.u32 $0xFFFFFFF8, v40;
	v27 =	vld.idx.msk [tilespmem:v39+s2+$0x0], $0xffff  }
0x4db: {  	v28 =	vor.u32 v2, v28;
	_ =	sdelay $0x3  }
0x4dc: {  	v41 =	vadd.s32 v3, v26;
	[tilespmem:s5+$0x8CB0] =	vst v27  }
0x4dd: {  	v27 =	vand.u32 $0xFFFFFFF8, v41;
	v28 =	vld.idx.msk [tilespmem:v28+s2+$0x0], $0xffff  }
0x4de: {  	v27 =	vor.u32 v2, v27;
	_ =	sdelay $0x3  }
0x4df: {  	v42 =	vadd.s32 v4, v26;
	[tilespmem:s5+$0x8D30] =	vst v28  }
0x4e0: {  	v28 =	vand.u32 $0xFFFFFFF8, v42;
	v27 =	vld.idx.msk [tilespmem:v27+s2+$0x0], $0xffff  }
0x4e1: {  	v28 =	vor.u32 v2, v28;
	_ =	sdelay $0x3  }
0x4e2: {  	v43 =	vadd.s32 v5, v26;
	[tilespmem:s5+$0x8DB0] =	vst v27  }
0x4e3: {  	v27 =	vand.u32 $0xFFFFFFF8, v43;
	v28 =	vld.idx.msk [tilespmem:v28+s2+$0x0], $0xffff  }
0x4e4: {  	v27 =	vor.u32 v2, v27;
	_ =	sdelay $0x3  }
0x4e5: {  	v44 =	vadd.s32 v6, v26;
	[tilespmem:s5+$0x8E30] =	vst v28  }
0x4e6: {  	v28 =	vand.u32 $0xFFFFFFF8, v44;
	v27 =	vld.idx.msk [tilespmem:v27+s2+$0x0], $0xffff  }
0x4e7: {  	v28 =	vor.u32 v2, v28;
	_ =	sdelay $0x3  }
0x4e8: {  	v45 =	vadd.s32 v7, v26;
	[tilespmem:s5+$0x8EB0] =	vst v27  }
0x4e9: {  	v27 =	vand.u32 $0xFFFFFFF8, v45;
	v28 =	vld.idx.msk [tilespmem:v28+s2+$0x0], $0xffff  }
0x4ea: {  	v27 =	vor.u32 v2, v27;
	_ =	sdelay $0x3  }
0x4eb: {  	v46 =	vadd.s32 v8, v26;
	[tilespmem:s5+$0x8F30] =	vst v28  }
0x4ec: {  	v28 =	vand.u32 $0xFFFFFFF8, v46;
	v27 =	vld.idx.msk [tilespmem:v27+s2+$0x0], $0xffff  }
0x4ed: {  	v28 =	vor.u32 v2, v28;
	_ =	sdelay $0x3  }
0x4ee: {  	v47 =	vadd.s32 v9, v26;
	[tilespmem:s5+$0x8FB0] =	vst v27  }
0x4ef: {  	v27 =	vand.u32 $0xFFFFFFF8, v47;
	v28 =	vld.idx.msk [tilespmem:v28+s2+$0x0], $0xffff  }
0x4f0: {  	v27 =	vor.u32 v2, v27;
	_ =	sdelay $0x3  }
0x4f1: {  	v48 =	vadd.s32 v10, v26;
	[tilespmem:s5+$0x9030] =	vst v28  }
0x4f2: {  	v28 =	vand.u32 $0xFFFFFFF8, v48;
	v27 =	vld.idx.msk [tilespmem:v27+s2+$0x0], $0xffff  }
0x4f3: {  	v28 =	vor.u32 v2, v28;
	_ =	sdelay $0x3  }
0x4f4: {  	v49 =	vadd.s32 v11, v26;
	[tilespmem:s5+$0xF0B0] =	vst v27  }
0x4f5: {  	v27 =	vand.u32 $0xFFFFFFF8, v49;
	v28 =	vld.idx.msk [tilespmem:v28+s2+$0x0], $0xffff  }
0x4f6: {  	v27 =	vor.u32 v2, v27;
	_ =	sdelay $0x3  }
0x4f7: {  	v50 =	vadd.s32 v12, v26;
	[tilespmem:s5+$0xF130] =	vst v28  }
0x4f8: {  	v28 =	vand.u32 $0xFFFFFFF8, v50;
	v27 =	vld.idx.msk [tilespmem:v27+s2+$0x0], $0xffff  }
0x4f9: {  	v28 =	vor.u32 v2, v28;
	_ =	sdelay $0x3  }
0x4fa: {  	v51 =	vadd.s32 v13, v26;
	[tilespmem:s5+$0xF1B0] =	vst v27  }
0x4fb: {  	v27 =	vand.u32 $0xFFFFFFF8, v51;
	v28 =	vld.idx.msk [tilespmem:v28+s2+$0x0], $0xffff  }
0x4fc: {  	v27 =	vor.u32 v2, v27;
	_ =	sdelay $0x3  }
0x4fd: {  	v52 =	vadd.s32 v14, v26;
	[tilespmem:s5+$0xF230] =	vst v28  }
0x4fe: {  	v28 =	vand.u32 $0xFFFFFFF8, v52;
	v27 =	vld.idx.msk [tilespmem:v27+s2+$0x0], $0xffff  }
0x4ff: {  	v28 =	vor.u32 v2, v28;
	_ =	sdelay $0x3  }
0x500: {  	v53 =	vadd.s32 v15, v26;
	[tilespmem:s5+$0xF2B0] =	vst v27  }
0x501: {  	v27 =	vand.u32 $0xFFFFFFF8, v53;
	v28 =	vld.idx.msk [tilespmem:v28+s2+$0x0], $0xffff  }
0x502: {  	v27 =	vor.u32 v2, v27;
	_ =	sdelay $0x2  }
0x503: {  	s1 =	smov.u32 @p0 s8  }
0x504: {  	s16 =	smov.u32 @p0 s1;
	v26 =	vadd.s32 v16, v26;
	[tilespmem:s5+$0xF330] =	vst v28  }
0x505: {  	p5 =	slt.s32 @p0 s16, $0xC30;
	v26 =	vand.u32 $0xFFFFFFF8, v26;
	v27 =	vld.idx.msk [tilespmem:v27+s2+$0x0], $0xffff  }
0x506: {  	s1 =	smov.u32 s16;
	p5 =	por !p5, !p0;
	v26 =	vor.u32 v2, v26  }
0x507: {  	[tilespmem:s17+$0xF430] =	vst @p0 v25;
	s1 =	simm.s32 @p5 $0xC30  }
0x508: {  	v25 =	vld @p0 [tilespmem:s1+$0x8040];
	_ =	sdelay $0x1  }
0x509: {  	[tilespmem:s5+$0xF3B0] =	vst v27  }
0x50a: {  	v27 =	vld.idx.msk [tilespmem:v26+s2+$0x0], $0xffff;
	_ =	sdelay $0x1  }
0x50b: {  	v26 =	vshll.u32 @p0 v25, $0x4  }
0x50c: {  	v25 =	vor.u32 @p0 v0, v26  }
0x50d: {  	p5 =	slt.s32 s9, $0xC30;
	s1 =	smov.u32 s9  }
0x50e: {  	s1 =	simm.s32 @!p5 $0xC30;
	[tilespmem:s5+$0xF430] =	vst v27  }
0x50f: {  	v27 =	vld [tilespmem:s1+$0x8040]  }
0x510: {  	v28 =	vadd.s32 @p0 v1, v26  }
0x511: {  	v29 =	vld.idx.msk @p0 [tilespmem:v25+s2+$0x0], $0xffff;
	v25 =	vand.u32 @p0 $0xFFFFFFF8, v28  }
0x512: {  	v28 =	vor.u32 @p0 v2, v25;
	_ =	sdelay $0x1  }
0x513: {  	v54 =	vshll.u32 v27, $0x4  }
0x514: {  	v27 =	vor.u32 v0, v54  }
0x515: {  	[tilespmem:s17+$0x8CC0] =	vst @p0 v29;
	v29 =	vadd.s32 @p0 v3, v26  }
0x516: {  	v28 =	vld.idx.msk @p0 [tilespmem:v28+s2+$0x0], $0xffff;
	v29 =	vand.u32 @p0 $0xFFFFFFF8, v29  }
0x517: {  	v29 =	vor.u32 @p0 v2, v29  }
0x518: {  	v55 =	vadd.s32 v1, v54  }
0x519: {  	v30 =	vand.u32 $0xFFFFFFF8, v55;
	v27 =	vld.idx.msk [tilespmem:v27+s2+$0x0], $0xffff  }
0x51a: {  	v30 =	vor.u32 v2, v30  }
0x51b: {  	[tilespmem:s17+$0x8D40] =	vst @p0 v28;
	v28 =	vadd.s32 @p0 v4, v26  }
0x51c: {  	v29 =	vld.idx.msk @p0 [tilespmem:v29+s2+$0x0], $0xffff;
	v28 =	vand.u32 @p0 $0xFFFFFFF8, v28  }
0x51d: {  	v28 =	vor.u32 @p0 v2, v28  }
0x51e: {  	v56 =	vadd.s32 v3, v54;
	[tilespmem:s5+$0x8CC0] =	vst v27  }
0x51f: {  	v27 =	vand.u32 $0xFFFFFFF8, v56;
	v30 =	vld.idx.msk [tilespmem:v30+s2+$0x0], $0xffff  }
0x520: {  	v27 =	vor.u32 v2, v27  }
0x521: {  	[tilespmem:s17+$0x8DC0] =	vst @p0 v29;
	v29 =	vadd.s32 @p0 v5, v26  }
0x522: {  	v28 =	vld.idx.msk @p0 [tilespmem:v28+s2+$0x0], $0xffff;
	v29 =	vand.u32 @p0 $0xFFFFFFF8, v29  }
0x523: {  	v29 =	vor.u32 @p0 v2, v29  }
0x524: {  	v57 =	vadd.s32 v4, v54;
	[tilespmem:s5+$0x8D40] =	vst v30  }
0x525: {  	v30 =	vand.u32 $0xFFFFFFF8, v57;
	v27 =	vld.idx.msk [tilespmem:v27+s2+$0x0], $0xffff  }
0x526: {  	v30 =	vor.u32 v2, v30  }
0x527: {  	[tilespmem:s17+$0x8E40] =	vst @p0 v28;
	v28 =	vadd.s32 @p0 v6, v26  }
0x528: {  	v29 =	vld.idx.msk @p0 [tilespmem:v29+s2+$0x0], $0xffff;
	v28 =	vand.u32 @p0 $0xFFFFFFF8, v28  }
0x529: {  	v28 =	vor.u32 @p0 v2, v28  }
0x52a: {  	v58 =	vadd.s32 v5, v54;
	[tilespmem:s5+$0x8DC0] =	vst v27  }
0x52b: {  	v27 =	vand.u32 $0xFFFFFFF8, v58;
	v30 =	vld.idx.msk [tilespmem:v30+s2+$0x0], $0xffff  }
0x52c: {  	v27 =	vor.u32 v2, v27  }
0x52d: {  	[tilespmem:s17+$0x8EC0] =	vst @p0 v29;
	v29 =	vadd.s32 @p0 v7, v26  }
0x52e: {  	v28 =	vld.idx.msk @p0 [tilespmem:v28+s2+$0x0], $0xffff;
	v29 =	vand.u32 @p0 $0xFFFFFFF8, v29  }
0x52f: {  	v29 =	vor.u32 @p0 v2, v29  }
0x530: {  	v59 =	vadd.s32 v6, v54;
	[tilespmem:s5+$0x8E40] =	vst v30  }
0x531: {  	v30 =	vand.u32 $0xFFFFFFF8, v59;
	v27 =	vld.idx.msk [tilespmem:v27+s2+$0x0], $0xffff  }
0x532: {  	v30 =	vor.u32 v2, v30  }
0x533: {  	[tilespmem:s17+$0x8F40] =	vst @p0 v28;
	v28 =	vadd.s32 @p0 v8, v26  }
0x534: {  	v29 =	vld.idx.msk @p0 [tilespmem:v29+s2+$0x0], $0xffff;
	v28 =	vand.u32 @p0 $0xFFFFFFF8, v28  }
0x535: {  	v28 =	vor.u32 @p0 v2, v28  }
0x536: {  	v60 =	vadd.s32 v7, v54;
	[tilespmem:s5+$0x8EC0] =	vst v27  }
0x537: {  	v27 =	vand.u32 $0xFFFFFFF8, v60;
	v30 =	vld.idx.msk [tilespmem:v30+s2+$0x0], $0xffff  }
0x538: {  	v27 =	vor.u32 v2, v27  }
0x539: {  	[tilespmem:s17+$0x8FC0] =	vst @p0 v29;
	v29 =	vadd.s32 @p0 v9, v26  }
0x53a: {  	v28 =	vld.idx.msk @p0 [tilespmem:v28+s2+$0x0], $0xffff;
	v29 =	vand.u32 @p0 $0xFFFFFFF8, v29  }
0x53b: {  	v29 =	vor.u32 @p0 v2, v29  }
0x53c: {  	v61 =	vadd.s32 v8, v54;
	[tilespmem:s5+$0x8F40] =	vst v30  }
0x53d: {  	v30 =	vand.u32 $0xFFFFFFF8, v61;
	v27 =	vld.idx.msk [tilespmem:v27+s2+$0x0], $0xffff  }
0x53e: {  	v30 =	vor.u32 v2, v30  }
0x53f: {  	[tilespmem:s17+$0x9040] =	vst @p0 v28;
	v28 =	vadd.s32 @p0 v10, v26  }
0x540: {  	v29 =	vld.idx.msk @p0 [tilespmem:v29+s2+$0x0], $0xffff;
	v28 =	vand.u32 @p0 $0xFFFFFFF8, v28  }
0x541: {  	v28 =	vor.u32 @p0 v2, v28  }
0x542: {  	v62 =	vadd.s32 v9, v54;
	[tilespmem:s5+$0x8FC0] =	vst v27  }
0x543: {  	v27 =	vand.u32 $0xFFFFFFF8, v62;
	v30 =	vld.idx.msk [tilespmem:v30+s2+$0x0], $0xffff  }
0x544: {  	v27 =	vor.u32 v2, v27  }
0x545: {  	[tilespmem:s17+$0xF0C0] =	vst @p0 v29;
	v29 =	vadd.s32 @p0 v11, v26  }
0x546: {  	v28 =	vld.idx.msk @p0 [tilespmem:v28+s2+$0x0], $0xffff;
	v29 =	vand.u32 @p0 $0xFFFFFFF8, v29  }
0x547: {  	v29 =	vor.u32 @p0 v2, v29  }
0x548: {  	v63 =	vadd.s32 v10, v54;
	[tilespmem:s5+$0x9040] =	vst v30  }
0x549: {  	v30 =	vand.u32 $0xFFFFFFF8, v63;
	v27 =	vld.idx.msk [tilespmem:v27+s2+$0x0], $0xffff  }
0x54a: {  	v30 =	vor.u32 v2, v30  }
0x54b: {  	[tilespmem:s17+$0xF140] =	vst @p0 v28;
	v28 =	vadd.s32 @p0 v12, v26  }
0x54c: {  	v29 =	vld.idx.msk @p0 [tilespmem:v29+s2+$0x0], $0xffff;
	v28 =	vand.u32 @p0 $0xFFFFFFF8, v28  }
0x54d: {  	v28 =	vor.u32 @p0 v2, v28  }
0x54e: {  	v33 =	vadd.s32 v11, v54;
	[tilespmem:s5+$0xF0C0] =	vst v27  }
0x54f: {  	v27 =	vand.u32 $0xFFFFFFF8, v33;
	v30 =	vld.idx.msk [tilespmem:v30+s2+$0x0], $0xffff  }
0x550: {  	s1 =	smov.u32 @p0 s17;
	v27 =	vor.u32 v2, v27  }
0x551: {  	[tilespmem:s1+$0xF1C0] =	vst @p0 v29;
	v29 =	vadd.s32 @p0 v13, v26  }
0x552: {  	v28 =	vld.idx.msk @p0 [tilespmem:v28+s2+$0x0], $0xffff;
	v29 =	vand.u32 @p0 $0xFFFFFFF8, v29  }
0x553: {  	v29 =	vor.u32 @p0 v2, v29  }
0x554: {  	v34 =	vadd.s32 v12, v54;
	[tilespmem:s5+$0xF140] =	vst v30  }
0x555: {  	v30 =	vand.u32 $0xFFFFFFF8, v34;
	v27 =	vld.idx.msk [tilespmem:v27+s2+$0x0], $0xffff  }
0x556: {  	v30 =	vor.u32 v2, v30  }
0x557: {  	[tilespmem:s1+$0xF240] =	vst @p0 v28;
	v28 =	vadd.s32 @p0 v14, v26  }
0x558: {  	v29 =	vld.idx.msk @p0 [tilespmem:v29+s2+$0x0], $0xffff;
	v28 =	vand.u32 @p0 $0xFFFFFFF8, v28  }
0x559: {  	v28 =	vor.u32 @p0 v2, v28  }
0x55a: {  	v35 =	vadd.s32 v13, v54;
	v19 =	vpsel p0, v28, v19;
	[tilespmem:s5+$0xF1C0] =	vst v27  }
0x55b: {  	v27 =	vand.u32 $0xFFFFFFF8, v35;
	v36 =	vld.idx.msk [tilespmem:v30+s2+$0x0], $0xffff  }
0x55c: {  	v27 =	vor.u32 v2, v27  }
0x55d: {  	v17 =	vpsel p0, v26, v17;
	s13 =	smov.u32 @p0 s1;
	v18 =	vpsel p0, v29, v18  }
0x55e: {  	[tilespmem:s13+$0xF2C0] =	vst @p0 v18;
	v18 =	vadd.s32 @p0 v15, v17  }
0x55f: {  	v19 =	vld.idx.msk @p0 [tilespmem:v19+s2+$0x0], $0xffff;
	v18 =	vand.u32 @p0 $0xFFFFFFF8, v18  }
0x560: {  	v37 =	vadd.s32 v14, v54;
	v18 =	vor.u32 @p0 v2, v18;
	[tilespmem:s5+$0xF240] =	vst v36  }
0x561: {  	v26 =	vand.u32 $0xFFFFFFF8, v37;
	v27 =	vld.idx.msk [tilespmem:v27+s2+$0x0], $0xffff  }
0x562: {  	v26 =	vor.u32 v2, v26;
	_ =	sdelay $0x1  }
0x563: {  	v17 =	vadd.s32 @p0 v16, v17;
	[tilespmem:s13+$0xF340] =	vst @p0 v19  }
0x564: {  	v17 =	vand.u32 @p0 $0xFFFFFFF8, v17;
	v18 =	vld.idx.msk @p0 [tilespmem:v18+s2+$0x0], $0xffff  }
0x565: {  	v17 =	vor.u32 @p0 v2, v17;
	v19 =	vadd.s32 v15, v54;
	[tilespmem:s5+$0xF2C0] =	vst v27  }
0x566: {  	v19 =	vand.u32 $0xFFFFFFF8, v19;
	v26 =	vld.idx.msk [tilespmem:v26+s2+$0x0], $0xffff  }
0x567: {  	v19 =	vor.u32 v2, v19;
	_ =	sdelay $0x1  }
0x568: {  	[tilespmem:s13+$0xF3C0] =	vst @p0 v18  }
0x569: {  	v17 =	vld.idx.msk @p0 [tilespmem:v17+s2+$0x0], $0xffff  }
0x56a: {  	s4 =	smov.u32 s26;
	s1 =	smov.u32 @p0 s16;
	v18 =	vadd.s32 v16, v54;
	[tilespmem:s5+$0xF340] =	vst v26  }
0x56b: {  	s4 =	smov.u32 @p0 s1;
	v18 =	vand.u32 $0xFFFFFFF8, v18;
	v38 =	vld.idx.msk [tilespmem:v19+s2+$0x0], $0xffff  }
0x56c: {  	p5 =	slt.s32 @p0 s4, $0xC20;
	v18 =	vor.u32 v2, v18  }
0x56d: {  	s1 =	smov.u32 s4;
	p5 =	por !p5, !p0  }
0x56e: {  	s1 =	simm.s32 @p5 $0xC20;
	[tilespmem:s13+$0xF440] =	vst @p0 v17  }
0x56f: {  	v17 =	vld @p0 [tilespmem:s1+$0x8050]  }
0x570: {  	v19 =	vshll.u32 @p1 v24, $0x4;
	[tilespmem:s5+$0xF3C0] =	vst v38  }
0x571: {  	v24 =	vor.u32 @p1 v0, v19;
	v25 =	vld.idx.msk [tilespmem:v18+s2+$0x0], $0xffff;
	_ =	sdelay $0x2  }
0x572: {  	v18 =	vshll.u32 @p0 v17, $0x4  }
0x573: {  	p5 =	slt.s32 s9, $0xC20;
	s1 =	smov.u32 s9;
	v17 =	vor.u32 @p0 v0, v18  }
0x574: {  	v26 =	vadd.s32 @p1 v1, v19;
	s1 =	simm.s32 @!p5 $0xC20;
	v24 =	vld.idx.msk @p1 [tilespmem:v24+s2+$0x0], $0xffff;
	[tilespmem:s5+$0xF440] =	vst v25  }
0x575: {  	v25 =	vand.u32 @p1 $0xFFFFFFF8, v26;
	v39 =	vld [tilespmem:s1+$0x8050]  }
0x576: {  	v25 =	vor.u32 @p1 v2, v25  }
0x577: {  	v27 =	vadd.s32 @p0 v1, v18  }
0x578: {  	v28 =	vld.idx.msk @p0 [tilespmem:v17+s2+$0x0], $0xffff;
	v17 =	vand.u32 @p0 $0xFFFFFFF8, v27  }
0x579: {  	v27 =	vor.u32 @p0 v2, v17  }
0x57a: {  	[tilespmem:s15+$0x8CD0] =	vst @p1 v24;
	v24 =	vadd.s32 @p1 v3, v19;
	v17 =	vshll.u32 v39, $0x4  }
0x57b: {  	v24 =	vand.u32 @p1 $0xFFFFFFF8, v24;
	v25 =	vld.idx.msk @p1 [tilespmem:v25+s2+$0x0], $0xffff;
	v26 =	vor.u32 v0, v17  }
0x57c: {  	v24 =	vor.u32 @p1 v2, v24  }
0x57d: {  	[tilespmem:s13+$0x8CD0] =	vst @p0 v28;
	v28 =	vadd.s32 @p0 v3, v18  }
0x57e: {  	v27 =	vld.idx.msk @p0 [tilespmem:v27+s2+$0x0], $0xffff;
	v28 =	vand.u32 @p0 $0xFFFFFFF8, v28  }
0x57f: {  	v40 =	vadd.s32 v1, v17;
	v28 =	vor.u32 @p0 v2, v28  }
0x580: {  	v29 =	vand.u32 $0xFFFFFFF8, v40;
	[tilespmem:s15+$0x8D50] =	vst @p1 v25;
	v25 =	vadd.s32 @p1 v4, v19;
	v26 =	vld.idx.msk [tilespmem:v26+s2+$0x0], $0xffff  }
0x581: {  	v29 =	vor.u32 v2, v29;
	v24 =	vld.idx.msk @p1 [tilespmem:v24+s2+$0x0], $0xffff;
	v25 =	vand.u32 @p1 $0xFFFFFFF8, v25  }
0x582: {  	v25 =	vor.u32 @p1 v2, v25  }
0x583: {  	[tilespmem:s13+$0x8D50] =	vst @p0 v27;
	v27 =	vadd.s32 @p0 v4, v18  }
0x584: {  	v28 =	vld.idx.msk @p0 [tilespmem:v28+s2+$0x0], $0xffff;
	v27 =	vand.u32 @p0 $0xFFFFFFF8, v27  }
0x585: {  	v41 =	vadd.s32 v3, v17;
	v27 =	vor.u32 @p0 v2, v27;
	[tilespmem:s5+$0x8CD0] =	vst v26  }
0x586: {  	[tilespmem:s15+$0x8DD0] =	vst @p1 v24;
	v24 =	vadd.s32 @p1 v5, v19;
	v26 =	vand.u32 $0xFFFFFFF8, v41;
	v29 =	vld.idx.msk [tilespmem:v29+s2+$0x0], $0xffff  }
0x587: {  	v25 =	vld.idx.msk @p1 [tilespmem:v25+s2+$0x0], $0xffff;
	v24 =	vand.u32 @p1 $0xFFFFFFF8, v24;
	v26 =	vor.u32 v2, v26  }
0x588: {  	v24 =	vor.u32 @p1 v2, v24  }
0x589: {  	[tilespmem:s13+$0x8DD0] =	vst @p0 v28;
	v28 =	vadd.s32 @p0 v5, v18  }
0x58a: {  	v27 =	vld.idx.msk @p0 [tilespmem:v27+s2+$0x0], $0xffff;
	v28 =	vand.u32 @p0 $0xFFFFFFF8, v28  }
0x58b: {  	v42 =	vadd.s32 v4, v17;
	v28 =	vor.u32 @p0 v2, v28;
	[tilespmem:s5+$0x8D50] =	vst v29  }
0x58c: {  	[tilespmem:s15+$0x8E50] =	vst @p1 v25;
	v25 =	vadd.s32 @p1 v6, v19;
	v29 =	vand.u32 $0xFFFFFFF8, v42;
	v26 =	vld.idx.msk [tilespmem:v26+s2+$0x0], $0xffff  }
0x58d: {  	v24 =	vld.idx.msk @p1 [tilespmem:v24+s2+$0x0], $0xffff;
	v25 =	vand.u32 @p1 $0xFFFFFFF8, v25;
	v29 =	vor.u32 v2, v29  }
0x58e: {  	v25 =	vor.u32 @p1 v2, v25  }
0x58f: {  	[tilespmem:s13+$0x8E50] =	vst @p0 v27;
	v27 =	vadd.s32 @p0 v6, v18  }
0x590: {  	v28 =	vld.idx.msk @p0 [tilespmem:v28+s2+$0x0], $0xffff;
	v27 =	vand.u32 @p0 $0xFFFFFFF8, v27  }
0x591: {  	v43 =	vadd.s32 v5, v17;
	v27 =	vor.u32 @p0 v2, v27;
	[tilespmem:s5+$0x8DD0] =	vst v26  }
0x592: {  	[tilespmem:s15+$0x8ED0] =	vst @p1 v24;
	v24 =	vadd.s32 @p1 v7, v19;
	v26 =	vand.u32 $0xFFFFFFF8, v43;
	v29 =	vld.idx.msk [tilespmem:v29+s2+$0x0], $0xffff  }
0x593: {  	v25 =	vld.idx.msk @p1 [tilespmem:v25+s2+$0x0], $0xffff;
	v24 =	vand.u32 @p1 $0xFFFFFFF8, v24;
	v26 =	vor.u32 v2, v26  }
0x594: {  	v24 =	vor.u32 @p1 v2, v24  }
0x595: {  	[tilespmem:s13+$0x8ED0] =	vst @p0 v28;
	v28 =	vadd.s32 @p0 v7, v18  }
0x596: {  	v27 =	vld.idx.msk @p0 [tilespmem:v27+s2+$0x0], $0xffff;
	v28 =	vand.u32 @p0 $0xFFFFFFF8, v28  }
0x597: {  	v44 =	vadd.s32 v6, v17;
	v28 =	vor.u32 @p0 v2, v28;
	[tilespmem:s5+$0x8E50] =	vst v29  }
0x598: {  	[tilespmem:s15+$0x8F50] =	vst @p1 v25;
	v25 =	vadd.s32 @p1 v8, v19;
	v29 =	vand.u32 $0xFFFFFFF8, v44;
	v26 =	vld.idx.msk [tilespmem:v26+s2+$0x0], $0xffff  }
0x599: {  	v24 =	vld.idx.msk @p1 [tilespmem:v24+s2+$0x0], $0xffff;
	v25 =	vand.u32 @p1 $0xFFFFFFF8, v25;
	v29 =	vor.u32 v2, v29  }
0x59a: {  	v25 =	vor.u32 @p1 v2, v25  }
0x59b: {  	[tilespmem:s13+$0x8F50] =	vst @p0 v27;
	v27 =	vadd.s32 @p0 v8, v18  }
0x59c: {  	v28 =	vld.idx.msk @p0 [tilespmem:v28+s2+$0x0], $0xffff;
	v27 =	vand.u32 @p0 $0xFFFFFFF8, v27  }
0x59d: {  	v45 =	vadd.s32 v7, v17;
	v27 =	vor.u32 @p0 v2, v27;
	[tilespmem:s5+$0x8ED0] =	vst v26  }
0x59e: {  	[tilespmem:s15+$0x8FD0] =	vst @p1 v24;
	v24 =	vadd.s32 @p1 v9, v19;
	v26 =	vand.u32 $0xFFFFFFF8, v45;
	v29 =	vld.idx.msk [tilespmem:v29+s2+$0x0], $0xffff  }
0x59f: {  	v25 =	vld.idx.msk @p1 [tilespmem:v25+s2+$0x0], $0xffff;
	v24 =	vand.u32 @p1 $0xFFFFFFF8, v24;
	v26 =	vor.u32 v2, v26  }
0x5a0: {  	v24 =	vor.u32 @p1 v2, v24  }
0x5a1: {  	[tilespmem:s13+$0x8FD0] =	vst @p0 v28;
	v28 =	vadd.s32 @p0 v9, v18  }
0x5a2: {  	v27 =	vld.idx.msk @p0 [tilespmem:v27+s2+$0x0], $0xffff;
	v28 =	vand.u32 @p0 $0xFFFFFFF8, v28  }
0x5a3: {  	v46 =	vadd.s32 v8, v17;
	v28 =	vor.u32 @p0 v2, v28;
	[tilespmem:s5+$0x8F50] =	vst v29  }
0x5a4: {  	[tilespmem:s15+$0x9050] =	vst @p1 v25;
	v25 =	vadd.s32 @p1 v10, v19;
	v29 =	vand.u32 $0xFFFFFFF8, v46;
	v26 =	vld.idx.msk [tilespmem:v26+s2+$0x0], $0xffff  }
0x5a5: {  	v24 =	vld.idx.msk @p1 [tilespmem:v24+s2+$0x0], $0xffff;
	v25 =	vand.u32 @p1 $0xFFFFFFF8, v25;
	v29 =	vor.u32 v2, v29  }
0x5a6: {  	v25 =	vor.u32 @p1 v2, v25  }
0x5a7: {  	[tilespmem:s13+$0x9050] =	vst @p0 v27;
	v27 =	vadd.s32 @p0 v10, v18  }
0x5a8: {  	v28 =	vld.idx.msk @p0 [tilespmem:v28+s2+$0x0], $0xffff;
	v27 =	vand.u32 @p0 $0xFFFFFFF8, v27  }
0x5a9: {  	v47 =	vadd.s32 v9, v17;
	v27 =	vor.u32 @p0 v2, v27;
	[tilespmem:s5+$0x8FD0] =	vst v26  }
0x5aa: {  	[tilespmem:s15+$0xF0D0] =	vst @p1 v24;
	v24 =	vadd.s32 @p1 v11, v19;
	v26 =	vand.u32 $0xFFFFFFF8, v47;
	v29 =	vld.idx.msk [tilespmem:v29+s2+$0x0], $0xffff  }
0x5ab: {  	v25 =	vld.idx.msk @p1 [tilespmem:v25+s2+$0x0], $0xffff;
	v24 =	vand.u32 @p1 $0xFFFFFFF8, v24;
	v26 =	vor.u32 v2, v26  }
0x5ac: {  	v24 =	vor.u32 @p1 v2, v24  }
0x5ad: {  	[tilespmem:s13+$0xF0D0] =	vst @p0 v28;
	v28 =	vadd.s32 @p0 v11, v18  }
0x5ae: {  	v27 =	vld.idx.msk @p0 [tilespmem:v27+s2+$0x0], $0xffff;
	v28 =	vand.u32 @p0 $0xFFFFFFF8, v28  }
0x5af: {  	v48 =	vadd.s32 v10, v17;
	v28 =	vor.u32 @p0 v2, v28;
	[tilespmem:s5+$0x9050] =	vst v29  }
0x5b0: {  	[tilespmem:s15+$0xF150] =	vst @p1 v25;
	v25 =	vadd.s32 @p1 v12, v19;
	v29 =	vand.u32 $0xFFFFFFF8, v48;
	v26 =	vld.idx.msk [tilespmem:v26+s2+$0x0], $0xffff  }
0x5b1: {  	v24 =	vld.idx.msk @p1 [tilespmem:v24+s2+$0x0], $0xffff;
	v25 =	vand.u32 @p1 $0xFFFFFFF8, v25;
	v29 =	vor.u32 v2, v29  }
0x5b2: {  	v25 =	vor.u32 @p1 v2, v25  }
0x5b3: {  	[tilespmem:s13+$0xF150] =	vst @p0 v27;
	v27 =	vadd.s32 @p0 v12, v18  }
0x5b4: {  	v28 =	vld.idx.msk @p0 [tilespmem:v28+s2+$0x0], $0xffff;
	v27 =	vand.u32 @p0 $0xFFFFFFF8, v27  }
0x5b5: {  	v49 =	vadd.s32 v11, v17;
	v27 =	vor.u32 @p0 v2, v27;
	[tilespmem:s5+$0xF0D0] =	vst v26  }
0x5b6: {  	[tilespmem:s15+$0xF1D0] =	vst @p1 v24;
	v24 =	vadd.s32 @p1 v13, v19;
	v26 =	vand.u32 $0xFFFFFFF8, v49;
	v29 =	vld.idx.msk [tilespmem:v29+s2+$0x0], $0xffff  }
0x5b7: {  	v25 =	vld.idx.msk @p1 [tilespmem:v25+s2+$0x0], $0xffff;
	v24 =	vand.u32 @p1 $0xFFFFFFF8, v24;
	v26 =	vor.u32 v2, v26  }
0x5b8: {  	v24 =	vor.u32 @p1 v2, v24  }
0x5b9: {  	[tilespmem:s13+$0xF1D0] =	vst @p0 v28;
	v28 =	vadd.s32 @p0 v13, v18  }
0x5ba: {  	v27 =	vld.idx.msk @p0 [tilespmem:v27+s2+$0x0], $0xffff;
	v28 =	vand.u32 @p0 $0xFFFFFFF8, v28  }
0x5bb: {  	v50 =	vadd.s32 v12, v17;
	v28 =	vor.u32 @p0 v2, v28;
	[tilespmem:s5+$0xF150] =	vst v29  }
0x5bc: {  	[tilespmem:s15+$0xF250] =	vst @p1 v25;
	v25 =	vadd.s32 @p1 v14, v19;
	v29 =	vand.u32 $0xFFFFFFF8, v50;
	v26 =	vld.idx.msk [tilespmem:v26+s2+$0x0], $0xffff  }
0x5bd: {  	v24 =	vld.idx.msk @p1 [tilespmem:v24+s2+$0x0], $0xffff;
	v25 =	vand.u32 @p1 $0xFFFFFFF8, v25;
	v29 =	vor.u32 v2, v29  }
0x5be: {  	v25 =	vor.u32 @p1 v2, v25  }
0x5bf: {  	[tilespmem:s13+$0xF250] =	vst @p0 v27;
	v27 =	vadd.s32 @p0 v14, v18  }
0x5c0: {  	v28 =	vld.idx.msk @p0 [tilespmem:v28+s2+$0x0], $0xffff;
	v27 =	vand.u32 @p0 $0xFFFFFFF8, v27  }
0x5c1: {  	s1 =	smov.u32 @p1 s15;
	v51 =	vadd.s32 v13, v17;
	v27 =	vor.u32 @p0 v2, v27;
	[tilespmem:s5+$0xF1D0] =	vst v26  }
0x5c2: {  	[tilespmem:s1+$0xF2D0] =	vst @p1 v24;
	v24 =	vadd.s32 @p1 v15, v19;
	v26 =	vand.u32 $0xFFFFFFF8, v51;
	v29 =	vld.idx.msk [tilespmem:v29+s2+$0x0], $0xffff  }
0x5c3: {  	v25 =	vld.idx.msk @p1 [tilespmem:v25+s2+$0x0], $0xffff;
	v24 =	vand.u32 @p1 $0xFFFFFFF8, v24;
	v26 =	vor.u32 v2, v26  }
0x5c4: {  	s6 =	smov.u32 @p0 s13;
	v24 =	vor.u32 @p1 v2, v24  }
0x5c5: {  	[tilespmem:s6+$0xF2D0] =	vst @p0 v28;
	v28 =	vadd.s32 @p0 v15, v18  }
0x5c6: {  	v27 =	vld.idx.msk @p0 [tilespmem:v27+s2+$0x0], $0xffff;
	v28 =	vand.u32 @p0 $0xFFFFFFF8, v28  }
0x5c7: {  	v52 =	vadd.s32 v14, v17;
	v28 =	vor.u32 @p0 v2, v28;
	[tilespmem:s5+$0xF250] =	vst v29  }
0x5c8: {  	v54 =	vand.u32 $0xFFFFFFF8, v52;
	v19 =	vadd.s32 @p1 v16, v19;
	[tilespmem:s1+$0xF350] =	vst @p1 v25;
	v53 =	vld.idx.msk [tilespmem:v26+s2+$0x0], $0xffff  }
0x5c9: {  	v19 =	vand.u32 @p1 $0xFFFFFFF8, v19;
	v24 =	vld.idx.msk @p1 [tilespmem:v24+s2+$0x0], $0xffff;
	v26 =	vor.u32 v2, v54  }
0x5ca: {  	v19 =	vor.u32 @p1 v2, v19  }
0x5cb: {  	v18 =	vadd.s32 @p0 v16, v18;
	v19 =	vpsel p1, v19, v0;
	[tilespmem:s6+$0xF350] =	vst @p0 v27  }
0x5cc: {  	v18 =	vand.u32 @p0 $0xFFFFFFF8, v18;
	v27 =	vld.idx.msk @p0 [tilespmem:v28+s2+$0x0], $0xffff  }
0x5cd: {  	v55 =	vadd.s32 v15, v17;
	v18 =	vor.u32 @p0 v2, v18;
	[tilespmem:s5+$0xF2D0] =	vst v53  }
0x5ce: {  	s13 =	smov.u32 @p1 s1;
	v18 =	vpsel p0, v18, v0;
	v25 =	vand.u32 $0xFFFFFFF8, v55;
	v24 =	vpsel p1, v24, v0;
	v26 =	vld.idx.msk [tilespmem:v26+s2+$0x0], $0xffff  }
0x5cf: {  	v56 =	vor.u32 v2, v25;
	[tilespmem:s13+$0xF3D0] =	vst @p1 v24  }
0x5d0: {  	v19 =	vld.idx.msk @p1 [tilespmem:v19+s2+$0x0], $0xffff  }
0x5d1: {  	s12 =	smov.u32 @p0 s6;
	s1 =	smov.u32 @p1 s14;
	v25 =	vpsel p0, v27, v0  }
0x5d2: {  	s1 =	smov.u32 @p1 s1;
	[tilespmem:s12+$0xF3D0] =	vst @p0 v25  }
0x5d3: {  	v17 =	vadd.s32 v16, v17;
	p5 =	slt.s32 @p1 s1, $0xC10;
	v18 =	vld.idx.msk @p0 [tilespmem:v18+s2+$0x0], $0xffff;
	[tilespmem:s5+$0xF350] =	vst v26  }
0x5d4: {  	v17 =	vand.u32 $0xFFFFFFF8, v17;
	s6 =	smov.u32 s1;
	p5 =	por !p5, !p1;
	v24 =	vld.idx.msk [tilespmem:v56+s2+$0x0], $0xffff  }
0x5d5: {  	s4 =	smov.u32 @p0 s4;
	v17 =	vor.u32 v2, v17;
	s6 =	simm.s32 @p5 $0xC10;
	[tilespmem:s13+$0xF450] =	vst @p1 v19  }
0x5d6: {  	p5 =	slt.s32 @p0 s4, $0xC10;
	v19 =	vld @p1 [tilespmem:s6+$0x8060]  }
0x5d7: {  	p5 =	por !p5, !p0;
	s6 =	smov.u32 s4  }
0x5d8: {  	[tilespmem:s12+$0xF450] =	vst @p0 v18;
	s6 =	simm.s32 @p5 $0xC10  }
0x5d9: {  	v18 =	vld @p0 [tilespmem:s6+$0x8060];
	[tilespmem:s5+$0xF3D0] =	vst v24  }
0x5da: {  	v17 =	vld.idx.msk [tilespmem:v17+s2+$0x0], $0xffff  }
0x5db: {  	v19 =	vshll.u32 @p1 v19, $0x4  }
0x5dc: {  	v24 =	vor.u32 @p1 v0, v19;
	_ =	sdelay $0x1  }
0x5dd: {  	p5 =	slt.s32 s9, $0xC10;
	s6 =	smov.u32 s9  }
0x5de: {  	s6 =	simm.s32 @!p5 $0xC10;
	v18 =	vshll.u32 @p0 v18, $0x4;
	[tilespmem:s5+$0xF450] =	vst v17  }
0x5df: {  	v25 =	vadd.s32 @p1 v1, v19;
	v26 =	vor.u32 @p0 v0, v18;
	v17 =	vld [tilespmem:s6+$0x8060]  }
0x5e0: {  	v27 =	vadd.s32 @p2 v3, v22;
	v25 =	vand.u32 @p1 $0xFFFFFFF8, v25;
	v24 =	vld.idx.msk @p1 [tilespmem:v24+s2+$0x0], $0xffff  }
0x5e1: {  	v27 =	vand.u32 @p2 $0xFFFFFFF8, v27;
	v25 =	vor.u32 @p1 v2, v25  }
0x5e2: {  	v27 =	vor.u32 @p2 v2, v27  }
0x5e3: {  	v28 =	vadd.s32 @p0 v1, v18  }
0x5e4: {  	v28 =	vand.u32 @p0 $0xFFFFFFF8, v28;
	v26 =	vld.idx.msk @p0 [tilespmem:v26+s2+$0x0], $0xffff  }
0x5e5: {  	v28 =	vor.u32 @p0 v2, v28;
	[tilespmem:s13+$0x8CE0] =	vst @p1 v24;
	v24 =	vadd.s32 @p1 v3, v19;
	v17 =	vshll.u32 v17, $0x4  }
0x5e6: {  	[tilespmem:s18+$0x8D60] =	vst @p2 v23;
	v23 =	vadd.s32 @p2 v4, v22;
	v25 =	vld.idx.msk @p1 [tilespmem:v25+s2+$0x0], $0xffff;
	v24 =	vand.u32 @p1 $0xFFFFFFF8, v24;
	v57 =	vor.u32 v0, v17  }
0x5e7: {  	v23 =	vand.u32 @p2 $0xFFFFFFF8, v23;
	v27 =	vld.idx.msk @p2 [tilespmem:v27+s2+$0x0], $0xffff;
	v24 =	vor.u32 @p1 v2, v24  }
0x5e8: {  	v23 =	vor.u32 @p2 v2, v23  }
0x5e9: {  	[tilespmem:s12+$0x8CE0] =	vst @p0 v26;
	v26 =	vadd.s32 @p0 v3, v18  }
0x5ea: {  	v58 =	vadd.s32 v1, v17;
	v28 =	vld.idx.msk @p0 [tilespmem:v28+s2+$0x0], $0xffff;
	v26 =	vand.u32 @p0 $0xFFFFFFF8, v26  }
0x5eb: {  	v30 =	vand.u32 $0xFFFFFFF8, v58;
	v26 =	vor.u32 @p0 v2, v26;
	[tilespmem:s13+$0x8D60] =	vst @p1 v25;
	v25 =	vadd.s32 @p1 v4, v19;
	v29 =	vld.idx.msk [tilespmem:v57+s2+$0x0], $0xffff  }
0x5ec: {  	[tilespmem:s18+$0x8DE0] =	vst @p2 v27;
	v27 =	vadd.s32 @p2 v5, v22;
	v30 =	vor.u32 v2, v30;
	v24 =	vld.idx.msk @p1 [tilespmem:v24+s2+$0x0], $0xffff;
	v25 =	vand.u32 @p1 $0xFFFFFFF8, v25  }
0x5ed: {  	v23 =	vld.idx.msk @p2 [tilespmem:v23+s2+$0x0], $0xffff;
	v27 =	vand.u32 @p2 $0xFFFFFFF8, v27;
	v25 =	vor.u32 @p1 v2, v25  }
0x5ee: {  	v27 =	vor.u32 @p2 v2, v27  }
0x5ef: {  	[tilespmem:s12+$0x8D60] =	vst @p0 v28;
	v28 =	vadd.s32 @p0 v4, v18  }
0x5f0: {  	v59 =	vadd.s32 v3, v17;
	v26 =	vld.idx.msk @p0 [tilespmem:v26+s2+$0x0], $0xffff;
	v28 =	vand.u32 @p0 $0xFFFFFFF8, v28;
	[tilespmem:s5+$0x8CE0] =	vst v29  }
0x5f1: {  	v28 =	vor.u32 @p0 v2, v28;
	v29 =	vand.u32 $0xFFFFFFF8, v59;
	[tilespmem:s13+$0x8DE0] =	vst @p1 v24;
	v24 =	vadd.s32 @p1 v5, v19;
	v30 =	vld.idx.msk [tilespmem:v30+s2+$0x0], $0xffff  }
0x5f2: {  	[tilespmem:s18+$0x8E60] =	vst @p2 v23;
	v23 =	vadd.s32 @p2 v6, v22;
	v29 =	vor.u32 v2, v29;
	v25 =	vld.idx.msk @p1 [tilespmem:v25+s2+$0x0], $0xffff;
	v24 =	vand.u32 @p1 $0xFFFFFFF8, v24  }
0x5f3: {  	v27 =	vld.idx.msk @p2 [tilespmem:v27+s2+$0x0], $0xffff;
	v23 =	vand.u32 @p2 $0xFFFFFFF8, v23;
	v24 =	vor.u32 @p1 v2, v24  }
0x5f4: {  	v23 =	vor.u32 @p2 v2, v23  }
0x5f5: {  	[tilespmem:s12+$0x8DE0] =	vst @p0 v26;
	v26 =	vadd.s32 @p0 v5, v18  }
0x5f6: {  	v60 =	vadd.s32 v4, v17;
	v28 =	vld.idx.msk @p0 [tilespmem:v28+s2+$0x0], $0xffff;
	v26 =	vand.u32 @p0 $0xFFFFFFF8, v26;
	[tilespmem:s5+$0x8D60] =	vst v30  }
0x5f7: {  	v26 =	vor.u32 @p0 v2, v26;
	v30 =	vand.u32 $0xFFFFFFF8, v60;
	[tilespmem:s13+$0x8E60] =	vst @p1 v25;
	v25 =	vadd.s32 @p1 v6, v19;
	v29 =	vld.idx.msk [tilespmem:v29+s2+$0x0], $0xffff  }
0x5f8: {  	[tilespmem:s18+$0x8EE0] =	vst @p2 v27;
	v27 =	vadd.s32 @p2 v7, v22;
	v30 =	vor.u32 v2, v30;
	v24 =	vld.idx.msk @p1 [tilespmem:v24+s2+$0x0], $0xffff;
	v25 =	vand.u32 @p1 $0xFFFFFFF8, v25  }
0x5f9: {  	v23 =	vld.idx.msk @p2 [tilespmem:v23+s2+$0x0], $0xffff;
	v27 =	vand.u32 @p2 $0xFFFFFFF8, v27;
	v25 =	vor.u32 @p1 v2, v25  }
0x5fa: {  	v27 =	vor.u32 @p2 v2, v27  }
0x5fb: {  	[tilespmem:s12+$0x8E60] =	vst @p0 v28;
	v28 =	vadd.s32 @p0 v6, v18  }
0x5fc: {  	v61 =	vadd.s32 v5, v17;
	v26 =	vld.idx.msk @p0 [tilespmem:v26+s2+$0x0], $0xffff;
	v28 =	vand.u32 @p0 $0xFFFFFFF8, v28;
	[tilespmem:s5+$0x8DE0] =	vst v29  }
0x5fd: {  	v28 =	vor.u32 @p0 v2, v28;
	v29 =	vand.u32 $0xFFFFFFF8, v61;
	[tilespmem:s13+$0x8EE0] =	vst @p1 v24;
	v24 =	vadd.s32 @p1 v7, v19;
	v30 =	vld.idx.msk [tilespmem:v30+s2+$0x0], $0xffff  }
0x5fe: {  	[tilespmem:s18+$0x8F60] =	vst @p2 v23;
	v23 =	vadd.s32 @p2 v8, v22;
	v29 =	vor.u32 v2, v29;
	v25 =	vld.idx.msk @p1 [tilespmem:v25+s2+$0x0], $0xffff;
	v24 =	vand.u32 @p1 $0xFFFFFFF8, v24  }
0x5ff: {  	v27 =	vld.idx.msk @p2 [tilespmem:v27+s2+$0x0], $0xffff;
	v23 =	vand.u32 @p2 $0xFFFFFFF8, v23;
	v24 =	vor.u32 @p1 v2, v24  }
0x600: {  	v23 =	vor.u32 @p2 v2, v23  }
0x601: {  	[tilespmem:s12+$0x8EE0] =	vst @p0 v26;
	v26 =	vadd.s32 @p0 v7, v18  }
0x602: {  	v62 =	vadd.s32 v6, v17;
	v28 =	vld.idx.msk @p0 [tilespmem:v28+s2+$0x0], $0xffff;
	v26 =	vand.u32 @p0 $0xFFFFFFF8, v26;
	[tilespmem:s5+$0x8E60] =	vst v30  }
0x603: {  	v26 =	vor.u32 @p0 v2, v26;
	v30 =	vand.u32 $0xFFFFFFF8, v62;
	[tilespmem:s13+$0x8F60] =	vst @p1 v25;
	v25 =	vadd.s32 @p1 v8, v19;
	v29 =	vld.idx.msk [tilespmem:v29+s2+$0x0], $0xffff  }
0x604: {  	[tilespmem:s18+$0x8FE0] =	vst @p2 v27;
	v27 =	vadd.s32 @p2 v9, v22;
	v30 =	vor.u32 v2, v30;
	v24 =	vld.idx.msk @p1 [tilespmem:v24+s2+$0x0], $0xffff;
	v25 =	vand.u32 @p1 $0xFFFFFFF8, v25  }
0x605: {  	v23 =	vld.idx.msk @p2 [tilespmem:v23+s2+$0x0], $0xffff;
	v27 =	vand.u32 @p2 $0xFFFFFFF8, v27;
	v25 =	vor.u32 @p1 v2, v25  }
0x606: {  	v27 =	vor.u32 @p2 v2, v27  }
0x607: {  	[tilespmem:s12+$0x8F60] =	vst @p0 v28;
	v28 =	vadd.s32 @p0 v8, v18  }
0x608: {  	v63 =	vadd.s32 v7, v17;
	v26 =	vld.idx.msk @p0 [tilespmem:v26+s2+$0x0], $0xffff;
	v28 =	vand.u32 @p0 $0xFFFFFFF8, v28;
	[tilespmem:s5+$0x8EE0] =	vst v29  }
0x609: {  	v28 =	vor.u32 @p0 v2, v28;
	v29 =	vand.u32 $0xFFFFFFF8, v63;
	[tilespmem:s13+$0x8FE0] =	vst @p1 v24;
	v24 =	vadd.s32 @p1 v9, v19;
	v30 =	vld.idx.msk [tilespmem:v30+s2+$0x0], $0xffff  }
0x60a: {  	[tilespmem:s18+$0x9060] =	vst @p2 v23;
	v23 =	vadd.s32 @p2 v10, v22;
	v29 =	vor.u32 v2, v29;
	v25 =	vld.idx.msk @p1 [tilespmem:v25+s2+$0x0], $0xffff;
	v24 =	vand.u32 @p1 $0xFFFFFFF8, v24  }
0x60b: {  	v27 =	vld.idx.msk @p2 [tilespmem:v27+s2+$0x0], $0xffff;
	v23 =	vand.u32 @p2 $0xFFFFFFF8, v23;
	v24 =	vor.u32 @p1 v2, v24  }
0x60c: {  	v23 =	vor.u32 @p2 v2, v23  }
0x60d: {  	[tilespmem:s12+$0x8FE0] =	vst @p0 v26;
	v26 =	vadd.s32 @p0 v9, v18  }
0x60e: {  	v33 =	vadd.s32 v8, v17;
	v28 =	vld.idx.msk @p0 [tilespmem:v28+s2+$0x0], $0xffff;
	v26 =	vand.u32 @p0 $0xFFFFFFF8, v26;
	[tilespmem:s5+$0x8F60] =	vst v30  }
0x60f: {  	v26 =	vor.u32 @p0 v2, v26;
	v30 =	vand.u32 $0xFFFFFFF8, v33;
	[tilespmem:s13+$0x9060] =	vst @p1 v25;
	v25 =	vadd.s32 @p1 v10, v19;
	v29 =	vld.idx.msk [tilespmem:v29+s2+$0x0], $0xffff  }
0x610: {  	[tilespmem:s18+$0xF0E0] =	vst @p2 v27;
	v27 =	vadd.s32 @p2 v11, v22;
	v30 =	vor.u32 v2, v30;
	v24 =	vld.idx.msk @p1 [tilespmem:v24+s2+$0x0], $0xffff;
	v25 =	vand.u32 @p1 $0xFFFFFFF8, v25  }
0x611: {  	v23 =	vld.idx.msk @p2 [tilespmem:v23+s2+$0x0], $0xffff;
	v27 =	vand.u32 @p2 $0xFFFFFFF8, v27;
	v25 =	vor.u32 @p1 v2, v25  }
0x612: {  	v27 =	vor.u32 @p2 v2, v27  }
0x613: {  	[tilespmem:s12+$0x9060] =	vst @p0 v28;
	v28 =	vadd.s32 @p0 v10, v18  }
0x614: {  	v34 =	vadd.s32 v9, v17;
	v26 =	vld.idx.msk @p0 [tilespmem:v26+s2+$0x0], $0xffff;
	v28 =	vand.u32 @p0 $0xFFFFFFF8, v28;
	[tilespmem:s5+$0x8FE0] =	vst v29  }
0x615: {  	v28 =	vor.u32 @p0 v2, v28;
	v29 =	vand.u32 $0xFFFFFFF8, v34;
	[tilespmem:s13+$0xF0E0] =	vst @p1 v24;
	v24 =	vadd.s32 @p1 v11, v19;
	v30 =	vld.idx.msk [tilespmem:v30+s2+$0x0], $0xffff  }
0x616: {  	[tilespmem:s18+$0xF160] =	vst @p2 v23;
	v23 =	vadd.s32 @p2 v12, v22;
	v29 =	vor.u32 v2, v29;
	v25 =	vld.idx.msk @p1 [tilespmem:v25+s2+$0x0], $0xffff;
	v24 =	vand.u32 @p1 $0xFFFFFFF8, v24  }
0x617: {  	v27 =	vld.idx.msk @p2 [tilespmem:v27+s2+$0x0], $0xffff;
	v23 =	vand.u32 @p2 $0xFFFFFFF8, v23;
	v24 =	vor.u32 @p1 v2, v24  }
0x618: {  	v23 =	vor.u32 @p2 v2, v23  }
0x619: {  	[tilespmem:s12+$0xF0E0] =	vst @p0 v26;
	v26 =	vadd.s32 @p0 v11, v18  }
0x61a: {  	v35 =	vadd.s32 v10, v17;
	v28 =	vld.idx.msk @p0 [tilespmem:v28+s2+$0x0], $0xffff;
	v26 =	vand.u32 @p0 $0xFFFFFFF8, v26;
	[tilespmem:s5+$0x9060] =	vst v30  }
0x61b: {  	v26 =	vor.u32 @p0 v2, v26;
	v30 =	vand.u32 $0xFFFFFFF8, v35;
	[tilespmem:s13+$0xF160] =	vst @p1 v25;
	v25 =	vadd.s32 @p1 v12, v19;
	v29 =	vld.idx.msk [tilespmem:v29+s2+$0x0], $0xffff  }
0x61c: {  	[tilespmem:s18+$0xF1E0] =	vst @p2 v27;
	v27 =	vadd.s32 @p2 v13, v22;
	v30 =	vor.u32 v2, v30;
	v24 =	vld.idx.msk @p1 [tilespmem:v24+s2+$0x0], $0xffff;
	v25 =	vand.u32 @p1 $0xFFFFFFF8, v25  }
0x61d: {  	v23 =	vld.idx.msk @p2 [tilespmem:v23+s2+$0x0], $0xffff;
	v27 =	vand.u32 @p2 $0xFFFFFFF8, v27;
	v25 =	vor.u32 @p1 v2, v25  }
0x61e: {  	v27 =	vor.u32 @p2 v2, v27  }
0x61f: {  	[tilespmem:s12+$0xF160] =	vst @p0 v28;
	v28 =	vadd.s32 @p0 v12, v18  }
0x620: {  	v36 =	vadd.s32 v11, v17;
	v26 =	vld.idx.msk @p0 [tilespmem:v26+s2+$0x0], $0xffff;
	v28 =	vand.u32 @p0 $0xFFFFFFF8, v28;
	[tilespmem:s5+$0xF0E0] =	vst v29  }
0x621: {  	v28 =	vor.u32 @p0 v2, v28;
	v29 =	vand.u32 $0xFFFFFFF8, v36;
	[tilespmem:s13+$0xF1E0] =	vst @p1 v24;
	v24 =	vadd.s32 @p1 v13, v19;
	v30 =	vld.idx.msk [tilespmem:v30+s2+$0x0], $0xffff  }
0x622: {  	[tilespmem:s18+$0xF260] =	vst @p2 v23;
	v23 =	vadd.s32 @p2 v14, v22;
	v29 =	vor.u32 v2, v29;
	v25 =	vld.idx.msk @p1 [tilespmem:v25+s2+$0x0], $0xffff;
	v24 =	vand.u32 @p1 $0xFFFFFFF8, v24  }
0x623: {  	v27 =	vld.idx.msk @p2 [tilespmem:v27+s2+$0x0], $0xffff;
	v23 =	vand.u32 @p2 $0xFFFFFFF8, v23;
	v24 =	vor.u32 @p1 v2, v24  }
0x624: {  	v23 =	vor.u32 @p2 v2, v23  }
0x625: {  	[tilespmem:s12+$0xF1E0] =	vst @p0 v26;
	v26 =	vadd.s32 @p0 v13, v18  }
0x626: {  	v37 =	vadd.s32 v12, v17;
	v28 =	vld.idx.msk @p0 [tilespmem:v28+s2+$0x0], $0xffff;
	v26 =	vand.u32 @p0 $0xFFFFFFF8, v26;
	[tilespmem:s5+$0xF160] =	vst v30  }
0x627: {  	v26 =	vor.u32 @p0 v2, v26;
	v30 =	vand.u32 $0xFFFFFFF8, v37;
	[tilespmem:s13+$0xF260] =	vst @p1 v25;
	v25 =	vadd.s32 @p1 v14, v19;
	v29 =	vld.idx.msk [tilespmem:v29+s2+$0x0], $0xffff  }
0x628: {  	[tilespmem:s18+$0xF2E0] =	vst @p2 v27;
	v27 =	vadd.s32 @p2 v15, v22;
	v30 =	vor.u32 v2, v30;
	v24 =	vld.idx.msk @p1 [tilespmem:v24+s2+$0x0], $0xffff;
	v25 =	vand.u32 @p1 $0xFFFFFFF8, v25  }
0x629: {  	v23 =	vld.idx.msk @p2 [tilespmem:v23+s2+$0x0], $0xffff;
	v27 =	vand.u32 @p2 $0xFFFFFFF8, v27;
	v25 =	vor.u32 @p1 v2, v25  }
0x62a: {  	v27 =	vor.u32 @p2 v2, v27  }
0x62b: {  	[tilespmem:s12+$0xF260] =	vst @p0 v28;
	v28 =	vadd.s32 @p0 v14, v18  }
0x62c: {  	v38 =	vadd.s32 v13, v17;
	v26 =	vld.idx.msk @p0 [tilespmem:v26+s2+$0x0], $0xffff;
	v28 =	vand.u32 @p0 $0xFFFFFFF8, v28;
	[tilespmem:s5+$0xF1E0] =	vst v29  }
0x62d: {  	v28 =	vor.u32 @p0 v2, v28;
	v29 =	vand.u32 $0xFFFFFFF8, v38;
	[tilespmem:s13+$0xF2E0] =	vst @p1 v24;
	v24 =	vadd.s32 @p1 v15, v19;
	v30 =	vld.idx.msk [tilespmem:v30+s2+$0x0], $0xffff  }
0x62e: {  	v22 =	vadd.s32 @p2 v16, v22;
	[tilespmem:s18+$0xF360] =	vst @p2 v23;
	v39 =	vor.u32 v2, v29;
	v23 =	vld.idx.msk @p1 [tilespmem:v25+s2+$0x0], $0xffff;
	v24 =	vand.u32 @p1 $0xFFFFFFF8, v24  }
0x62f: {  	v22 =	vand.u32 @p2 $0xFFFFFFF8, v22;
	v27 =	vld.idx.msk @p2 [tilespmem:v27+s2+$0x0], $0xffff;
	v24 =	vor.u32 @p1 v2, v24  }
0x630: {  	v22 =	vor.u32 @p2 v2, v22  }
0x631: {  	[tilespmem:s12+$0xF2E0] =	vst @p0 v26;
	v26 =	vadd.s32 @p0 v15, v18  }
0x632: {  	v40 =	vadd.s32 v14, v17;
	v28 =	vld.idx.msk @p0 [tilespmem:v28+s2+$0x0], $0xffff;
	v26 =	vand.u32 @p0 $0xFFFFFFF8, v26;
	[tilespmem:s5+$0xF260] =	vst v30  }
0x633: {  	s14 =	smov.u32 @p2 s18;
	v41 =	vand.u32 $0xFFFFFFF8, v40;
	v19 =	vadd.s32 @p1 v16, v19;
	[tilespmem:s13+$0xF360] =	vst @p1 v23;
	v23 =	vor.u32 @p0 v2, v26;
	v25 =	vld.idx.msk [tilespmem:v39+s2+$0x0], $0xffff  }
0x634: {  	[tilespmem:s14+$0xF3E0] =	vst @p2 v27;
	v19 =	vand.u32 @p1 $0xFFFFFFF8, v19;
	v26 =	vor.u32 v2, v41;
	v24 =	vld.idx.msk @p1 [tilespmem:v24+s2+$0x0], $0xffff  }
0x635: {  	v22 =	vld.idx.msk @p2 [tilespmem:v22+s2+$0x0], $0xffff;
	v19 =	vor.u32 @p1 v2, v19;
	_ =	sdelay $0x1  }
0x636: {  	v18 =	vadd.s32 @p0 v16, v18;
	[tilespmem:s12+$0xF360] =	vst @p0 v28  }
0x637: {  	p5 =	slt.s32 @p2 s3, $0xC00;
	v42 =	vadd.s32 v15, v17;
	v18 =	vand.u32 @p0 $0xFFFFFFF8, v18;
	v23 =	vld.idx.msk @p0 [tilespmem:v23+s2+$0x0], $0xffff;
	[tilespmem:s5+$0xF2E0] =	vst v25  }
0x638: {  	p5 =	por !p5, !p2;
	v18 =	vor.u32 @p0 v2, v18;
	v25 =	vand.u32 $0xFFFFFFF8, v42;
	[tilespmem:s13+$0xF3E0] =	vst @p1 v24;
	v43 =	vld.idx.msk [tilespmem:v26+s2+$0x0], $0xffff  }
0x639: {  	s3 =	simm.s32 @p5 $0xC00;
	[tilespmem:s14+$0xF460] =	vst @p2 v22;
	v44 =	vor.u32 v2, v25;
	v19 =	vld.idx.msk @p1 [tilespmem:v19+s2+$0x0], $0xffff  }
0x63a: {  	v25 =	vld @p2 [tilespmem:s3+$0x8070];
	_ =	sdelay $0x1  }
0x63b: {  	p5 =	slt.s32 @p1 s1, $0xC00;
	[tilespmem:s12+$0xF3E0] =	vst @p0 v23  }
0x63c: {  	p5 =	por !p5, !p1;
	v17 =	vadd.s32 v16, v17;
	v18 =	vld.idx.msk @p0 [tilespmem:v18+s2+$0x0], $0xffff;
	[tilespmem:s5+$0xF360] =	vst v43  }
0x63d: {  	s1 =	simm.s32 @p5 $0xC00;
	v17 =	vand.u32 $0xFFFFFFF8, v17;
	[tilespmem:s13+$0xF460] =	vst @p1 v19;
	v19 =	vld.idx.msk [tilespmem:v44+s2+$0x0], $0xffff  }
0x63e: {  	v17 =	vor.u32 v2, v17;
	v22 =	vpsel p2, v25, v0;
	v23 =	vld @p1 [tilespmem:s1+$0x8070]  }
0x63f: {  	p5 =	slt.s32 @p0 s4, $0xC00;
	v22 =	vshll.u32 @p2 v22, $0x4  }
0x640: {  	p5 =	por !p5, !p0;
	v24 =	vor.u32 @p2 v0, v22  }
0x641: {  	s4 =	simm.s32 @p5 $0xC00;
	[tilespmem:s12+$0xF460] =	vst @p0 v18  }
0x642: {  	v18 =	vld @p0 [tilespmem:s4+$0x8070];
	[tilespmem:s5+$0xF3E0] =	vst v19  }
0x643: {  	v19 =	vpsel p1, v23, v0;
	v17 =	vld.idx.msk [tilespmem:v17+s2+$0x0], $0xffff  }
0x644: {  	v23 =	vadd.s32 @p2 v1, v22;
	v19 =	vshll.u32 @p1 v19, $0x4  }
0x645: {  	v24 =	vld.idx.msk @p2 [tilespmem:v24+s2+$0x0], $0xffff;
	v23 =	vand.u32 @p2 $0xFFFFFFF8, v23;
	v25 =	vor.u32 @p1 v0, v19  }
0x646: {  	v23 =	vor.u32 @p2 v2, v23  }
0x647: {  	p5 =	slt.s32 s9, $0xC00  }
0x648: {  	s9 =	simm.s32 @!p5 $0xC00;
	v18 =	vpsel p0, v18, v0;
	[tilespmem:s5+$0xF460] =	vst v17  }
0x649: {  	s3 =	smov.u32 @p2 s14;
	v17 =	vadd.s32 @p1 v1, v19;
	v18 =	vshll.u32 @p0 v18, $0x4;
	v45 =	vld [tilespmem:s9+$0x8070]  }
0x64a: {  	[tilespmem:s3+$0x8CF0] =	vst @p2 v24;
	v24 =	vadd.s32 @p2 v3, v22;
	v17 =	vand.u32 @p1 $0xFFFFFFF8, v17;
	v27 =	vor.u32 @p0 v0, v18;
	v25 =	vld.idx.msk @p1 [tilespmem:v25+s2+$0x0], $0xffff  }
0x64b: {  	v28 =	vadd.s32 @p3 v4, v20;
	v24 =	vand.u32 @p2 $0xFFFFFFF8, v24;
	v23 =	vld.idx.msk @p2 [tilespmem:v23+s2+$0x0], $0xffff;
	v29 =	vor.u32 @p1 v2, v17  }
0x64c: {  	v17 =	vand.u32 @p3 $0xFFFFFFF8, v28;
	v24 =	vor.u32 @p2 v2, v24  }
0x64d: {  	v28 =	vor.u32 @p3 v2, v17  }
0x64e: {  	s1 =	smov.u32 @p1 s13;
	v30 =	vadd.s32 @p0 v1, v18;
	v17 =	vshll.u32 v45, $0x4  }
0x64f: {  	v26 =	vld.idx.msk @p0 [tilespmem:v27+s2+$0x0], $0xffff;
	v27 =	vand.u32 @p0 $0xFFFFFFF8, v30;
	[tilespmem:s1+$0x8CF0] =	vst @p1 v25;
	v25 =	vadd.s32 @p1 v3, v19;
	v46 =	vor.u32 v0, v17  }
0x650: {  	[tilespmem:s3+$0x8D70] =	vst @p2 v23;
	v23 =	vadd.s32 @p2 v4, v22;
	v27 =	vor.u32 @p0 v2, v27;
	v29 =	vld.idx.msk @p1 [tilespmem:v29+s2+$0x0], $0xffff;
	v25 =	vand.u32 @p1 $0xFFFFFFF8, v25  }
0x651: {  	[tilespmem:s10+$0x8DF0] =	vst @p3 v21;
	v21 =	vadd.s32 @p3 v5, v20;
	v24 =	vld.idx.msk @p2 [tilespmem:v24+s2+$0x0], $0xffff;
	v23 =	vand.u32 @p2 $0xFFFFFFF8, v23;
	v25 =	vor.u32 @p1 v2, v25  }
0x652: {  	v21 =	vand.u32 @p3 $0xFFFFFFF8, v21;
	v28 =	vld.idx.msk @p3 [tilespmem:v28+s2+$0x0], $0xffff;
	v23 =	vor.u32 @p2 v2, v23  }
0x653: {  	v21 =	vor.u32 @p3 v2, v21;
	s4 =	smov.u32 @p0 s12;
	v47 =	vadd.s32 v1, v17  }
0x654: {  	v31 =	vand.u32 $0xFFFFFFF8, v47;
	[tilespmem:s4+$0x8CF0] =	vst @p0 v26;
	v26 =	vadd.s32 @p0 v3, v18;
	v30 =	vld.idx.msk [tilespmem:v46+s2+$0x0], $0xffff  }
0x655: {  	v31 =	vor.u32 v2, v31;
	v27 =	vld.idx.msk @p0 [tilespmem:v27+s2+$0x0], $0xffff;
	v26 =	vand.u32 @p0 $0xFFFFFFF8, v26;
	[tilespmem:s1+$0x8D70] =	vst @p1 v29;
	v29 =	vadd.s32 @p1 v4, v19  }
0x656: {  	[tilespmem:s3+$0x8DF0] =	vst @p2 v24;
	v24 =	vadd.s32 @p2 v5, v22;
	v26 =	vor.u32 @p0 v2, v26;
	v25 =	vld.idx.msk @p1 [tilespmem:v25+s2+$0x0], $0xffff;
	v29 =	vand.u32 @p1 $0xFFFFFFF8, v29  }
0x657: {  	[tilespmem:s10+$0x8E70] =	vst @p3 v28;
	v28 =	vadd.s32 @p3 v6, v20;
	v23 =	vld.idx.msk @p2 [tilespmem:v23+s2+$0x0], $0xffff;
	v24 =	vand.u32 @p2 $0xFFFFFFF8, v24;
	v29 =	vor.u32 @p1 v2, v29  }
0x658: {  	v21 =	vld.idx.msk @p3 [tilespmem:v21+s2+$0x0], $0xffff;
	v28 =	vand.u32 @p3 $0xFFFFFFF8, v28;
	v24 =	vor.u32 @p2 v2, v24  }
0x659: {  	v48 =	vadd.s32 v3, v17;
	v28 =	vor.u32 @p3 v2, v28;
	[tilespmem:s5+$0x8CF0] =	vst v30  }
0x65a: {  	[tilespmem:s4+$0x8D70] =	vst @p0 v27;
	v27 =	vadd.s32 @p0 v4, v18;
	v30 =	vand.u32 $0xFFFFFFF8, v48;
	v31 =	vld.idx.msk [tilespmem:v31+s2+$0x0], $0xffff  }
0x65b: {  	v26 =	vld.idx.msk @p0 [tilespmem:v26+s2+$0x0], $0xffff;
	v27 =	vand.u32 @p0 $0xFFFFFFF8, v27;
	v30 =	vor.u32 v2, v30;
	[tilespmem:s1+$0x8DF0] =	vst @p1 v25;
	v25 =	vadd.s32 @p1 v5, v19  }
0x65c: {  	[tilespmem:s3+$0x8E70] =	vst @p2 v23;
	v23 =	vadd.s32 @p2 v6, v22;
	v27 =	vor.u32 @p0 v2, v27;
	v29 =	vld.idx.msk @p1 [tilespmem:v29+s2+$0x0], $0xffff;
	v25 =	vand.u32 @p1 $0xFFFFFFF8, v25  }
0x65d: {  	[tilespmem:s10+$0x8EF0] =	vst @p3 v21;
	v21 =	vadd.s32 @p3 v7, v20;
	v24 =	vld.idx.msk @p2 [tilespmem:v24+s2+$0x0], $0xffff;
	v23 =	vand.u32 @p2 $0xFFFFFFF8, v23;
	v25 =	vor.u32 @p1 v2, v25  }
0x65e: {  	v28 =	vld.idx.msk @p3 [tilespmem:v28+s2+$0x0], $0xffff;
	v21 =	vand.u32 @p3 $0xFFFFFFF8, v21;
	v23 =	vor.u32 @p2 v2, v23  }
0x65f: {  	v49 =	vadd.s32 v4, v17;
	v21 =	vor.u32 @p3 v2, v21;
	[tilespmem:s5+$0x8D70] =	vst v31  }
0x660: {  	[tilespmem:s4+$0x8DF0] =	vst @p0 v26;
	v26 =	vadd.s32 @p0 v5, v18;
	v31 =	vand.u32 $0xFFFFFFF8, v49;
	v30 =	vld.idx.msk [tilespmem:v30+s2+$0x0], $0xffff  }
0x661: {  	v27 =	vld.idx.msk @p0 [tilespmem:v27+s2+$0x0], $0xffff;
	v26 =	vand.u32 @p0 $0xFFFFFFF8, v26;
	v31 =	vor.u32 v2, v31;
	[tilespmem:s1+$0x8E70] =	vst @p1 v29;
	v29 =	vadd.s32 @p1 v6, v19  }
0x662: {  	[tilespmem:s3+$0x8EF0] =	vst @p2 v24;
	v24 =	vadd.s32 @p2 v7, v22;
	v26 =	vor.u32 @p0 v2, v26;
	v25 =	vld.idx.msk @p1 [tilespmem:v25+s2+$0x0], $0xffff;
	v29 =	vand.u32 @p1 $0xFFFFFFF8, v29  }
0x663: {  	[tilespmem:s10+$0x8F70] =	vst @p3 v28;
	v28 =	vadd.s32 @p3 v8, v20;
	v23 =	vld.idx.msk @p2 [tilespmem:v23+s2+$0x0], $0xffff;
	v24 =	vand.u32 @p2 $0xFFFFFFF8, v24;
	v29 =	vor.u32 @p1 v2, v29  }
0x664: {  	v21 =	vld.idx.msk @p3 [tilespmem:v21+s2+$0x0], $0xffff;
	v28 =	vand.u32 @p3 $0xFFFFFFF8, v28;
	v24 =	vor.u32 @p2 v2, v24  }
0x665: {  	v50 =	vadd.s32 v5, v17;
	v28 =	vor.u32 @p3 v2, v28;
	[tilespmem:s5+$0x8DF0] =	vst v30  }
0x666: {  	[tilespmem:s4+$0x8E70] =	vst @p0 v27;
	v27 =	vadd.s32 @p0 v6, v18;
	v30 =	vand.u32 $0xFFFFFFF8, v50;
	v31 =	vld.idx.msk [tilespmem:v31+s2+$0x0], $0xffff  }
0x667: {  	v26 =	vld.idx.msk @p0 [tilespmem:v26+s2+$0x0], $0xffff;
	v27 =	vand.u32 @p0 $0xFFFFFFF8, v27;
	v30 =	vor.u32 v2, v30;
	[tilespmem:s1+$0x8EF0] =	vst @p1 v25;
	v25 =	vadd.s32 @p1 v7, v19  }
0x668: {  	[tilespmem:s3+$0x8F70] =	vst @p2 v23;
	v23 =	vadd.s32 @p2 v8, v22;
	v27 =	vor.u32 @p0 v2, v27;
	v29 =	vld.idx.msk @p1 [tilespmem:v29+s2+$0x0], $0xffff;
	v25 =	vand.u32 @p1 $0xFFFFFFF8, v25  }
0x669: {  	[tilespmem:s10+$0x8FF0] =	vst @p3 v21;
	v21 =	vadd.s32 @p3 v9, v20;
	v24 =	vld.idx.msk @p2 [tilespmem:v24+s2+$0x0], $0xffff;
	v23 =	vand.u32 @p2 $0xFFFFFFF8, v23;
	v25 =	vor.u32 @p1 v2, v25  }
0x66a: {  	v28 =	vld.idx.msk @p3 [tilespmem:v28+s2+$0x0], $0xffff;
	v21 =	vand.u32 @p3 $0xFFFFFFF8, v21;
	v23 =	vor.u32 @p2 v2, v23  }
0x66b: {  	v51 =	vadd.s32 v6, v17;
	v21 =	vor.u32 @p3 v2, v21;
	[tilespmem:s5+$0x8E70] =	vst v31  }
0x66c: {  	[tilespmem:s4+$0x8EF0] =	vst @p0 v26;
	v26 =	vadd.s32 @p0 v7, v18;
	v31 =	vand.u32 $0xFFFFFFF8, v51;
	v30 =	vld.idx.msk [tilespmem:v30+s2+$0x0], $0xffff  }
0x66d: {  	v27 =	vld.idx.msk @p0 [tilespmem:v27+s2+$0x0], $0xffff;
	v26 =	vand.u32 @p0 $0xFFFFFFF8, v26;
	v31 =	vor.u32 v2, v31;
	[tilespmem:s1+$0x8F70] =	vst @p1 v29;
	v29 =	vadd.s32 @p1 v8, v19  }
0x66e: {  	[tilespmem:s3+$0x8FF0] =	vst @p2 v24;
	v24 =	vadd.s32 @p2 v9, v22;
	v26 =	vor.u32 @p0 v2, v26;
	v25 =	vld.idx.msk @p1 [tilespmem:v25+s2+$0x0], $0xffff;
	v29 =	vand.u32 @p1 $0xFFFFFFF8, v29  }
0x66f: {  	[tilespmem:s10+$0x9070] =	vst @p3 v28;
	v28 =	vadd.s32 @p3 v10, v20;
	v23 =	vld.idx.msk @p2 [tilespmem:v23+s2+$0x0], $0xffff;
	v24 =	vand.u32 @p2 $0xFFFFFFF8, v24;
	v29 =	vor.u32 @p1 v2, v29  }
0x670: {  	v21 =	vld.idx.msk @p3 [tilespmem:v21+s2+$0x0], $0xffff;
	v28 =	vand.u32 @p3 $0xFFFFFFF8, v28;
	v24 =	vor.u32 @p2 v2, v24  }
0x671: {  	v52 =	vadd.s32 v7, v17;
	v28 =	vor.u32 @p3 v2, v28;
	[tilespmem:s5+$0x8EF0] =	vst v30  }
0x672: {  	[tilespmem:s4+$0x8F70] =	vst @p0 v27;
	v27 =	vadd.s32 @p0 v8, v18;
	v30 =	vand.u32 $0xFFFFFFF8, v52;
	v31 =	vld.idx.msk [tilespmem:v31+s2+$0x0], $0xffff  }
0x673: {  	v26 =	vld.idx.msk @p0 [tilespmem:v26+s2+$0x0], $0xffff;
	v27 =	vand.u32 @p0 $0xFFFFFFF8, v27;
	v30 =	vor.u32 v2, v30;
	[tilespmem:s1+$0x8FF0] =	vst @p1 v25;
	v25 =	vadd.s32 @p1 v9, v19  }
0x674: {  	[tilespmem:s3+$0x9070] =	vst @p2 v23;
	v23 =	vadd.s32 @p2 v10, v22;
	v27 =	vor.u32 @p0 v2, v27;
	v29 =	vld.idx.msk @p1 [tilespmem:v29+s2+$0x0], $0xffff;
	v25 =	vand.u32 @p1 $0xFFFFFFF8, v25  }
0x675: {  	[tilespmem:s10+$0xF0F0] =	vst @p3 v21;
	v21 =	vadd.s32 @p3 v11, v20;
	v24 =	vld.idx.msk @p2 [tilespmem:v24+s2+$0x0], $0xffff;
	v23 =	vand.u32 @p2 $0xFFFFFFF8, v23;
	v25 =	vor.u32 @p1 v2, v25  }
0x676: {  	v28 =	vld.idx.msk @p3 [tilespmem:v28+s2+$0x0], $0xffff;
	v21 =	vand.u32 @p3 $0xFFFFFFF8, v21;
	v23 =	vor.u32 @p2 v2, v23  }
0x677: {  	v53 =	vadd.s32 v8, v17;
	v21 =	vor.u32 @p3 v2, v21;
	[tilespmem:s5+$0x8F70] =	vst v31  }
0x678: {  	[tilespmem:s4+$0x8FF0] =	vst @p0 v26;
	v26 =	vadd.s32 @p0 v9, v18;
	v31 =	vand.u32 $0xFFFFFFF8, v53;
	v30 =	vld.idx.msk [tilespmem:v30+s2+$0x0], $0xffff  }
0x679: {  	v27 =	vld.idx.msk @p0 [tilespmem:v27+s2+$0x0], $0xffff;
	v26 =	vand.u32 @p0 $0xFFFFFFF8, v26;
	v31 =	vor.u32 v2, v31;
	[tilespmem:s1+$0x9070] =	vst @p1 v29;
	v29 =	vadd.s32 @p1 v10, v19  }
0x67a: {  	[tilespmem:s3+$0xF0F0] =	vst @p2 v24;
	v24 =	vadd.s32 @p2 v11, v22;
	v26 =	vor.u32 @p0 v2, v26;
	v25 =	vld.idx.msk @p1 [tilespmem:v25+s2+$0x0], $0xffff;
	v29 =	vand.u32 @p1 $0xFFFFFFF8, v29  }
0x67b: {  	[tilespmem:s10+$0xF170] =	vst @p3 v28;
	v28 =	vadd.s32 @p3 v12, v20;
	v23 =	vld.idx.msk @p2 [tilespmem:v23+s2+$0x0], $0xffff;
	v24 =	vand.u32 @p2 $0xFFFFFFF8, v24;
	v29 =	vor.u32 @p1 v2, v29  }
0x67c: {  	v21 =	vld.idx.msk @p3 [tilespmem:v21+s2+$0x0], $0xffff;
	v28 =	vand.u32 @p3 $0xFFFFFFF8, v28;
	v24 =	vor.u32 @p2 v2, v24  }
0x67d: {  	v54 =	vadd.s32 v9, v17;
	v28 =	vor.u32 @p3 v2, v28;
	[tilespmem:s5+$0x8FF0] =	vst v30  }
0x67e: {  	[tilespmem:s4+$0x9070] =	vst @p0 v27;
	v27 =	vadd.s32 @p0 v10, v18;
	v30 =	vand.u32 $0xFFFFFFF8, v54;
	v31 =	vld.idx.msk [tilespmem:v31+s2+$0x0], $0xffff  }
0x67f: {  	v26 =	vld.idx.msk @p0 [tilespmem:v26+s2+$0x0], $0xffff;
	v27 =	vand.u32 @p0 $0xFFFFFFF8, v27;
	v30 =	vor.u32 v2, v30;
	[tilespmem:s1+$0xF0F0] =	vst @p1 v25;
	v25 =	vadd.s32 @p1 v11, v19  }
0x680: {  	[tilespmem:s3+$0xF170] =	vst @p2 v23;
	v23 =	vadd.s32 @p2 v12, v22;
	v27 =	vor.u32 @p0 v2, v27;
	v29 =	vld.idx.msk @p1 [tilespmem:v29+s2+$0x0], $0xffff;
	v25 =	vand.u32 @p1 $0xFFFFFFF8, v25  }
0x681: {  	[tilespmem:s10+$0xF1F0] =	vst @p3 v21;
	v21 =	vadd.s32 @p3 v13, v20;
	v24 =	vld.idx.msk @p2 [tilespmem:v24+s2+$0x0], $0xffff;
	v23 =	vand.u32 @p2 $0xFFFFFFF8, v23;
	v25 =	vor.u32 @p1 v2, v25  }
0x682: {  	v28 =	vld.idx.msk @p3 [tilespmem:v28+s2+$0x0], $0xffff;
	v21 =	vand.u32 @p3 $0xFFFFFFF8, v21;
	v23 =	vor.u32 @p2 v2, v23  }
0x683: {  	v55 =	vadd.s32 v10, v17;
	v21 =	vor.u32 @p3 v2, v21;
	[tilespmem:s5+$0x9070] =	vst v31  }
0x684: {  	[tilespmem:s4+$0xF0F0] =	vst @p0 v26;
	v26 =	vadd.s32 @p0 v11, v18;
	v31 =	vand.u32 $0xFFFFFFF8, v55;
	v30 =	vld.idx.msk [tilespmem:v30+s2+$0x0], $0xffff  }
0x685: {  	v27 =	vld.idx.msk @p0 [tilespmem:v27+s2+$0x0], $0xffff;
	v26 =	vand.u32 @p0 $0xFFFFFFF8, v26;
	v31 =	vor.u32 v2, v31;
	[tilespmem:s1+$0xF170] =	vst @p1 v29;
	v29 =	vadd.s32 @p1 v12, v19  }
0x686: {  	[tilespmem:s3+$0xF1F0] =	vst @p2 v24;
	v24 =	vadd.s32 @p2 v13, v22;
	v26 =	vor.u32 @p0 v2, v26;
	v25 =	vld.idx.msk @p1 [tilespmem:v25+s2+$0x0], $0xffff;
	v29 =	vand.u32 @p1 $0xFFFFFFF8, v29  }
0x687: {  	[tilespmem:s10+$0xF270] =	vst @p3 v28;
	v28 =	vadd.s32 @p3 v14, v20;
	v23 =	vld.idx.msk @p2 [tilespmem:v23+s2+$0x0], $0xffff;
	v24 =	vand.u32 @p2 $0xFFFFFFF8, v24;
	v29 =	vor.u32 @p1 v2, v29  }
0x688: {  	v21 =	vld.idx.msk @p3 [tilespmem:v21+s2+$0x0], $0xffff;
	v28 =	vand.u32 @p3 $0xFFFFFFF8, v28;
	v24 =	vor.u32 @p2 v2, v24  }
0x689: {  	v56 =	vadd.s32 v11, v17;
	v28 =	vor.u32 @p3 v2, v28;
	[tilespmem:s5+$0xF0F0] =	vst v30  }
0x68a: {  	[tilespmem:s4+$0xF170] =	vst @p0 v27;
	v27 =	vadd.s32 @p0 v12, v18;
	v30 =	vand.u32 $0xFFFFFFF8, v56;
	v31 =	vld.idx.msk [tilespmem:v31+s2+$0x0], $0xffff  }
0x68b: {  	v26 =	vld.idx.msk @p0 [tilespmem:v26+s2+$0x0], $0xffff;
	v27 =	vand.u32 @p0 $0xFFFFFFF8, v27;
	v30 =	vor.u32 v2, v30;
	[tilespmem:s1+$0xF1F0] =	vst @p1 v25;
	v25 =	vadd.s32 @p1 v13, v19  }
0x68c: {  	[tilespmem:s3+$0xF270] =	vst @p2 v23;
	v23 =	vadd.s32 @p2 v14, v22;
	v27 =	vor.u32 @p0 v2, v27;
	v29 =	vld.idx.msk @p1 [tilespmem:v29+s2+$0x0], $0xffff;
	v25 =	vand.u32 @p1 $0xFFFFFFF8, v25  }
0x68d: {  	[tilespmem:s10+$0xF2F0] =	vst @p3 v21;
	v21 =	vadd.s32 @p3 v15, v20;
	v24 =	vld.idx.msk @p2 [tilespmem:v24+s2+$0x0], $0xffff;
	v23 =	vand.u32 @p2 $0xFFFFFFF8, v23;
	v25 =	vor.u32 @p1 v2, v25  }
0x68e: {  	v28 =	vld.idx.msk @p3 [tilespmem:v28+s2+$0x0], $0xffff;
	v21 =	vand.u32 @p3 $0xFFFFFFF8, v21;
	v23 =	vor.u32 @p2 v2, v23  }
0x68f: {  	v57 =	vadd.s32 v12, v17;
	v21 =	vor.u32 @p3 v2, v21;
	[tilespmem:s5+$0xF170] =	vst v31  }
0x690: {  	[tilespmem:s4+$0xF1F0] =	vst @p0 v26;
	v26 =	vadd.s32 @p0 v13, v18;
	v31 =	vand.u32 $0xFFFFFFF8, v57;
	v30 =	vld.idx.msk [tilespmem:v30+s2+$0x0], $0xffff  }
0x691: {  	v27 =	vld.idx.msk @p0 [tilespmem:v27+s2+$0x0], $0xffff;
	v26 =	vand.u32 @p0 $0xFFFFFFF8, v26;
	v31 =	vor.u32 v2, v31;
	[tilespmem:s1+$0xF270] =	vst @p1 v29;
	v29 =	vadd.s32 @p1 v14, v19  }
0x692: {  	[tilespmem:s3+$0xF2F0] =	vst @p2 v24;
	v24 =	vadd.s32 @p2 v15, v22;
	v26 =	vor.u32 @p0 v2, v26;
	v25 =	vld.idx.msk @p1 [tilespmem:v25+s2+$0x0], $0xffff;
	v29 =	vand.u32 @p1 $0xFFFFFFF8, v29  }
0x693: {  	v20 =	vadd.s32 @p3 v16, v20;
	[tilespmem:s10+$0xF370] =	vst @p3 v28;
	v23 =	vld.idx.msk @p2 [tilespmem:v23+s2+$0x0], $0xffff;
	v24 =	vand.u32 @p2 $0xFFFFFFF8, v24;
	v28 =	vor.u32 @p1 v2, v29  }
0x694: {  	v20 =	vand.u32 @p3 $0xFFFFFFF8, v20;
	v21 =	vld.idx.msk @p3 [tilespmem:v21+s2+$0x0], $0xffff;
	v24 =	vor.u32 @p2 v2, v24  }
0x695: {  	v58 =	vadd.s32 v13, v17;
	v20 =	vor.u32 @p3 v2, v20;
	[tilespmem:s5+$0xF1F0] =	vst v30  }
0x696: {  	v29 =	vand.u32 $0xFFFFFFF8, v58;
	[tilespmem:s4+$0xF270] =	vst @p0 v27;
	v27 =	vadd.s32 @p0 v14, v18;
	v30 =	vld.idx.msk [tilespmem:v31+s2+$0x0], $0xffff  }
0x697: {  	v29 =	vor.u32 v2, v29;
	v26 =	vld.idx.msk @p0 [tilespmem:v26+s2+$0x0], $0xffff;
	v27 =	vand.u32 @p0 $0xFFFFFFF8, v27;
	[tilespmem:s1+$0xF2F0] =	vst @p1 v25;
	v25 =	vadd.s32 @p1 v15, v19  }
0x698: {  	v22 =	vadd.s32 @p2 v16, v22;
	[tilespmem:s3+$0xF370] =	vst @p2 v23;
	v27 =	vor.u32 @p0 v2, v27;
	v23 =	vld.idx.msk @p1 [tilespmem:v28+s2+$0x0], $0xffff;
	v25 =	vand.u32 @p1 $0xFFFFFFF8, v25  }
0x699: {  	v22 =	vand.u32 @p2 $0xFFFFFFF8, v22;
	[tilespmem:s10+$0xF3F0] =	vst @p3 v21;
	v21 =	vld.idx.msk @p2 [tilespmem:v24+s2+$0x0], $0xffff;
	v24 =	vor.u32 @p1 v2, v25  }
0x69a: {  	v22 =	vor.u32 @p2 v2, v22;
	v20 =	vld.idx.msk @p3 [tilespmem:v20+s2+$0x0], $0xffff  }
0x69b: {  	v59 =	vadd.s32 v14, v17;
	[tilespmem:s5+$0xF270] =	vst v30  }
0x69c: {  	v25 =	vand.u32 $0xFFFFFFF8, v59;
	[tilespmem:s4+$0xF2F0] =	vst @p0 v26;
	v26 =	vadd.s32 @p0 v15, v18;
	v60 =	vld.idx.msk [tilespmem:v29+s2+$0x0], $0xffff  }
0x69d: {  	v19 =	vadd.s32 @p1 v16, v19;
	v25 =	vor.u32 v2, v25;
	v26 =	vand.u32 @p0 $0xFFFFFFF8, v26;
	[tilespmem:s1+$0xF370] =	vst @p1 v23;
	v23 =	vld.idx.msk @p0 [tilespmem:v27+s2+$0x0], $0xffff  }
0x69e: {  	s0 =	sadd.s32 @p4 $0x80, s0;
	s6 =	smov.u32 s31;
	v19 =	vand.u32 @p1 $0xFFFFFFF8, v19;
	[tilespmem:s3+$0xF3F0] =	vst @p2 v21;
	v21 =	vld.idx.msk @p1 [tilespmem:v24+s2+$0x0], $0xffff;
	v24 =	vor.u32 @p0 v2, v26  }
0x69f: {  	s6 =	smov.u32 @p4 s0;
	s0 =	sadd.s32 @p3 $0x8C80, s10;
	v19 =	vor.u32 @p1 v2, v19;
	[tilespmem:s10+$0xF470] =	vst @p3 v20;
	v20 =	vld.idx.msk @p2 [tilespmem:v22+s2+$0x0], $0xffff  }
0x6a0: {  	[hbm4b:s6+s2] =	stream.linear.scatter @p3 [tilespmem:s0], [sflag:$0x1], $0x400, $0x38;
	[tilespmem:$0x15480] =	vst v63  }
0x6a1: {  	s8 =	sadd.s32 @p3 $0x18700, s6;
	v61 =	vadd.s32 v15, v17;
	s0 =	sadd.s32 @p3 $0xF080, s10;
	[tilespmem:s5+$0xF2F0] =	vst v60  }
0x6a2: {  	v18 =	vadd.s32 @p0 v16, v18;
	v22 =	vand.u32 $0xFFFFFFF8, v61;
	[hbm4b:s8+s2] =	stream.linear.scatter @p3 [tilespmem:s0], [sflag:$0x1], $0x400, $0x38;
	[tilespmem:s4+$0xF370] =	vst @p0 v23;
	v62 =	vld.idx.msk [tilespmem:v25+s2+$0x0], $0xffff  }
0x6a3: {  	v18 =	vand.u32 @p0 $0xFFFFFFF8, v18;
	v22 =	vor.u32 v2, v22;
	s0 =	sadd.s32 @p3 $0x80, s6;
	s6 =	smov.u32 s31;
	[tilespmem:s1+$0xF3F0] =	vst @p1 v21;
	v21 =	vld.idx.msk @p0 [tilespmem:v24+s2+$0x0], $0xffff  }
0x6a4: {  	v18 =	vor.u32 @p0 v2, v18;
	s6 =	smov.u32 @p3 s0;
	s0 =	sadd.s32 @p2 $0x8C80, s3;
	[tilespmem:s3+$0xF470] =	vst @p2 v20;
	v19 =	vld.idx.msk @p1 [tilespmem:v19+s2+$0x0], $0xffff  }
0x6a5: {  	[hbm4b:s6+s2] =	stream.linear.scatter @p2 [tilespmem:s0], [sflag:$0x1], $0x400, $0x38;
	[tilespmem:$0x15480] =	vst v63  }
0x6a6: {  	s0 =	sadd.s32 @p2 $0xF080, s3;
	s3 =	sadd.s32 @p2 $0x18700, s6  }
0x6a7: {  	v17 =	vadd.s32 v16, v17;
	[hbm4b:s3+s2] =	stream.linear.scatter @p2 [tilespmem:s0], [sflag:$0x1], $0x400, $0x38;
	[tilespmem:s5+$0xF370] =	vst v62  }
0x6a8: {  	v17 =	vand.u32 $0xFFFFFFF8, v17;
	s0 =	sadd.s32 @p2 $0x80, s6;
	s3 =	smov.u32 s31;
	[tilespmem:s4+$0xF3F0] =	vst @p0 v21;
	v63 =	vld.idx.msk [tilespmem:v22+s2+$0x0], $0xffff  }
0x6a9: {  	v17 =	vor.u32 v2, v17;
	s3 =	smov.u32 @p2 s0;
	s0 =	sadd.s32 @p1 $0x8C80, s1;
	[tilespmem:s1+$0xF470] =	vst @p1 v19;
	v18 =	vld.idx.msk @p0 [tilespmem:v18+s2+$0x0], $0xffff  }
0x6aa: {  	[hbm4b:s3+s2] =	stream.linear.scatter @p1 [tilespmem:s0], [sflag:$0x1], $0x400, $0x38;
	[tilespmem:$0x15480] =	vst v63  }
0x6ab: {  	s0 =	sadd.s32 @p1 $0xF080, s1;
	s1 =	sadd.s32 @p1 $0x18700, s3  }
0x6ac: {  	[hbm4b:s1+s2] =	stream.linear.scatter @p1 [tilespmem:s0], [sflag:$0x1], $0x400, $0x38;
	[tilespmem:$0x15480] =	vst v63  }
0x6ad: {  	s0 =	sadd.s32 @p1 $0x80, s3;
	s1 =	smov.u32 s31;
	[tilespmem:s5+$0xF3F0] =	vst v63  }
0x6ae: {  	s1 =	smov.u32 @p1 s0;
	s0 =	sadd.s32 @p0 $0x8C80, s4;
	[tilespmem:s4+$0xF470] =	vst @p0 v18;
	v17 =	vld.idx.msk [tilespmem:v17+s2+$0x0], $0xffff  }
0x6af: {  	[hbm4b:s1+s2] =	stream.linear.scatter @p0 [tilespmem:s0], [sflag:$0x1], $0x400, $0x38;
	[tilespmem:$0x15480] =	vst v63  }
0x6b0: {  	s3 =	sadd.s32 @p0 $0x18700, s1;
	s0 =	sadd.s32 @p0 $0xF080, s4  }
0x6b1: {  	[hbm4b:s3+s2] =	stream.linear.scatter @p0 [tilespmem:s0], [sflag:$0x1], $0x400, $0x38;
	[tilespmem:$0x15480] =	vst v63  }
0x6b2: {  	s0 =	sadd.s32 @p0 $0x80, s1;
	s1 =	smov.u32 s31  }
0x6b3: {  	s29 =	sadd.s32 $0x8C80, s5;
	s1 =	smov.u32 @p0 s0;
	[tilespmem:s5+$0xF470] =	vst v17  }
0x6b4: {  	[hbm4b:s1+s2] =	stream.linear.scatter [tilespmem:s29], [sflag:$0x1], $0x400, $0x38;
	[tilespmem:$0x15480] =	vst v63  }
0x6b5: {  	s30 =	sadd.s32 $0xF080, s5;
	s1 =	sadd.s32 $0x18700, s1  }
0x6b6: {  	[hbm4b:s1+s2] =	stream.linear.scatter [tilespmem:s30], [sflag:$0x1], $0x400, $0x38;
	[tilespmem:$0x15480] =	vst v63  }
0x6b7: {  	s0 =	rddreg [dreg:$0x5]  }
0x6b8: {  	p0 =	sne.s32 s0, $0x1  }
.Ltmp9:
0x6b9: {  	_ = 	snop;
	(pc) =	sbr.rel @!p0 .LBB2_21-.Ltmp9, $3  }
0x6ba: {  	_ =	sdelay $0x1  }
0x6bb: {  	_ =	swait.ge [sflag:s11], $0x800  }
0x6bc: {  	s0 =	sadd.s32 $0xFFFFFFFF, s0;
	[sflag:s11] =	ssyncset.done $0x0  }
.LBB2_20:
0x6bd: {  	p0 =	sne.s32 s0, $0x1;
	s0 =	sadd.s32 $0xFFFFFFFF, s0;
	[sflag:s11] =	ssyncadd.s32 $0xFFFFF800  }
.Ltmp10:
0x6be: {  	(pc) =	sbr.rel @p0 .LBB2_20-.Ltmp10, $3  }
0x6bf: {  	_ =	sdelay $0x1  }
0x6c0: {  	_ =	swait.ge [sflag:s11], $0x800  }
0x6c1: {  	[sflag:s11] =	ssyncset.done $0x0  }
.LBB2_21:
0x6c2: {  	s28 =	sadd.s32 $0x1, s28;
	s0 =	rddreg [dreg:$0x7]  }
0x6c3: {  	p0 =	sne.s32 s28, s0  }
.Ltmp11:
0x6c4: {  	_ = 	snop;
	(pc) =	sbr.rel @p0 .LBB2_1-.Ltmp11, $4  }
.Ltmp12:
0x6c5: {  	_ = 	snop;
	(pc) =	sbr.rel @!p0 .LBB2_22-.Ltmp12, $4  }
0x6c6: {  	_ = 	snop  }
0x6c7: {  	_ = 	snop  }
0x6c8: {  	[sflag:s11] =	ssyncadd.s32 $0xFFFFF800  }
0x6c9: {  	_ = 	snop  }
.LBB2_2:
.Ltmp13:
0x6ca: {  	(pc) =	sbr.rel .LBB2_19-.Ltmp13, $3  }
0x6cb: {  	_ =	sdelay $0x1  }
0x6cc: {  	s5 =	simm.s32 $0x0  }
0x6cd: {  	s9 =	smov.u32 s26;
	s26 =	smov.u32 s31;
	p5 =	por $0x0, $0x0  }
.LBB2_4:
.Ltmp14:
0x6ce: {  	(pc) =	sbr.rel .LBB2_19-.Ltmp14, $3  }
0x6cf: {  	_ =	sdelay $0x1  }
0x6d0: {  	s9 =	smov.u32 s14;
	s24 =	simm.s32 $0x0  }
0x6d1: {  	s5 =	simm.s32 $0x400;
	s18 =	smov.u32 s26;
	s26 =	smov.u32 s31  }
.LBB2_6:
.Ltmp15:
0x6d2: {  	(pc) =	sbr.rel .LBB2_19-.Ltmp15, $4  }
0x6d3: {  	_ = 	snop  }
0x6d4: {  	s18 =	smov.u32 s14  }
0x6d5: {  	s9 =	smov.u32 s16;
	s24 =	simm.s32 $0x400;
	s4 =	simm.s32 $0x0  }
0x6d6: {  	s5 =	simm.s32 $0x800;
	s3 =	smov.u32 s26;
	s26 =	smov.u32 s31  }
.LBB2_8:
.Ltmp16:
0x6d7: {  	(pc) =	sbr.rel .LBB2_19-.Ltmp16, $4  }
0x6d8: {  	_ = 	snop  }
0x6d9: {  	s24 =	simm.s32 $0x800;
	s3 =	smov.u32 s14;
	s18 =	smov.u32 s16  }
0x6da: {  	s9 =	smov.u32 s1;
	s4 =	simm.s32 $0x400;
	s10 =	simm.s32 $0x0  }
0x6db: {  	s5 =	simm.s32 $0xC00;
	s21 =	smov.u32 s26;
	s26 =	smov.u32 s31  }
.LBB2_10:
.Ltmp17:
0x6dc: {  	(pc) =	sbr.rel .LBB2_19-.Ltmp17, $4  }
0x6dd: {  	s24 =	simm.s32 $0xC00;
	s0 =	simm.s32 $0x0  }
0x6de: {  	s21 =	smov.u32 s14;
	s3 =	smov.u32 s16;
	s18 =	smov.u32 s1  }
0x6df: {  	s9 =	smov.u32 s8;
	s4 =	simm.s32 $0x800;
	s10 =	simm.s32 $0x400  }
0x6e0: {  	v53 =	vmov v19;
	v44 =	vmov v17;
	s5 =	simm.s32 $0x1000;
	s20 =	smov.u32 s26;
	s26 =	smov.u32 s31;
	v51 =	vmov v18  }
.LBB2_12:
.Ltmp18:
0x6e1: {  	_ = 	snop;
	(pc) =	sbr.rel .LBB2_19-.Ltmp18, $4  }
0x6e2: {  	s24 =	simm.s32 $0x1000;
	s0 =	simm.s32 $0x400;
	s3 =	smov.u32 s1  }
0x6e3: {  	s18 =	smov.u32 s8;
	s29 =	simm.s32 $0x0;
	s4 =	simm.s32 $0xC00  }
0x6e4: {  	v43 =	vmovc v30;
	v55 =	vmov v25;
	v53 =	vmov v24;
	v44 =	vmov v20;
	s10 =	simm.s32 $0x800;
	s30 =	smov.u32 s26;
	s20 =	smov.u32 s14  }
0x6e5: {  	v57 =	vmovc v28;
	v42 =	vmovc v21;
	s21 =	smov.u32 s16;
	s26 =	smov.u32 s31;
	s28 =	rddreg [dreg:$0xa];
	v51 =	vmov v23;
	v54 =	vmov v26;
	v52 =	vmov v27  }
.LBB2_14:
0x6e6: {  	s24 =	simm.s32 $0x1400  }
.Ltmp19:
0x6e7: {  	s0 =	simm.s32 $0x800;
	s29 =	simm.s32 $0x400;
	(pc) =	sbr.rel .LBB2_19-.Ltmp19, $4  }
0x6e8: {  	s4 =	simm.s32 $0x1000;
	s18 =	smov.u32 s9;
	s10 =	simm.s32 $0xC00  }
0x6e9: {  	v50 =	vmov v35;
	v55 =	vmov v36;
	s5 =	simm.s32 $0x1800;
	s30 =	smov.u32 s14;
	s25 =	simm.s32 $0x0  }
0x6ea: {  	v53 =	vmovc v39;
	v44 =	vmovc v30;
	v48 =	vmov v37;
	v57 =	vmov v41;
	v29 =	vmov v32;
	s20 =	smov.u32 s16;
	s21 =	smov.u32 s1;
	s3 =	smov.u32 s8  }
0x6eb: {  	v42 =	vmovc v31;
	s9 =	smov.u32 s28;
	s26 =	smov.u32 s31;
	s28 =	rddreg [dreg:$0xa];
	v51 =	vmovc v34;
	v54 =	vmov v38;
	v56 =	vmov v33;
	v52 =	vmov v40  }
.LBB2_16:
0x6ec: {  	s0 =	simm.s32 $0xC00;
	s29 =	simm.s32 $0x800  }
.Ltmp20:
0x6ed: {  	s4 =	simm.s32 $0x1400;
	s3 =	smov.u32 s9;
	(pc) =	sbr.rel .LBB2_19-.Ltmp20, $4  }
0x6ee: {  	s10 =	simm.s32 $0x1000;
	s5 =	simm.s32 $0x1C00;
	s30 =	smov.u32 s16  }
0x6ef: {  	s25 =	simm.s32 $0x400;
	s20 =	smov.u32 s1;
	s21 =	smov.u32 s8  }
0x6f0: {  	s18 =	smov.u32 s28;
	s9 =	smov.u32 s19;
	s31 =	rddreg [dreg:$0x8]  }
0x6f1: {  	v43 =	vmov v45;
	s28 =	rddreg [dreg:$0xa];
	p5 =	por $0x1, $0x1;
	s26 =	smov.u32 s31  }
.LBB2_22:
0x6f2: {  	_ =	sfence.sel $0x180000  }
0x6f3: {  	[bflag:$0x0] =	sbarrier.arrive $0xFFFF  }
0x6f4: {  	_ =	strace $0x90000047  }
0x6f5: {  	s0 =	stileid.u32;
	[bflag:$0x2] =	sbarrier.arrive $0xFFFF  }
0x6f6: {  	p0 =	sne.s32 s0, $0x0;
	s0 =	rddreg [dreg:$0x3]  }
0x6f7: {  	s0 =	sadd.s32 @!p0 $0x100000, s0  }
0x6f8: {  	[sflag:s0] =	ssyncadd.tile.s32 @!p0 $0x1;
	_ =	shalt  }
.Lfunc_end2:
_tile_overlayer_lowered:
.L_overlay_start_2:
0x6f9: {  	(tag) =	ssettag $0x2  }
0x6fa: {  	s0 =	rddreg [dreg:$0x0];
	s2 =	stileid.u32  }
0x6fb: {  	s1 =	rddreg [dreg:$0x1];
	p0 =	sne.s32 s2, $0x0  }
0x6fc: {  	s3 =	rddreg [dreg:$0x2];
	[bflag:$0x3] =	sbarrier.arrive $0xFFFF;
	s2 =	simm.s32 @!p0 $0x1C02  }
0x6fd: {  	[timem:s3], [sflag:s2] =	dma.local @!p0 [hbm:s0], s1  }
0x6fe: {  	s0 =	simm.s32 @!p0 $0x2  }
0x6ff: {  	_ =	swait.ge @!p0 [sflag:s0], s1  }
0x700: {  	s1 =	ssub.s32 @!p0 $0x0, s1;
	[sflag:s0] =	ssyncset.done @!p0 $0x0  }
0x701: {  	[sflag:s0] =	ssyncadd.s32 @!p0 s1  }
0x702: {  	[bflag:$0x3] =	sbarrier.arrive $0xFFFF  }
0x703: {  	_ =	shalt  }

</sc_bundles>
